<compile_context>
chip_gen: v7x
topology: tpu7x:2x2x1
jax: 0.10.2.dev20260603
libtpu: 0.0.44.dev20260713+nightly
codegen_flags: <defaults>
</compile_context>

<pallas_src>
import functools

import jax
import jax.numpy as jnp
from jax import lax
from jax.experimental import pallas as pl
from jax.experimental.pallas import tpu as pltpu
from jax.experimental.pallas import tpu_sc as plsc

C = 16
NC = 2
NS = 16
NW = NC * NS
MOMENTUM = 0.9
ALPHA = 0.5
LN2 = 0.6931471805599453

LANES = 128
SUB = 8
CT = 16
NBUF = 2


def _log_f32(s):
    bits = lax.bitcast_convert_type(s, jnp.int32)
    e = lax.shift_right_logical(bits, 23) - 127
    mant_bits = lax.bitwise_or(lax.bitwise_and(bits, 0x007FFFFF), 0x3F800000)
    mf = lax.bitcast_convert_type(mant_bits, jnp.float32)
    z = (mf - 1.0) / (mf + 1.0)
    z2 = z * z
    poly = 1.0 + z2 * (1.0 / 3.0 + z2 * (1.0 / 5.0 + z2 * (1.0 / 7.0)))
    return e.astype(jnp.float32) * LN2 + 2.0 * z * poly


def _sc_partials(y4, y_true, nt_sc):
    tiles_per_w = nt_sc // NW
    n_chunks = tiles_per_w // CT
    groups_per_chunk = CT * (LANES // C)

    mesh = plsc.VectorSubcoreMesh(core_axis_name="c", subcore_axis_name="s")

    @functools.partial(
        pl.kernel,
        out_type=jax.ShapeDtypeStruct((NW, 4 * C), jnp.float32),
        mesh=mesh,
        compiler_params=pltpu.CompilerParams(
            needs_layout_passes=False, use_tc_tiling_on_sc=False),
        scratch_types=[
            pltpu.VMEM((NBUF, 2, CT, SUB, LANES), jnp.float32),
            pltpu.VMEM((NBUF, CT * LANES,), jnp.int32),
            pltpu.VMEM((2 * 4 * C,), jnp.float32),
            pltpu.SemaphoreType.DMA,
            pltpu.SemaphoreType.DMA,
            pltpu.SemaphoreType.DMA,
            pltpu.SemaphoreType.DMA,
        ],
    )
    def sc_kernel(y_hbm, t_hbm, out_hbm, yv, tv, accv,
                  ysem0, ysem1, tsem0, tsem1):
        cid = lax.axis_index("c")
        sid = lax.axis_index("s")
        wid = sid * NC + cid
        tile0 = wid * tiles_per_w
        ysems = (ysem0, ysem1)
        tsems = (tsem0, tsem1)

        zeros = jnp.zeros((C,), jnp.float32)
        ones = jnp.ones((C,), jnp.float32)
        lane = lax.iota(jnp.int32, C)
        for k in range(8):
            accv[pl.ds(k * C, C)] = zeros

        def ycopy(ci, b):
            t0 = tile0 + ci * CT
            return pltpu.make_async_copy(
                y_hbm.at[:, pl.ds(t0, CT), :, :], yv.at[b], ysems[b])

        def tcopy(ci, b):
            t0 = tile0 + ci * CT
            return pltpu.make_async_copy(
                t_hbm.at[pl.ds(t0 * LANES, CT * LANES)], tv.at[b], tsems[b])

        for b in range(NBUF):
            ycopy(b, b).start()
            tcopy(b, b).start()

        def process_chunk(ci, b):
            ycopy(ci, b).wait()
            tcopy(ci, b).wait()

            def group_body(g, carry):
                tc = lax.shift_right_logical(g, 3)
                l0 = lax.bitwise_and(g, 7) * C
                tcv = jnp.full((C,), 0, jnp.int32) + tc
                if True:
                    t = tv[b, pl.ds(g * C, C)]
                    us = [yv[b, c // SUB, tc, c % SUB, pl.ds(l0, C)]
                          for c in range(C)]
                    m = us
                    while len(m) > 1:
                        m = [jnp.maximum(m[2 * i], m[2 * i + 1])
                             for i in range(len(m) // 2)]
                    m = m[0]
                    idx = [jnp.where(us[c] == m, jnp.int32(c), jnp.int32(C))
                           for c in range(C)]
                    while len(idx) > 1:
                        idx = [jnp.minimum(idx[2 * i], idx[2 * i + 1])
                               for i in range(len(idx) // 2)]
                    pred = idx[0]
                    e = [jnp.exp(us[c] - m) for c in range(C)]
                    while len(e) > 1:
                        e = [e[2 * i] + e[2 * i + 1]
                             for i in range(len(e) // 2)]
                    s = e[0]
                    tval = plsc.load_gather(
                        yv.at[b],
                        [lax.shift_right_logical(t, 3), tcv,
                         lax.bitwise_and(t, 7), l0 + lane])
                    logp = tval - m - _log_f32(s)
                    plsc.addupdate_scatter(accv, [t], ones)
                    plsc.addupdate_scatter(accv, [pred + C], ones)
                    plsc.addupdate_scatter(accv, [pred + 2 * C], ones,
                                           mask=pred == t)
                    plsc.addupdate_scatter(accv, [t + 3 * C], logp)
                return carry

            lax.fori_loop(0, groups_per_chunk, group_body, 0, unroll=2)

        def chunk_pair(ci2, _):
            for b in range(NBUF):
                ci = ci2 * NBUF + b
                process_chunk(ci, b)
                nci = ci + NBUF

                @pl.when(nci < n_chunks)
                def _start_next():
                    ycopy(nci, b).start()
                    tcopy(nci, b).start()
            return _

        lax.fori_loop(0, n_chunks // NBUF, chunk_pair, 0, unroll=False)
        pltpu.sync_copy(accv.at[pl.ds(0, 4 * C)], out_hbm.at[wid])

    return sc_kernel(y4, y_true)


TC_BLK = 512
NT_SC = 3072


TC_GRPS = 32
TC_W = TC_BLK * TC_GRPS
TC_NBUF = 2


def _make_tc_body(n_steps):
    def _tc_body(yt_hbm, t2_hbm, o_ref, xv, tv, accp, xs0, xs1, ts0, ts1):
        xsems = (xs0, xs1)
        tsems = (ts0, ts1)
        col0 = NT_SC * LANES

        def xcopy(ci, b):
            return pltpu.make_async_copy(
                yt_hbm.at[:, pl.ds(col0 + ci * TC_W, TC_W)],
                xv.at[b], xsems[b])

        def tcopy(ci, b):
            return pltpu.make_async_copy(
                t2_hbm.at[pl.ds(col0 // TC_BLK + ci * TC_GRPS, TC_GRPS), :],
                tv.at[b], tsems[b])

        for b in range(TC_NBUF):
            xcopy(b, b).start()
            tcopy(b, b).start()

        accp[...] = jnp.zeros_like(accp)
        cls = lax.broadcasted_iota(jnp.int32, (C, TC_BLK), 0)

        def process(ci, b):
            xcopy(ci, b).wait()
            tcopy(ci, b).wait()
            a_rec = a_prc = a_rgt = a_sum = jnp.zeros(
                (C, TC_BLK), jnp.float32)
            for r in range(TC_GRPS):
                x = xv[b, :, pl.ds(r * TC_BLK, TC_BLK)]
                tr = tv[b, pl.ds(r, 1), :]
                m = jnp.max(x, axis=0, keepdims=True)
                e = jnp.exp(x - m)
                s = jnp.sum(e, axis=0, keepdims=True)
                lse = m + jnp.log(s)
                idx = jnp.where(x == m, cls, C)
                pred = jnp.min(idx, axis=0, keepdims=True)
                oh_t = (cls == tr).astype(jnp.float32)
                oh_p = (cls == pred).astype(jnp.float32)
                rightm = (pred == tr).astype(jnp.float32)
                a_rec = a_rec + oh_t
                a_prc = a_prc + oh_p
                a_rgt = a_rgt + oh_p * rightm
                a_sum = a_sum + oh_t * (x - lse)
            accp[pl.ds(0 * C, C), :] += a_rec
            accp[pl.ds(1 * C, C), :] += a_prc
            accp[pl.ds(2 * C, C), :] += a_rgt
            accp[pl.ds(3 * C, C), :] += a_sum

        def step_pair(ci2, carry):
            for b in range(TC_NBUF):
                ci = ci2 * TC_NBUF + b
                process(ci, b)
                nci = ci + TC_NBUF

                @pl.when(nci < n_steps)
                def _start_next():
                    xcopy(nci, b).start()
                    tcopy(nci, b).start()
            return carry

        lax.fori_loop(0, n_steps // TC_NBUF, step_pair, 0, unroll=False)
        for k in range(4):
            o_ref[0, pl.ds(k * C, C)] = jnp.sum(
                accp[pl.ds(k * C, C), :], axis=1)

    return _tc_body


def _tc_partials(yt, y_true2, nt_tc):
    n_steps = nt_tc * LANES // TC_W
    return pl.pallas_call(
        _make_tc_body(n_steps),
        in_specs=[
            pl.BlockSpec(memory_space=pl.ANY),
            pl.BlockSpec(memory_space=pl.ANY),
        ],
        out_specs=pl.BlockSpec((1, 4 * C), lambda: (0, 0)),
        out_shape=jax.ShapeDtypeStruct((1, 4 * C), jnp.float32),
        scratch_shapes=[
            pltpu.VMEM((TC_NBUF, C, TC_W), jnp.float32),
            pltpu.VMEM((TC_NBUF, TC_GRPS, TC_BLK), jnp.int32),
            pltpu.VMEM((4 * C, TC_BLK), jnp.float32),
        ] + [pltpu.SemaphoreType.DMA] * (2 * TC_NBUF),
    )(yt, y_true2)


def _epilogue_kernel(parts_ref, tc_ref, o_ref):
    parts = parts_ref[...]
    acc = jnp.sum(parts, axis=0, keepdims=True)
    acc = acc + tc_ref[...]
    rec = acc[:, 0:C]
    prc = acc[:, C:2 * C]
    rgt = acc[:, 2 * C:3 * C]
    ssum = acc[:, 3 * C:4 * C]
    p = rgt / prc
    r = rgt / rec
    focal = 1.0 - p * r / (ALPHA * p + (1.0 - ALPHA) * r)
    w = (1.0 - MOMENTUM) * focal
    num = jnp.sum(w * ssum)
    den = jnp.sum(w * rec)
    o_ref[0, 0] = -num / den


def kernel(y, y_true):
    batch, c = y.shape
    nt = batch // LANES
    y4 = jnp.swapaxes(y.T.reshape(c // SUB, SUB, batch // LANES, LANES), 1, 2)
    yt = y.T
    y_true2 = y_true.reshape(batch // TC_BLK, TC_BLK)
    parts = _sc_partials(y4, y_true, NT_SC)
    tc_parts = _tc_partials(yt, y_true2, nt - NT_SC)
    loss = pl.pallas_call(
        _epilogue_kernel,
        out_shape=jax.ShapeDtypeStruct((1, 1), jnp.float32),
        out_specs=pl.BlockSpec(memory_space=pltpu.SMEM),
    )(parts, tc_parts)
    return loss[0, 0]

# --- scband reference (transcript-rebuilt; emitter-appended) ---
"""Pipeline reference for scband-adaptive-focal-loss-10539849744476 (READ-ONLY COPY).

The authoritative reference and input builder live on the scoring server;
editing this copy changes nothing except your own understanding.
"""

import jax, jax.numpy as jnp
import numpy as np

NUM_CLASSES = 16
BATCH = 1048576
MOMENTUM = 0.9
ALPHA = 0.5


def setup_inputs(seed: int = 0) -> dict:
    key = jax.random.key(seed)
    k1, k2 = jax.random.split(key)
    y = jax.random.normal(k1, (BATCH, NUM_CLASSES), dtype=jnp.float32)
    y_true = jax.random.randint(k2, (BATCH,), 0, NUM_CLASSES, dtype=jnp.int32)
    return {"y": y, "y_true": y_true}


def reference(y, y_true):
    y_log = jax.nn.log_softmax(y, axis=1)
    y_pred = jnp.argmax(y_log, axis=1)
    # torch .unique(return_counts=True) over all-classes-present tensors == bincount
    precision_count = jnp.bincount(y_pred, length=NUM_CLASSES).astype(jnp.float32)
    recall_count = jnp.bincount(y_true, length=NUM_CLASSES).astype(jnp.float32)
    right_mask = (y_pred == y_true).astype(jnp.float32)
    right_count = jnp.bincount(y_pred, weights=right_mask, length=NUM_CLASSES)
    p = right_count / precision_count
    r = right_count / recall_count
    focal_score = 1.0 - p * r / (ALPHA * p + (1.0 - ALPHA) * r)
    # beta == 0.0 and gamma == 1.0 -> no extra modulation
    # self.weight starts at zeros: weight = 0.9*0 + 0.1*focal_score
    weight = (1.0 - MOMENTUM) * focal_score
    label_map = jax.nn.one_hot(y_true, NUM_CLASSES, dtype=y.dtype)
    # label_smoothing == 0.0 -> skipped
    label_weight = label_map * weight
    return -(label_weight * y_log).sum() / label_weight.sum()

if __name__ == "__main__":
    import jax
    _d = setup_inputs()
    print(jax.jit(kernel)(*tuple(_d.values())))

</pallas_src>

<mosaic_0001>
#map = affine_map<(d0, d1) -> (0, 0, 0, 0)>
#map1 = affine_map<(d0, d1) -> (0)>
#map2 = affine_map<(d0, d1) -> (0, 0)>
module attributes {stable_mosaic.version = 14 : i64} {
  func.func @sc_kernel(%arg0: i32, %arg1: i32, %arg2: memref<2x8192x8x128xf32, #tpu.memory_space<hbm>>, %arg3: memref<1048576xi32, #tpu.memory_space<hbm>>, %arg4: memref<32x64xf32, #tpu.memory_space<hbm>>, %arg5: memref<2x2x16x8x128xf32, #tpu.memory_space<vmem>>, %arg6: memref<2x2048xi32, #tpu.memory_space<vmem>>, %arg7: memref<128xf32, #tpu.memory_space<vmem>>, %arg8: memref<!tpu.dma_semaphore, #tpu.memory_space<semaphore_mem>>, %arg9: memref<!tpu.dma_semaphore, #tpu.memory_space<semaphore_mem>>, %arg10: memref<!tpu.dma_semaphore, #tpu.memory_space<semaphore_mem>>, %arg11: memref<!tpu.dma_semaphore, #tpu.memory_space<semaphore_mem>>) attributes {dimension_semantics = [#tpu.dimension_semantics<core_parallel>, #tpu.dimension_semantics<subcore_parallel>], iteration_bounds = array<i64: 2, 16>, scalar_prefetch = 0 : i64, scratch_operands = 7 : i64, tpu.core_type = #tpu.core_type<sc_vector_subcore>, window_params = [{transform_indices = #map}, {transform_indices = #map1}, {transform_indices = #map2}]} {
    %mul3A = arith.constant 2 : i32
    %mul3A_0 = arith.muli %arg1, %mul3A : i32
    %add3A = arith.addi %mul3A_0, %arg0 : i32
    %mul3A_1 = arith.constant 96 : i32
    %mul3A_2 = arith.muli %add3A, %mul3A_1 : i32
    %broadcast_in_dim3A = arith.constant 0.000000e+00 : f32
    %broadcast_in_dim3A_3 = vector.broadcast %broadcast_in_dim3A : f32 to vector<16xf32>
    %broadcast_in_dim3A_4 = arith.constant 1.000000e+00 : f32
    %broadcast_in_dim3A_5 = vector.broadcast %broadcast_in_dim3A_4 : f32 to vector<16xf32>
    %iota3A = tpu.iota {dimensions = array<i32: 0>} : vector<16xi32>
    %swap3A = arith.constant 0 : index
    %swap3A_6 = tpu.vector_load %arg7[%swap3A] {strides = array<i32>} : memref<128xf32, #tpu.memory_space<vmem>>, vector<16xf32>,
    tpu.vector_store %arg7[%swap3A], %broadcast_in_dim3A_3 {strides = array<i32>} : memref<128xf32, #tpu.memory_space<vmem>>, vector<16xf32>,
    %swap3A_7 = arith.constant 16 : index
    %swap3A_8 = tpu.vector_load %arg7[%swap3A_7] {strides = array<i32>} : memref<128xf32, #tpu.memory_space<vmem>>, vector<16xf32>,
    tpu.vector_store %arg7[%swap3A_7], %broadcast_in_dim3A_3 {strides = array<i32>} : memref<128xf32, #tpu.memory_space<vmem>>, vector<16xf32>,
    %swap3A_9 = arith.constant 32 : index
    %swap3A_10 = tpu.vector_load %arg7[%swap3A_9] {strides = array<i32>} : memref<128xf32, #tpu.memory_space<vmem>>, vector<16xf32>,
    tpu.vector_store %arg7[%swap3A_9], %broadcast_in_dim3A_3 {strides = array<i32>} : memref<128xf32, #tpu.memory_space<vmem>>, vector<16xf32>,
    %swap3A_11 = arith.constant 48 : index
    %swap3A_12 = tpu.vector_load %arg7[%swap3A_11] {strides = array<i32>} : memref<128xf32, #tpu.memory_space<vmem>>, vector<16xf32>,
    tpu.vector_store %arg7[%swap3A_11], %broadcast_in_dim3A_3 {strides = array<i32>} : memref<128xf32, #tpu.memory_space<vmem>>, vector<16xf32>,
    %swap3A_13 = arith.constant 64 : index
    %swap3A_14 = tpu.vector_load %arg7[%swap3A_13] {strides = array<i32>} : memref<128xf32, #tpu.memory_space<vmem>>, vector<16xf32>,
    tpu.vector_store %arg7[%swap3A_13], %broadcast_in_dim3A_3 {strides = array<i32>} : memref<128xf32, #tpu.memory_space<vmem>>, vector<16xf32>,
    %swap3A_15 = arith.constant 80 : index
    %swap3A_16 = tpu.vector_load %arg7[%swap3A_15] {strides = array<i32>} : memref<128xf32, #tpu.memory_space<vmem>>, vector<16xf32>,
    tpu.vector_store %arg7[%swap3A_15], %broadcast_in_dim3A_3 {strides = array<i32>} : memref<128xf32, #tpu.memory_space<vmem>>, vector<16xf32>,
    %swap3A_17 = arith.constant 96 : index
    %swap3A_18 = tpu.vector_load %arg7[%swap3A_17] {strides = array<i32>} : memref<128xf32, #tpu.memory_space<vmem>>, vector<16xf32>,
    tpu.vector_store %arg7[%swap3A_17], %broadcast_in_dim3A_3 {strides = array<i32>} : memref<128xf32, #tpu.memory_space<vmem>>, vector<16xf32>,
    %swap3A_19 = arith.constant 112 : index
    %swap3A_20 = tpu.vector_load %arg7[%swap3A_19] {strides = array<i32>} : memref<128xf32, #tpu.memory_space<vmem>>, vector<16xf32>,
    tpu.vector_store %arg7[%swap3A_19], %broadcast_in_dim3A_3 {strides = array<i32>} : memref<128xf32, #tpu.memory_space<vmem>>, vector<16xf32>,
    %add3A_21 = arith.constant 0 : i32
    %add3A_22 = arith.addi %mul3A_2, %add3A_21 : i32
    %dma_start3A = arith.constant 0 : i32
    %dma_start3A_23 = arith.constant 0 : i32
    %dma_start3A_24 = arith.constant 0 : i32
    %dma_start3A_25 = arith.constant 0 : i32
    %dma_start3A_26 = arith.constant 0 : i32
    %dma_start3A_27 = tpu.memref_slice %arg5[%dma_start3A, %dma_start3A_23, %dma_start3A_24, %dma_start3A_25, %dma_start3A_26] : memref<2x2x16x8x128xf32, #tpu.memory_space<vmem>> -> memref<1x2x16x8x128xf32, #tpu.memory_space<vmem>>
    %dma_start3A_28 = tpu.memref_squeeze %dma_start3A_27 : memref<1x2x16x8x128xf32, #tpu.memory_space<vmem>> -> memref<2x16x8x128xf32, #tpu.memory_space<vmem>>
    %dma_start3A_29 = arith.constant 0 : i32
    %dma_start3A_30 = arith.constant 0 : i32
    %dma_start3A_31 = arith.constant 0 : i32
    %dma_start3A_32 = tpu.memref_slice %arg2[%dma_start3A_29, %add3A_22, %dma_start3A_30, %dma_start3A_31] : memref<2x8192x8x128xf32, #tpu.memory_space<hbm>> -> memref<2x16x8x128xf32, #tpu.memory_space<hbm>>
    %dma_start3A_33 = arith.constant 0 : i32
    %dma_start3A_34 = arith.constant 0 : i32
    %dma_start3A_35 = arith.constant 0 : i32
    %dma_start3A_36 = arith.constant 0 : i32
    %dma_start3A_37 = tpu.memref_slice %arg5[%dma_start3A, %dma_start3A_33, %dma_start3A_34, %dma_start3A_35, %dma_start3A_36] : memref<2x2x16x8x128xf32, #tpu.memory_space<vmem>> -> memref<1x2x16x8x128xf32, #tpu.memory_space<vmem>>
    %dma_start3A_38 = tpu.memref_squeeze %dma_start3A_37 : memref<1x2x16x8x128xf32, #tpu.memory_space<vmem>> -> memref<2x16x8x128xf32, #tpu.memory_space<vmem>>
    %dma_start3A_39 = arith.constant 0 : i32
    %dma_start3A_40 = arith.constant 0 : i32
    %dma_start3A_41 = arith.constant 0 : i32
    %dma_start3A_42 = tpu.memref_slice %arg2[%dma_start3A_39, %add3A_22, %dma_start3A_40, %dma_start3A_41] : memref<2x8192x8x128xf32, #tpu.memory_space<hbm>> -> memref<2x16x8x128xf32, #tpu.memory_space<hbm>>
    tpu.enqueue_dma source(%dma_start3A_42 : memref<2x16x8x128xf32, #tpu.memory_space<hbm>>) target(%dma_start3A_38 : memref<2x16x8x128xf32, #tpu.memory_space<vmem>>) target_semaphore(%arg8 : memref<!tpu.dma_semaphore, #tpu.memory_space<semaphore_mem>>)
    %add3A_43 = arith.constant 0 : i32
    %add3A_44 = arith.addi %mul3A_2, %add3A_43 : i32
    %mul3A_45 = arith.constant 128 : i32
    %mul3A_46 = arith.muli %add3A_44, %mul3A_45 : i32
    %dma_start3A_47 = arith.constant 0 : i32
    %dma_start3A_48 = arith.constant 0 : i32
    %dma_start3A_49 = tpu.memref_slice %arg6[%dma_start3A_47, %dma_start3A_48] : memref<2x2048xi32, #tpu.memory_space<vmem>> -> memref<1x2048xi32, #tpu.memory_space<vmem>>
    %dma_start3A_50 = tpu.memref_squeeze %dma_start3A_49 : memref<1x2048xi32, #tpu.memory_space<vmem>> -> memref<2048xi32, #tpu.memory_space<vmem>>
    %dma_start3A_51 = tpu.memref_slice %arg3[%mul3A_46] : memref<1048576xi32, #tpu.memory_space<hbm>> -> memref<2048xi32, #tpu.memory_space<hbm>>
    %dma_start3A_52 = arith.constant 0 : i32
    %dma_start3A_53 = tpu.memref_slice %arg6[%dma_start3A_47, %dma_start3A_52] : memref<2x2048xi32, #tpu.memory_space<vmem>> -> memref<1x2048xi32, #tpu.memory_space<vmem>>
    %dma_start3A_54 = tpu.memref_squeeze %dma_start3A_53 : memref<1x2048xi32, #tpu.memory_space<vmem>> -> memref<2048xi32, #tpu.memory_space<vmem>>
    %dma_start3A_55 = tpu.memref_slice %arg3[%mul3A_46] : memref<1048576xi32, #tpu.memory_space<hbm>> -> memref<2048xi32, #tpu.memory_space<hbm>>
    tpu.enqueue_dma source(%dma_start3A_55 : memref<2048xi32, #tpu.memory_space<hbm>>) target(%dma_start3A_54 : memref<2048xi32, #tpu.memory_space<vmem>>) target_semaphore(%arg10 : memref<!tpu.dma_semaphore, #tpu.memory_space<semaphore_mem>>)
    %add3A_56 = arith.constant 16 : i32
    %add3A_57 = arith.addi %mul3A_2, %add3A_56 : i32
    %dma_start3A_58 = arith.constant 1 : i32
    %dma_start3A_59 = arith.constant 0 : i32
    %dma_start3A_60 = arith.constant 0 : i32
    %dma_start3A_61 = arith.constant 0 : i32
    %dma_start3A_62 = arith.constant 0 : i32
    %dma_start3A_63 = tpu.memref_slice %arg5[%dma_start3A_58, %dma_start3A_59, %dma_start3A_60, %dma_start3A_61, %dma_start3A_62] : memref<2x2x16x8x128xf32, #tpu.memory_space<vmem>> -> memref<1x2x16x8x128xf32, #tpu.memory_space<vmem>>
    %dma_start3A_64 = tpu.memref_squeeze %dma_start3A_63 : memref<1x2x16x8x128xf32, #tpu.memory_space<vmem>> -> memref<2x16x8x128xf32, #tpu.memory_space<vmem>>
    %dma_start3A_65 = arith.constant 0 : i32
    %dma_start3A_66 = arith.constant 0 : i32
    %dma_start3A_67 = arith.constant 0 : i32
    %dma_start3A_68 = tpu.memref_slice %arg2[%dma_start3A_65, %add3A_57, %dma_start3A_66, %dma_start3A_67] : memref<2x8192x8x128xf32, #tpu.memory_space<hbm>> -> memref<2x16x8x128xf32, #tpu.memory_space<hbm>>
    %dma_start3A_69 = arith.constant 0 : i32
    %dma_start3A_70 = arith.constant 0 : i32
    %dma_start3A_71 = arith.constant 0 : i32
    %dma_start3A_72 = arith.constant 0 : i32
    %dma_start3A_73 = tpu.memref_slice %arg5[%dma_start3A_58, %dma_start3A_69, %dma_start3A_70, %dma_start3A_71, %dma_start3A_72] : memref<2x2x16x8x128xf32, #tpu.memory_space<vmem>> -> memref<1x2x16x8x128xf32, #tpu.memory_space<vmem>>
    %dma_start3A_74 = tpu.memref_squeeze %dma_start3A_73 : memref<1x2x16x8x128xf32, #tpu.memory_space<vmem>> -> memref<2x16x8x128xf32, #tpu.memory_space<vmem>>
    %dma_start3A_75 = arith.constant 0 : i32
    %dma_start3A_76 = arith.constant 0 : i32
    %dma_start3A_77 = arith.constant 0 : i32
    %dma_start3A_78 = tpu.memref_slice %arg2[%dma_start3A_75, %add3A_57, %dma_start3A_76, %dma_start3A_77] : memref<2x8192x8x128xf32, #tpu.memory_space<hbm>> -> memref<2x16x8x128xf32, #tpu.memory_space<hbm>>
    tpu.enqueue_dma source(%dma_start3A_78 : memref<2x16x8x128xf32, #tpu.memory_space<hbm>>) target(%dma_start3A_74 : memref<2x16x8x128xf32, #tpu.memory_space<vmem>>) target_semaphore(%arg9 : memref<!tpu.dma_semaphore, #tpu.memory_space<semaphore_mem>>)
    %add3A_79 = arith.constant 16 : i32
    %add3A_80 = arith.addi %mul3A_2, %add3A_79 : i32
    %mul3A_81 = arith.constant 128 : i32
    %mul3A_82 = arith.muli %add3A_80, %mul3A_81 : i32
    %dma_start3A_83 = arith.constant 1 : i32
    %dma_start3A_84 = arith.constant 0 : i32
    %dma_start3A_85 = tpu.memref_slice %arg6[%dma_start3A_83, %dma_start3A_84] : memref<2x2048xi32, #tpu.memory_space<vmem>> -> memref<1x2048xi32, #tpu.memory_space<vmem>>
    %dma_start3A_86 = tpu.memref_squeeze %dma_start3A_85 : memref<1x2048xi32, #tpu.memory_space<vmem>> -> memref<2048xi32, #tpu.memory_space<vmem>>
    %dma_start3A_87 = tpu.memref_slice %arg3[%mul3A_82] : memref<1048576xi32, #tpu.memory_space<hbm>> -> memref<2048xi32, #tpu.memory_space<hbm>>
    %dma_start3A_88 = arith.constant 0 : i32
    %dma_start3A_89 = tpu.memref_slice %arg6[%dma_start3A_83, %dma_start3A_88] : memref<2x2048xi32, #tpu.memory_space<vmem>> -> memref<1x2048xi32, #tpu.memory_space<vmem>>
    %dma_start3A_90 = tpu.memref_squeeze %dma_start3A_89 : memref<1x2048xi32, #tpu.memory_space<vmem>> -> memref<2048xi32, #tpu.memory_space<vmem>>
    %dma_start3A_91 = tpu.memref_slice %arg3[%mul3A_82] : memref<1048576xi32, #tpu.memory_space<hbm>> -> memref<2048xi32, #tpu.memory_space<hbm>>
    tpu.enqueue_dma source(%dma_start3A_91 : memref<2048xi32, #tpu.memory_space<hbm>>) target(%dma_start3A_90 : memref<2048xi32, #tpu.memory_space<vmem>>) target_semaphore(%arg11 : memref<!tpu.dma_semaphore, #tpu.memory_space<semaphore_mem>>)
    %scan3A = arith.constant 0 : i32
    %scan3A_92 = arith.constant 0 : i32
    %scan3A_93 = arith.constant 3 : i32
    %scan3A_94 = arith.addi %scan3A_92, %scan3A_93 : i32
    %scan3A_95 = arith.constant 1 : i32
    scf.for %scan3A_97 = %scan3A_92 to %scan3A_94 step %scan3A_95  : i32 {
      %mul3A_98 = arith.constant 2 : i32
      %mul3A_99 = arith.muli %scan3A_97, %mul3A_98 : i32
      %add3A_100 = arith.constant 0 : i32
      %add3A_101 = arith.addi %mul3A_99, %add3A_100 : i32
      %mul3A_102 = arith.constant 16 : i32
      %mul3A_103 = arith.muli %add3A_101, %mul3A_102 : i32
      %add3A_104 = arith.addi %mul3A_2, %mul3A_103 : i32
      %dma_wait3A = arith.constant 0 : i32
      %dma_wait3A_105 = arith.constant 0 : i32
      %dma_wait3A_106 = arith.constant 0 : i32
      %dma_wait3A_107 = arith.constant 0 : i32
      %dma_wait3A_108 = arith.constant 0 : i32
      %dma_wait3A_109 = tpu.memref_slice %arg5[%dma_wait3A, %dma_wait3A_105, %dma_wait3A_106, %dma_wait3A_107, %dma_wait3A_108] : memref<2x2x16x8x128xf32, #tpu.memory_space<vmem>> -> memref<1x2x16x8x128xf32, #tpu.memory_space<vmem>>
      %dma_wait3A_110 = tpu.memref_squeeze %dma_wait3A_109 : memref<1x2x16x8x128xf32, #tpu.memory_space<vmem>> -> memref<2x16x8x128xf32, #tpu.memory_space<vmem>>
      %dma_wait3A_111 = arith.constant 0 : i32
      %dma_wait3A_112 = arith.constant 0 : i32
      %dma_wait3A_113 = arith.constant 0 : i32
      %dma_wait3A_114 = tpu.memref_slice %arg2[%dma_wait3A_111, %add3A_104, %dma_wait3A_112, %dma_wait3A_113] : memref<2x8192x8x128xf32, #tpu.memory_space<hbm>> -> memref<2x16x8x128xf32, #tpu.memory_space<hbm>>
      %dma_wait3A_115 = arith.constant 0 : i32
      %dma_wait3A_116 = arith.constant 0 : i32
      %dma_wait3A_117 = arith.constant 0 : i32
      %dma_wait3A_118 = arith.constant 0 : i32
      %dma_wait3A_119 = tpu.memref_slice %arg5[%dma_wait3A, %dma_wait3A_115, %dma_wait3A_116, %dma_wait3A_117, %dma_wait3A_118] : memref<2x2x16x8x128xf32, #tpu.memory_space<vmem>> -> memref<1x2x16x8x128xf32, #tpu.memory_space<vmem>>
      %dma_wait3A_120 = tpu.memref_squeeze %dma_wait3A_119 : memref<1x2x16x8x128xf32, #tpu.memory_space<vmem>> -> memref<2x16x8x128xf32, #tpu.memory_space<vmem>>
      %dma_wait3A_121 = arith.constant 0 : i32
      %dma_wait3A_122 = arith.constant 0 : i32
      %dma_wait3A_123 = arith.constant 0 : i32
      %dma_wait3A_124 = tpu.memref_slice %arg2[%dma_wait3A_121, %add3A_104, %dma_wait3A_122, %dma_wait3A_123] : memref<2x8192x8x128xf32, #tpu.memory_space<hbm>> -> memref<2x16x8x128xf32, #tpu.memory_space<hbm>>
      tpu.wait_dma2 semaphore(%arg8 : memref<!tpu.dma_semaphore, #tpu.memory_space<semaphore_mem>>) src(%dma_wait3A_124 : memref<2x16x8x128xf32, #tpu.memory_space<hbm>>) dst(%dma_wait3A_120 : memref<2x16x8x128xf32, #tpu.memory_space<vmem>>)
      %mul3A_125 = arith.constant 16 : i32
      %mul3A_126 = arith.muli %add3A_101, %mul3A_125 : i32
      %add3A_127 = arith.addi %mul3A_2, %mul3A_126 : i32
      %mul3A_128 = arith.constant 128 : i32
      %mul3A_129 = arith.muli %add3A_127, %mul3A_128 : i32
      %dma_wait3A_130 = arith.constant 0 : i32
      %dma_wait3A_131 = arith.constant 0 : i32
      %dma_wait3A_132 = tpu.memref_slice %arg6[%dma_wait3A_130, %dma_wait3A_131] : memref<2x2048xi32, #tpu.memory_space<vmem>> -> memref<1x2048xi32, #tpu.memory_space<vmem>>
      %dma_wait3A_133 = tpu.memref_squeeze %dma_wait3A_132 : memref<1x2048xi32, #tpu.memory_space<vmem>> -> memref<2048xi32, #tpu.memory_space<vmem>>
      %dma_wait3A_134 = tpu.memref_slice %arg3[%mul3A_129] : memref<1048576xi32, #tpu.memory_space<hbm>> -> memref<2048xi32, #tpu.memory_space<hbm>>
      %dma_wait3A_135 = arith.constant 0 : i32
      %dma_wait3A_136 = tpu.memref_slice %arg6[%dma_wait3A_130, %dma_wait3A_135] : memref<2x2048xi32, #tpu.memory_space<vmem>> -> memref<1x2048xi32, #tpu.memory_space<vmem>>
      %dma_wait3A_137 = tpu.memref_squeeze %dma_wait3A_136 : memref<1x2048xi32, #tpu.memory_space<vmem>> -> memref<2048xi32, #tpu.memory_space<vmem>>
      %dma_wait3A_138 = tpu.memref_slice %arg3[%mul3A_129] : memref<1048576xi32, #tpu.memory_space<hbm>> -> memref<2048xi32, #tpu.memory_space<hbm>>
      tpu.wait_dma2 semaphore(%arg10 : memref<!tpu.dma_semaphore, #tpu.memory_space<semaphore_mem>>) src(%dma_wait3A_138 : memref<2048xi32, #tpu.memory_space<hbm>>) dst(%dma_wait3A_137 : memref<2048xi32, #tpu.memory_space<vmem>>)
      %scan3A_139 = arith.constant 0 : i32
      %scan3A_140 = arith.constant 0 : i32
      %scan3A_141 = arith.constant 128 : i32
      %scan3A_142 = arith.addi %scan3A_140, %scan3A_141 : i32
      %scan3A_143 = arith.constant 2 : i32
      scf.for %scan3A_204 = %scan3A_140 to %scan3A_142 step %scan3A_143  : i32 {
        %shift_right_logical3A = arith.constant 3 : i32
        %shift_right_logical3A_205 = arith.shrui %scan3A_204, %shift_right_logical3A : i32
        %and3A = arith.constant 7 : i32
        %and3A_206 = arith.andi %scan3A_204, %and3A : i32
        %mul3A_207 = arith.constant 16 : i32
        %mul3A_208 = arith.muli %and3A_206, %mul3A_207 : i32
        %broadcast_in_dim3A_209 = arith.constant 0 : i32
        %broadcast_in_dim3A_210 = vector.broadcast %broadcast_in_dim3A_209 : i32 to vector<16xi32>
        %add3A_211 = vector.broadcast %shift_right_logical3A_205 : i32 to vector<16xi32>
        %add3A_212 = arith.addi %broadcast_in_dim3A_210, %add3A_211 : vector<16xi32>
        %mul3A_213 = arith.constant 16 : i32
        %mul3A_214 = arith.muli %scan3A_204, %mul3A_213 : i32
        %get3A = arith.constant 0 : i32
        %get3A_215 = arith.index_cast %get3A : i32 to index
        %get3A_216 = arith.index_cast %mul3A_214 : i32 to index
        %get3A_217 = tpu.vector_load %arg6[%get3A_215, %get3A_216] {strides = array<i32>} : memref<2x2048xi32, #tpu.memory_space<vmem>>, vector<16xi32>,
        %get3A_218 = arith.constant 0 : i32
        %get3A_219 = arith.constant 0 : i32
        %get3A_220 = arith.constant 0 : i32
        %get3A_221 = arith.index_cast %get3A_218 : i32 to index
        %get3A_222 = arith.index_cast %get3A_219 : i32 to index
        %get3A_223 = arith.index_cast %shift_right_logical3A_205 : i32 to index
        %get3A_224 = arith.index_cast %get3A_220 : i32 to index
        %get3A_225 = arith.index_cast %mul3A_208 : i32 to index
        %get3A_226 = tpu.vector_load %arg5[%get3A_221, %get3A_222, %get3A_223, %get3A_224, %get3A_225] {strides = array<i32>} : memref<2x2x16x8x128xf32, #tpu.memory_space<vmem>>, vector<16xf32>,
        %get3A_227 = arith.constant 0 : i32
        %get3A_228 = arith.constant 0 : i32
        %get3A_229 = arith.constant 1 : i32
        %get3A_230 = arith.index_cast %get3A_227 : i32 to index
        %get3A_231 = arith.index_cast %get3A_228 : i32 to index
        %get3A_232 = arith.index_cast %shift_right_logical3A_205 : i32 to index
        %get3A_233 = arith.index_cast %get3A_229 : i32 to index
        %get3A_234 = arith.index_cast %mul3A_208 : i32 to index
        %get3A_235 = tpu.vector_load %arg5[%get3A_230, %get3A_231, %get3A_232, %get3A_233, %get3A_234] {strides = array<i32>} : memref<2x2x16x8x128xf32, #tpu.memory_space<vmem>>, vector<16xf32>,
        %get3A_236 = arith.constant 0 : i32
        %get3A_237 = arith.constant 0 : i32
        %get3A_238 = arith.constant 2 : i32
        %get3A_239 = arith.index_cast %get3A_236 : i32 to index
        %get3A_240 = arith.index_cast %get3A_237 : i32 to index
        %get3A_241 = arith.index_cast %shift_right_logical3A_205 : i32 to index
        %get3A_242 = arith.index_cast %get3A_238 : i32 to index
        %get3A_243 = arith.index_cast %mul3A_208 : i32 to index
        %get3A_244 = tpu.vector_load %arg5[%get3A_239, %get3A_240, %get3A_241, %get3A_242, %get3A_243] {strides = array<i32>} : memref<2x2x16x8x128xf32, #tpu.memory_space<vmem>>, vector<16xf32>,
        %get3A_245 = arith.constant 0 : i32
        %get3A_246 = arith.constant 0 : i32
        %get3A_247 = arith.constant 3 : i32
        %get3A_248 = arith.index_cast %get3A_245 : i32 to index
        %get3A_249 = arith.index_cast %get3A_246 : i32 to index
        %get3A_250 = arith.index_cast %shift_right_logical3A_205 : i32 to index
        %get3A_251 = arith.index_cast %get3A_247 : i32 to index
        %get3A_252 = arith.index_cast %mul3A_208 : i32 to index
        %get3A_253 = tpu.vector_load %arg5[%get3A_248, %get3A_249, %get3A_250, %get3A_251, %get3A_252] {strides = array<i32>} : memref<2x2x16x8x128xf32, #tpu.memory_space<vmem>>, vector<16xf32>,
        %get3A_254 = arith.constant 0 : i32
        %get3A_255 = arith.constant 0 : i32
        %get3A_256 = arith.constant 4 : i32
        %get3A_257 = arith.index_cast %get3A_254 : i32 to index
        %get3A_258 = arith.index_cast %get3A_255 : i32 to index
        %get3A_259 = arith.index_cast %shift_right_logical3A_205 : i32 to index
        %get3A_260 = arith.index_cast %get3A_256 : i32 to index
        %get3A_261 = arith.index_cast %mul3A_208 : i32 to index
        %get3A_262 = tpu.vector_load %arg5[%get3A_257, %get3A_258, %get3A_259, %get3A_260, %get3A_261] {strides = array<i32>} : memref<2x2x16x8x128xf32, #tpu.memory_space<vmem>>, vector<16xf32>,
        %get3A_263 = arith.constant 0 : i32
        %get3A_264 = arith.constant 0 : i32
        %get3A_265 = arith.constant 5 : i32
        %get3A_266 = arith.index_cast %get3A_263 : i32 to index
        %get3A_267 = arith.index_cast %get3A_264 : i32 to index
        %get3A_268 = arith.index_cast %shift_right_logical3A_205 : i32 to index
        %get3A_269 = arith.index_cast %get3A_265 : i32 to index
        %get3A_270 = arith.index_cast %mul3A_208 : i32 to index
        %get3A_271 = tpu.vector_load %arg5[%get3A_266, %get3A_267, %get3A_268, %get3A_269, %get3A_270] {strides = array<i32>} : memref<2x2x16x8x128xf32, #tpu.memory_space<vmem>>, vector<16xf32>,
        %get3A_272 = arith.constant 0 : i32
        %get3A_273 = arith.constant 0 : i32
        %get3A_274 = arith.constant 6 : i32
        %get3A_275 = arith.index_cast %get3A_272 : i32 to index
        %get3A_276 = arith.index_cast %get3A_273 : i32 to index
        %get3A_277 = arith.index_cast %shift_right_logical3A_205 : i32 to index
        %get3A_278 = arith.index_cast %get3A_274 : i32 to index
        %get3A_279 = arith.index_cast %mul3A_208 : i32 to index
        %get3A_280 = tpu.vector_load %arg5[%get3A_275, %get3A_276, %get3A_277, %get3A_278, %get3A_279] {strides = array<i32>} : memref<2x2x16x8x128xf32, #tpu.memory_space<vmem>>, vector<16xf32>,
        %get3A_281 = arith.constant 0 : i32
        %get3A_282 = arith.constant 0 : i32
        %get3A_283 = arith.constant 7 : i32
        %get3A_284 = arith.index_cast %get3A_281 : i32 to index
        %get3A_285 = arith.index_cast %get3A_282 : i32 to index
        %get3A_286 = arith.index_cast %shift_right_logical3A_205 : i32 to index
        %get3A_287 = arith.index_cast %get3A_283 : i32 to index
        %get3A_288 = arith.index_cast %mul3A_208 : i32 to index
        %get3A_289 = tpu.vector_load %arg5[%get3A_284, %get3A_285, %get3A_286, %get3A_287, %get3A_288] {strides = array<i32>} : memref<2x2x16x8x128xf32, #tpu.memory_space<vmem>>, vector<16xf32>,
        %get3A_290 = arith.constant 0 : i32
        %get3A_291 = arith.constant 1 : i32
        %get3A_292 = arith.constant 0 : i32
        %get3A_293 = arith.index_cast %get3A_290 : i32 to index
        %get3A_294 = arith.index_cast %get3A_291 : i32 to index
        %get3A_295 = arith.index_cast %shift_right_logical3A_205 : i32 to index
        %get3A_296 = arith.index_cast %get3A_292 : i32 to index
        %get3A_297 = arith.index_cast %mul3A_208 : i32 to index
        %get3A_298 = tpu.vector_load %arg5[%get3A_293, %get3A_294, %get3A_295, %get3A_296, %get3A_297] {strides = array<i32>} : memref<2x2x16x8x128xf32, #tpu.memory_space<vmem>>, vector<16xf32>,
        %get3A_299 = arith.constant 0 : i32
        %get3A_300 = arith.constant 1 : i32
        %get3A_301 = arith.constant 1 : i32
        %get3A_302 = arith.index_cast %get3A_299 : i32 to index
        %get3A_303 = arith.index_cast %get3A_300 : i32 to index
        %get3A_304 = arith.index_cast %shift_right_logical3A_205 : i32 to index
        %get3A_305 = arith.index_cast %get3A_301 : i32 to index
        %get3A_306 = arith.index_cast %mul3A_208 : i32 to index
        %get3A_307 = tpu.vector_load %arg5[%get3A_302, %get3A_303, %get3A_304, %get3A_305, %get3A_306] {strides = array<i32>} : memref<2x2x16x8x128xf32, #tpu.memory_space<vmem>>, vector<16xf32>,
        %get3A_308 = arith.constant 0 : i32
        %get3A_309 = arith.constant 1 : i32
        %get3A_310 = arith.constant 2 : i32
        %get3A_311 = arith.index_cast %get3A_308 : i32 to index
        %get3A_312 = arith.index_cast %get3A_309 : i32 to index
        %get3A_313 = arith.index_cast %shift_right_logical3A_205 : i32 to index
        %get3A_314 = arith.index_cast %get3A_310 : i32 to index
        %get3A_315 = arith.index_cast %mul3A_208 : i32 to index
        %get3A_316 = tpu.vector_load %arg5[%get3A_311, %get3A_312, %get3A_313, %get3A_314, %get3A_315] {strides = array<i32>} : memref<2x2x16x8x128xf32, #tpu.memory_space<vmem>>, vector<16xf32>,
        %get3A_317 = arith.constant 0 : i32
        %get3A_318 = arith.constant 1 : i32
        %get3A_319 = arith.constant 3 : i32
        %get3A_320 = arith.index_cast %get3A_317 : i32 to index
        %get3A_321 = arith.index_cast %get3A_318 : i32 to index
        %get3A_322 = arith.index_cast %shift_right_logical3A_205 : i32 to index
        %get3A_323 = arith.index_cast %get3A_319 : i32 to index
        %get3A_324 = arith.index_cast %mul3A_208 : i32 to index
        %get3A_325 = tpu.vector_load %arg5[%get3A_320, %get3A_321, %get3A_322, %get3A_323, %get3A_324] {strides = array<i32>} : memref<2x2x16x8x128xf32, #tpu.memory_space<vmem>>, vector<16xf32>,
        %get3A_326 = arith.constant 0 : i32
        %get3A_327 = arith.constant 1 : i32
        %get3A_328 = arith.constant 4 : i32
        %get3A_329 = arith.index_cast %get3A_326 : i32 to index
        %get3A_330 = arith.index_cast %get3A_327 : i32 to index
        %get3A_331 = arith.index_cast %shift_right_logical3A_205 : i32 to index
        %get3A_332 = arith.index_cast %get3A_328 : i32 to index
        %get3A_333 = arith.index_cast %mul3A_208 : i32 to index
        %get3A_334 = tpu.vector_load %arg5[%get3A_329, %get3A_330, %get3A_331, %get3A_332, %get3A_333] {strides = array<i32>} : memref<2x2x16x8x128xf32, #tpu.memory_space<vmem>>, vector<16xf32>,
        %get3A_335 = arith.constant 0 : i32
        %get3A_336 = arith.constant 1 : i32
        %get3A_337 = arith.constant 5 : i32
        %get3A_338 = arith.index_cast %get3A_335 : i32 to index
        %get3A_339 = arith.index_cast %get3A_336 : i32 to index
        %get3A_340 = arith.index_cast %shift_right_logical3A_205 : i32 to index
        %get3A_341 = arith.index_cast %get3A_337 : i32 to index
        %get3A_342 = arith.index_cast %mul3A_208 : i32 to index
        %get3A_343 = tpu.vector_load %arg5[%get3A_338, %get3A_339, %get3A_340, %get3A_341, %get3A_342] {strides = array<i32>} : memref<2x2x16x8x128xf32, #tpu.memory_space<vmem>>, vector<16xf32>,
        %get3A_344 = arith.constant 0 : i32
        %get3A_345 = arith.constant 1 : i32
        %get3A_346 = arith.constant 6 : i32
        %get3A_347 = arith.index_cast %get3A_344 : i32 to index
        %get3A_348 = arith.index_cast %get3A_345 : i32 to index
        %get3A_349 = arith.index_cast %shift_right_logical3A_205 : i32 to index
        %get3A_350 = arith.index_cast %get3A_346 : i32 to index
        %get3A_351 = arith.index_cast %mul3A_208 : i32 to index
        %get3A_352 = tpu.vector_load %arg5[%get3A_347, %get3A_348, %get3A_349, %get3A_350, %get3A_351] {strides = array<i32>} : memref<2x2x16x8x128xf32, #tpu.memory_space<vmem>>, vector<16xf32>,
        %get3A_353 = arith.constant 0 : i32
        %get3A_354 = arith.constant 1 : i32
        %get3A_355 = arith.constant 7 : i32
        %get3A_356 = arith.index_cast %get3A_353 : i32 to index
        %get3A_357 = arith.index_cast %get3A_354 : i32 to index
        %get3A_358 = arith.index_cast %shift_right_logical3A_205 : i32 to index
        %get3A_359 = arith.index_cast %get3A_355 : i32 to index
        %get3A_360 = arith.index_cast %mul3A_208 : i32 to index
        %get3A_361 = tpu.vector_load %arg5[%get3A_356, %get3A_357, %get3A_358, %get3A_359, %get3A_360] {strides = array<i32>} : memref<2x2x16x8x128xf32, #tpu.memory_space<vmem>>, vector<16xf32>,
        %max3A = arith.maximumf %get3A_226, %get3A_235 : vector<16xf32>
        %max3A_362 = arith.maximumf %get3A_244, %get3A_253 : vector<16xf32>
        %max3A_363 = arith.maximumf %get3A_262, %get3A_271 : vector<16xf32>
        %max3A_364 = arith.maximumf %get3A_280, %get3A_289 : vector<16xf32>
        %max3A_365 = arith.maximumf %get3A_298, %get3A_307 : vector<16xf32>
        %max3A_366 = arith.maximumf %get3A_316, %get3A_325 : vector<16xf32>
        %max3A_367 = arith.maximumf %get3A_334, %get3A_343 : vector<16xf32>
        %max3A_368 = arith.maximumf %get3A_352, %get3A_361 : vector<16xf32>
        %max3A_369 = arith.maximumf %max3A, %max3A_362 : vector<16xf32>
        %max3A_370 = arith.maximumf %max3A_363, %max3A_364 : vector<16xf32>
        %max3A_371 = arith.maximumf %max3A_365, %max3A_366 : vector<16xf32>
        %max3A_372 = arith.maximumf %max3A_367, %max3A_368 : vector<16xf32>
        %max3A_373 = arith.maximumf %max3A_369, %max3A_370 : vector<16xf32>
        %max3A_374 = arith.maximumf %max3A_371, %max3A_372 : vector<16xf32>
        %max3A_375 = arith.maximumf %max3A_373, %max3A_374 : vector<16xf32>
        %eq3A = arith.cmpf oeq, %get3A_226, %max3A_375 : vector<16xf32>
        %jit3A = arith.constant 0 : i32
        %jit3A_376 = arith.constant 16 : i32
        %broadcast_in_dim3A_377 = vector.broadcast %jit3A : i32 to vector<16xi32>
        %broadcast_in_dim3A_378 = vector.broadcast %jit3A_376 : i32 to vector<16xi32>
        %select_n3A = arith.select %eq3A, %broadcast_in_dim3A_377, %broadcast_in_dim3A_378 : vector<16xi1>, vector<16xi32>
        %eq3A_379 = arith.cmpf oeq, %get3A_235, %max3A_375 : vector<16xf32>
        %jit3A_380 = arith.constant 1 : i32
        %jit3A_381 = arith.constant 16 : i32
        %broadcast_in_dim3A_382 = vector.broadcast %jit3A_380 : i32 to vector<16xi32>
        %broadcast_in_dim3A_383 = vector.broadcast %jit3A_381 : i32 to vector<16xi32>
        %select_n3A_384 = arith.select %eq3A_379, %broadcast_in_dim3A_382, %broadcast_in_dim3A_383 : vector<16xi1>, vector<16xi32>
        %eq3A_385 = arith.cmpf oeq, %get3A_244, %max3A_375 : vector<16xf32>
        %jit3A_386 = arith.constant 2 : i32
        %jit3A_387 = arith.constant 16 : i32
        %broadcast_in_dim3A_388 = vector.broadcast %jit3A_386 : i32 to vector<16xi32>
        %broadcast_in_dim3A_389 = vector.broadcast %jit3A_387 : i32 to vector<16xi32>
        %select_n3A_390 = arith.select %eq3A_385, %broadcast_in_dim3A_388, %broadcast_in_dim3A_389 : vector<16xi1>, vector<16xi32>
        %eq3A_391 = arith.cmpf oeq, %get3A_253, %max3A_375 : vector<16xf32>
        %jit3A_392 = arith.constant 3 : i32
        %jit3A_393 = arith.constant 16 : i32
        %broadcast_in_dim3A_394 = vector.broadcast %jit3A_392 : i32 to vector<16xi32>
        %broadcast_in_dim3A_395 = vector.broadcast %jit3A_393 : i32 to vector<16xi32>
        %select_n3A_396 = arith.select %eq3A_391, %broadcast_in_dim3A_394, %broadcast_in_dim3A_395 : vector<16xi1>, vector<16xi32>
        %eq3A_397 = arith.cmpf oeq, %get3A_262, %max3A_375 : vector<16xf32>
        %jit3A_398 = arith.constant 4 : i32
        %jit3A_399 = arith.constant 16 : i32
        %broadcast_in_dim3A_400 = vector.broadcast %jit3A_398 : i32 to vector<16xi32>
        %broadcast_in_dim3A_401 = vector.broadcast %jit3A_399 : i32 to vector<16xi32>
        %select_n3A_402 = arith.select %eq3A_397, %broadcast_in_dim3A_400, %broadcast_in_dim3A_401 : vector<16xi1>, vector<16xi32>
        %eq3A_403 = arith.cmpf oeq, %get3A_271, %max3A_375 : vector<16xf32>
        %jit3A_404 = arith.constant 5 : i32
        %jit3A_405 = arith.constant 16 : i32
        %broadcast_in_dim3A_406 = vector.broadcast %jit3A_404 : i32 to vector<16xi32>
        %broadcast_in_dim3A_407 = vector.broadcast %jit3A_405 : i32 to vector<16xi32>
        %select_n3A_408 = arith.select %eq3A_403, %broadcast_in_dim3A_406, %broadcast_in_dim3A_407 : vector<16xi1>, vector<16xi32>
        %eq3A_409 = arith.cmpf oeq, %get3A_280, %max3A_375 : vector<16xf32>
        %jit3A_410 = arith.constant 6 : i32
        %jit3A_411 = arith.constant 16 : i32
        %broadcast_in_dim3A_412 = vector.broadcast %jit3A_410 : i32 to vector<16xi32>
        %broadcast_in_dim3A_413 = vector.broadcast %jit3A_411 : i32 to vector<16xi32>
        %select_n3A_414 = arith.select %eq3A_409, %broadcast_in_dim3A_412, %broadcast_in_dim3A_413 : vector<16xi1>, vector<16xi32>
        %eq3A_415 = arith.cmpf oeq, %get3A_289, %max3A_375 : vector<16xf32>
        %jit3A_416 = arith.constant 7 : i32
        %jit3A_417 = arith.constant 16 : i32
        %broadcast_in_dim3A_418 = vector.broadcast %jit3A_416 : i32 to vector<16xi32>
        %broadcast_in_dim3A_419 = vector.broadcast %jit3A_417 : i32 to vector<16xi32>
        %select_n3A_420 = arith.select %eq3A_415, %broadcast_in_dim3A_418, %broadcast_in_dim3A_419 : vector<16xi1>, vector<16xi32>
        %eq3A_421 = arith.cmpf oeq, %get3A_298, %max3A_375 : vector<16xf32>
        %jit3A_422 = arith.constant 8 : i32
        %jit3A_423 = arith.constant 16 : i32
        %broadcast_in_dim3A_424 = vector.broadcast %jit3A_422 : i32 to vector<16xi32>
        %broadcast_in_dim3A_425 = vector.broadcast %jit3A_423 : i32 to vector<16xi32>
        %select_n3A_426 = arith.select %eq3A_421, %broadcast_in_dim3A_424, %broadcast_in_dim3A_425 : vector<16xi1>, vector<16xi32>
        %eq3A_427 = arith.cmpf oeq, %get3A_307, %max3A_375 : vector<16xf32>
        %jit3A_428 = arith.constant 9 : i32
        %jit3A_429 = arith.constant 16 : i32
        %broadcast_in_dim3A_430 = vector.broadcast %jit3A_428 : i32 to vector<16xi32>
        %broadcast_in_dim3A_431 = vector.broadcast %jit3A_429 : i32 to vector<16xi32>
        %select_n3A_432 = arith.select %eq3A_427, %broadcast_in_dim3A_430, %broadcast_in_dim3A_431 : vector<16xi1>, vector<16xi32>
        %eq3A_433 = arith.cmpf oeq, %get3A_316, %max3A_375 : vector<16xf32>
        %jit3A_434 = arith.constant 10 : i32
        %jit3A_435 = arith.constant 16 : i32
        %broadcast_in_dim3A_436 = vector.broadcast %jit3A_434 : i32 to vector<16xi32>
        %broadcast_in_dim3A_437 = vector.broadcast %jit3A_435 : i32 to vector<16xi32>
        %select_n3A_438 = arith.select %eq3A_433, %broadcast_in_dim3A_436, %broadcast_in_dim3A_437 : vector<16xi1>, vector<16xi32>
        %eq3A_439 = arith.cmpf oeq, %get3A_325, %max3A_375 : vector<16xf32>
        %jit3A_440 = arith.constant 11 : i32
        %jit3A_441 = arith.constant 16 : i32
        %broadcast_in_dim3A_442 = vector.broadcast %jit3A_440 : i32 to vector<16xi32>
        %broadcast_in_dim3A_443 = vector.broadcast %jit3A_441 : i32 to vector<16xi32>
        %select_n3A_444 = arith.select %eq3A_439, %broadcast_in_dim3A_442, %broadcast_in_dim3A_443 : vector<16xi1>, vector<16xi32>
        %eq3A_445 = arith.cmpf oeq, %get3A_334, %max3A_375 : vector<16xf32>
        %jit3A_446 = arith.constant 12 : i32
        %jit3A_447 = arith.constant 16 : i32
        %broadcast_in_dim3A_448 = vector.broadcast %jit3A_446 : i32 to vector<16xi32>
        %broadcast_in_dim3A_449 = vector.broadcast %jit3A_447 : i32 to vector<16xi32>
        %select_n3A_450 = arith.select %eq3A_445, %broadcast_in_dim3A_448, %broadcast_in_dim3A_449 : vector<16xi1>, vector<16xi32>
        %eq3A_451 = arith.cmpf oeq, %get3A_343, %max3A_375 : vector<16xf32>
        %jit3A_452 = arith.constant 13 : i32
        %jit3A_453 = arith.constant 16 : i32
        %broadcast_in_dim3A_454 = vector.broadcast %jit3A_452 : i32 to vector<16xi32>
        %broadcast_in_dim3A_455 = vector.broadcast %jit3A_453 : i32 to vector<16xi32>
        %select_n3A_456 = arith.select %eq3A_451, %broadcast_in_dim3A_454, %broadcast_in_dim3A_455 : vector<16xi1>, vector<16xi32>
        %eq3A_457 = arith.cmpf oeq, %get3A_352, %max3A_375 : vector<16xf32>
        %jit3A_458 = arith.constant 14 : i32
        %jit3A_459 = arith.constant 16 : i32
        %broadcast_in_dim3A_460 = vector.broadcast %jit3A_458 : i32 to vector<16xi32>
        %broadcast_in_dim3A_461 = vector.broadcast %jit3A_459 : i32 to vector<16xi32>
        %select_n3A_462 = arith.select %eq3A_457, %broadcast_in_dim3A_460, %broadcast_in_dim3A_461 : vector<16xi1>, vector<16xi32>
        %eq3A_463 = arith.cmpf oeq, %get3A_361, %max3A_375 : vector<16xf32>
        %jit3A_464 = arith.constant 15 : i32
        %jit3A_465 = arith.constant 16 : i32
        %broadcast_in_dim3A_466 = vector.broadcast %jit3A_464 : i32 to vector<16xi32>
        %broadcast_in_dim3A_467 = vector.broadcast %jit3A_465 : i32 to vector<16xi32>
        %select_n3A_468 = arith.select %eq3A_463, %broadcast_in_dim3A_466, %broadcast_in_dim3A_467 : vector<16xi1>, vector<16xi32>
        %min3A = arith.minsi %select_n3A, %select_n3A_384 : vector<16xi32>
        %min3A_469 = arith.minsi %select_n3A_390, %select_n3A_396 : vector<16xi32>
        %min3A_470 = arith.minsi %select_n3A_402, %select_n3A_408 : vector<16xi32>
        %min3A_471 = arith.minsi %select_n3A_414, %select_n3A_420 : vector<16xi32>
        %min3A_472 = arith.minsi %select_n3A_426, %select_n3A_432 : vector<16xi32>
        %min3A_473 = arith.minsi %select_n3A_438, %select_n3A_444 : vector<16xi32>
        %min3A_474 = arith.minsi %select_n3A_450, %select_n3A_456 : vector<16xi32>
        %min3A_475 = arith.minsi %select_n3A_462, %select_n3A_468 : vector<16xi32>
        %min3A_476 = arith.minsi %min3A, %min3A_469 : vector<16xi32>
        %min3A_477 = arith.minsi %min3A_470, %min3A_471 : vector<16xi32>
        %min3A_478 = arith.minsi %min3A_472, %min3A_473 : vector<16xi32>
        %min3A_479 = arith.minsi %min3A_474, %min3A_475 : vector<16xi32>
        %min3A_480 = arith.minsi %min3A_476, %min3A_477 : vector<16xi32>
        %min3A_481 = arith.minsi %min3A_478, %min3A_479 : vector<16xi32>
        %min3A_482 = arith.minsi %min3A_480, %min3A_481 : vector<16xi32>
        %sub3A = arith.subf %get3A_226, %max3A_375 : vector<16xf32>
        %exp3A = math.exp %sub3A : vector<16xf32>
        %sub3A_483 = arith.subf %get3A_235, %max3A_375 : vector<16xf32>
        %exp3A_484 = math.exp %sub3A_483 : vector<16xf32>
        %sub3A_485 = arith.subf %get3A_244, %max3A_375 : vector<16xf32>
        %exp3A_486 = math.exp %sub3A_485 : vector<16xf32>
        %sub3A_487 = arith.subf %get3A_253, %max3A_375 : vector<16xf32>
        %exp3A_488 = math.exp %sub3A_487 : vector<16xf32>
        %sub3A_489 = arith.subf %get3A_262, %max3A_375 : vector<16xf32>
        %exp3A_490 = math.exp %sub3A_489 : vector<16xf32>
        %sub3A_491 = arith.subf %get3A_271, %max3A_375 : vector<16xf32>
        %exp3A_492 = math.exp %sub3A_491 : vector<16xf32>
        %sub3A_493 = arith.subf %get3A_280, %max3A_375 : vector<16xf32>
        %exp3A_494 = math.exp %sub3A_493 : vector<16xf32>
        %sub3A_495 = arith.subf %get3A_289, %max3A_375 : vector<16xf32>
        %exp3A_496 = math.exp %sub3A_495 : vector<16xf32>
        %sub3A_497 = arith.subf %get3A_298, %max3A_375 : vector<16xf32>
        %exp3A_498 = math.exp %sub3A_497 : vector<16xf32>
        %sub3A_499 = arith.subf %get3A_307, %max3A_375 : vector<16xf32>
        %exp3A_500 = math.exp %sub3A_499 : vector<16xf32>
        %sub3A_501 = arith.subf %get3A_316, %max3A_375 : vector<16xf32>
        %exp3A_502 = math.exp %sub3A_501 : vector<16xf32>
        %sub3A_503 = arith.subf %get3A_325, %max3A_375 : vector<16xf32>
        %exp3A_504 = math.exp %sub3A_503 : vector<16xf32>
        %sub3A_505 = arith.subf %get3A_334, %max3A_375 : vector<16xf32>
        %exp3A_506 = math.exp %sub3A_505 : vector<16xf32>
        %sub3A_507 = arith.subf %get3A_343, %max3A_375 : vector<16xf32>
        %exp3A_508 = math.exp %sub3A_507 : vector<16xf32>
        %sub3A_509 = arith.subf %get3A_352, %max3A_375 : vector<16xf32>
        %exp3A_510 = math.exp %sub3A_509 : vector<16xf32>
        %sub3A_511 = arith.subf %get3A_361, %max3A_375 : vector<16xf32>
        %exp3A_512 = math.exp %sub3A_511 : vector<16xf32>
        %add3A_513 = arith.addf %exp3A, %exp3A_484 : vector<16xf32>
        %add3A_514 = arith.addf %exp3A_486, %exp3A_488 : vector<16xf32>
        %add3A_515 = arith.addf %exp3A_490, %exp3A_492 : vector<16xf32>
        %add3A_516 = arith.addf %exp3A_494, %exp3A_496 : vector<16xf32>
        %add3A_517 = arith.addf %exp3A_498, %exp3A_500 : vector<16xf32>
        %add3A_518 = arith.addf %exp3A_502, %exp3A_504 : vector<16xf32>
        %add3A_519 = arith.addf %exp3A_506, %exp3A_508 : vector<16xf32>
        %add3A_520 = arith.addf %exp3A_510, %exp3A_512 : vector<16xf32>
        %add3A_521 = arith.addf %add3A_513, %add3A_514 : vector<16xf32>
        %add3A_522 = arith.addf %add3A_515, %add3A_516 : vector<16xf32>
        %add3A_523 = arith.addf %add3A_517, %add3A_518 : vector<16xf32>
        %add3A_524 = arith.addf %add3A_519, %add3A_520 : vector<16xf32>
        %add3A_525 = arith.addf %add3A_521, %add3A_522 : vector<16xf32>
        %add3A_526 = arith.addf %add3A_523, %add3A_524 : vector<16xf32>
        %add3A_527 = arith.addf %add3A_525, %add3A_526 : vector<16xf32>
        %shift_right_logical3A_528 = arith.constant 3 : i32
        %shift_right_logical3A_529 = vector.broadcast %shift_right_logical3A_528 : i32 to vector<16xi32>
        %shift_right_logical3A_530 = arith.shrui %get3A_217, %shift_right_logical3A_529 : vector<16xi32>
        %and3A_531 = arith.constant 7 : i32
        %and3A_532 = vector.broadcast %and3A_531 : i32 to vector<16xi32>
        %and3A_533 = arith.andi %get3A_217, %and3A_532 : vector<16xi32>
        %add3A_534 = vector.broadcast %mul3A_208 : i32 to vector<16xi32>
        %add3A_535 = arith.addi %add3A_534, %iota3A : vector<16xi32>
        %gather3A = arith.constant 0 : i32
        %gather3A_536 = arith.constant 0 : i32
        %gather3A_537 = arith.constant 0 : i32
        %gather3A_538 = arith.constant 0 : i32
        %gather3A_539 = arith.constant 0 : i32
        %gather3A_540 = tpu.memref_slice %arg5[%gather3A, %gather3A_536, %gather3A_537, %gather3A_538, %gather3A_539] : memref<2x2x16x8x128xf32, #tpu.memory_space<vmem>> -> memref<1x2x16x8x128xf32, #tpu.memory_space<vmem>>
        %gather3A_541 = tpu.memref_squeeze %gather3A_540 : memref<1x2x16x8x128xf32, #tpu.memory_space<vmem>> -> memref<2x16x8x128xf32, #tpu.memory_space<vmem>>
        %gather3A_542 = tpu.vector_load_idx %gather3A_541[%shift_right_logical3A_530, %add3A_212, %and3A_533, %add3A_535] : memref<2x16x8x128xf32, #tpu.memory_space<vmem>>[vector<16xi32>, vector<16xi32>, vector<16xi32>, vector<16xi32>], vector<16xf32>,
        %sub3A_543 = arith.subf %gather3A_542, %max3A_375 : vector<16xf32>
        %bitcast_convert_type3A = tpu.bitcast %add3A_527 : vector<16xf32> -> vector<16xi32>
        %shift_right_logical3A_544 = arith.constant 23 : i32
        %shift_right_logical3A_545 = vector.broadcast %shift_right_logical3A_544 : i32 to vector<16xi32>
        %shift_right_logical3A_546 = arith.shrui %bitcast_convert_type3A, %shift_right_logical3A_545 : vector<16xi32>
        %sub3A_547 = arith.constant 127 : i32
        %sub3A_548 = vector.broadcast %sub3A_547 : i32 to vector<16xi32>
        %sub3A_549 = arith.subi %shift_right_logical3A_546, %sub3A_548 : vector<16xi32>
        %and3A_550 = arith.constant 8388607 : i32
        %and3A_551 = vector.broadcast %and3A_550 : i32 to vector<16xi32>
        %and3A_552 = arith.andi %bitcast_convert_type3A, %and3A_551 : vector<16xi32>
        %or3A = arith.constant 1065353216 : i32
        %or3A_553 = vector.broadcast %or3A : i32 to vector<16xi32>
        %or3A_554 = arith.ori %and3A_552, %or3A_553 : vector<16xi32>
        %bitcast_convert_type3A_555 = tpu.bitcast %or3A_554 : vector<16xi32> -> vector<16xf32>
        %sub3A_556 = arith.constant 1.000000e+00 : f32
        %sub3A_557 = vector.broadcast %sub3A_556 : f32 to vector<16xf32>
        %sub3A_558 = arith.subf %bitcast_convert_type3A_555, %sub3A_557 : vector<16xf32>
        %add3A_559 = arith.constant 1.000000e+00 : f32
        %add3A_560 = vector.broadcast %add3A_559 : f32 to vector<16xf32>
        %add3A_561 = arith.addf %bitcast_convert_type3A_555, %add3A_560 : vector<16xf32>
        %div3A = arith.divf %sub3A_558, %add3A_561 : vector<16xf32>
        %mul3A_562 = arith.mulf %div3A, %div3A : vector<16xf32>
        %mul3A_563 = arith.constant 0.142857149 : f32
        %mul3A_564 = vector.broadcast %mul3A_563 : f32 to vector<16xf32>
        %mul3A_565 = arith.mulf %mul3A_562, %mul3A_564 : vector<16xf32>
        %add3A_566 = arith.constant 2.000000e-01 : f32
        %add3A_567 = vector.broadcast %add3A_566 : f32 to vector<16xf32>
        %add3A_568 = arith.addf %add3A_567, %mul3A_565 : vector<16xf32>
        %mul3A_569 = arith.mulf %mul3A_562, %add3A_568 : vector<16xf32>
        %add3A_570 = arith.constant 0.333333343 : f32
        %add3A_571 = vector.broadcast %add3A_570 : f32 to vector<16xf32>
        %add3A_572 = arith.addf %add3A_571, %mul3A_569 : vector<16xf32>
        %mul3A_573 = arith.mulf %mul3A_562, %add3A_572 : vector<16xf32>
        %add3A_574 = arith.constant 1.000000e+00 : f32
        %add3A_575 = vector.broadcast %add3A_574 : f32 to vector<16xf32>
        %add3A_576 = arith.addf %add3A_575, %mul3A_573 : vector<16xf32>
        %convert_element_type3A_577 = arith.sitofp %sub3A_549 : vector<16xi32> to vector<16xf32>
        %mul3A_578 = arith.constant 0.693147182 : f32
        %mul3A_579 = vector.broadcast %mul3A_578 : f32 to vector<16xf32>
        %mul3A_580 = arith.mulf %convert_element_type3A_577, %mul3A_579 : vector<16xf32>
        %mul3A_581 = arith.constant 2.000000e+00 : f32
        %mul3A_582 = vector.broadcast %mul3A_581 : f32 to vector<16xf32>
        %mul3A_583 = arith.mulf %mul3A_582, %div3A : vector<16xf32>
        %mul3A_584 = arith.mulf %mul3A_583, %add3A_576 : vector<16xf32>
        %add3A_585 = arith.addf %mul3A_580, %mul3A_584 : vector<16xf32>
        %sub3A_586 = arith.subf %sub3A_543, %add3A_585 : vector<16xf32>
        tpu.vector_store_idx %arg7[%get3A_217], %broadcast_in_dim3A_5 {add = true} : memref<128xf32, #tpu.memory_space<vmem>>[vector<16xi32>], vector<16xf32>,
        %add3A_587 = arith.constant 16 : i32
        %add3A_588 = vector.broadcast %add3A_587 : i32 to vector<16xi32>
        %add3A_589 = arith.addi %min3A_482, %add3A_588 : vector<16xi32>
        tpu.vector_store_idx %arg7[%add3A_589], %broadcast_in_dim3A_5 {add = true} : memref<128xf32, #tpu.memory_space<vmem>>[vector<16xi32>], vector<16xf32>,
        %add3A_590 = arith.constant 32 : i32
        %add3A_591 = vector.broadcast %add3A_590 : i32 to vector<16xi32>
        %add3A_592 = arith.addi %min3A_482, %add3A_591 : vector<16xi32>
        %eq3A_593 = arith.cmpi eq, %min3A_482, %get3A_217 : vector<16xi32>
        tpu.vector_store_idx %arg7[%add3A_592], %broadcast_in_dim3A_5 masked %eq3A_593 {add = true} : memref<128xf32, #tpu.memory_space<vmem>>[vector<16xi32>], vector<16xf32>, vector<16xi1>
        %add3A_594 = arith.constant 48 : i32
        %add3A_595 = vector.broadcast %add3A_594 : i32 to vector<16xi32>
        %add3A_596 = arith.addi %get3A_217, %add3A_595 : vector<16xi32>
        tpu.vector_store_idx %arg7[%add3A_596], %sub3A_586 {add = true} : memref<128xf32, #tpu.memory_space<vmem>>[vector<16xi32>], vector<16xf32>,
        %scan3A_597 = arith.constant 1 : i32
        %scan3A_598 = arith.addi %scan3A_204, %scan3A_597 : i32
        %shift_right_logical3A_599 = arith.constant 3 : i32
        %shift_right_logical3A_600 = arith.shrui %scan3A_598, %shift_right_logical3A_599 : i32
        %and3A_601 = arith.constant 7 : i32
        %and3A_602 = arith.andi %scan3A_598, %and3A_601 : i32
        %mul3A_603 = arith.constant 16 : i32
        %mul3A_604 = arith.muli %and3A_602, %mul3A_603 : i32
        %broadcast_in_dim3A_605 = arith.constant 0 : i32
        %broadcast_in_dim3A_606 = vector.broadcast %broadcast_in_dim3A_605 : i32 to vector<16xi32>
        %add3A_607 = vector.broadcast %shift_right_logical3A_600 : i32 to vector<16xi32>
        %add3A_608 = arith.addi %broadcast_in_dim3A_606, %add3A_607 : vector<16xi32>
        %mul3A_609 = arith.constant 16 : i32
        %mul3A_610 = arith.muli %scan3A_598, %mul3A_609 : i32
        %get3A_611 = arith.constant 0 : i32
        %get3A_612 = arith.index_cast %get3A_611 : i32 to index
        %get3A_613 = arith.index_cast %mul3A_610 : i32 to index
        %get3A_614 = tpu.vector_load %arg6[%get3A_612, %get3A_613] {strides = array<i32>} : memref<2x2048xi32, #tpu.memory_space<vmem>>, vector<16xi32>,
        %get3A_615 = arith.constant 0 : i32
        %get3A_616 = arith.constant 0 : i32
        %get3A_617 = arith.constant 0 : i32
        %get3A_618 = arith.index_cast %get3A_615 : i32 to index
        %get3A_619 = arith.index_cast %get3A_616 : i32 to index
        %get3A_620 = arith.index_cast %shift_right_logical3A_600 : i32 to index
        %get3A_621 = arith.index_cast %get3A_617 : i32 to index
        %get3A_622 = arith.index_cast %mul3A_604 : i32 to index
        %get3A_623 = tpu.vector_load %arg5[%get3A_618, %get3A_619, %get3A_620, %get3A_621, %get3A_622] {strides = array<i32>} : memref<2x2x16x8x128xf32, #tpu.memory_space<vmem>>, vector<16xf32>,
        %get3A_624 = arith.constant 0 : i32
        %get3A_625 = arith.constant 0 : i32
        %get3A_626 = arith.constant 1 : i32
        %get3A_627 = arith.index_cast %get3A_624 : i32 to index
        %get3A_628 = arith.index_cast %get3A_625 : i32 to index
        %get3A_629 = arith.index_cast %shift_right_logical3A_600 : i32 to index
        %get3A_630 = arith.index_cast %get3A_626 : i32 to index
        %get3A_631 = arith.index_cast %mul3A_604 : i32 to index
        %get3A_632 = tpu.vector_load %arg5[%get3A_627, %get3A_628, %get3A_629, %get3A_630, %get3A_631] {strides = array<i32>} : memref<2x2x16x8x128xf32, #tpu.memory_space<vmem>>, vector<16xf32>,
        %get3A_633 = arith.constant 0 : i32
        %get3A_634 = arith.constant 0 : i32
        %get3A_635 = arith.constant 2 : i32
        %get3A_636 = arith.index_cast %get3A_633 : i32 to index
        %get3A_637 = arith.index_cast %get3A_634 : i32 to index
        %get3A_638 = arith.index_cast %shift_right_logical3A_600 : i32 to index
        %get3A_639 = arith.index_cast %get3A_635 : i32 to index
        %get3A_640 = arith.index_cast %mul3A_604 : i32 to index
        %get3A_641 = tpu.vector_load %arg5[%get3A_636, %get3A_637, %get3A_638, %get3A_639, %get3A_640] {strides = array<i32>} : memref<2x2x16x8x128xf32, #tpu.memory_space<vmem>>, vector<16xf32>,
        %get3A_642 = arith.constant 0 : i32
        %get3A_643 = arith.constant 0 : i32
        %get3A_644 = arith.constant 3 : i32
        %get3A_645 = arith.index_cast %get3A_642 : i32 to index
        %get3A_646 = arith.index_cast %get3A_643 : i32 to index
        %get3A_647 = arith.index_cast %shift_right_logical3A_600 : i32 to index
        %get3A_648 = arith.index_cast %get3A_644 : i32 to index
        %get3A_649 = arith.index_cast %mul3A_604 : i32 to index
        %get3A_650 = tpu.vector_load %arg5[%get3A_645, %get3A_646, %get3A_647, %get3A_648, %get3A_649] {strides = array<i32>} : memref<2x2x16x8x128xf32, #tpu.memory_space<vmem>>, vector<16xf32>,
        %get3A_651 = arith.constant 0 : i32
        %get3A_652 = arith.constant 0 : i32
        %get3A_653 = arith.constant 4 : i32
        %get3A_654 = arith.index_cast %get3A_651 : i32 to index
        %get3A_655 = arith.index_cast %get3A_652 : i32 to index
        %get3A_656 = arith.index_cast %shift_right_logical3A_600 : i32 to index
        %get3A_657 = arith.index_cast %get3A_653 : i32 to index
        %get3A_658 = arith.index_cast %mul3A_604 : i32 to index
        %get3A_659 = tpu.vector_load %arg5[%get3A_654, %get3A_655, %get3A_656, %get3A_657, %get3A_658] {strides = array<i32>} : memref<2x2x16x8x128xf32, #tpu.memory_space<vmem>>, vector<16xf32>,
        %get3A_660 = arith.constant 0 : i32
        %get3A_661 = arith.constant 0 : i32
        %get3A_662 = arith.constant 5 : i32
        %get3A_663 = arith.index_cast %get3A_660 : i32 to index
        %get3A_664 = arith.index_cast %get3A_661 : i32 to index
        %get3A_665 = arith.index_cast %shift_right_logical3A_600 : i32 to index
        %get3A_666 = arith.index_cast %get3A_662 : i32 to index
        %get3A_667 = arith.index_cast %mul3A_604 : i32 to index
        %get3A_668 = tpu.vector_load %arg5[%get3A_663, %get3A_664, %get3A_665, %get3A_666, %get3A_667] {strides = array<i32>} : memref<2x2x16x8x128xf32, #tpu.memory_space<vmem>>, vector<16xf32>,
        %get3A_669 = arith.constant 0 : i32
        %get3A_670 = arith.constant 0 : i32
        %get3A_671 = arith.constant 6 : i32
        %get3A_672 = arith.index_cast %get3A_669 : i32 to index
        %get3A_673 = arith.index_cast %get3A_670 : i32 to index
        %get3A_674 = arith.index_cast %shift_right_logical3A_600 : i32 to index
        %get3A_675 = arith.index_cast %get3A_671 : i32 to index
        %get3A_676 = arith.index_cast %mul3A_604 : i32 to index
        %get3A_677 = tpu.vector_load %arg5[%get3A_672, %get3A_673, %get3A_674, %get3A_675, %get3A_676] {strides = array<i32>} : memref<2x2x16x8x128xf32, #tpu.memory_space<vmem>>, vector<16xf32>,
        %get3A_678 = arith.constant 0 : i32
        %get3A_679 = arith.constant 0 : i32
        %get3A_680 = arith.constant 7 : i32
        %get3A_681 = arith.index_cast %get3A_678 : i32 to index
        %get3A_682 = arith.index_cast %get3A_679 : i32 to index
        %get3A_683 = arith.index_cast %shift_right_logical3A_600 : i32 to index
        %get3A_684 = arith.index_cast %get3A_680 : i32 to index
        %get3A_685 = arith.index_cast %mul3A_604 : i32 to index
        %get3A_686 = tpu.vector_load %arg5[%get3A_681, %get3A_682, %get3A_683, %get3A_684, %get3A_685] {strides = array<i32>} : memref<2x2x16x8x128xf32, #tpu.memory_space<vmem>>, vector<16xf32>,
        %get3A_687 = arith.constant 0 : i32
        %get3A_688 = arith.constant 1 : i32
        %get3A_689 = arith.constant 0 : i32
        %get3A_690 = arith.index_cast %get3A_687 : i32 to index
        %get3A_691 = arith.index_cast %get3A_688 : i32 to index
        %get3A_692 = arith.index_cast %shift_right_logical3A_600 : i32 to index
        %get3A_693 = arith.index_cast %get3A_689 : i32 to index
        %get3A_694 = arith.index_cast %mul3A_604 : i32 to index
        %get3A_695 = tpu.vector_load %arg5[%get3A_690, %get3A_691, %get3A_692, %get3A_693, %get3A_694] {strides = array<i32>} : memref<2x2x16x8x128xf32, #tpu.memory_space<vmem>>, vector<16xf32>,
        %get3A_696 = arith.constant 0 : i32
        %get3A_697 = arith.constant 1 : i32
        %get3A_698 = arith.constant 1 : i32
        %get3A_699 = arith.index_cast %get3A_696 : i32 to index
        %get3A_700 = arith.index_cast %get3A_697 : i32 to index
        %get3A_701 = arith.index_cast %shift_right_logical3A_600 : i32 to index
        %get3A_702 = arith.index_cast %get3A_698 : i32 to index
        %get3A_703 = arith.index_cast %mul3A_604 : i32 to index
        %get3A_704 = tpu.vector_load %arg5[%get3A_699, %get3A_700, %get3A_701, %get3A_702, %get3A_703] {strides = array<i32>} : memref<2x2x16x8x128xf32, #tpu.memory_space<vmem>>, vector<16xf32>,
        %get3A_705 = arith.constant 0 : i32
        %get3A_706 = arith.constant 1 : i32
        %get3A_707 = arith.constant 2 : i32
        %get3A_708 = arith.index_cast %get3A_705 : i32 to index
        %get3A_709 = arith.index_cast %get3A_706 : i32 to index
        %get3A_710 = arith.index_cast %shift_right_logical3A_600 : i32 to index
        %get3A_711 = arith.index_cast %get3A_707 : i32 to index
        %get3A_712 = arith.index_cast %mul3A_604 : i32 to index
        %get3A_713 = tpu.vector_load %arg5[%get3A_708, %get3A_709, %get3A_710, %get3A_711, %get3A_712] {strides = array<i32>} : memref<2x2x16x8x128xf32, #tpu.memory_space<vmem>>, vector<16xf32>,
        %get3A_714 = arith.constant 0 : i32
        %get3A_715 = arith.constant 1 : i32
        %get3A_716 = arith.constant 3 : i32
        %get3A_717 = arith.index_cast %get3A_714 : i32 to index
        %get3A_718 = arith.index_cast %get3A_715 : i32 to index
        %get3A_719 = arith.index_cast %shift_right_logical3A_600 : i32 to index
        %get3A_720 = arith.index_cast %get3A_716 : i32 to index
        %get3A_721 = arith.index_cast %mul3A_604 : i32 to index
        %get3A_722 = tpu.vector_load %arg5[%get3A_717, %get3A_718, %get3A_719, %get3A_720, %get3A_721] {strides = array<i32>} : memref<2x2x16x8x128xf32, #tpu.memory_space<vmem>>, vector<16xf32>,
        %get3A_723 = arith.constant 0 : i32
        %get3A_724 = arith.constant 1 : i32
        %get3A_725 = arith.constant 4 : i32
        %get3A_726 = arith.index_cast %get3A_723 : i32 to index
        %get3A_727 = arith.index_cast %get3A_724 : i32 to index
        %get3A_728 = arith.index_cast %shift_right_logical3A_600 : i32 to index
        %get3A_729 = arith.index_cast %get3A_725 : i32 to index
        %get3A_730 = arith.index_cast %mul3A_604 : i32 to index
        %get3A_731 = tpu.vector_load %arg5[%get3A_726, %get3A_727, %get3A_728, %get3A_729, %get3A_730] {strides = array<i32>} : memref<2x2x16x8x128xf32, #tpu.memory_space<vmem>>, vector<16xf32>,
        %get3A_732 = arith.constant 0 : i32
        %get3A_733 = arith.constant 1 : i32
        %get3A_734 = arith.constant 5 : i32
        %get3A_735 = arith.index_cast %get3A_732 : i32 to index
        %get3A_736 = arith.index_cast %get3A_733 : i32 to index
        %get3A_737 = arith.index_cast %shift_right_logical3A_600 : i32 to index
        %get3A_738 = arith.index_cast %get3A_734 : i32 to index
        %get3A_739 = arith.index_cast %mul3A_604 : i32 to index
        %get3A_740 = tpu.vector_load %arg5[%get3A_735, %get3A_736, %get3A_737, %get3A_738, %get3A_739] {strides = array<i32>} : memref<2x2x16x8x128xf32, #tpu.memory_space<vmem>>, vector<16xf32>,
        %get3A_741 = arith.constant 0 : i32
        %get3A_742 = arith.constant 1 : i32
        %get3A_743 = arith.constant 6 : i32
        %get3A_744 = arith.index_cast %get3A_741 : i32 to index
        %get3A_745 = arith.index_cast %get3A_742 : i32 to index
        %get3A_746 = arith.index_cast %shift_right_logical3A_600 : i32 to index
        %get3A_747 = arith.index_cast %get3A_743 : i32 to index
        %get3A_748 = arith.index_cast %mul3A_604 : i32 to index
        %get3A_749 = tpu.vector_load %arg5[%get3A_744, %get3A_745, %get3A_746, %get3A_747, %get3A_748] {strides = array<i32>} : memref<2x2x16x8x128xf32, #tpu.memory_space<vmem>>, vector<16xf32>,
        %get3A_750 = arith.constant 0 : i32
        %get3A_751 = arith.constant 1 : i32
        %get3A_752 = arith.constant 7 : i32
        %get3A_753 = arith.index_cast %get3A_750 : i32 to index
        %get3A_754 = arith.index_cast %get3A_751 : i32 to index
        %get3A_755 = arith.index_cast %shift_right_logical3A_600 : i32 to index
        %get3A_756 = arith.index_cast %get3A_752 : i32 to index
        %get3A_757 = arith.index_cast %mul3A_604 : i32 to index
        %get3A_758 = tpu.vector_load %arg5[%get3A_753, %get3A_754, %get3A_755, %get3A_756, %get3A_757] {strides = array<i32>} : memref<2x2x16x8x128xf32, #tpu.memory_space<vmem>>, vector<16xf32>,
        %max3A_759 = arith.maximumf %get3A_623, %get3A_632 : vector<16xf32>
        %max3A_760 = arith.maximumf %get3A_641, %get3A_650 : vector<16xf32>
        %max3A_761 = arith.maximumf %get3A_659, %get3A_668 : vector<16xf32>
        %max3A_762 = arith.maximumf %get3A_677, %get3A_686 : vector<16xf32>
        %max3A_763 = arith.maximumf %get3A_695, %get3A_704 : vector<16xf32>
        %max3A_764 = arith.maximumf %get3A_713, %get3A_722 : vector<16xf32>
        %max3A_765 = arith.maximumf %get3A_731, %get3A_740 : vector<16xf32>
        %max3A_766 = arith.maximumf %get3A_749, %get3A_758 : vector<16xf32>
        %max3A_767 = arith.maximumf %max3A_759, %max3A_760 : vector<16xf32>
        %max3A_768 = arith.maximumf %max3A_761, %max3A_762 : vector<16xf32>
        %max3A_769 = arith.maximumf %max3A_763, %max3A_764 : vector<16xf32>
        %max3A_770 = arith.maximumf %max3A_765, %max3A_766 : vector<16xf32>
        %max3A_771 = arith.maximumf %max3A_767, %max3A_768 : vector<16xf32>
        %max3A_772 = arith.maximumf %max3A_769, %max3A_770 : vector<16xf32>
        %max3A_773 = arith.maximumf %max3A_771, %max3A_772 : vector<16xf32>
        %eq3A_774 = arith.cmpf oeq, %get3A_623, %max3A_773 : vector<16xf32>
        %jit3A_775 = arith.constant 0 : i32
        %jit3A_776 = arith.constant 16 : i32
        %broadcast_in_dim3A_777 = vector.broadcast %jit3A_775 : i32 to vector<16xi32>
        %broadcast_in_dim3A_778 = vector.broadcast %jit3A_776 : i32 to vector<16xi32>
        %select_n3A_779 = arith.select %eq3A_774, %broadcast_in_dim3A_777, %broadcast_in_dim3A_778 : vector<16xi1>, vector<16xi32>
        %eq3A_780 = arith.cmpf oeq, %get3A_632, %max3A_773 : vector<16xf32>
        %jit3A_781 = arith.constant 1 : i32
        %jit3A_782 = arith.constant 16 : i32
        %broadcast_in_dim3A_783 = vector.broadcast %jit3A_781 : i32 to vector<16xi32>
        %broadcast_in_dim3A_784 = vector.broadcast %jit3A_782 : i32 to vector<16xi32>
        %select_n3A_785 = arith.select %eq3A_780, %broadcast_in_dim3A_783, %broadcast_in_dim3A_784 : vector<16xi1>, vector<16xi32>
        %eq3A_786 = arith.cmpf oeq, %get3A_641, %max3A_773 : vector<16xf32>
        %jit3A_787 = arith.constant 2 : i32
        %jit3A_788 = arith.constant 16 : i32
        %broadcast_in_dim3A_789 = vector.broadcast %jit3A_787 : i32 to vector<16xi32>
        %broadcast_in_dim3A_790 = vector.broadcast %jit3A_788 : i32 to vector<16xi32>
        %select_n3A_791 = arith.select %eq3A_786, %broadcast_in_dim3A_789, %broadcast_in_dim3A_790 : vector<16xi1>, vector<16xi32>
        %eq3A_792 = arith.cmpf oeq, %get3A_650, %max3A_773 : vector<16xf32>
        %jit3A_793 = arith.constant 3 : i32
        %jit3A_794 = arith.constant 16 : i32
        %broadcast_in_dim3A_795 = vector.broadcast %jit3A_793 : i32 to vector<16xi32>
        %broadcast_in_dim3A_796 = vector.broadcast %jit3A_794 : i32 to vector<16xi32>
        %select_n3A_797 = arith.select %eq3A_792, %broadcast_in_dim3A_795, %broadcast_in_dim3A_796 : vector<16xi1>, vector<16xi32>
        %eq3A_798 = arith.cmpf oeq, %get3A_659, %max3A_773 : vector<16xf32>
        %jit3A_799 = arith.constant 4 : i32
        %jit3A_800 = arith.constant 16 : i32
        %broadcast_in_dim3A_801 = vector.broadcast %jit3A_799 : i32 to vector<16xi32>
        %broadcast_in_dim3A_802 = vector.broadcast %jit3A_800 : i32 to vector<16xi32>
        %select_n3A_803 = arith.select %eq3A_798, %broadcast_in_dim3A_801, %broadcast_in_dim3A_802 : vector<16xi1>, vector<16xi32>
        %eq3A_804 = arith.cmpf oeq, %get3A_668, %max3A_773 : vector<16xf32>
        %jit3A_805 = arith.constant 5 : i32
        %jit3A_806 = arith.constant 16 : i32
        %broadcast_in_dim3A_807 = vector.broadcast %jit3A_805 : i32 to vector<16xi32>
        %broadcast_in_dim3A_808 = vector.broadcast %jit3A_806 : i32 to vector<16xi32>
        %select_n3A_809 = arith.select %eq3A_804, %broadcast_in_dim3A_807, %broadcast_in_dim3A_808 : vector<16xi1>, vector<16xi32>
        %eq3A_810 = arith.cmpf oeq, %get3A_677, %max3A_773 : vector<16xf32>
        %jit3A_811 = arith.constant 6 : i32
        %jit3A_812 = arith.constant 16 : i32
        %broadcast_in_dim3A_813 = vector.broadcast %jit3A_811 : i32 to vector<16xi32>
        %broadcast_in_dim3A_814 = vector.broadcast %jit3A_812 : i32 to vector<16xi32>
        %select_n3A_815 = arith.select %eq3A_810, %broadcast_in_dim3A_813, %broadcast_in_dim3A_814 : vector<16xi1>, vector<16xi32>
        %eq3A_816 = arith.cmpf oeq, %get3A_686, %max3A_773 : vector<16xf32>
        %jit3A_817 = arith.constant 7 : i32
        %jit3A_818 = arith.constant 16 : i32
        %broadcast_in_dim3A_819 = vector.broadcast %jit3A_817 : i32 to vector<16xi32>
        %broadcast_in_dim3A_820 = vector.broadcast %jit3A_818 : i32 to vector<16xi32>
        %select_n3A_821 = arith.select %eq3A_816, %broadcast_in_dim3A_819, %broadcast_in_dim3A_820 : vector<16xi1>, vector<16xi32>
        %eq3A_822 = arith.cmpf oeq, %get3A_695, %max3A_773 : vector<16xf32>
        %jit3A_823 = arith.constant 8 : i32
        %jit3A_824 = arith.constant 16 : i32
        %broadcast_in_dim3A_825 = vector.broadcast %jit3A_823 : i32 to vector<16xi32>
        %broadcast_in_dim3A_826 = vector.broadcast %jit3A_824 : i32 to vector<16xi32>
        %select_n3A_827 = arith.select %eq3A_822, %broadcast_in_dim3A_825, %broadcast_in_dim3A_826 : vector<16xi1>, vector<16xi32>
        %eq3A_828 = arith.cmpf oeq, %get3A_704, %max3A_773 : vector<16xf32>
        %jit3A_829 = arith.constant 9 : i32
        %jit3A_830 = arith.constant 16 : i32
        %broadcast_in_dim3A_831 = vector.broadcast %jit3A_829 : i32 to vector<16xi32>
        %broadcast_in_dim3A_832 = vector.broadcast %jit3A_830 : i32 to vector<16xi32>
        %select_n3A_833 = arith.select %eq3A_828, %broadcast_in_dim3A_831, %broadcast_in_dim3A_832 : vector<16xi1>, vector<16xi32>
        %eq3A_834 = arith.cmpf oeq, %get3A_713, %max3A_773 : vector<16xf32>
        %jit3A_835 = arith.constant 10 : i32
        %jit3A_836 = arith.constant 16 : i32
        %broadcast_in_dim3A_837 = vector.broadcast %jit3A_835 : i32 to vector<16xi32>
        %broadcast_in_dim3A_838 = vector.broadcast %jit3A_836 : i32 to vector<16xi32>
        %select_n3A_839 = arith.select %eq3A_834, %broadcast_in_dim3A_837, %broadcast_in_dim3A_838 : vector<16xi1>, vector<16xi32>
        %eq3A_840 = arith.cmpf oeq, %get3A_722, %max3A_773 : vector<16xf32>
        %jit3A_841 = arith.constant 11 : i32
        %jit3A_842 = arith.constant 16 : i32
        %broadcast_in_dim3A_843 = vector.broadcast %jit3A_841 : i32 to vector<16xi32>
        %broadcast_in_dim3A_844 = vector.broadcast %jit3A_842 : i32 to vector<16xi32>
        %select_n3A_845 = arith.select %eq3A_840, %broadcast_in_dim3A_843, %broadcast_in_dim3A_844 : vector<16xi1>, vector<16xi32>
        %eq3A_846 = arith.cmpf oeq, %get3A_731, %max3A_773 : vector<16xf32>
        %jit3A_847 = arith.constant 12 : i32
        %jit3A_848 = arith.constant 16 : i32
        %broadcast_in_dim3A_849 = vector.broadcast %jit3A_847 : i32 to vector<16xi32>
        %broadcast_in_dim3A_850 = vector.broadcast %jit3A_848 : i32 to vector<16xi32>
        %select_n3A_851 = arith.select %eq3A_846, %broadcast_in_dim3A_849, %broadcast_in_dim3A_850 : vector<16xi1>, vector<16xi32>
        %eq3A_852 = arith.cmpf oeq, %get3A_740, %max3A_773 : vector<16xf32>
        %jit3A_853 = arith.constant 13 : i32
        %jit3A_854 = arith.constant 16 : i32
        %broadcast_in_dim3A_855 = vector.broadcast %jit3A_853 : i32 to vector<16xi32>
        %broadcast_in_dim3A_856 = vector.broadcast %jit3A_854 : i32 to vector<16xi32>
        %select_n3A_857 = arith.select %eq3A_852, %broadcast_in_dim3A_855, %broadcast_in_dim3A_856 : vector<16xi1>, vector<16xi32>
        %eq3A_858 = arith.cmpf oeq, %get3A_749, %max3A_773 : vector<16xf32>
        %jit3A_859 = arith.constant 14 : i32
        %jit3A_860 = arith.constant 16 : i32
        %broadcast_in_dim3A_861 = vector.broadcast %jit3A_859 : i32 to vector<16xi32>
        %broadcast_in_dim3A_862 = vector.broadcast %jit3A_860 : i32 to vector<16xi32>
        %select_n3A_863 = arith.select %eq3A_858, %broadcast_in_dim3A_861, %broadcast_in_dim3A_862 : vector<16xi1>, vector<16xi32>
        %eq3A_864 = arith.cmpf oeq, %get3A_758, %max3A_773 : vector<16xf32>
        %jit3A_865 = arith.constant 15 : i32
        %jit3A_866 = arith.constant 16 : i32
        %broadcast_in_dim3A_867 = vector.broadcast %jit3A_865 : i32 to vector<16xi32>
        %broadcast_in_dim3A_868 = vector.broadcast %jit3A_866 : i32 to vector<16xi32>
        %select_n3A_869 = arith.select %eq3A_864, %broadcast_in_dim3A_867, %broadcast_in_dim3A_868 : vector<16xi1>, vector<16xi32>
        %min3A_870 = arith.minsi %select_n3A_779, %select_n3A_785 : vector<16xi32>
        %min3A_871 = arith.minsi %select_n3A_791, %select_n3A_797 : vector<16xi32>
        %min3A_872 = arith.minsi %select_n3A_803, %select_n3A_809 : vector<16xi32>
        %min3A_873 = arith.minsi %select_n3A_815, %select_n3A_821 : vector<16xi32>
        %min3A_874 = arith.minsi %select_n3A_827, %select_n3A_833 : vector<16xi32>
        %min3A_875 = arith.minsi %select_n3A_839, %select_n3A_845 : vector<16xi32>
        %min3A_876 = arith.minsi %select_n3A_851, %select_n3A_857 : vector<16xi32>
        %min3A_877 = arith.minsi %select_n3A_863, %select_n3A_869 : vector<16xi32>
        %min3A_878 = arith.minsi %min3A_870, %min3A_871 : vector<16xi32>
        %min3A_879 = arith.minsi %min3A_872, %min3A_873 : vector<16xi32>
        %min3A_880 = arith.minsi %min3A_874, %min3A_875 : vector<16xi32>
        %min3A_881 = arith.minsi %min3A_876, %min3A_877 : vector<16xi32>
        %min3A_882 = arith.minsi %min3A_878, %min3A_879 : vector<16xi32>
        %min3A_883 = arith.minsi %min3A_880, %min3A_881 : vector<16xi32>
        %min3A_884 = arith.minsi %min3A_882, %min3A_883 : vector<16xi32>
        %sub3A_885 = arith.subf %get3A_623, %max3A_773 : vector<16xf32>
        %exp3A_886 = math.exp %sub3A_885 : vector<16xf32>
        %sub3A_887 = arith.subf %get3A_632, %max3A_773 : vector<16xf32>
        %exp3A_888 = math.exp %sub3A_887 : vector<16xf32>
        %sub3A_889 = arith.subf %get3A_641, %max3A_773 : vector<16xf32>
        %exp3A_890 = math.exp %sub3A_889 : vector<16xf32>
        %sub3A_891 = arith.subf %get3A_650, %max3A_773 : vector<16xf32>
        %exp3A_892 = math.exp %sub3A_891 : vector<16xf32>
        %sub3A_893 = arith.subf %get3A_659, %max3A_773 : vector<16xf32>
        %exp3A_894 = math.exp %sub3A_893 : vector<16xf32>
        %sub3A_895 = arith.subf %get3A_668, %max3A_773 : vector<16xf32>
        %exp3A_896 = math.exp %sub3A_895 : vector<16xf32>
        %sub3A_897 = arith.subf %get3A_677, %max3A_773 : vector<16xf32>
        %exp3A_898 = math.exp %sub3A_897 : vector<16xf32>
        %sub3A_899 = arith.subf %get3A_686, %max3A_773 : vector<16xf32>
        %exp3A_900 = math.exp %sub3A_899 : vector<16xf32>
        %sub3A_901 = arith.subf %get3A_695, %max3A_773 : vector<16xf32>
        %exp3A_902 = math.exp %sub3A_901 : vector<16xf32>
        %sub3A_903 = arith.subf %get3A_704, %max3A_773 : vector<16xf32>
        %exp3A_904 = math.exp %sub3A_903 : vector<16xf32>
        %sub3A_905 = arith.subf %get3A_713, %max3A_773 : vector<16xf32>
        %exp3A_906 = math.exp %sub3A_905 : vector<16xf32>
        %sub3A_907 = arith.subf %get3A_722, %max3A_773 : vector<16xf32>
        %exp3A_908 = math.exp %sub3A_907 : vector<16xf32>
        %sub3A_909 = arith.subf %get3A_731, %max3A_773 : vector<16xf32>
        %exp3A_910 = math.exp %sub3A_909 : vector<16xf32>
        %sub3A_911 = arith.subf %get3A_740, %max3A_773 : vector<16xf32>
        %exp3A_912 = math.exp %sub3A_911 : vector<16xf32>
        %sub3A_913 = arith.subf %get3A_749, %max3A_773 : vector<16xf32>
        %exp3A_914 = math.exp %sub3A_913 : vector<16xf32>
        %sub3A_915 = arith.subf %get3A_758, %max3A_773 : vector<16xf32>
        %exp3A_916 = math.exp %sub3A_915 : vector<16xf32>
        %add3A_917 = arith.addf %exp3A_886, %exp3A_888 : vector<16xf32>
        %add3A_918 = arith.addf %exp3A_890, %exp3A_892 : vector<16xf32>
        %add3A_919 = arith.addf %exp3A_894, %exp3A_896 : vector<16xf32>
        %add3A_920 = arith.addf %exp3A_898, %exp3A_900 : vector<16xf32>
        %add3A_921 = arith.addf %exp3A_902, %exp3A_904 : vector<16xf32>
        %add3A_922 = arith.addf %exp3A_906, %exp3A_908 : vector<16xf32>
        %add3A_923 = arith.addf %exp3A_910, %exp3A_912 : vector<16xf32>
        %add3A_924 = arith.addf %exp3A_914, %exp3A_916 : vector<16xf32>
        %add3A_925 = arith.addf %add3A_917, %add3A_918 : vector<16xf32>
        %add3A_926 = arith.addf %add3A_919, %add3A_920 : vector<16xf32>
        %add3A_927 = arith.addf %add3A_921, %add3A_922 : vector<16xf32>
        %add3A_928 = arith.addf %add3A_923, %add3A_924 : vector<16xf32>
        %add3A_929 = arith.addf %add3A_925, %add3A_926 : vector<16xf32>
        %add3A_930 = arith.addf %add3A_927, %add3A_928 : vector<16xf32>
        %add3A_931 = arith.addf %add3A_929, %add3A_930 : vector<16xf32>
        %shift_right_logical3A_932 = arith.constant 3 : i32
        %shift_right_logical3A_933 = vector.broadcast %shift_right_logical3A_932 : i32 to vector<16xi32>
        %shift_right_logical3A_934 = arith.shrui %get3A_614, %shift_right_logical3A_933 : vector<16xi32>
        %and3A_935 = arith.constant 7 : i32
        %and3A_936 = vector.broadcast %and3A_935 : i32 to vector<16xi32>
        %and3A_937 = arith.andi %get3A_614, %and3A_936 : vector<16xi32>
        %add3A_938 = vector.broadcast %mul3A_604 : i32 to vector<16xi32>
        %add3A_939 = arith.addi %add3A_938, %iota3A : vector<16xi32>
        %gather3A_940 = arith.constant 0 : i32
        %gather3A_941 = arith.constant 0 : i32
        %gather3A_942 = arith.constant 0 : i32
        %gather3A_943 = arith.constant 0 : i32
        %gather3A_944 = arith.constant 0 : i32
        %gather3A_945 = tpu.memref_slice %arg5[%gather3A_940, %gather3A_941, %gather3A_942, %gather3A_943, %gather3A_944] : memref<2x2x16x8x128xf32, #tpu.memory_space<vmem>> -> memref<1x2x16x8x128xf32, #tpu.memory_space<vmem>>
        %gather3A_946 = tpu.memref_squeeze %gather3A_945 : memref<1x2x16x8x128xf32, #tpu.memory_space<vmem>> -> memref<2x16x8x128xf32, #tpu.memory_space<vmem>>
        %gather3A_947 = tpu.vector_load_idx %gather3A_946[%shift_right_logical3A_934, %add3A_608, %and3A_937, %add3A_939] : memref<2x16x8x128xf32, #tpu.memory_space<vmem>>[vector<16xi32>, vector<16xi32>, vector<16xi32>, vector<16xi32>], vector<16xf32>,
        %sub3A_948 = arith.subf %gather3A_947, %max3A_773 : vector<16xf32>
        %bitcast_convert_type3A_949 = tpu.bitcast %add3A_931 : vector<16xf32> -> vector<16xi32>
        %shift_right_logical3A_950 = arith.constant 23 : i32
        %shift_right_logical3A_951 = vector.broadcast %shift_right_logical3A_950 : i32 to vector<16xi32>
        %shift_right_logical3A_952 = arith.shrui %bitcast_convert_type3A_949, %shift_right_logical3A_951 : vector<16xi32>
        %sub3A_953 = arith.constant 127 : i32
        %sub3A_954 = vector.broadcast %sub3A_953 : i32 to vector<16xi32>
        %sub3A_955 = arith.subi %shift_right_logical3A_952, %sub3A_954 : vector<16xi32>
        %and3A_956 = arith.constant 8388607 : i32
        %and3A_957 = vector.broadcast %and3A_956 : i32 to vector<16xi32>
        %and3A_958 = arith.andi %bitcast_convert_type3A_949, %and3A_957 : vector<16xi32>
        %or3A_959 = arith.constant 1065353216 : i32
        %or3A_960 = vector.broadcast %or3A_959 : i32 to vector<16xi32>
        %or3A_961 = arith.ori %and3A_958, %or3A_960 : vector<16xi32>
        %bitcast_convert_type3A_962 = tpu.bitcast %or3A_961 : vector<16xi32> -> vector<16xf32>
        %sub3A_963 = arith.constant 1.000000e+00 : f32
        %sub3A_964 = vector.broadcast %sub3A_963 : f32 to vector<16xf32>
        %sub3A_965 = arith.subf %bitcast_convert_type3A_962, %sub3A_964 : vector<16xf32>
        %add3A_966 = arith.constant 1.000000e+00 : f32
        %add3A_967 = vector.broadcast %add3A_966 : f32 to vector<16xf32>
        %add3A_968 = arith.addf %bitcast_convert_type3A_962, %add3A_967 : vector<16xf32>
        %div3A_969 = arith.divf %sub3A_965, %add3A_968 : vector<16xf32>
        %mul3A_970 = arith.mulf %div3A_969, %div3A_969 : vector<16xf32>
        %mul3A_971 = arith.constant 0.142857149 : f32
        %mul3A_972 = vector.broadcast %mul3A_971 : f32 to vector<16xf32>
        %mul3A_973 = arith.mulf %mul3A_970, %mul3A_972 : vector<16xf32>
        %add3A_974 = arith.constant 2.000000e-01 : f32
        %add3A_975 = vector.broadcast %add3A_974 : f32 to vector<16xf32>
        %add3A_976 = arith.addf %add3A_975, %mul3A_973 : vector<16xf32>
        %mul3A_977 = arith.mulf %mul3A_970, %add3A_976 : vector<16xf32>
        %add3A_978 = arith.constant 0.333333343 : f32
        %add3A_979 = vector.broadcast %add3A_978 : f32 to vector<16xf32>
        %add3A_980 = arith.addf %add3A_979, %mul3A_977 : vector<16xf32>
        %mul3A_981 = arith.mulf %mul3A_970, %add3A_980 : vector<16xf32>
        %add3A_982 = arith.constant 1.000000e+00 : f32
        %add3A_983 = vector.broadcast %add3A_982 : f32 to vector<16xf32>
        %add3A_984 = arith.addf %add3A_983, %mul3A_981 : vector<16xf32>
        %convert_element_type3A_985 = arith.sitofp %sub3A_955 : vector<16xi32> to vector<16xf32>
        %mul3A_986 = arith.constant 0.693147182 : f32
        %mul3A_987 = vector.broadcast %mul3A_986 : f32 to vector<16xf32>
        %mul3A_988 = arith.mulf %convert_element_type3A_985, %mul3A_987 : vector<16xf32>
        %mul3A_989 = arith.constant 2.000000e+00 : f32
        %mul3A_990 = vector.broadcast %mul3A_989 : f32 to vector<16xf32>
        %mul3A_991 = arith.mulf %mul3A_990, %div3A_969 : vector<16xf32>
        %mul3A_992 = arith.mulf %mul3A_991, %add3A_984 : vector<16xf32>
        %add3A_993 = arith.addf %mul3A_988, %mul3A_992 : vector<16xf32>
        %sub3A_994 = arith.subf %sub3A_948, %add3A_993 : vector<16xf32>
        tpu.vector_store_idx %arg7[%get3A_614], %broadcast_in_dim3A_5 {add = true} : memref<128xf32, #tpu.memory_space<vmem>>[vector<16xi32>], vector<16xf32>,
        %add3A_995 = arith.constant 16 : i32
        %add3A_996 = vector.broadcast %add3A_995 : i32 to vector<16xi32>
        %add3A_997 = arith.addi %min3A_884, %add3A_996 : vector<16xi32>
        tpu.vector_store_idx %arg7[%add3A_997], %broadcast_in_dim3A_5 {add = true} : memref<128xf32, #tpu.memory_space<vmem>>[vector<16xi32>], vector<16xf32>,
        %add3A_998 = arith.constant 32 : i32
        %add3A_999 = vector.broadcast %add3A_998 : i32 to vector<16xi32>
        %add3A_1000 = arith.addi %min3A_884, %add3A_999 : vector<16xi32>
        %eq3A_1001 = arith.cmpi eq, %min3A_884, %get3A_614 : vector<16xi32>
        tpu.vector_store_idx %arg7[%add3A_1000], %broadcast_in_dim3A_5 masked %eq3A_1001 {add = true} : memref<128xf32, #tpu.memory_space<vmem>>[vector<16xi32>], vector<16xf32>, vector<16xi1>
        %add3A_1002 = arith.constant 48 : i32
        %add3A_1003 = vector.broadcast %add3A_1002 : i32 to vector<16xi32>
        %add3A_1004 = arith.addi %get3A_614, %add3A_1003 : vector<16xi32>
        tpu.vector_store_idx %arg7[%add3A_1004], %sub3A_994 {add = true} : memref<128xf32, #tpu.memory_space<vmem>>[vector<16xi32>], vector<16xf32>,
      }
      %scan3A_144 = arith.constant 128 : i32
      %add3A_145 = arith.constant 2 : i32
      %add3A_146 = arith.addi %add3A_101, %add3A_145 : i32
      %lt3A = arith.constant 6 : i32
      %lt3A_147 = arith.cmpi slt, %add3A_146, %lt3A : i32
      %convert_element_type3A = arith.extui %lt3A_147 : i1 to i32
      %cond3A = arith.constant 0 : i32
      %cond3A_148 = arith.cmpi ne, %convert_element_type3A, %cond3A : i32
      scf.if %cond3A_148 {
        %mul3A_204 = arith.constant 16 : i32
        %mul3A_205 = arith.muli %add3A_146, %mul3A_204 : i32
        %add3A_206 = arith.addi %mul3A_2, %mul3A_205 : i32
        %dma_start3A_207 = arith.constant 0 : i32
        %dma_start3A_208 = arith.constant 0 : i32
        %dma_start3A_209 = arith.constant 0 : i32
        %dma_start3A_210 = arith.constant 0 : i32
        %dma_start3A_211 = arith.constant 0 : i32
        %dma_start3A_212 = tpu.memref_slice %arg5[%dma_start3A_207, %dma_start3A_208, %dma_start3A_209, %dma_start3A_210, %dma_start3A_211] : memref<2x2x16x8x128xf32, #tpu.memory_space<vmem>> -> memref<1x2x16x8x128xf32, #tpu.memory_space<vmem>>
        %dma_start3A_213 = tpu.memref_squeeze %dma_start3A_212 : memref<1x2x16x8x128xf32, #tpu.memory_space<vmem>> -> memref<2x16x8x128xf32, #tpu.memory_space<vmem>>
        %dma_start3A_214 = arith.constant 0 : i32
        %dma_start3A_215 = arith.constant 0 : i32
        %dma_start3A_216 = arith.constant 0 : i32
        %dma_start3A_217 = tpu.memref_slice %arg2[%dma_start3A_214, %add3A_206, %dma_start3A_215, %dma_start3A_216] : memref<2x8192x8x128xf32, #tpu.memory_space<hbm>> -> memref<2x16x8x128xf32, #tpu.memory_space<hbm>>
        %dma_start3A_218 = arith.constant 0 : i32
        %dma_start3A_219 = arith.constant 0 : i32
        %dma_start3A_220 = arith.constant 0 : i32
        %dma_start3A_221 = arith.constant 0 : i32
        %dma_start3A_222 = tpu.memref_slice %arg5[%dma_start3A_207, %dma_start3A_218, %dma_start3A_219, %dma_start3A_220, %dma_start3A_221] : memref<2x2x16x8x128xf32, #tpu.memory_space<vmem>> -> memref<1x2x16x8x128xf32, #tpu.memory_space<vmem>>
        %dma_start3A_223 = tpu.memref_squeeze %dma_start3A_222 : memref<1x2x16x8x128xf32, #tpu.memory_space<vmem>> -> memref<2x16x8x128xf32, #tpu.memory_space<vmem>>
        %dma_start3A_224 = arith.constant 0 : i32
        %dma_start3A_225 = arith.constant 0 : i32
        %dma_start3A_226 = arith.constant 0 : i32
        %dma_start3A_227 = tpu.memref_slice %arg2[%dma_start3A_224, %add3A_206, %dma_start3A_225, %dma_start3A_226] : memref<2x8192x8x128xf32, #tpu.memory_space<hbm>> -> memref<2x16x8x128xf32, #tpu.memory_space<hbm>>
        tpu.enqueue_dma source(%dma_start3A_227 : memref<2x16x8x128xf32, #tpu.memory_space<hbm>>) target(%dma_start3A_223 : memref<2x16x8x128xf32, #tpu.memory_space<vmem>>) target_semaphore(%arg8 : memref<!tpu.dma_semaphore, #tpu.memory_space<semaphore_mem>>)
        %mul3A_228 = arith.constant 16 : i32
        %mul3A_229 = arith.muli %add3A_146, %mul3A_228 : i32
        %add3A_230 = arith.addi %mul3A_2, %mul3A_229 : i32
        %mul3A_231 = arith.constant 128 : i32
        %mul3A_232 = arith.muli %add3A_230, %mul3A_231 : i32
        %dma_start3A_233 = arith.constant 0 : i32
        %dma_start3A_234 = arith.constant 0 : i32
        %dma_start3A_235 = tpu.memref_slice %arg6[%dma_start3A_233, %dma_start3A_234] : memref<2x2048xi32, #tpu.memory_space<vmem>> -> memref<1x2048xi32, #tpu.memory_space<vmem>>
        %dma_start3A_236 = tpu.memref_squeeze %dma_start3A_235 : memref<1x2048xi32, #tpu.memory_space<vmem>> -> memref<2048xi32, #tpu.memory_space<vmem>>
        %dma_start3A_237 = tpu.memref_slice %arg3[%mul3A_232] : memref<1048576xi32, #tpu.memory_space<hbm>> -> memref<2048xi32, #tpu.memory_space<hbm>>
        %dma_start3A_238 = arith.constant 0 : i32
        %dma_start3A_239 = tpu.memref_slice %arg6[%dma_start3A_233, %dma_start3A_238] : memref<2x2048xi32, #tpu.memory_space<vmem>> -> memref<1x2048xi32, #tpu.memory_space<vmem>>
        %dma_start3A_240 = tpu.memref_squeeze %dma_start3A_239 : memref<1x2048xi32, #tpu.memory_space<vmem>> -> memref<2048xi32, #tpu.memory_space<vmem>>
        %dma_start3A_241 = tpu.memref_slice %arg3[%mul3A_232] : memref<1048576xi32, #tpu.memory_space<hbm>> -> memref<2048xi32, #tpu.memory_space<hbm>>
        tpu.enqueue_dma source(%dma_start3A_241 : memref<2048xi32, #tpu.memory_space<hbm>>) target(%dma_start3A_240 : memref<2048xi32, #tpu.memory_space<vmem>>) target_semaphore(%arg10 : memref<!tpu.dma_semaphore, #tpu.memory_space<semaphore_mem>>)
      } else {
      }
      %mul3A_149 = arith.constant 2 : i32
      %mul3A_150 = arith.muli %scan3A_97, %mul3A_149 : i32
      %add3A_151 = arith.constant 1 : i32
      %add3A_152 = arith.addi %mul3A_150, %add3A_151 : i32
      %mul3A_153 = arith.constant 16 : i32
      %mul3A_154 = arith.muli %add3A_152, %mul3A_153 : i32
      %add3A_155 = arith.addi %mul3A_2, %mul3A_154 : i32
      %dma_wait3A_156 = arith.constant 1 : i32
      %dma_wait3A_157 = arith.constant 0 : i32
      %dma_wait3A_158 = arith.constant 0 : i32
      %dma_wait3A_159 = arith.constant 0 : i32
      %dma_wait3A_160 = arith.constant 0 : i32
      %dma_wait3A_161 = tpu.memref_slice %arg5[%dma_wait3A_156, %dma_wait3A_157, %dma_wait3A_158, %dma_wait3A_159, %dma_wait3A_160] : memref<2x2x16x8x128xf32, #tpu.memory_space<vmem>> -> memref<1x2x16x8x128xf32, #tpu.memory_space<vmem>>
      %dma_wait3A_162 = tpu.memref_squeeze %dma_wait3A_161 : memref<1x2x16x8x128xf32, #tpu.memory_space<vmem>> -> memref<2x16x8x128xf32, #tpu.memory_space<vmem>>
      %dma_wait3A_163 = arith.constant 0 : i32
      %dma_wait3A_164 = arith.constant 0 : i32
      %dma_wait3A_165 = arith.constant 0 : i32
      %dma_wait3A_166 = tpu.memref_slice %arg2[%dma_wait3A_163, %add3A_155, %dma_wait3A_164, %dma_wait3A_165] : memref<2x8192x8x128xf32, #tpu.memory_space<hbm>> -> memref<2x16x8x128xf32, #tpu.memory_space<hbm>>
      %dma_wait3A_167 = arith.constant 0 : i32
      %dma_wait3A_168 = arith.constant 0 : i32
      %dma_wait3A_169 = arith.constant 0 : i32
      %dma_wait3A_170 = arith.constant 0 : i32
      %dma_wait3A_171 = tpu.memref_slice %arg5[%dma_wait3A_156, %dma_wait3A_167, %dma_wait3A_168, %dma_wait3A_169, %dma_wait3A_170] : memref<2x2x16x8x128xf32, #tpu.memory_space<vmem>> -> memref<1x2x16x8x128xf32, #tpu.memory_space<vmem>>
      %dma_wait3A_172 = tpu.memref_squeeze %dma_wait3A_171 : memref<1x2x16x8x128xf32, #tpu.memory_space<vmem>> -> memref<2x16x8x128xf32, #tpu.memory_space<vmem>>
      %dma_wait3A_173 = arith.constant 0 : i32
      %dma_wait3A_174 = arith.constant 0 : i32
      %dma_wait3A_175 = arith.constant 0 : i32
      %dma_wait3A_176 = tpu.memref_slice %arg2[%dma_wait3A_173, %add3A_155, %dma_wait3A_174, %dma_wait3A_175] : memref<2x8192x8x128xf32, #tpu.memory_space<hbm>> -> memref<2x16x8x128xf32, #tpu.memory_space<hbm>>
      tpu.wait_dma2 semaphore(%arg9 : memref<!tpu.dma_semaphore, #tpu.memory_space<semaphore_mem>>) src(%dma_wait3A_176 : memref<2x16x8x128xf32, #tpu.memory_space<hbm>>) dst(%dma_wait3A_172 : memref<2x16x8x128xf32, #tpu.memory_space<vmem>>)
      %mul3A_177 = arith.constant 16 : i32
      %mul3A_178 = arith.muli %add3A_152, %mul3A_177 : i32
      %add3A_179 = arith.addi %mul3A_2, %mul3A_178 : i32
      %mul3A_180 = arith.constant 128 : i32
      %mul3A_181 = arith.muli %add3A_179, %mul3A_180 : i32
      %dma_wait3A_182 = arith.constant 1 : i32
      %dma_wait3A_183 = arith.constant 0 : i32
      %dma_wait3A_184 = tpu.memref_slice %arg6[%dma_wait3A_182, %dma_wait3A_183] : memref<2x2048xi32, #tpu.memory_space<vmem>> -> memref<1x2048xi32, #tpu.memory_space<vmem>>
      %dma_wait3A_185 = tpu.memref_squeeze %dma_wait3A_184 : memref<1x2048xi32, #tpu.memory_space<vmem>> -> memref<2048xi32, #tpu.memory_space<vmem>>
      %dma_wait3A_186 = tpu.memref_slice %arg3[%mul3A_181] : memref<1048576xi32, #tpu.memory_space<hbm>> -> memref<2048xi32, #tpu.memory_space<hbm>>
      %dma_wait3A_187 = arith.constant 0 : i32
      %dma_wait3A_188 = tpu.memref_slice %arg6[%dma_wait3A_182, %dma_wait3A_187] : memref<2x2048xi32, #tpu.memory_space<vmem>> -> memref<1x2048xi32, #tpu.memory_space<vmem>>
      %dma_wait3A_189 = tpu.memref_squeeze %dma_wait3A_188 : memref<1x2048xi32, #tpu.memory_space<vmem>> -> memref<2048xi32, #tpu.memory_space<vmem>>
      %dma_wait3A_190 = tpu.memref_slice %arg3[%mul3A_181] : memref<1048576xi32, #tpu.memory_space<hbm>> -> memref<2048xi32, #tpu.memory_space<hbm>>
      tpu.wait_dma2 semaphore(%arg11 : memref<!tpu.dma_semaphore, #tpu.memory_space<semaphore_mem>>) src(%dma_wait3A_190 : memref<2048xi32, #tpu.memory_space<hbm>>) dst(%dma_wait3A_189 : memref<2048xi32, #tpu.memory_space<vmem>>)
      %scan3A_191 = arith.constant 0 : i32
      %scan3A_192 = arith.constant 0 : i32
      %scan3A_193 = arith.constant 128 : i32
      %scan3A_194 = arith.addi %scan3A_192, %scan3A_193 : i32
      %scan3A_195 = arith.constant 2 : i32
      scf.for %scan3A_204 = %scan3A_192 to %scan3A_194 step %scan3A_195  : i32 {
        %shift_right_logical3A = arith.constant 3 : i32
        %shift_right_logical3A_205 = arith.shrui %scan3A_204, %shift_right_logical3A : i32
        %and3A = arith.constant 7 : i32
        %and3A_206 = arith.andi %scan3A_204, %and3A : i32
        %mul3A_207 = arith.constant 16 : i32
        %mul3A_208 = arith.muli %and3A_206, %mul3A_207 : i32
        %broadcast_in_dim3A_209 = arith.constant 0 : i32
        %broadcast_in_dim3A_210 = vector.broadcast %broadcast_in_dim3A_209 : i32 to vector<16xi32>
        %add3A_211 = vector.broadcast %shift_right_logical3A_205 : i32 to vector<16xi32>
        %add3A_212 = arith.addi %broadcast_in_dim3A_210, %add3A_211 : vector<16xi32>
        %mul3A_213 = arith.constant 16 : i32
        %mul3A_214 = arith.muli %scan3A_204, %mul3A_213 : i32
        %get3A = arith.constant 1 : i32
        %get3A_215 = arith.index_cast %get3A : i32 to index
        %get3A_216 = arith.index_cast %mul3A_214 : i32 to index
        %get3A_217 = tpu.vector_load %arg6[%get3A_215, %get3A_216] {strides = array<i32>} : memref<2x2048xi32, #tpu.memory_space<vmem>>, vector<16xi32>,
        %get3A_218 = arith.constant 1 : i32
        %get3A_219 = arith.constant 0 : i32
        %get3A_220 = arith.constant 0 : i32
        %get3A_221 = arith.index_cast %get3A_218 : i32 to index
        %get3A_222 = arith.index_cast %get3A_219 : i32 to index
        %get3A_223 = arith.index_cast %shift_right_logical3A_205 : i32 to index
        %get3A_224 = arith.index_cast %get3A_220 : i32 to index
        %get3A_225 = arith.index_cast %mul3A_208 : i32 to index
        %get3A_226 = tpu.vector_load %arg5[%get3A_221, %get3A_222, %get3A_223, %get3A_224, %get3A_225] {strides = array<i32>} : memref<2x2x16x8x128xf32, #tpu.memory_space<vmem>>, vector<16xf32>,
        %get3A_227 = arith.constant 1 : i32
        %get3A_228 = arith.constant 0 : i32
        %get3A_229 = arith.constant 1 : i32
        %get3A_230 = arith.index_cast %get3A_227 : i32 to index
        %get3A_231 = arith.index_cast %get3A_228 : i32 to index
        %get3A_232 = arith.index_cast %shift_right_logical3A_205 : i32 to index
        %get3A_233 = arith.index_cast %get3A_229 : i32 to index
        %get3A_234 = arith.index_cast %mul3A_208 : i32 to index
        %get3A_235 = tpu.vector_load %arg5[%get3A_230, %get3A_231, %get3A_232, %get3A_233, %get3A_234] {strides = array<i32>} : memref<2x2x16x8x128xf32, #tpu.memory_space<vmem>>, vector<16xf32>,
        %get3A_236 = arith.constant 1 : i32
        %get3A_237 = arith.constant 0 : i32
        %get3A_238 = arith.constant 2 : i32
        %get3A_239 = arith.index_cast %get3A_236 : i32 to index
        %get3A_240 = arith.index_cast %get3A_237 : i32 to index
        %get3A_241 = arith.index_cast %shift_right_logical3A_205 : i32 to index
        %get3A_242 = arith.index_cast %get3A_238 : i32 to index
        %get3A_243 = arith.index_cast %mul3A_208 : i32 to index
        %get3A_244 = tpu.vector_load %arg5[%get3A_239, %get3A_240, %get3A_241, %get3A_242, %get3A_243] {strides = array<i32>} : memref<2x2x16x8x128xf32, #tpu.memory_space<vmem>>, vector<16xf32>,
        %get3A_245 = arith.constant 1 : i32
        %get3A_246 = arith.constant 0 : i32
        %get3A_247 = arith.constant 3 : i32
        %get3A_248 = arith.index_cast %get3A_245 : i32 to index
        %get3A_249 = arith.index_cast %get3A_246 : i32 to index
        %get3A_250 = arith.index_cast %shift_right_logical3A_205 : i32 to index
        %get3A_251 = arith.index_cast %get3A_247 : i32 to index
        %get3A_252 = arith.index_cast %mul3A_208 : i32 to index
        %get3A_253 = tpu.vector_load %arg5[%get3A_248, %get3A_249, %get3A_250, %get3A_251, %get3A_252] {strides = array<i32>} : memref<2x2x16x8x128xf32, #tpu.memory_space<vmem>>, vector<16xf32>,
        %get3A_254 = arith.constant 1 : i32
        %get3A_255 = arith.constant 0 : i32
        %get3A_256 = arith.constant 4 : i32
        %get3A_257 = arith.index_cast %get3A_254 : i32 to index
        %get3A_258 = arith.index_cast %get3A_255 : i32 to index
        %get3A_259 = arith.index_cast %shift_right_logical3A_205 : i32 to index
        %get3A_260 = arith.index_cast %get3A_256 : i32 to index
        %get3A_261 = arith.index_cast %mul3A_208 : i32 to index
        %get3A_262 = tpu.vector_load %arg5[%get3A_257, %get3A_258, %get3A_259, %get3A_260, %get3A_261] {strides = array<i32>} : memref<2x2x16x8x128xf32, #tpu.memory_space<vmem>>, vector<16xf32>,
        %get3A_263 = arith.constant 1 : i32
        %get3A_264 = arith.constant 0 : i32
        %get3A_265 = arith.constant 5 : i32
        %get3A_266 = arith.index_cast %get3A_263 : i32 to index
        %get3A_267 = arith.index_cast %get3A_264 : i32 to index
        %get3A_268 = arith.index_cast %shift_right_logical3A_205 : i32 to index
        %get3A_269 = arith.index_cast %get3A_265 : i32 to index
        %get3A_270 = arith.index_cast %mul3A_208 : i32 to index
        %get3A_271 = tpu.vector_load %arg5[%get3A_266, %get3A_267, %get3A_268, %get3A_269, %get3A_270] {strides = array<i32>} : memref<2x2x16x8x128xf32, #tpu.memory_space<vmem>>, vector<16xf32>,
        %get3A_272 = arith.constant 1 : i32
        %get3A_273 = arith.constant 0 : i32
        %get3A_274 = arith.constant 6 : i32
        %get3A_275 = arith.index_cast %get3A_272 : i32 to index
        %get3A_276 = arith.index_cast %get3A_273 : i32 to index
        %get3A_277 = arith.index_cast %shift_right_logical3A_205 : i32 to index
        %get3A_278 = arith.index_cast %get3A_274 : i32 to index
        %get3A_279 = arith.index_cast %mul3A_208 : i32 to index
        %get3A_280 = tpu.vector_load %arg5[%get3A_275, %get3A_276, %get3A_277, %get3A_278, %get3A_279] {strides = array<i32>} : memref<2x2x16x8x128xf32, #tpu.memory_space<vmem>>, vector<16xf32>,
        %get3A_281 = arith.constant 1 : i32
        %get3A_282 = arith.constant 0 : i32
        %get3A_283 = arith.constant 7 : i32
        %get3A_284 = arith.index_cast %get3A_281 : i32 to index
        %get3A_285 = arith.index_cast %get3A_282 : i32 to index
        %get3A_286 = arith.index_cast %shift_right_logical3A_205 : i32 to index
        %get3A_287 = arith.index_cast %get3A_283 : i32 to index
        %get3A_288 = arith.index_cast %mul3A_208 : i32 to index
        %get3A_289 = tpu.vector_load %arg5[%get3A_284, %get3A_285, %get3A_286, %get3A_287, %get3A_288] {strides = array<i32>} : memref<2x2x16x8x128xf32, #tpu.memory_space<vmem>>, vector<16xf32>,
        %get3A_290 = arith.constant 1 : i32
        %get3A_291 = arith.constant 1 : i32
        %get3A_292 = arith.constant 0 : i32
        %get3A_293 = arith.index_cast %get3A_290 : i32 to index
        %get3A_294 = arith.index_cast %get3A_291 : i32 to index
        %get3A_295 = arith.index_cast %shift_right_logical3A_205 : i32 to index
        %get3A_296 = arith.index_cast %get3A_292 : i32 to index
        %get3A_297 = arith.index_cast %mul3A_208 : i32 to index
        %get3A_298 = tpu.vector_load %arg5[%get3A_293, %get3A_294, %get3A_295, %get3A_296, %get3A_297] {strides = array<i32>} : memref<2x2x16x8x128xf32, #tpu.memory_space<vmem>>, vector<16xf32>,
        %get3A_299 = arith.constant 1 : i32
        %get3A_300 = arith.constant 1 : i32
        %get3A_301 = arith.constant 1 : i32
        %get3A_302 = arith.index_cast %get3A_299 : i32 to index
        %get3A_303 = arith.index_cast %get3A_300 : i32 to index
        %get3A_304 = arith.index_cast %shift_right_logical3A_205 : i32 to index
        %get3A_305 = arith.index_cast %get3A_301 : i32 to index
        %get3A_306 = arith.index_cast %mul3A_208 : i32 to index
        %get3A_307 = tpu.vector_load %arg5[%get3A_302, %get3A_303, %get3A_304, %get3A_305, %get3A_306] {strides = array<i32>} : memref<2x2x16x8x128xf32, #tpu.memory_space<vmem>>, vector<16xf32>,
        %get3A_308 = arith.constant 1 : i32
        %get3A_309 = arith.constant 1 : i32
        %get3A_310 = arith.constant 2 : i32
        %get3A_311 = arith.index_cast %get3A_308 : i32 to index
        %get3A_312 = arith.index_cast %get3A_309 : i32 to index
        %get3A_313 = arith.index_cast %shift_right_logical3A_205 : i32 to index
        %get3A_314 = arith.index_cast %get3A_310 : i32 to index
        %get3A_315 = arith.index_cast %mul3A_208 : i32 to index
        %get3A_316 = tpu.vector_load %arg5[%get3A_311, %get3A_312, %get3A_313, %get3A_314, %get3A_315] {strides = array<i32>} : memref<2x2x16x8x128xf32, #tpu.memory_space<vmem>>, vector<16xf32>,
        %get3A_317 = arith.constant 1 : i32
        %get3A_318 = arith.constant 1 : i32
        %get3A_319 = arith.constant 3 : i32
        %get3A_320 = arith.index_cast %get3A_317 : i32 to index
        %get3A_321 = arith.index_cast %get3A_318 : i32 to index
        %get3A_322 = arith.index_cast %shift_right_logical3A_205 : i32 to index
        %get3A_323 = arith.index_cast %get3A_319 : i32 to index
        %get3A_324 = arith.index_cast %mul3A_208 : i32 to index
        %get3A_325 = tpu.vector_load %arg5[%get3A_320, %get3A_321, %get3A_322, %get3A_323, %get3A_324] {strides = array<i32>} : memref<2x2x16x8x128xf32, #tpu.memory_space<vmem>>, vector<16xf32>,
        %get3A_326 = arith.constant 1 : i32
        %get3A_327 = arith.constant 1 : i32
        %get3A_328 = arith.constant 4 : i32
        %get3A_329 = arith.index_cast %get3A_326 : i32 to index
        %get3A_330 = arith.index_cast %get3A_327 : i32 to index
        %get3A_331 = arith.index_cast %shift_right_logical3A_205 : i32 to index
        %get3A_332 = arith.index_cast %get3A_328 : i32 to index
        %get3A_333 = arith.index_cast %mul3A_208 : i32 to index
        %get3A_334 = tpu.vector_load %arg5[%get3A_329, %get3A_330, %get3A_331, %get3A_332, %get3A_333] {strides = array<i32>} : memref<2x2x16x8x128xf32, #tpu.memory_space<vmem>>, vector<16xf32>,
        %get3A_335 = arith.constant 1 : i32
        %get3A_336 = arith.constant 1 : i32
        %get3A_337 = arith.constant 5 : i32
        %get3A_338 = arith.index_cast %get3A_335 : i32 to index
        %get3A_339 = arith.index_cast %get3A_336 : i32 to index
        %get3A_340 = arith.index_cast %shift_right_logical3A_205 : i32 to index
        %get3A_341 = arith.index_cast %get3A_337 : i32 to index
        %get3A_342 = arith.index_cast %mul3A_208 : i32 to index
        %get3A_343 = tpu.vector_load %arg5[%get3A_338, %get3A_339, %get3A_340, %get3A_341, %get3A_342] {strides = array<i32>} : memref<2x2x16x8x128xf32, #tpu.memory_space<vmem>>, vector<16xf32>,
        %get3A_344 = arith.constant 1 : i32
        %get3A_345 = arith.constant 1 : i32
        %get3A_346 = arith.constant 6 : i32
        %get3A_347 = arith.index_cast %get3A_344 : i32 to index
        %get3A_348 = arith.index_cast %get3A_345 : i32 to index
        %get3A_349 = arith.index_cast %shift_right_logical3A_205 : i32 to index
        %get3A_350 = arith.index_cast %get3A_346 : i32 to index
        %get3A_351 = arith.index_cast %mul3A_208 : i32 to index
        %get3A_352 = tpu.vector_load %arg5[%get3A_347, %get3A_348, %get3A_349, %get3A_350, %get3A_351] {strides = array<i32>} : memref<2x2x16x8x128xf32, #tpu.memory_space<vmem>>, vector<16xf32>,
        %get3A_353 = arith.constant 1 : i32
        %get3A_354 = arith.constant 1 : i32
        %get3A_355 = arith.constant 7 : i32
        %get3A_356 = arith.index_cast %get3A_353 : i32 to index
        %get3A_357 = arith.index_cast %get3A_354 : i32 to index
        %get3A_358 = arith.index_cast %shift_right_logical3A_205 : i32 to index
        %get3A_359 = arith.index_cast %get3A_355 : i32 to index
        %get3A_360 = arith.index_cast %mul3A_208 : i32 to index
        %get3A_361 = tpu.vector_load %arg5[%get3A_356, %get3A_357, %get3A_358, %get3A_359, %get3A_360] {strides = array<i32>} : memref<2x2x16x8x128xf32, #tpu.memory_space<vmem>>, vector<16xf32>,
        %max3A = arith.maximumf %get3A_226, %get3A_235 : vector<16xf32>
        %max3A_362 = arith.maximumf %get3A_244, %get3A_253 : vector<16xf32>
        %max3A_363 = arith.maximumf %get3A_262, %get3A_271 : vector<16xf32>
        %max3A_364 = arith.maximumf %get3A_280, %get3A_289 : vector<16xf32>
        %max3A_365 = arith.maximumf %get3A_298, %get3A_307 : vector<16xf32>
        %max3A_366 = arith.maximumf %get3A_316, %get3A_325 : vector<16xf32>
        %max3A_367 = arith.maximumf %get3A_334, %get3A_343 : vector<16xf32>
        %max3A_368 = arith.maximumf %get3A_352, %get3A_361 : vector<16xf32>
        %max3A_369 = arith.maximumf %max3A, %max3A_362 : vector<16xf32>
        %max3A_370 = arith.maximumf %max3A_363, %max3A_364 : vector<16xf32>
        %max3A_371 = arith.maximumf %max3A_365, %max3A_366 : vector<16xf32>
        %max3A_372 = arith.maximumf %max3A_367, %max3A_368 : vector<16xf32>
        %max3A_373 = arith.maximumf %max3A_369, %max3A_370 : vector<16xf32>
        %max3A_374 = arith.maximumf %max3A_371, %max3A_372 : vector<16xf32>
        %max3A_375 = arith.maximumf %max3A_373, %max3A_374 : vector<16xf32>
        %eq3A = arith.cmpf oeq, %get3A_226, %max3A_375 : vector<16xf32>
        %jit3A = arith.constant 0 : i32
        %jit3A_376 = arith.constant 16 : i32
        %broadcast_in_dim3A_377 = vector.broadcast %jit3A : i32 to vector<16xi32>
        %broadcast_in_dim3A_378 = vector.broadcast %jit3A_376 : i32 to vector<16xi32>
        %select_n3A = arith.select %eq3A, %broadcast_in_dim3A_377, %broadcast_in_dim3A_378 : vector<16xi1>, vector<16xi32>
        %eq3A_379 = arith.cmpf oeq, %get3A_235, %max3A_375 : vector<16xf32>
        %jit3A_380 = arith.constant 1 : i32
        %jit3A_381 = arith.constant 16 : i32
        %broadcast_in_dim3A_382 = vector.broadcast %jit3A_380 : i32 to vector<16xi32>
        %broadcast_in_dim3A_383 = vector.broadcast %jit3A_381 : i32 to vector<16xi32>
        %select_n3A_384 = arith.select %eq3A_379, %broadcast_in_dim3A_382, %broadcast_in_dim3A_383 : vector<16xi1>, vector<16xi32>
        %eq3A_385 = arith.cmpf oeq, %get3A_244, %max3A_375 : vector<16xf32>
        %jit3A_386 = arith.constant 2 : i32
        %jit3A_387 = arith.constant 16 : i32
        %broadcast_in_dim3A_388 = vector.broadcast %jit3A_386 : i32 to vector<16xi32>
        %broadcast_in_dim3A_389 = vector.broadcast %jit3A_387 : i32 to vector<16xi32>
        %select_n3A_390 = arith.select %eq3A_385, %broadcast_in_dim3A_388, %broadcast_in_dim3A_389 : vector<16xi1>, vector<16xi32>
        %eq3A_391 = arith.cmpf oeq, %get3A_253, %max3A_375 : vector<16xf32>
        %jit3A_392 = arith.constant 3 : i32
        %jit3A_393 = arith.constant 16 : i32
        %broadcast_in_dim3A_394 = vector.broadcast %jit3A_392 : i32 to vector<16xi32>
        %broadcast_in_dim3A_395 = vector.broadcast %jit3A_393 : i32 to vector<16xi32>
        %select_n3A_396 = arith.select %eq3A_391, %broadcast_in_dim3A_394, %broadcast_in_dim3A_395 : vector<16xi1>, vector<16xi32>
        %eq3A_397 = arith.cmpf oeq, %get3A_262, %max3A_375 : vector<16xf32>
        %jit3A_398 = arith.constant 4 : i32
        %jit3A_399 = arith.constant 16 : i32
        %broadcast_in_dim3A_400 = vector.broadcast %jit3A_398 : i32 to vector<16xi32>
        %broadcast_in_dim3A_401 = vector.broadcast %jit3A_399 : i32 to vector<16xi32>
        %select_n3A_402 = arith.select %eq3A_397, %broadcast_in_dim3A_400, %broadcast_in_dim3A_401 : vector<16xi1>, vector<16xi32>
        %eq3A_403 = arith.cmpf oeq, %get3A_271, %max3A_375 : vector<16xf32>
        %jit3A_404 = arith.constant 5 : i32
        %jit3A_405 = arith.constant 16 : i32
        %broadcast_in_dim3A_406 = vector.broadcast %jit3A_404 : i32 to vector<16xi32>
        %broadcast_in_dim3A_407 = vector.broadcast %jit3A_405 : i32 to vector<16xi32>
        %select_n3A_408 = arith.select %eq3A_403, %broadcast_in_dim3A_406, %broadcast_in_dim3A_407 : vector<16xi1>, vector<16xi32>
        %eq3A_409 = arith.cmpf oeq, %get3A_280, %max3A_375 : vector<16xf32>
        %jit3A_410 = arith.constant 6 : i32
        %jit3A_411 = arith.constant 16 : i32
        %broadcast_in_dim3A_412 = vector.broadcast %jit3A_410 : i32 to vector<16xi32>
        %broadcast_in_dim3A_413 = vector.broadcast %jit3A_411 : i32 to vector<16xi32>
        %select_n3A_414 = arith.select %eq3A_409, %broadcast_in_dim3A_412, %broadcast_in_dim3A_413 : vector<16xi1>, vector<16xi32>
        %eq3A_415 = arith.cmpf oeq, %get3A_289, %max3A_375 : vector<16xf32>
        %jit3A_416 = arith.constant 7 : i32
        %jit3A_417 = arith.constant 16 : i32
        %broadcast_in_dim3A_418 = vector.broadcast %jit3A_416 : i32 to vector<16xi32>
        %broadcast_in_dim3A_419 = vector.broadcast %jit3A_417 : i32 to vector<16xi32>
        %select_n3A_420 = arith.select %eq3A_415, %broadcast_in_dim3A_418, %broadcast_in_dim3A_419 : vector<16xi1>, vector<16xi32>
        %eq3A_421 = arith.cmpf oeq, %get3A_298, %max3A_375 : vector<16xf32>
        %jit3A_422 = arith.constant 8 : i32
        %jit3A_423 = arith.constant 16 : i32
        %broadcast_in_dim3A_424 = vector.broadcast %jit3A_422 : i32 to vector<16xi32>
        %broadcast_in_dim3A_425 = vector.broadcast %jit3A_423 : i32 to vector<16xi32>
        %select_n3A_426 = arith.select %eq3A_421, %broadcast_in_dim3A_424, %broadcast_in_dim3A_425 : vector<16xi1>, vector<16xi32>
        %eq3A_427 = arith.cmpf oeq, %get3A_307, %max3A_375 : vector<16xf32>
        %jit3A_428 = arith.constant 9 : i32
        %jit3A_429 = arith.constant 16 : i32
        %broadcast_in_dim3A_430 = vector.broadcast %jit3A_428 : i32 to vector<16xi32>
        %broadcast_in_dim3A_431 = vector.broadcast %jit3A_429 : i32 to vector<16xi32>
        %select_n3A_432 = arith.select %eq3A_427, %broadcast_in_dim3A_430, %broadcast_in_dim3A_431 : vector<16xi1>, vector<16xi32>
        %eq3A_433 = arith.cmpf oeq, %get3A_316, %max3A_375 : vector<16xf32>
        %jit3A_434 = arith.constant 10 : i32
        %jit3A_435 = arith.constant 16 : i32
        %broadcast_in_dim3A_436 = vector.broadcast %jit3A_434 : i32 to vector<16xi32>
        %broadcast_in_dim3A_437 = vector.broadcast %jit3A_435 : i32 to vector<16xi32>
        %select_n3A_438 = arith.select %eq3A_433, %broadcast_in_dim3A_436, %broadcast_in_dim3A_437 : vector<16xi1>, vector<16xi32>
        %eq3A_439 = arith.cmpf oeq, %get3A_325, %max3A_375 : vector<16xf32>
        %jit3A_440 = arith.constant 11 : i32
        %jit3A_441 = arith.constant 16 : i32
        %broadcast_in_dim3A_442 = vector.broadcast %jit3A_440 : i32 to vector<16xi32>
        %broadcast_in_dim3A_443 = vector.broadcast %jit3A_441 : i32 to vector<16xi32>
        %select_n3A_444 = arith.select %eq3A_439, %broadcast_in_dim3A_442, %broadcast_in_dim3A_443 : vector<16xi1>, vector<16xi32>
        %eq3A_445 = arith.cmpf oeq, %get3A_334, %max3A_375 : vector<16xf32>
        %jit3A_446 = arith.constant 12 : i32
        %jit3A_447 = arith.constant 16 : i32
        %broadcast_in_dim3A_448 = vector.broadcast %jit3A_446 : i32 to vector<16xi32>
        %broadcast_in_dim3A_449 = vector.broadcast %jit3A_447 : i32 to vector<16xi32>
        %select_n3A_450 = arith.select %eq3A_445, %broadcast_in_dim3A_448, %broadcast_in_dim3A_449 : vector<16xi1>, vector<16xi32>
        %eq3A_451 = arith.cmpf oeq, %get3A_343, %max3A_375 : vector<16xf32>
        %jit3A_452 = arith.constant 13 : i32
        %jit3A_453 = arith.constant 16 : i32
        %broadcast_in_dim3A_454 = vector.broadcast %jit3A_452 : i32 to vector<16xi32>
        %broadcast_in_dim3A_455 = vector.broadcast %jit3A_453 : i32 to vector<16xi32>
        %select_n3A_456 = arith.select %eq3A_451, %broadcast_in_dim3A_454, %broadcast_in_dim3A_455 : vector<16xi1>, vector<16xi32>
        %eq3A_457 = arith.cmpf oeq, %get3A_352, %max3A_375 : vector<16xf32>
        %jit3A_458 = arith.constant 14 : i32
        %jit3A_459 = arith.constant 16 : i32
        %broadcast_in_dim3A_460 = vector.broadcast %jit3A_458 : i32 to vector<16xi32>
        %broadcast_in_dim3A_461 = vector.broadcast %jit3A_459 : i32 to vector<16xi32>
        %select_n3A_462 = arith.select %eq3A_457, %broadcast_in_dim3A_460, %broadcast_in_dim3A_461 : vector<16xi1>, vector<16xi32>
        %eq3A_463 = arith.cmpf oeq, %get3A_361, %max3A_375 : vector<16xf32>
        %jit3A_464 = arith.constant 15 : i32
        %jit3A_465 = arith.constant 16 : i32
        %broadcast_in_dim3A_466 = vector.broadcast %jit3A_464 : i32 to vector<16xi32>
        %broadcast_in_dim3A_467 = vector.broadcast %jit3A_465 : i32 to vector<16xi32>
        %select_n3A_468 = arith.select %eq3A_463, %broadcast_in_dim3A_466, %broadcast_in_dim3A_467 : vector<16xi1>, vector<16xi32>
        %min3A = arith.minsi %select_n3A, %select_n3A_384 : vector<16xi32>
        %min3A_469 = arith.minsi %select_n3A_390, %select_n3A_396 : vector<16xi32>
        %min3A_470 = arith.minsi %select_n3A_402, %select_n3A_408 : vector<16xi32>
        %min3A_471 = arith.minsi %select_n3A_414, %select_n3A_420 : vector<16xi32>
        %min3A_472 = arith.minsi %select_n3A_426, %select_n3A_432 : vector<16xi32>
        %min3A_473 = arith.minsi %select_n3A_438, %select_n3A_444 : vector<16xi32>
        %min3A_474 = arith.minsi %select_n3A_450, %select_n3A_456 : vector<16xi32>
        %min3A_475 = arith.minsi %select_n3A_462, %select_n3A_468 : vector<16xi32>
        %min3A_476 = arith.minsi %min3A, %min3A_469 : vector<16xi32>
        %min3A_477 = arith.minsi %min3A_470, %min3A_471 : vector<16xi32>
        %min3A_478 = arith.minsi %min3A_472, %min3A_473 : vector<16xi32>
        %min3A_479 = arith.minsi %min3A_474, %min3A_475 : vector<16xi32>
        %min3A_480 = arith.minsi %min3A_476, %min3A_477 : vector<16xi32>
        %min3A_481 = arith.minsi %min3A_478, %min3A_479 : vector<16xi32>
        %min3A_482 = arith.minsi %min3A_480, %min3A_481 : vector<16xi32>
        %sub3A = arith.subf %get3A_226, %max3A_375 : vector<16xf32>
        %exp3A = math.exp %sub3A : vector<16xf32>
        %sub3A_483 = arith.subf %get3A_235, %max3A_375 : vector<16xf32>
        %exp3A_484 = math.exp %sub3A_483 : vector<16xf32>
        %sub3A_485 = arith.subf %get3A_244, %max3A_375 : vector<16xf32>
        %exp3A_486 = math.exp %sub3A_485 : vector<16xf32>
        %sub3A_487 = arith.subf %get3A_253, %max3A_375 : vector<16xf32>
        %exp3A_488 = math.exp %sub3A_487 : vector<16xf32>
        %sub3A_489 = arith.subf %get3A_262, %max3A_375 : vector<16xf32>
        %exp3A_490 = math.exp %sub3A_489 : vector<16xf32>
        %sub3A_491 = arith.subf %get3A_271, %max3A_375 : vector<16xf32>
        %exp3A_492 = math.exp %sub3A_491 : vector<16xf32>
        %sub3A_493 = arith.subf %get3A_280, %max3A_375 : vector<16xf32>
        %exp3A_494 = math.exp %sub3A_493 : vector<16xf32>
        %sub3A_495 = arith.subf %get3A_289, %max3A_375 : vector<16xf32>
        %exp3A_496 = math.exp %sub3A_495 : vector<16xf32>
        %sub3A_497 = arith.subf %get3A_298, %max3A_375 : vector<16xf32>
        %exp3A_498 = math.exp %sub3A_497 : vector<16xf32>
        %sub3A_499 = arith.subf %get3A_307, %max3A_375 : vector<16xf32>
        %exp3A_500 = math.exp %sub3A_499 : vector<16xf32>
        %sub3A_501 = arith.subf %get3A_316, %max3A_375 : vector<16xf32>
        %exp3A_502 = math.exp %sub3A_501 : vector<16xf32>
        %sub3A_503 = arith.subf %get3A_325, %max3A_375 : vector<16xf32>
        %exp3A_504 = math.exp %sub3A_503 : vector<16xf32>
        %sub3A_505 = arith.subf %get3A_334, %max3A_375 : vector<16xf32>
        %exp3A_506 = math.exp %sub3A_505 : vector<16xf32>
        %sub3A_507 = arith.subf %get3A_343, %max3A_375 : vector<16xf32>
        %exp3A_508 = math.exp %sub3A_507 : vector<16xf32>
        %sub3A_509 = arith.subf %get3A_352, %max3A_375 : vector<16xf32>
        %exp3A_510 = math.exp %sub3A_509 : vector<16xf32>
        %sub3A_511 = arith.subf %get3A_361, %max3A_375 : vector<16xf32>
        %exp3A_512 = math.exp %sub3A_511 : vector<16xf32>
        %add3A_513 = arith.addf %exp3A, %exp3A_484 : vector<16xf32>
        %add3A_514 = arith.addf %exp3A_486, %exp3A_488 : vector<16xf32>
        %add3A_515 = arith.addf %exp3A_490, %exp3A_492 : vector<16xf32>
        %add3A_516 = arith.addf %exp3A_494, %exp3A_496 : vector<16xf32>
        %add3A_517 = arith.addf %exp3A_498, %exp3A_500 : vector<16xf32>
        %add3A_518 = arith.addf %exp3A_502, %exp3A_504 : vector<16xf32>
        %add3A_519 = arith.addf %exp3A_506, %exp3A_508 : vector<16xf32>
        %add3A_520 = arith.addf %exp3A_510, %exp3A_512 : vector<16xf32>
        %add3A_521 = arith.addf %add3A_513, %add3A_514 : vector<16xf32>
        %add3A_522 = arith.addf %add3A_515, %add3A_516 : vector<16xf32>
        %add3A_523 = arith.addf %add3A_517, %add3A_518 : vector<16xf32>
        %add3A_524 = arith.addf %add3A_519, %add3A_520 : vector<16xf32>
        %add3A_525 = arith.addf %add3A_521, %add3A_522 : vector<16xf32>
        %add3A_526 = arith.addf %add3A_523, %add3A_524 : vector<16xf32>
        %add3A_527 = arith.addf %add3A_525, %add3A_526 : vector<16xf32>
        %shift_right_logical3A_528 = arith.constant 3 : i32
        %shift_right_logical3A_529 = vector.broadcast %shift_right_logical3A_528 : i32 to vector<16xi32>
        %shift_right_logical3A_530 = arith.shrui %get3A_217, %shift_right_logical3A_529 : vector<16xi32>
        %and3A_531 = arith.constant 7 : i32
        %and3A_532 = vector.broadcast %and3A_531 : i32 to vector<16xi32>
        %and3A_533 = arith.andi %get3A_217, %and3A_532 : vector<16xi32>
        %add3A_534 = vector.broadcast %mul3A_208 : i32 to vector<16xi32>
        %add3A_535 = arith.addi %add3A_534, %iota3A : vector<16xi32>
        %gather3A = arith.constant 1 : i32
        %gather3A_536 = arith.constant 0 : i32
        %gather3A_537 = arith.constant 0 : i32
        %gather3A_538 = arith.constant 0 : i32
        %gather3A_539 = arith.constant 0 : i32
        %gather3A_540 = tpu.memref_slice %arg5[%gather3A, %gather3A_536, %gather3A_537, %gather3A_538, %gather3A_539] : memref<2x2x16x8x128xf32, #tpu.memory_space<vmem>> -> memref<1x2x16x8x128xf32, #tpu.memory_space<vmem>>
        %gather3A_541 = tpu.memref_squeeze %gather3A_540 : memref<1x2x16x8x128xf32, #tpu.memory_space<vmem>> -> memref<2x16x8x128xf32, #tpu.memory_space<vmem>>
        %gather3A_542 = tpu.vector_load_idx %gather3A_541[%shift_right_logical3A_530, %add3A_212, %and3A_533, %add3A_535] : memref<2x16x8x128xf32, #tpu.memory_space<vmem>>[vector<16xi32>, vector<16xi32>, vector<16xi32>, vector<16xi32>], vector<16xf32>,
        %sub3A_543 = arith.subf %gather3A_542, %max3A_375 : vector<16xf32>
        %bitcast_convert_type3A = tpu.bitcast %add3A_527 : vector<16xf32> -> vector<16xi32>
        %shift_right_logical3A_544 = arith.constant 23 : i32
        %shift_right_logical3A_545 = vector.broadcast %shift_right_logical3A_544 : i32 to vector<16xi32>
        %shift_right_logical3A_546 = arith.shrui %bitcast_convert_type3A, %shift_right_logical3A_545 : vector<16xi32>
        %sub3A_547 = arith.constant 127 : i32
        %sub3A_548 = vector.broadcast %sub3A_547 : i32 to vector<16xi32>
        %sub3A_549 = arith.subi %shift_right_logical3A_546, %sub3A_548 : vector<16xi32>
        %and3A_550 = arith.constant 8388607 : i32
        %and3A_551 = vector.broadcast %and3A_550 : i32 to vector<16xi32>
        %and3A_552 = arith.andi %bitcast_convert_type3A, %and3A_551 : vector<16xi32>
        %or3A = arith.constant 1065353216 : i32
        %or3A_553 = vector.broadcast %or3A : i32 to vector<16xi32>
        %or3A_554 = arith.ori %and3A_552, %or3A_553 : vector<16xi32>
        %bitcast_convert_type3A_555 = tpu.bitcast %or3A_554 : vector<16xi32> -> vector<16xf32>
        %sub3A_556 = arith.constant 1.000000e+00 : f32
        %sub3A_557 = vector.broadcast %sub3A_556 : f32 to vector<16xf32>
        %sub3A_558 = arith.subf %bitcast_convert_type3A_555, %sub3A_557 : vector<16xf32>
        %add3A_559 = arith.constant 1.000000e+00 : f32
        %add3A_560 = vector.broadcast %add3A_559 : f32 to vector<16xf32>
        %add3A_561 = arith.addf %bitcast_convert_type3A_555, %add3A_560 : vector<16xf32>
        %div3A = arith.divf %sub3A_558, %add3A_561 : vector<16xf32>
        %mul3A_562 = arith.mulf %div3A, %div3A : vector<16xf32>
        %mul3A_563 = arith.constant 0.142857149 : f32
        %mul3A_564 = vector.broadcast %mul3A_563 : f32 to vector<16xf32>
        %mul3A_565 = arith.mulf %mul3A_562, %mul3A_564 : vector<16xf32>
        %add3A_566 = arith.constant 2.000000e-01 : f32
        %add3A_567 = vector.broadcast %add3A_566 : f32 to vector<16xf32>
        %add3A_568 = arith.addf %add3A_567, %mul3A_565 : vector<16xf32>
        %mul3A_569 = arith.mulf %mul3A_562, %add3A_568 : vector<16xf32>
        %add3A_570 = arith.constant 0.333333343 : f32
        %add3A_571 = vector.broadcast %add3A_570 : f32 to vector<16xf32>
        %add3A_572 = arith.addf %add3A_571, %mul3A_569 : vector<16xf32>
        %mul3A_573 = arith.mulf %mul3A_562, %add3A_572 : vector<16xf32>
        %add3A_574 = arith.constant 1.000000e+00 : f32
        %add3A_575 = vector.broadcast %add3A_574 : f32 to vector<16xf32>
        %add3A_576 = arith.addf %add3A_575, %mul3A_573 : vector<16xf32>
        %convert_element_type3A_577 = arith.sitofp %sub3A_549 : vector<16xi32> to vector<16xf32>
        %mul3A_578 = arith.constant 0.693147182 : f32
        %mul3A_579 = vector.broadcast %mul3A_578 : f32 to vector<16xf32>
        %mul3A_580 = arith.mulf %convert_element_type3A_577, %mul3A_579 : vector<16xf32>
        %mul3A_581 = arith.constant 2.000000e+00 : f32
        %mul3A_582 = vector.broadcast %mul3A_581 : f32 to vector<16xf32>
        %mul3A_583 = arith.mulf %mul3A_582, %div3A : vector<16xf32>
        %mul3A_584 = arith.mulf %mul3A_583, %add3A_576 : vector<16xf32>
        %add3A_585 = arith.addf %mul3A_580, %mul3A_584 : vector<16xf32>
        %sub3A_586 = arith.subf %sub3A_543, %add3A_585 : vector<16xf32>
        tpu.vector_store_idx %arg7[%get3A_217], %broadcast_in_dim3A_5 {add = true} : memref<128xf32, #tpu.memory_space<vmem>>[vector<16xi32>], vector<16xf32>,
        %add3A_587 = arith.constant 16 : i32
        %add3A_588 = vector.broadcast %add3A_587 : i32 to vector<16xi32>
        %add3A_589 = arith.addi %min3A_482, %add3A_588 : vector<16xi32>
        tpu.vector_store_idx %arg7[%add3A_589], %broadcast_in_dim3A_5 {add = true} : memref<128xf32, #tpu.memory_space<vmem>>[vector<16xi32>], vector<16xf32>,
        %add3A_590 = arith.constant 32 : i32
        %add3A_591 = vector.broadcast %add3A_590 : i32 to vector<16xi32>
        %add3A_592 = arith.addi %min3A_482, %add3A_591 : vector<16xi32>
        %eq3A_593 = arith.cmpi eq, %min3A_482, %get3A_217 : vector<16xi32>
        tpu.vector_store_idx %arg7[%add3A_592], %broadcast_in_dim3A_5 masked %eq3A_593 {add = true} : memref<128xf32, #tpu.memory_space<vmem>>[vector<16xi32>], vector<16xf32>, vector<16xi1>
        %add3A_594 = arith.constant 48 : i32
        %add3A_595 = vector.broadcast %add3A_594 : i32 to vector<16xi32>
        %add3A_596 = arith.addi %get3A_217, %add3A_595 : vector<16xi32>
        tpu.vector_store_idx %arg7[%add3A_596], %sub3A_586 {add = true} : memref<128xf32, #tpu.memory_space<vmem>>[vector<16xi32>], vector<16xf32>,
        %scan3A_597 = arith.constant 1 : i32
        %scan3A_598 = arith.addi %scan3A_204, %scan3A_597 : i32
        %shift_right_logical3A_599 = arith.constant 3 : i32
        %shift_right_logical3A_600 = arith.shrui %scan3A_598, %shift_right_logical3A_599 : i32
        %and3A_601 = arith.constant 7 : i32
        %and3A_602 = arith.andi %scan3A_598, %and3A_601 : i32
        %mul3A_603 = arith.constant 16 : i32
        %mul3A_604 = arith.muli %and3A_602, %mul3A_603 : i32
        %broadcast_in_dim3A_605 = arith.constant 0 : i32
        %broadcast_in_dim3A_606 = vector.broadcast %broadcast_in_dim3A_605 : i32 to vector<16xi32>
        %add3A_607 = vector.broadcast %shift_right_logical3A_600 : i32 to vector<16xi32>
        %add3A_608 = arith.addi %broadcast_in_dim3A_606, %add3A_607 : vector<16xi32>
        %mul3A_609 = arith.constant 16 : i32
        %mul3A_610 = arith.muli %scan3A_598, %mul3A_609 : i32
        %get3A_611 = arith.constant 1 : i32
        %get3A_612 = arith.index_cast %get3A_611 : i32 to index
        %get3A_613 = arith.index_cast %mul3A_610 : i32 to index
        %get3A_614 = tpu.vector_load %arg6[%get3A_612, %get3A_613] {strides = array<i32>} : memref<2x2048xi32, #tpu.memory_space<vmem>>, vector<16xi32>,
        %get3A_615 = arith.constant 1 : i32
        %get3A_616 = arith.constant 0 : i32
        %get3A_617 = arith.constant 0 : i32
        %get3A_618 = arith.index_cast %get3A_615 : i32 to index
        %get3A_619 = arith.index_cast %get3A_616 : i32 to index
        %get3A_620 = arith.index_cast %shift_right_logical3A_600 : i32 to index
        %get3A_621 = arith.index_cast %get3A_617 : i32 to index
        %get3A_622 = arith.index_cast %mul3A_604 : i32 to index
        %get3A_623 = tpu.vector_load %arg5[%get3A_618, %get3A_619, %get3A_620, %get3A_621, %get3A_622] {strides = array<i32>} : memref<2x2x16x8x128xf32, #tpu.memory_space<vmem>>, vector<16xf32>,
        %get3A_624 = arith.constant 1 : i32
        %get3A_625 = arith.constant 0 : i32
        %get3A_626 = arith.constant 1 : i32
        %get3A_627 = arith.index_cast %get3A_624 : i32 to index
        %get3A_628 = arith.index_cast %get3A_625 : i32 to index
        %get3A_629 = arith.index_cast %shift_right_logical3A_600 : i32 to index
        %get3A_630 = arith.index_cast %get3A_626 : i32 to index
        %get3A_631 = arith.index_cast %mul3A_604 : i32 to index
        %get3A_632 = tpu.vector_load %arg5[%get3A_627, %get3A_628, %get3A_629, %get3A_630, %get3A_631] {strides = array<i32>} : memref<2x2x16x8x128xf32, #tpu.memory_space<vmem>>, vector<16xf32>,
        %get3A_633 = arith.constant 1 : i32
        %get3A_634 = arith.constant 0 : i32
        %get3A_635 = arith.constant 2 : i32
        %get3A_636 = arith.index_cast %get3A_633 : i32 to index
        %get3A_637 = arith.index_cast %get3A_634 : i32 to index
        %get3A_638 = arith.index_cast %shift_right_logical3A_600 : i32 to index
        %get3A_639 = arith.index_cast %get3A_635 : i32 to index
        %get3A_640 = arith.index_cast %mul3A_604 : i32 to index
        %get3A_641 = tpu.vector_load %arg5[%get3A_636, %get3A_637, %get3A_638, %get3A_639, %get3A_640] {strides = array<i32>} : memref<2x2x16x8x128xf32, #tpu.memory_space<vmem>>, vector<16xf32>,
        %get3A_642 = arith.constant 1 : i32
        %get3A_643 = arith.constant 0 : i32
        %get3A_644 = arith.constant 3 : i32
        %get3A_645 = arith.index_cast %get3A_642 : i32 to index
        %get3A_646 = arith.index_cast %get3A_643 : i32 to index
        %get3A_647 = arith.index_cast %shift_right_logical3A_600 : i32 to index
        %get3A_648 = arith.index_cast %get3A_644 : i32 to index
        %get3A_649 = arith.index_cast %mul3A_604 : i32 to index
        %get3A_650 = tpu.vector_load %arg5[%get3A_645, %get3A_646, %get3A_647, %get3A_648, %get3A_649] {strides = array<i32>} : memref<2x2x16x8x128xf32, #tpu.memory_space<vmem>>, vector<16xf32>,
        %get3A_651 = arith.constant 1 : i32
        %get3A_652 = arith.constant 0 : i32
        %get3A_653 = arith.constant 4 : i32
        %get3A_654 = arith.index_cast %get3A_651 : i32 to index
        %get3A_655 = arith.index_cast %get3A_652 : i32 to index
        %get3A_656 = arith.index_cast %shift_right_logical3A_600 : i32 to index
        %get3A_657 = arith.index_cast %get3A_653 : i32 to index
        %get3A_658 = arith.index_cast %mul3A_604 : i32 to index
        %get3A_659 = tpu.vector_load %arg5[%get3A_654, %get3A_655, %get3A_656, %get3A_657, %get3A_658] {strides = array<i32>} : memref<2x2x16x8x128xf32, #tpu.memory_space<vmem>>, vector<16xf32>,
        %get3A_660 = arith.constant 1 : i32
        %get3A_661 = arith.constant 0 : i32
        %get3A_662 = arith.constant 5 : i32
        %get3A_663 = arith.index_cast %get3A_660 : i32 to index
        %get3A_664 = arith.index_cast %get3A_661 : i32 to index
        %get3A_665 = arith.index_cast %shift_right_logical3A_600 : i32 to index
        %get3A_666 = arith.index_cast %get3A_662 : i32 to index
        %get3A_667 = arith.index_cast %mul3A_604 : i32 to index
        %get3A_668 = tpu.vector_load %arg5[%get3A_663, %get3A_664, %get3A_665, %get3A_666, %get3A_667] {strides = array<i32>} : memref<2x2x16x8x128xf32, #tpu.memory_space<vmem>>, vector<16xf32>,
        %get3A_669 = arith.constant 1 : i32
        %get3A_670 = arith.constant 0 : i32
        %get3A_671 = arith.constant 6 : i32
        %get3A_672 = arith.index_cast %get3A_669 : i32 to index
        %get3A_673 = arith.index_cast %get3A_670 : i32 to index
        %get3A_674 = arith.index_cast %shift_right_logical3A_600 : i32 to index
        %get3A_675 = arith.index_cast %get3A_671 : i32 to index
        %get3A_676 = arith.index_cast %mul3A_604 : i32 to index
        %get3A_677 = tpu.vector_load %arg5[%get3A_672, %get3A_673, %get3A_674, %get3A_675, %get3A_676] {strides = array<i32>} : memref<2x2x16x8x128xf32, #tpu.memory_space<vmem>>, vector<16xf32>,
        %get3A_678 = arith.constant 1 : i32
        %get3A_679 = arith.constant 0 : i32
        %get3A_680 = arith.constant 7 : i32
        %get3A_681 = arith.index_cast %get3A_678 : i32 to index
        %get3A_682 = arith.index_cast %get3A_679 : i32 to index
        %get3A_683 = arith.index_cast %shift_right_logical3A_600 : i32 to index
        %get3A_684 = arith.index_cast %get3A_680 : i32 to index
        %get3A_685 = arith.index_cast %mul3A_604 : i32 to index
        %get3A_686 = tpu.vector_load %arg5[%get3A_681, %get3A_682, %get3A_683, %get3A_684, %get3A_685] {strides = array<i32>} : memref<2x2x16x8x128xf32, #tpu.memory_space<vmem>>, vector<16xf32>,
        %get3A_687 = arith.constant 1 : i32
        %get3A_688 = arith.constant 1 : i32
        %get3A_689 = arith.constant 0 : i32
        %get3A_690 = arith.index_cast %get3A_687 : i32 to index
        %get3A_691 = arith.index_cast %get3A_688 : i32 to index
        %get3A_692 = arith.index_cast %shift_right_logical3A_600 : i32 to index
        %get3A_693 = arith.index_cast %get3A_689 : i32 to index
        %get3A_694 = arith.index_cast %mul3A_604 : i32 to index
        %get3A_695 = tpu.vector_load %arg5[%get3A_690, %get3A_691, %get3A_692, %get3A_693, %get3A_694] {strides = array<i32>} : memref<2x2x16x8x128xf32, #tpu.memory_space<vmem>>, vector<16xf32>,
        %get3A_696 = arith.constant 1 : i32
        %get3A_697 = arith.constant 1 : i32
        %get3A_698 = arith.constant 1 : i32
        %get3A_699 = arith.index_cast %get3A_696 : i32 to index
        %get3A_700 = arith.index_cast %get3A_697 : i32 to index
        %get3A_701 = arith.index_cast %shift_right_logical3A_600 : i32 to index
        %get3A_702 = arith.index_cast %get3A_698 : i32 to index
        %get3A_703 = arith.index_cast %mul3A_604 : i32 to index
        %get3A_704 = tpu.vector_load %arg5[%get3A_699, %get3A_700, %get3A_701, %get3A_702, %get3A_703] {strides = array<i32>} : memref<2x2x16x8x128xf32, #tpu.memory_space<vmem>>, vector<16xf32>,
        %get3A_705 = arith.constant 1 : i32
        %get3A_706 = arith.constant 1 : i32
        %get3A_707 = arith.constant 2 : i32
        %get3A_708 = arith.index_cast %get3A_705 : i32 to index
        %get3A_709 = arith.index_cast %get3A_706 : i32 to index
        %get3A_710 = arith.index_cast %shift_right_logical3A_600 : i32 to index
        %get3A_711 = arith.index_cast %get3A_707 : i32 to index
        %get3A_712 = arith.index_cast %mul3A_604 : i32 to index
        %get3A_713 = tpu.vector_load %arg5[%get3A_708, %get3A_709, %get3A_710, %get3A_711, %get3A_712] {strides = array<i32>} : memref<2x2x16x8x128xf32, #tpu.memory_space<vmem>>, vector<16xf32>,
        %get3A_714 = arith.constant 1 : i32
        %get3A_715 = arith.constant 1 : i32
        %get3A_716 = arith.constant 3 : i32
        %get3A_717 = arith.index_cast %get3A_714 : i32 to index
        %get3A_718 = arith.index_cast %get3A_715 : i32 to index
        %get3A_719 = arith.index_cast %shift_right_logical3A_600 : i32 to index
        %get3A_720 = arith.index_cast %get3A_716 : i32 to index
        %get3A_721 = arith.index_cast %mul3A_604 : i32 to index
        %get3A_722 = tpu.vector_load %arg5[%get3A_717, %get3A_718, %get3A_719, %get3A_720, %get3A_721] {strides = array<i32>} : memref<2x2x16x8x128xf32, #tpu.memory_space<vmem>>, vector<16xf32>,
        %get3A_723 = arith.constant 1 : i32
        %get3A_724 = arith.constant 1 : i32
        %get3A_725 = arith.constant 4 : i32
        %get3A_726 = arith.index_cast %get3A_723 : i32 to index
        %get3A_727 = arith.index_cast %get3A_724 : i32 to index
        %get3A_728 = arith.index_cast %shift_right_logical3A_600 : i32 to index
        %get3A_729 = arith.index_cast %get3A_725 : i32 to index
        %get3A_730 = arith.index_cast %mul3A_604 : i32 to index
        %get3A_731 = tpu.vector_load %arg5[%get3A_726, %get3A_727, %get3A_728, %get3A_729, %get3A_730] {strides = array<i32>} : memref<2x2x16x8x128xf32, #tpu.memory_space<vmem>>, vector<16xf32>,
        %get3A_732 = arith.constant 1 : i32
        %get3A_733 = arith.constant 1 : i32
        %get3A_734 = arith.constant 5 : i32
        %get3A_735 = arith.index_cast %get3A_732 : i32 to index
        %get3A_736 = arith.index_cast %get3A_733 : i32 to index
        %get3A_737 = arith.index_cast %shift_right_logical3A_600 : i32 to index
        %get3A_738 = arith.index_cast %get3A_734 : i32 to index
        %get3A_739 = arith.index_cast %mul3A_604 : i32 to index
        %get3A_740 = tpu.vector_load %arg5[%get3A_735, %get3A_736, %get3A_737, %get3A_738, %get3A_739] {strides = array<i32>} : memref<2x2x16x8x128xf32, #tpu.memory_space<vmem>>, vector<16xf32>,
        %get3A_741 = arith.constant 1 : i32
        %get3A_742 = arith.constant 1 : i32
        %get3A_743 = arith.constant 6 : i32
        %get3A_744 = arith.index_cast %get3A_741 : i32 to index
        %get3A_745 = arith.index_cast %get3A_742 : i32 to index
        %get3A_746 = arith.index_cast %shift_right_logical3A_600 : i32 to index
        %get3A_747 = arith.index_cast %get3A_743 : i32 to index
        %get3A_748 = arith.index_cast %mul3A_604 : i32 to index
        %get3A_749 = tpu.vector_load %arg5[%get3A_744, %get3A_745, %get3A_746, %get3A_747, %get3A_748] {strides = array<i32>} : memref<2x2x16x8x128xf32, #tpu.memory_space<vmem>>, vector<16xf32>,
        %get3A_750 = arith.constant 1 : i32
        %get3A_751 = arith.constant 1 : i32
        %get3A_752 = arith.constant 7 : i32
        %get3A_753 = arith.index_cast %get3A_750 : i32 to index
        %get3A_754 = arith.index_cast %get3A_751 : i32 to index
        %get3A_755 = arith.index_cast %shift_right_logical3A_600 : i32 to index
        %get3A_756 = arith.index_cast %get3A_752 : i32 to index
        %get3A_757 = arith.index_cast %mul3A_604 : i32 to index
        %get3A_758 = tpu.vector_load %arg5[%get3A_753, %get3A_754, %get3A_755, %get3A_756, %get3A_757] {strides = array<i32>} : memref<2x2x16x8x128xf32, #tpu.memory_space<vmem>>, vector<16xf32>,
        %max3A_759 = arith.maximumf %get3A_623, %get3A_632 : vector<16xf32>
        %max3A_760 = arith.maximumf %get3A_641, %get3A_650 : vector<16xf32>
        %max3A_761 = arith.maximumf %get3A_659, %get3A_668 : vector<16xf32>
        %max3A_762 = arith.maximumf %get3A_677, %get3A_686 : vector<16xf32>
        %max3A_763 = arith.maximumf %get3A_695, %get3A_704 : vector<16xf32>
        %max3A_764 = arith.maximumf %get3A_713, %get3A_722 : vector<16xf32>
        %max3A_765 = arith.maximumf %get3A_731, %get3A_740 : vector<16xf32>
        %max3A_766 = arith.maximumf %get3A_749, %get3A_758 : vector<16xf32>
        %max3A_767 = arith.maximumf %max3A_759, %max3A_760 : vector<16xf32>
        %max3A_768 = arith.maximumf %max3A_761, %max3A_762 : vector<16xf32>
        %max3A_769 = arith.maximumf %max3A_763, %max3A_764 : vector<16xf32>
        %max3A_770 = arith.maximumf %max3A_765, %max3A_766 : vector<16xf32>
        %max3A_771 = arith.maximumf %max3A_767, %max3A_768 : vector<16xf32>
        %max3A_772 = arith.maximumf %max3A_769, %max3A_770 : vector<16xf32>
        %max3A_773 = arith.maximumf %max3A_771, %max3A_772 : vector<16xf32>
        %eq3A_774 = arith.cmpf oeq, %get3A_623, %max3A_773 : vector<16xf32>
        %jit3A_775 = arith.constant 0 : i32
        %jit3A_776 = arith.constant 16 : i32
        %broadcast_in_dim3A_777 = vector.broadcast %jit3A_775 : i32 to vector<16xi32>
        %broadcast_in_dim3A_778 = vector.broadcast %jit3A_776 : i32 to vector<16xi32>
        %select_n3A_779 = arith.select %eq3A_774, %broadcast_in_dim3A_777, %broadcast_in_dim3A_778 : vector<16xi1>, vector<16xi32>
        %eq3A_780 = arith.cmpf oeq, %get3A_632, %max3A_773 : vector<16xf32>
        %jit3A_781 = arith.constant 1 : i32
        %jit3A_782 = arith.constant 16 : i32
        %broadcast_in_dim3A_783 = vector.broadcast %jit3A_781 : i32 to vector<16xi32>
        %broadcast_in_dim3A_784 = vector.broadcast %jit3A_782 : i32 to vector<16xi32>
        %select_n3A_785 = arith.select %eq3A_780, %broadcast_in_dim3A_783, %broadcast_in_dim3A_784 : vector<16xi1>, vector<16xi32>
        %eq3A_786 = arith.cmpf oeq, %get3A_641, %max3A_773 : vector<16xf32>
        %jit3A_787 = arith.constant 2 : i32
        %jit3A_788 = arith.constant 16 : i32
        %broadcast_in_dim3A_789 = vector.broadcast %jit3A_787 : i32 to vector<16xi32>
        %broadcast_in_dim3A_790 = vector.broadcast %jit3A_788 : i32 to vector<16xi32>
        %select_n3A_791 = arith.select %eq3A_786, %broadcast_in_dim3A_789, %broadcast_in_dim3A_790 : vector<16xi1>, vector<16xi32>
        %eq3A_792 = arith.cmpf oeq, %get3A_650, %max3A_773 : vector<16xf32>
        %jit3A_793 = arith.constant 3 : i32
        %jit3A_794 = arith.constant 16 : i32
        %broadcast_in_dim3A_795 = vector.broadcast %jit3A_793 : i32 to vector<16xi32>
        %broadcast_in_dim3A_796 = vector.broadcast %jit3A_794 : i32 to vector<16xi32>
        %select_n3A_797 = arith.select %eq3A_792, %broadcast_in_dim3A_795, %broadcast_in_dim3A_796 : vector<16xi1>, vector<16xi32>
        %eq3A_798 = arith.cmpf oeq, %get3A_659, %max3A_773 : vector<16xf32>
        %jit3A_799 = arith.constant 4 : i32
        %jit3A_800 = arith.constant 16 : i32
        %broadcast_in_dim3A_801 = vector.broadcast %jit3A_799 : i32 to vector<16xi32>
        %broadcast_in_dim3A_802 = vector.broadcast %jit3A_800 : i32 to vector<16xi32>
        %select_n3A_803 = arith.select %eq3A_798, %broadcast_in_dim3A_801, %broadcast_in_dim3A_802 : vector<16xi1>, vector<16xi32>
        %eq3A_804 = arith.cmpf oeq, %get3A_668, %max3A_773 : vector<16xf32>
        %jit3A_805 = arith.constant 5 : i32
        %jit3A_806 = arith.constant 16 : i32
        %broadcast_in_dim3A_807 = vector.broadcast %jit3A_805 : i32 to vector<16xi32>
        %broadcast_in_dim3A_808 = vector.broadcast %jit3A_806 : i32 to vector<16xi32>
        %select_n3A_809 = arith.select %eq3A_804, %broadcast_in_dim3A_807, %broadcast_in_dim3A_808 : vector<16xi1>, vector<16xi32>
        %eq3A_810 = arith.cmpf oeq, %get3A_677, %max3A_773 : vector<16xf32>
        %jit3A_811 = arith.constant 6 : i32
        %jit3A_812 = arith.constant 16 : i32
        %broadcast_in_dim3A_813 = vector.broadcast %jit3A_811 : i32 to vector<16xi32>
        %broadcast_in_dim3A_814 = vector.broadcast %jit3A_812 : i32 to vector<16xi32>
        %select_n3A_815 = arith.select %eq3A_810, %broadcast_in_dim3A_813, %broadcast_in_dim3A_814 : vector<16xi1>, vector<16xi32>
        %eq3A_816 = arith.cmpf oeq, %get3A_686, %max3A_773 : vector<16xf32>
        %jit3A_817 = arith.constant 7 : i32
        %jit3A_818 = arith.constant 16 : i32
        %broadcast_in_dim3A_819 = vector.broadcast %jit3A_817 : i32 to vector<16xi32>
        %broadcast_in_dim3A_820 = vector.broadcast %jit3A_818 : i32 to vector<16xi32>
        %select_n3A_821 = arith.select %eq3A_816, %broadcast_in_dim3A_819, %broadcast_in_dim3A_820 : vector<16xi1>, vector<16xi32>
        %eq3A_822 = arith.cmpf oeq, %get3A_695, %max3A_773 : vector<16xf32>
        %jit3A_823 = arith.constant 8 : i32
        %jit3A_824 = arith.constant 16 : i32
        %broadcast_in_dim3A_825 = vector.broadcast %jit3A_823 : i32 to vector<16xi32>
        %broadcast_in_dim3A_826 = vector.broadcast %jit3A_824 : i32 to vector<16xi32>
        %select_n3A_827 = arith.select %eq3A_822, %broadcast_in_dim3A_825, %broadcast_in_dim3A_826 : vector<16xi1>, vector<16xi32>
        %eq3A_828 = arith.cmpf oeq, %get3A_704, %max3A_773 : vector<16xf32>
        %jit3A_829 = arith.constant 9 : i32
        %jit3A_830 = arith.constant 16 : i32
        %broadcast_in_dim3A_831 = vector.broadcast %jit3A_829 : i32 to vector<16xi32>
        %broadcast_in_dim3A_832 = vector.broadcast %jit3A_830 : i32 to vector<16xi32>
        %select_n3A_833 = arith.select %eq3A_828, %broadcast_in_dim3A_831, %broadcast_in_dim3A_832 : vector<16xi1>, vector<16xi32>
        %eq3A_834 = arith.cmpf oeq, %get3A_713, %max3A_773 : vector<16xf32>
        %jit3A_835 = arith.constant 10 : i32
        %jit3A_836 = arith.constant 16 : i32
        %broadcast_in_dim3A_837 = vector.broadcast %jit3A_835 : i32 to vector<16xi32>
        %broadcast_in_dim3A_838 = vector.broadcast %jit3A_836 : i32 to vector<16xi32>
        %select_n3A_839 = arith.select %eq3A_834, %broadcast_in_dim3A_837, %broadcast_in_dim3A_838 : vector<16xi1>, vector<16xi32>
        %eq3A_840 = arith.cmpf oeq, %get3A_722, %max3A_773 : vector<16xf32>
        %jit3A_841 = arith.constant 11 : i32
        %jit3A_842 = arith.constant 16 : i32
        %broadcast_in_dim3A_843 = vector.broadcast %jit3A_841 : i32 to vector<16xi32>
        %broadcast_in_dim3A_844 = vector.broadcast %jit3A_842 : i32 to vector<16xi32>
        %select_n3A_845 = arith.select %eq3A_840, %broadcast_in_dim3A_843, %broadcast_in_dim3A_844 : vector<16xi1>, vector<16xi32>
        %eq3A_846 = arith.cmpf oeq, %get3A_731, %max3A_773 : vector<16xf32>
        %jit3A_847 = arith.constant 12 : i32
        %jit3A_848 = arith.constant 16 : i32
        %broadcast_in_dim3A_849 = vector.broadcast %jit3A_847 : i32 to vector<16xi32>
        %broadcast_in_dim3A_850 = vector.broadcast %jit3A_848 : i32 to vector<16xi32>
        %select_n3A_851 = arith.select %eq3A_846, %broadcast_in_dim3A_849, %broadcast_in_dim3A_850 : vector<16xi1>, vector<16xi32>
        %eq3A_852 = arith.cmpf oeq, %get3A_740, %max3A_773 : vector<16xf32>
        %jit3A_853 = arith.constant 13 : i32
        %jit3A_854 = arith.constant 16 : i32
        %broadcast_in_dim3A_855 = vector.broadcast %jit3A_853 : i32 to vector<16xi32>
        %broadcast_in_dim3A_856 = vector.broadcast %jit3A_854 : i32 to vector<16xi32>
        %select_n3A_857 = arith.select %eq3A_852, %broadcast_in_dim3A_855, %broadcast_in_dim3A_856 : vector<16xi1>, vector<16xi32>
        %eq3A_858 = arith.cmpf oeq, %get3A_749, %max3A_773 : vector<16xf32>
        %jit3A_859 = arith.constant 14 : i32
        %jit3A_860 = arith.constant 16 : i32
        %broadcast_in_dim3A_861 = vector.broadcast %jit3A_859 : i32 to vector<16xi32>
        %broadcast_in_dim3A_862 = vector.broadcast %jit3A_860 : i32 to vector<16xi32>
        %select_n3A_863 = arith.select %eq3A_858, %broadcast_in_dim3A_861, %broadcast_in_dim3A_862 : vector<16xi1>, vector<16xi32>
        %eq3A_864 = arith.cmpf oeq, %get3A_758, %max3A_773 : vector<16xf32>
        %jit3A_865 = arith.constant 15 : i32
        %jit3A_866 = arith.constant 16 : i32
        %broadcast_in_dim3A_867 = vector.broadcast %jit3A_865 : i32 to vector<16xi32>
        %broadcast_in_dim3A_868 = vector.broadcast %jit3A_866 : i32 to vector<16xi32>
        %select_n3A_869 = arith.select %eq3A_864, %broadcast_in_dim3A_867, %broadcast_in_dim3A_868 : vector<16xi1>, vector<16xi32>
        %min3A_870 = arith.minsi %select_n3A_779, %select_n3A_785 : vector<16xi32>
        %min3A_871 = arith.minsi %select_n3A_791, %select_n3A_797 : vector<16xi32>
        %min3A_872 = arith.minsi %select_n3A_803, %select_n3A_809 : vector<16xi32>
        %min3A_873 = arith.minsi %select_n3A_815, %select_n3A_821 : vector<16xi32>
        %min3A_874 = arith.minsi %select_n3A_827, %select_n3A_833 : vector<16xi32>
        %min3A_875 = arith.minsi %select_n3A_839, %select_n3A_845 : vector<16xi32>
        %min3A_876 = arith.minsi %select_n3A_851, %select_n3A_857 : vector<16xi32>
        %min3A_877 = arith.minsi %select_n3A_863, %select_n3A_869 : vector<16xi32>
        %min3A_878 = arith.minsi %min3A_870, %min3A_871 : vector<16xi32>
        %min3A_879 = arith.minsi %min3A_872, %min3A_873 : vector<16xi32>
        %min3A_880 = arith.minsi %min3A_874, %min3A_875 : vector<16xi32>
        %min3A_881 = arith.minsi %min3A_876, %min3A_877 : vector<16xi32>
        %min3A_882 = arith.minsi %min3A_878, %min3A_879 : vector<16xi32>
        %min3A_883 = arith.minsi %min3A_880, %min3A_881 : vector<16xi32>
        %min3A_884 = arith.minsi %min3A_882, %min3A_883 : vector<16xi32>
        %sub3A_885 = arith.subf %get3A_623, %max3A_773 : vector<16xf32>
        %exp3A_886 = math.exp %sub3A_885 : vector<16xf32>
        %sub3A_887 = arith.subf %get3A_632, %max3A_773 : vector<16xf32>
        %exp3A_888 = math.exp %sub3A_887 : vector<16xf32>
        %sub3A_889 = arith.subf %get3A_641, %max3A_773 : vector<16xf32>
        %exp3A_890 = math.exp %sub3A_889 : vector<16xf32>
        %sub3A_891 = arith.subf %get3A_650, %max3A_773 : vector<16xf32>
        %exp3A_892 = math.exp %sub3A_891 : vector<16xf32>
        %sub3A_893 = arith.subf %get3A_659, %max3A_773 : vector<16xf32>
        %exp3A_894 = math.exp %sub3A_893 : vector<16xf32>
        %sub3A_895 = arith.subf %get3A_668, %max3A_773 : vector<16xf32>
        %exp3A_896 = math.exp %sub3A_895 : vector<16xf32>
        %sub3A_897 = arith.subf %get3A_677, %max3A_773 : vector<16xf32>
        %exp3A_898 = math.exp %sub3A_897 : vector<16xf32>
        %sub3A_899 = arith.subf %get3A_686, %max3A_773 : vector<16xf32>
        %exp3A_900 = math.exp %sub3A_899 : vector<16xf32>
        %sub3A_901 = arith.subf %get3A_695, %max3A_773 : vector<16xf32>
        %exp3A_902 = math.exp %sub3A_901 : vector<16xf32>
        %sub3A_903 = arith.subf %get3A_704, %max3A_773 : vector<16xf32>
        %exp3A_904 = math.exp %sub3A_903 : vector<16xf32>
        %sub3A_905 = arith.subf %get3A_713, %max3A_773 : vector<16xf32>
        %exp3A_906 = math.exp %sub3A_905 : vector<16xf32>
        %sub3A_907 = arith.subf %get3A_722, %max3A_773 : vector<16xf32>
        %exp3A_908 = math.exp %sub3A_907 : vector<16xf32>
        %sub3A_909 = arith.subf %get3A_731, %max3A_773 : vector<16xf32>
        %exp3A_910 = math.exp %sub3A_909 : vector<16xf32>
        %sub3A_911 = arith.subf %get3A_740, %max3A_773 : vector<16xf32>
        %exp3A_912 = math.exp %sub3A_911 : vector<16xf32>
        %sub3A_913 = arith.subf %get3A_749, %max3A_773 : vector<16xf32>
        %exp3A_914 = math.exp %sub3A_913 : vector<16xf32>
        %sub3A_915 = arith.subf %get3A_758, %max3A_773 : vector<16xf32>
        %exp3A_916 = math.exp %sub3A_915 : vector<16xf32>
        %add3A_917 = arith.addf %exp3A_886, %exp3A_888 : vector<16xf32>
        %add3A_918 = arith.addf %exp3A_890, %exp3A_892 : vector<16xf32>
        %add3A_919 = arith.addf %exp3A_894, %exp3A_896 : vector<16xf32>
        %add3A_920 = arith.addf %exp3A_898, %exp3A_900 : vector<16xf32>
        %add3A_921 = arith.addf %exp3A_902, %exp3A_904 : vector<16xf32>
        %add3A_922 = arith.addf %exp3A_906, %exp3A_908 : vector<16xf32>
        %add3A_923 = arith.addf %exp3A_910, %exp3A_912 : vector<16xf32>
        %add3A_924 = arith.addf %exp3A_914, %exp3A_916 : vector<16xf32>
        %add3A_925 = arith.addf %add3A_917, %add3A_918 : vector<16xf32>
        %add3A_926 = arith.addf %add3A_919, %add3A_920 : vector<16xf32>
        %add3A_927 = arith.addf %add3A_921, %add3A_922 : vector<16xf32>
        %add3A_928 = arith.addf %add3A_923, %add3A_924 : vector<16xf32>
        %add3A_929 = arith.addf %add3A_925, %add3A_926 : vector<16xf32>
        %add3A_930 = arith.addf %add3A_927, %add3A_928 : vector<16xf32>
        %add3A_931 = arith.addf %add3A_929, %add3A_930 : vector<16xf32>
        %shift_right_logical3A_932 = arith.constant 3 : i32
        %shift_right_logical3A_933 = vector.broadcast %shift_right_logical3A_932 : i32 to vector<16xi32>
        %shift_right_logical3A_934 = arith.shrui %get3A_614, %shift_right_logical3A_933 : vector<16xi32>
        %and3A_935 = arith.constant 7 : i32
        %and3A_936 = vector.broadcast %and3A_935 : i32 to vector<16xi32>
        %and3A_937 = arith.andi %get3A_614, %and3A_936 : vector<16xi32>
        %add3A_938 = vector.broadcast %mul3A_604 : i32 to vector<16xi32>
        %add3A_939 = arith.addi %add3A_938, %iota3A : vector<16xi32>
        %gather3A_940 = arith.constant 1 : i32
        %gather3A_941 = arith.constant 0 : i32
        %gather3A_942 = arith.constant 0 : i32
        %gather3A_943 = arith.constant 0 : i32
        %gather3A_944 = arith.constant 0 : i32
        %gather3A_945 = tpu.memref_slice %arg5[%gather3A_940, %gather3A_941, %gather3A_942, %gather3A_943, %gather3A_944] : memref<2x2x16x8x128xf32, #tpu.memory_space<vmem>> -> memref<1x2x16x8x128xf32, #tpu.memory_space<vmem>>
        %gather3A_946 = tpu.memref_squeeze %gather3A_945 : memref<1x2x16x8x128xf32, #tpu.memory_space<vmem>> -> memref<2x16x8x128xf32, #tpu.memory_space<vmem>>
        %gather3A_947 = tpu.vector_load_idx %gather3A_946[%shift_right_logical3A_934, %add3A_608, %and3A_937, %add3A_939] : memref<2x16x8x128xf32, #tpu.memory_space<vmem>>[vector<16xi32>, vector<16xi32>, vector<16xi32>, vector<16xi32>], vector<16xf32>,
        %sub3A_948 = arith.subf %gather3A_947, %max3A_773 : vector<16xf32>
        %bitcast_convert_type3A_949 = tpu.bitcast %add3A_931 : vector<16xf32> -> vector<16xi32>
        %shift_right_logical3A_950 = arith.constant 23 : i32
        %shift_right_logical3A_951 = vector.broadcast %shift_right_logical3A_950 : i32 to vector<16xi32>
        %shift_right_logical3A_952 = arith.shrui %bitcast_convert_type3A_949, %shift_right_logical3A_951 : vector<16xi32>
        %sub3A_953 = arith.constant 127 : i32
        %sub3A_954 = vector.broadcast %sub3A_953 : i32 to vector<16xi32>
        %sub3A_955 = arith.subi %shift_right_logical3A_952, %sub3A_954 : vector<16xi32>
        %and3A_956 = arith.constant 8388607 : i32
        %and3A_957 = vector.broadcast %and3A_956 : i32 to vector<16xi32>
        %and3A_958 = arith.andi %bitcast_convert_type3A_949, %and3A_957 : vector<16xi32>
        %or3A_959 = arith.constant 1065353216 : i32
        %or3A_960 = vector.broadcast %or3A_959 : i32 to vector<16xi32>
        %or3A_961 = arith.ori %and3A_958, %or3A_960 : vector<16xi32>
        %bitcast_convert_type3A_962 = tpu.bitcast %or3A_961 : vector<16xi32> -> vector<16xf32>
        %sub3A_963 = arith.constant 1.000000e+00 : f32
        %sub3A_964 = vector.broadcast %sub3A_963 : f32 to vector<16xf32>
        %sub3A_965 = arith.subf %bitcast_convert_type3A_962, %sub3A_964 : vector<16xf32>
        %add3A_966 = arith.constant 1.000000e+00 : f32
        %add3A_967 = vector.broadcast %add3A_966 : f32 to vector<16xf32>
        %add3A_968 = arith.addf %bitcast_convert_type3A_962, %add3A_967 : vector<16xf32>
        %div3A_969 = arith.divf %sub3A_965, %add3A_968 : vector<16xf32>
        %mul3A_970 = arith.mulf %div3A_969, %div3A_969 : vector<16xf32>
        %mul3A_971 = arith.constant 0.142857149 : f32
        %mul3A_972 = vector.broadcast %mul3A_971 : f32 to vector<16xf32>
        %mul3A_973 = arith.mulf %mul3A_970, %mul3A_972 : vector<16xf32>
        %add3A_974 = arith.constant 2.000000e-01 : f32
        %add3A_975 = vector.broadcast %add3A_974 : f32 to vector<16xf32>
        %add3A_976 = arith.addf %add3A_975, %mul3A_973 : vector<16xf32>
        %mul3A_977 = arith.mulf %mul3A_970, %add3A_976 : vector<16xf32>
        %add3A_978 = arith.constant 0.333333343 : f32
        %add3A_979 = vector.broadcast %add3A_978 : f32 to vector<16xf32>
        %add3A_980 = arith.addf %add3A_979, %mul3A_977 : vector<16xf32>
        %mul3A_981 = arith.mulf %mul3A_970, %add3A_980 : vector<16xf32>
        %add3A_982 = arith.constant 1.000000e+00 : f32
        %add3A_983 = vector.broadcast %add3A_982 : f32 to vector<16xf32>
        %add3A_984 = arith.addf %add3A_983, %mul3A_981 : vector<16xf32>
        %convert_element_type3A_985 = arith.sitofp %sub3A_955 : vector<16xi32> to vector<16xf32>
        %mul3A_986 = arith.constant 0.693147182 : f32
        %mul3A_987 = vector.broadcast %mul3A_986 : f32 to vector<16xf32>
        %mul3A_988 = arith.mulf %convert_element_type3A_985, %mul3A_987 : vector<16xf32>
        %mul3A_989 = arith.constant 2.000000e+00 : f32
        %mul3A_990 = vector.broadcast %mul3A_989 : f32 to vector<16xf32>
        %mul3A_991 = arith.mulf %mul3A_990, %div3A_969 : vector<16xf32>
        %mul3A_992 = arith.mulf %mul3A_991, %add3A_984 : vector<16xf32>
        %add3A_993 = arith.addf %mul3A_988, %mul3A_992 : vector<16xf32>
        %sub3A_994 = arith.subf %sub3A_948, %add3A_993 : vector<16xf32>
        tpu.vector_store_idx %arg7[%get3A_614], %broadcast_in_dim3A_5 {add = true} : memref<128xf32, #tpu.memory_space<vmem>>[vector<16xi32>], vector<16xf32>,
        %add3A_995 = arith.constant 16 : i32
        %add3A_996 = vector.broadcast %add3A_995 : i32 to vector<16xi32>
        %add3A_997 = arith.addi %min3A_884, %add3A_996 : vector<16xi32>
        tpu.vector_store_idx %arg7[%add3A_997], %broadcast_in_dim3A_5 {add = true} : memref<128xf32, #tpu.memory_space<vmem>>[vector<16xi32>], vector<16xf32>,
        %add3A_998 = arith.constant 32 : i32
        %add3A_999 = vector.broadcast %add3A_998 : i32 to vector<16xi32>
        %add3A_1000 = arith.addi %min3A_884, %add3A_999 : vector<16xi32>
        %eq3A_1001 = arith.cmpi eq, %min3A_884, %get3A_614 : vector<16xi32>
        tpu.vector_store_idx %arg7[%add3A_1000], %broadcast_in_dim3A_5 masked %eq3A_1001 {add = true} : memref<128xf32, #tpu.memory_space<vmem>>[vector<16xi32>], vector<16xf32>, vector<16xi1>
        %add3A_1002 = arith.constant 48 : i32
        %add3A_1003 = vector.broadcast %add3A_1002 : i32 to vector<16xi32>
        %add3A_1004 = arith.addi %get3A_614, %add3A_1003 : vector<16xi32>
        tpu.vector_store_idx %arg7[%add3A_1004], %sub3A_994 {add = true} : memref<128xf32, #tpu.memory_space<vmem>>[vector<16xi32>], vector<16xf32>,
      }
      %scan3A_196 = arith.constant 128 : i32
      %add3A_197 = arith.constant 2 : i32
      %add3A_198 = arith.addi %add3A_152, %add3A_197 : i32
      %lt3A_199 = arith.constant 6 : i32
      %lt3A_200 = arith.cmpi slt, %add3A_198, %lt3A_199 : i32
      %convert_element_type3A_201 = arith.extui %lt3A_200 : i1 to i32
      %cond3A_202 = arith.constant 0 : i32
      %cond3A_203 = arith.cmpi ne, %convert_element_type3A_201, %cond3A_202 : i32
      scf.if %cond3A_203 {
        %mul3A_204 = arith.constant 16 : i32
        %mul3A_205 = arith.muli %add3A_198, %mul3A_204 : i32
        %add3A_206 = arith.addi %mul3A_2, %mul3A_205 : i32
        %dma_start3A_207 = arith.constant 1 : i32
        %dma_start3A_208 = arith.constant 0 : i32
        %dma_start3A_209 = arith.constant 0 : i32
        %dma_start3A_210 = arith.constant 0 : i32
        %dma_start3A_211 = arith.constant 0 : i32
        %dma_start3A_212 = tpu.memref_slice %arg5[%dma_start3A_207, %dma_start3A_208, %dma_start3A_209, %dma_start3A_210, %dma_start3A_211] : memref<2x2x16x8x128xf32, #tpu.memory_space<vmem>> -> memref<1x2x16x8x128xf32, #tpu.memory_space<vmem>>
        %dma_start3A_213 = tpu.memref_squeeze %dma_start3A_212 : memref<1x2x16x8x128xf32, #tpu.memory_space<vmem>> -> memref<2x16x8x128xf32, #tpu.memory_space<vmem>>
        %dma_start3A_214 = arith.constant 0 : i32
        %dma_start3A_215 = arith.constant 0 : i32
        %dma_start3A_216 = arith.constant 0 : i32
        %dma_start3A_217 = tpu.memref_slice %arg2[%dma_start3A_214, %add3A_206, %dma_start3A_215, %dma_start3A_216] : memref<2x8192x8x128xf32, #tpu.memory_space<hbm>> -> memref<2x16x8x128xf32, #tpu.memory_space<hbm>>
        %dma_start3A_218 = arith.constant 0 : i32
        %dma_start3A_219 = arith.constant 0 : i32
        %dma_start3A_220 = arith.constant 0 : i32
        %dma_start3A_221 = arith.constant 0 : i32
        %dma_start3A_222 = tpu.memref_slice %arg5[%dma_start3A_207, %dma_start3A_218, %dma_start3A_219, %dma_start3A_220, %dma_start3A_221] : memref<2x2x16x8x128xf32, #tpu.memory_space<vmem>> -> memref<1x2x16x8x128xf32, #tpu.memory_space<vmem>>
        %dma_start3A_223 = tpu.memref_squeeze %dma_start3A_222 : memref<1x2x16x8x128xf32, #tpu.memory_space<vmem>> -> memref<2x16x8x128xf32, #tpu.memory_space<vmem>>
        %dma_start3A_224 = arith.constant 0 : i32
        %dma_start3A_225 = arith.constant 0 : i32
        %dma_start3A_226 = arith.constant 0 : i32
        %dma_start3A_227 = tpu.memref_slice %arg2[%dma_start3A_224, %add3A_206, %dma_start3A_225, %dma_start3A_226] : memref<2x8192x8x128xf32, #tpu.memory_space<hbm>> -> memref<2x16x8x128xf32, #tpu.memory_space<hbm>>
        tpu.enqueue_dma source(%dma_start3A_227 : memref<2x16x8x128xf32, #tpu.memory_space<hbm>>) target(%dma_start3A_223 : memref<2x16x8x128xf32, #tpu.memory_space<vmem>>) target_semaphore(%arg9 : memref<!tpu.dma_semaphore, #tpu.memory_space<semaphore_mem>>)
        %mul3A_228 = arith.constant 16 : i32
        %mul3A_229 = arith.muli %add3A_198, %mul3A_228 : i32
        %add3A_230 = arith.addi %mul3A_2, %mul3A_229 : i32
        %mul3A_231 = arith.constant 128 : i32
        %mul3A_232 = arith.muli %add3A_230, %mul3A_231 : i32
        %dma_start3A_233 = arith.constant 1 : i32
        %dma_start3A_234 = arith.constant 0 : i32
        %dma_start3A_235 = tpu.memref_slice %arg6[%dma_start3A_233, %dma_start3A_234] : memref<2x2048xi32, #tpu.memory_space<vmem>> -> memref<1x2048xi32, #tpu.memory_space<vmem>>
        %dma_start3A_236 = tpu.memref_squeeze %dma_start3A_235 : memref<1x2048xi32, #tpu.memory_space<vmem>> -> memref<2048xi32, #tpu.memory_space<vmem>>
        %dma_start3A_237 = tpu.memref_slice %arg3[%mul3A_232] : memref<1048576xi32, #tpu.memory_space<hbm>> -> memref<2048xi32, #tpu.memory_space<hbm>>
        %dma_start3A_238 = arith.constant 0 : i32
        %dma_start3A_239 = tpu.memref_slice %arg6[%dma_start3A_233, %dma_start3A_238] : memref<2x2048xi32, #tpu.memory_space<vmem>> -> memref<1x2048xi32, #tpu.memory_space<vmem>>
        %dma_start3A_240 = tpu.memref_squeeze %dma_start3A_239 : memref<1x2048xi32, #tpu.memory_space<vmem>> -> memref<2048xi32, #tpu.memory_space<vmem>>
        %dma_start3A_241 = tpu.memref_slice %arg3[%mul3A_232] : memref<1048576xi32, #tpu.memory_space<hbm>> -> memref<2048xi32, #tpu.memory_space<hbm>>
        tpu.enqueue_dma source(%dma_start3A_241 : memref<2048xi32, #tpu.memory_space<hbm>>) target(%dma_start3A_240 : memref<2048xi32, #tpu.memory_space<vmem>>) target_semaphore(%arg11 : memref<!tpu.dma_semaphore, #tpu.memory_space<semaphore_mem>>)
      } else {
      }
    }
    %scan3A_96 = arith.constant 3 : i32
    "tpu.region"() ({
      %run_scoped3A = tpu.sem_alloc : memref<!tpu.dma_semaphore, #tpu.memory_space<semaphore_mem>>
      %dma_start3A_97 = arith.constant 0 : i32
      %dma_start3A_98 = tpu.memref_slice %arg7[%dma_start3A_97] : memref<128xf32, #tpu.memory_space<vmem>> -> memref<64xf32, #tpu.memory_space<vmem>>
      %dma_start3A_99 = arith.constant 0 : i32
      %dma_start3A_100 = tpu.memref_slice %arg4[%add3A, %dma_start3A_99] : memref<32x64xf32, #tpu.memory_space<hbm>> -> memref<1x64xf32, #tpu.memory_space<hbm>>
      %dma_start3A_101 = tpu.memref_squeeze %dma_start3A_100 : memref<1x64xf32, #tpu.memory_space<hbm>> -> memref<64xf32, #tpu.memory_space<hbm>>
      %dma_start3A_102 = arith.constant 0 : i32
      %dma_start3A_103 = tpu.memref_slice %arg4[%add3A, %dma_start3A_102] : memref<32x64xf32, #tpu.memory_space<hbm>> -> memref<1x64xf32, #tpu.memory_space<hbm>>
      %dma_start3A_104 = tpu.memref_squeeze %dma_start3A_103 : memref<1x64xf32, #tpu.memory_space<hbm>> -> memref<64xf32, #tpu.memory_space<hbm>>
      %dma_start3A_105 = arith.constant 0 : i32
      %dma_start3A_106 = tpu.memref_slice %arg7[%dma_start3A_105] : memref<128xf32, #tpu.memory_space<vmem>> -> memref<64xf32, #tpu.memory_space<vmem>>
      tpu.enqueue_dma source(%dma_start3A_106 : memref<64xf32, #tpu.memory_space<vmem>>) target(%dma_start3A_104 : memref<64xf32, #tpu.memory_space<hbm>>) target_semaphore(%run_scoped3A : memref<!tpu.dma_semaphore, #tpu.memory_space<semaphore_mem>>)
      %dma_wait3A = arith.constant 0 : i32
      %dma_wait3A_107 = tpu.memref_slice %arg7[%dma_wait3A] : memref<128xf32, #tpu.memory_space<vmem>> -> memref<64xf32, #tpu.memory_space<vmem>>
      %dma_wait3A_108 = arith.constant 0 : i32
      %dma_wait3A_109 = tpu.memref_slice %arg4[%add3A, %dma_wait3A_108] : memref<32x64xf32, #tpu.memory_space<hbm>> -> memref<1x64xf32, #tpu.memory_space<hbm>>
      %dma_wait3A_110 = tpu.memref_squeeze %dma_wait3A_109 : memref<1x64xf32, #tpu.memory_space<hbm>> -> memref<64xf32, #tpu.memory_space<hbm>>
      %dma_wait3A_111 = arith.constant 0 : i32
      %dma_wait3A_112 = tpu.memref_slice %arg4[%add3A, %dma_wait3A_111] : memref<32x64xf32, #tpu.memory_space<hbm>> -> memref<1x64xf32, #tpu.memory_space<hbm>>
      %dma_wait3A_113 = tpu.memref_squeeze %dma_wait3A_112 : memref<1x64xf32, #tpu.memory_space<hbm>> -> memref<64xf32, #tpu.memory_space<hbm>>
      %dma_wait3A_114 = arith.constant 0 : i32
      %dma_wait3A_115 = tpu.memref_slice %arg7[%dma_wait3A_114] : memref<128xf32, #tpu.memory_space<vmem>> -> memref<64xf32, #tpu.memory_space<vmem>>
      tpu.wait_dma2 semaphore(%run_scoped3A : memref<!tpu.dma_semaphore, #tpu.memory_space<semaphore_mem>>) src(%dma_wait3A_115 : memref<64xf32, #tpu.memory_space<vmem>>) dst(%dma_wait3A_113 : memref<64xf32, #tpu.memory_space<hbm>>)
      tpu.yield
    }) : () -> ()
    return
  }
}

module attributes {stable_mosaic.version = 14 : i64} {
  func.func @_epilogue_kernel(%arg0: memref<32x64xf32, #tpu.memory_space<vmem>>, %arg1: memref<1x64xf32, #tpu.memory_space<vmem>>, %arg2: memref<1x1xf32, #tpu.memory_space<smem>>) attributes {dimension_semantics = [], scalar_prefetch = 0 : i64, scratch_operands = 0 : i64, tpu.core_type = #tpu.core_type<tc>} {
    %get3A = arith.constant 0 : index
    %get3A_0 = arith.constant 0 : index
    %get3A_1 = vector.load %arg0[%get3A, %get3A_0] : memref<32x64xf32, #tpu.memory_space<vmem>>, vector<32x64xf32>
    %reduce_sum3A = arith.constant dense<0.000000e+00> : vector<64xf32>
    %reduce_sum3A_2 = vector.multi_reduction <add>, %get3A_1, %reduce_sum3A [0] : vector<32x64xf32> to vector<64xf32>
    %broadcast_in_dim3A = vector.shape_cast %reduce_sum3A_2 : vector<64xf32> to vector<1x64xf32>
    %get3A_3 = arith.constant 0 : index
    %get3A_4 = arith.constant 0 : index
    %get3A_5 = vector.load %arg1[%get3A_3, %get3A_4] : memref<1x64xf32, #tpu.memory_space<vmem>>, vector<1x64xf32>
    %add3A = arith.addf %broadcast_in_dim3A, %get3A_5 : vector<1x64xf32>
    %slice3A = vector.extract_strided_slice %add3A {offsets = [0, 0], sizes = [1, 16], strides = [1, 1]} : vector<1x64xf32> to vector<1x16xf32>
    %slice3A_6 = vector.extract_strided_slice %add3A {offsets = [0, 16], sizes = [1, 16], strides = [1, 1]} : vector<1x64xf32> to vector<1x16xf32>
    %slice3A_7 = vector.extract_strided_slice %add3A {offsets = [0, 32], sizes = [1, 16], strides = [1, 1]} : vector<1x64xf32> to vector<1x16xf32>
    %slice3A_8 = vector.extract_strided_slice %add3A {offsets = [0, 48], sizes = [1, 16], strides = [1, 1]} : vector<1x64xf32> to vector<1x16xf32>
    %div3A = arith.divf %slice3A_7, %slice3A_6 : vector<1x16xf32>
    %div3A_9 = arith.divf %slice3A_7, %slice3A : vector<1x16xf32>
    %mul3A = arith.mulf %div3A, %div3A_9 : vector<1x16xf32>
    %mul3A_10 = arith.constant 5.000000e-01 : f32
    %mul3A_11 = vector.broadcast %mul3A_10 : f32 to vector<1x16xf32>
    %mul3A_12 = arith.mulf %mul3A_11, %div3A : vector<1x16xf32>
    %mul3A_13 = arith.constant 5.000000e-01 : f32
    %mul3A_14 = vector.broadcast %mul3A_13 : f32 to vector<1x16xf32>
    %mul3A_15 = arith.mulf %mul3A_14, %div3A_9 : vector<1x16xf32>
    %add3A_16 = arith.addf %mul3A_12, %mul3A_15 : vector<1x16xf32>
    %div3A_17 = arith.divf %mul3A, %add3A_16 : vector<1x16xf32>
    %sub3A = arith.constant 1.000000e+00 : f32
    %sub3A_18 = vector.broadcast %sub3A : f32 to vector<1x16xf32>
    %sub3A_19 = arith.subf %sub3A_18, %div3A_17 : vector<1x16xf32>
    %mul3A_20 = arith.constant 1.000000e-01 : f32
    %mul3A_21 = vector.broadcast %mul3A_20 : f32 to vector<1x16xf32>
    %mul3A_22 = arith.mulf %mul3A_21, %sub3A_19 : vector<1x16xf32>
    %mul3A_23 = arith.mulf %mul3A_22, %slice3A_8 : vector<1x16xf32>
    %reduce_sum3A_24 = vector.shape_cast %mul3A_23 : vector<1x16xf32> to vector<1x1x16xf32>
    %reduce_sum3A_25 = arith.constant dense<0.000000e+00> : vector<1xf32>
    %reduce_sum3A_26 = vector.multi_reduction <add>, %reduce_sum3A_24, %reduce_sum3A_25 [1, 2] : vector<1x1x16xf32> to vector<1xf32>
    %reduce_sum3A_27 = vector.shape_cast %reduce_sum3A_26 : vector<1xf32> to vector<1x1x1xf32>
    %reduce_sum3A_28 = vector.extract %reduce_sum3A_27[0, 0, 0] : f32 from vector<1x1x1xf32>
    %mul3A_29 = arith.mulf %mul3A_22, %slice3A : vector<1x16xf32>
    %reduce_sum3A_30 = vector.shape_cast %mul3A_29 : vector<1x16xf32> to vector<1x1x16xf32>
    %reduce_sum3A_31 = arith.constant dense<0.000000e+00> : vector<1xf32>
    %reduce_sum3A_32 = vector.multi_reduction <add>, %reduce_sum3A_30, %reduce_sum3A_31 [1, 2] : vector<1x1x16xf32> to vector<1xf32>
    %reduce_sum3A_33 = vector.shape_cast %reduce_sum3A_32 : vector<1xf32> to vector<1x1x1xf32>
    %reduce_sum3A_34 = vector.extract %reduce_sum3A_33[0, 0, 0] : f32 from vector<1x1x1xf32>
    %neg3A = arith.constant 0.000000e+00 : f32
    %neg3A_35 = arith.subf %neg3A, %reduce_sum3A_28 : f32
    %div3A_36 = arith.divf %neg3A_35, %reduce_sum3A_34 : f32
    %swap3A = arith.constant 0 : index
    %swap3A_37 = arith.constant 0 : index
    %swap3A_38 = memref.load %arg2[%swap3A, %swap3A_37] : memref<1x1xf32, #tpu.memory_space<smem>>
    memref.store %div3A_36, %arg2[%swap3A, %swap3A_37] : memref<1x1xf32, #tpu.memory_space<smem>>
    return
  }
}

module attributes {stable_mosaic.version = 14 : i64} {
  func.func @_tc_body(%arg0: memref<16x1048576xf32, #tpu.memory_space<any>>, %arg1: memref<2048x512xi32, #tpu.memory_space<any>>, %arg2: memref<1x64xf32, #tpu.memory_space<vmem>>, %arg3: memref<2x16x16384xf32, #tpu.memory_space<vmem>>, %arg4: memref<2x32x512xi32, #tpu.memory_space<vmem>>, %arg5: memref<64x512xf32, #tpu.memory_space<vmem>>, %arg6: memref<!tpu.dma_semaphore, #tpu.memory_space<semaphore_mem>>, %arg7: memref<!tpu.dma_semaphore, #tpu.memory_space<semaphore_mem>>, %arg8: memref<!tpu.dma_semaphore, #tpu.memory_space<semaphore_mem>>, %arg9: memref<!tpu.dma_semaphore, #tpu.memory_space<semaphore_mem>>) attributes {dimension_semantics = [], scalar_prefetch = 0 : i64, scratch_operands = 7 : i64, tpu.core_type = #tpu.core_type<tc>} {
    %dma_start3A = arith.constant 0 : i32
    %dma_start3A_0 = arith.constant 0 : i32
    %dma_start3A_1 = arith.constant 0 : i32
    %dma_start3A_2 = tpu.memref_slice %arg3[%dma_start3A, %dma_start3A_0, %dma_start3A_1] : memref<2x16x16384xf32, #tpu.memory_space<vmem>> -> memref<1x16x16384xf32, #tpu.memory_space<vmem>>
    %dma_start3A_3 = tpu.memref_squeeze %dma_start3A_2 : memref<1x16x16384xf32, #tpu.memory_space<vmem>> -> memref<16x16384xf32, #tpu.memory_space<vmem>>
    %dma_start3A_4 = arith.constant 0 : i32
    %dma_start3A_5 = arith.constant 393216 : i32
    %dma_start3A_6 = tpu.memref_slice %arg0[%dma_start3A_4, %dma_start3A_5] : memref<16x1048576xf32, #tpu.memory_space<any>> -> memref<16x16384xf32, #tpu.memory_space<any>>
    tpu.enqueue_dma source(%dma_start3A_6 : memref<16x16384xf32, #tpu.memory_space<any>>) target(%dma_start3A_3 : memref<16x16384xf32, #tpu.memory_space<vmem>>) target_semaphore(%arg6 : memref<!tpu.dma_semaphore, #tpu.memory_space<semaphore_mem>>)
    %dma_start3A_7 = arith.constant 0 : i32
    %dma_start3A_8 = arith.constant 0 : i32
    %dma_start3A_9 = arith.constant 0 : i32
    %dma_start3A_10 = tpu.memref_slice %arg4[%dma_start3A_7, %dma_start3A_8, %dma_start3A_9] : memref<2x32x512xi32, #tpu.memory_space<vmem>> -> memref<1x32x512xi32, #tpu.memory_space<vmem>>
    %dma_start3A_11 = tpu.memref_squeeze %dma_start3A_10 : memref<1x32x512xi32, #tpu.memory_space<vmem>> -> memref<32x512xi32, #tpu.memory_space<vmem>>
    %dma_start3A_12 = arith.constant 768 : i32
    %dma_start3A_13 = arith.constant 0 : i32
    %dma_start3A_14 = tpu.memref_slice %arg1[%dma_start3A_12, %dma_start3A_13] : memref<2048x512xi32, #tpu.memory_space<any>> -> memref<32x512xi32, #tpu.memory_space<any>>
    tpu.enqueue_dma source(%dma_start3A_14 : memref<32x512xi32, #tpu.memory_space<any>>) target(%dma_start3A_11 : memref<32x512xi32, #tpu.memory_space<vmem>>) target_semaphore(%arg8 : memref<!tpu.dma_semaphore, #tpu.memory_space<semaphore_mem>>)
    %dma_start3A_15 = arith.constant 1 : i32
    %dma_start3A_16 = arith.constant 0 : i32
    %dma_start3A_17 = arith.constant 0 : i32
    %dma_start3A_18 = tpu.memref_slice %arg3[%dma_start3A_15, %dma_start3A_16, %dma_start3A_17] : memref<2x16x16384xf32, #tpu.memory_space<vmem>> -> memref<1x16x16384xf32, #tpu.memory_space<vmem>>
    %dma_start3A_19 = tpu.memref_squeeze %dma_start3A_18 : memref<1x16x16384xf32, #tpu.memory_space<vmem>> -> memref<16x16384xf32, #tpu.memory_space<vmem>>
    %dma_start3A_20 = arith.constant 0 : i32
    %dma_start3A_21 = arith.constant 409600 : i32
    %dma_start3A_22 = tpu.memref_slice %arg0[%dma_start3A_20, %dma_start3A_21] : memref<16x1048576xf32, #tpu.memory_space<any>> -> memref<16x16384xf32, #tpu.memory_space<any>>
    tpu.enqueue_dma source(%dma_start3A_22 : memref<16x16384xf32, #tpu.memory_space<any>>) target(%dma_start3A_19 : memref<16x16384xf32, #tpu.memory_space<vmem>>) target_semaphore(%arg7 : memref<!tpu.dma_semaphore, #tpu.memory_space<semaphore_mem>>)
    %dma_start3A_23 = arith.constant 1 : i32
    %dma_start3A_24 = arith.constant 0 : i32
    %dma_start3A_25 = arith.constant 0 : i32
    %dma_start3A_26 = tpu.memref_slice %arg4[%dma_start3A_23, %dma_start3A_24, %dma_start3A_25] : memref<2x32x512xi32, #tpu.memory_space<vmem>> -> memref<1x32x512xi32, #tpu.memory_space<vmem>>
    %dma_start3A_27 = tpu.memref_squeeze %dma_start3A_26 : memref<1x32x512xi32, #tpu.memory_space<vmem>> -> memref<32x512xi32, #tpu.memory_space<vmem>>
    %dma_start3A_28 = arith.constant 800 : i32
    %dma_start3A_29 = arith.constant 0 : i32
    %dma_start3A_30 = tpu.memref_slice %arg1[%dma_start3A_28, %dma_start3A_29] : memref<2048x512xi32, #tpu.memory_space<any>> -> memref<32x512xi32, #tpu.memory_space<any>>
    tpu.enqueue_dma source(%dma_start3A_30 : memref<32x512xi32, #tpu.memory_space<any>>) target(%dma_start3A_27 : memref<32x512xi32, #tpu.memory_space<vmem>>) target_semaphore(%arg9 : memref<!tpu.dma_semaphore, #tpu.memory_space<semaphore_mem>>)
    %broadcast_in_dim3A = arith.constant 0.000000e+00 : f32
    %broadcast_in_dim3A_31 = vector.broadcast %broadcast_in_dim3A : f32 to vector<64x512xf32>
    %swap3A = arith.constant 0 : index
    %swap3A_32 = arith.constant 0 : index
    %swap3A_33 = vector.load %arg5[%swap3A, %swap3A_32] : memref<64x512xf32, #tpu.memory_space<vmem>>, vector<64x512xf32>
    tpu.vector_store %arg5[%swap3A, %swap3A_32], %broadcast_in_dim3A_31 {strides = array<i32>} : memref<64x512xf32, #tpu.memory_space<vmem>>, vector<64x512xf32>,
    %iota3A = tpu.iota {dimensions = array<i32: 0>} : vector<16x512xi32>
    %scan3A = arith.constant 0 : i32
    %scan3A_34 = arith.constant 20 : i32
    %scan3A_35 = arith.addi %scan3A, %scan3A_34 : i32
    %scan3A_36 = arith.constant 1 : i32
    scf.for %scan3A_76 = %scan3A to %scan3A_35 step %scan3A_36  : i32 {
      %mul3A = arith.constant 2 : i32
      %mul3A_77 = arith.muli %scan3A_76, %mul3A : i32
      %add3A = arith.constant 0 : i32
      %add3A_78 = arith.addi %mul3A_77, %add3A : i32
      %mul3A_79 = arith.constant 16384 : i32
      %mul3A_80 = arith.muli %add3A_78, %mul3A_79 : i32
      %add3A_81 = arith.constant 393216 : i32
      %add3A_82 = arith.addi %add3A_81, %mul3A_80 : i32
      %dma_wait3A = arith.constant 0 : i32
      %dma_wait3A_83 = arith.constant 0 : i32
      %dma_wait3A_84 = arith.constant 0 : i32
      %dma_wait3A_85 = tpu.memref_slice %arg3[%dma_wait3A, %dma_wait3A_83, %dma_wait3A_84] : memref<2x16x16384xf32, #tpu.memory_space<vmem>> -> memref<1x16x16384xf32, #tpu.memory_space<vmem>>
      %dma_wait3A_86 = tpu.memref_squeeze %dma_wait3A_85 : memref<1x16x16384xf32, #tpu.memory_space<vmem>> -> memref<16x16384xf32, #tpu.memory_space<vmem>>
      %dma_wait3A_87 = arith.constant 0 : i32
      %dma_wait3A_88 = tpu.memref_slice %arg0[%dma_wait3A_87, %add3A_82] : memref<16x1048576xf32, #tpu.memory_space<any>> -> memref<16x16384xf32, #tpu.memory_space<any>>
      tpu.wait_dma2 semaphore(%arg6 : memref<!tpu.dma_semaphore, #tpu.memory_space<semaphore_mem>>) src(%dma_wait3A_88 : memref<16x16384xf32, #tpu.memory_space<any>>) dst(%dma_wait3A_86 : memref<16x16384xf32, #tpu.memory_space<vmem>>)
      %mul3A_89 = arith.constant 32 : i32
      %mul3A_90 = arith.muli %add3A_78, %mul3A_89 : i32
      %add3A_91 = arith.constant 768 : i32
      %add3A_92 = arith.addi %add3A_91, %mul3A_90 : i32
      %dma_wait3A_93 = arith.constant 0 : i32
      %dma_wait3A_94 = arith.constant 0 : i32
      %dma_wait3A_95 = arith.constant 0 : i32
      %dma_wait3A_96 = tpu.memref_slice %arg4[%dma_wait3A_93, %dma_wait3A_94, %dma_wait3A_95] : memref<2x32x512xi32, #tpu.memory_space<vmem>> -> memref<1x32x512xi32, #tpu.memory_space<vmem>>
      %dma_wait3A_97 = tpu.memref_squeeze %dma_wait3A_96 : memref<1x32x512xi32, #tpu.memory_space<vmem>> -> memref<32x512xi32, #tpu.memory_space<vmem>>
      %dma_wait3A_98 = arith.constant 0 : i32
      %dma_wait3A_99 = tpu.memref_slice %arg1[%add3A_92, %dma_wait3A_98] : memref<2048x512xi32, #tpu.memory_space<any>> -> memref<32x512xi32, #tpu.memory_space<any>>
      tpu.wait_dma2 semaphore(%arg8 : memref<!tpu.dma_semaphore, #tpu.memory_space<semaphore_mem>>) src(%dma_wait3A_99 : memref<32x512xi32, #tpu.memory_space<any>>) dst(%dma_wait3A_97 : memref<32x512xi32, #tpu.memory_space<vmem>>)
      %broadcast_in_dim3A_100 = arith.constant 0.000000e+00 : f32
      %broadcast_in_dim3A_101 = vector.broadcast %broadcast_in_dim3A_100 : f32 to vector<16x512xf32>
      %get3A_102 = arith.constant 0 : index
      %get3A_103 = arith.constant 0 : index
      %get3A_104 = arith.constant 0 : index
      %get3A_105 = vector.load %arg3[%get3A_102, %get3A_103, %get3A_104] : memref<2x16x16384xf32, #tpu.memory_space<vmem>>, vector<1x16x512xf32>
      %get3A_106 = vector.shape_cast %get3A_105 : vector<1x16x512xf32> to vector<16x512xf32>
      %get3A_107 = arith.constant 0 : index
      %get3A_108 = arith.constant 0 : index
      %get3A_109 = arith.constant 0 : index
      %get3A_110 = vector.load %arg4[%get3A_107, %get3A_108, %get3A_109] : memref<2x32x512xi32, #tpu.memory_space<vmem>>, vector<1x1x512xi32>
      %get3A_111 = vector.shape_cast %get3A_110 : vector<1x1x512xi32> to vector<1x512xi32>
      %reduce_max3A = arith.constant dense<0xFF800000> : vector<512xf32>
      %reduce_max3A_112 = vector.multi_reduction <maximumf>, %get3A_106, %reduce_max3A [0] : vector<16x512xf32> to vector<512xf32>
      %broadcast_in_dim3A_113 = vector.shape_cast %reduce_max3A_112 : vector<512xf32> to vector<1x512xf32>
      %sub3A = vector.broadcast %broadcast_in_dim3A_113 : vector<1x512xf32> to vector<16x512xf32>
      %sub3A_114 = arith.subf %get3A_106, %sub3A : vector<16x512xf32>
      %exp3A = math.exp %sub3A_114 : vector<16x512xf32>
      %reduce_sum3A_115 = arith.constant dense<0.000000e+00> : vector<512xf32>
      %reduce_sum3A_116 = vector.multi_reduction <add>, %exp3A, %reduce_sum3A_115 [0] : vector<16x512xf32> to vector<512xf32>
      %broadcast_in_dim3A_117 = vector.shape_cast %reduce_sum3A_116 : vector<512xf32> to vector<1x512xf32>
      %log3A = math.log %broadcast_in_dim3A_117 : vector<1x512xf32>
      %add3A_118 = arith.addf %broadcast_in_dim3A_113, %log3A : vector<1x512xf32>
      %eq3A = vector.broadcast %broadcast_in_dim3A_113 : vector<1x512xf32> to vector<16x512xf32>
      %eq3A_119 = arith.cmpf oeq, %get3A_106, %eq3A : vector<16x512xf32>
      %jit3A = arith.constant 16 : i32
      %broadcast_in_dim3A_120 = vector.broadcast %jit3A : i32 to vector<16x512xi32>
      %select_n3A = arith.select %eq3A_119, %iota3A, %broadcast_in_dim3A_120 : vector<16x512xi1>, vector<16x512xi32>
      %reduce_min3A = arith.constant dense<2147483647> : vector<512xi32>
      %reduce_min3A_121 = vector.multi_reduction <minsi>, %select_n3A, %reduce_min3A [0] : vector<16x512xi32> to vector<512xi32>
      %broadcast_in_dim3A_122 = vector.shape_cast %reduce_min3A_121 : vector<512xi32> to vector<1x512xi32>
      %eq3A_123 = vector.broadcast %get3A_111 : vector<1x512xi32> to vector<16x512xi32>
      %eq3A_124 = arith.cmpi eq, %iota3A, %eq3A_123 : vector<16x512xi32>
      %convert_element_type3A = arith.extui %eq3A_124 : vector<16x512xi1> to vector<16x512xi32>
      %convert_element_type3A_125 = arith.sitofp %convert_element_type3A : vector<16x512xi32> to vector<16x512xf32>
      %eq3A_126 = vector.broadcast %broadcast_in_dim3A_122 : vector<1x512xi32> to vector<16x512xi32>
      %eq3A_127 = arith.cmpi eq, %iota3A, %eq3A_126 : vector<16x512xi32>
      %convert_element_type3A_128 = arith.extui %eq3A_127 : vector<16x512xi1> to vector<16x512xi32>
      %convert_element_type3A_129 = arith.sitofp %convert_element_type3A_128 : vector<16x512xi32> to vector<16x512xf32>
      %eq3A_130 = arith.cmpi eq, %broadcast_in_dim3A_122, %get3A_111 : vector<1x512xi32>
      %convert_element_type3A_131 = arith.extui %eq3A_130 : vector<1x512xi1> to vector<1x512xi32>
      %convert_element_type3A_132 = arith.sitofp %convert_element_type3A_131 : vector<1x512xi32> to vector<1x512xf32>
      %add3A_133 = arith.addf %broadcast_in_dim3A_101, %convert_element_type3A_125 : vector<16x512xf32>
      %add3A_134 = arith.addf %broadcast_in_dim3A_101, %convert_element_type3A_129 : vector<16x512xf32>
      %mul3A_135 = vector.broadcast %convert_element_type3A_132 : vector<1x512xf32> to vector<16x512xf32>
      %mul3A_136 = arith.mulf %convert_element_type3A_129, %mul3A_135 : vector<16x512xf32>
      %add3A_137 = arith.addf %broadcast_in_dim3A_101, %mul3A_136 : vector<16x512xf32>
      %sub3A_138 = vector.broadcast %add3A_118 : vector<1x512xf32> to vector<16x512xf32>
      %sub3A_139 = arith.subf %get3A_106, %sub3A_138 : vector<16x512xf32>
      %mul3A_140 = arith.mulf %convert_element_type3A_125, %sub3A_139 : vector<16x512xf32>
      %add3A_141 = arith.addf %broadcast_in_dim3A_101, %mul3A_140 : vector<16x512xf32>
      %get3A_142 = arith.constant 0 : index
      %get3A_143 = arith.constant 0 : index
      %get3A_144 = arith.constant 512 : index
      %get3A_145 = vector.load %arg3[%get3A_142, %get3A_143, %get3A_144] : memref<2x16x16384xf32, #tpu.memory_space<vmem>>, vector<1x16x512xf32>
      %get3A_146 = vector.shape_cast %get3A_145 : vector<1x16x512xf32> to vector<16x512xf32>
      %get3A_147 = arith.constant 0 : index
      %get3A_148 = arith.constant 1 : index
      %get3A_149 = arith.constant 0 : index
      %get3A_150 = vector.load %arg4[%get3A_147, %get3A_148, %get3A_149] : memref<2x32x512xi32, #tpu.memory_space<vmem>>, vector<1x1x512xi32>
      %get3A_151 = vector.shape_cast %get3A_150 : vector<1x1x512xi32> to vector<1x512xi32>
      %reduce_max3A_152 = arith.constant dense<0xFF800000> : vector<512xf32>
      %reduce_max3A_153 = vector.multi_reduction <maximumf>, %get3A_146, %reduce_max3A_152 [0] : vector<16x512xf32> to vector<512xf32>
      %broadcast_in_dim3A_154 = vector.shape_cast %reduce_max3A_153 : vector<512xf32> to vector<1x512xf32>
      %sub3A_155 = vector.broadcast %broadcast_in_dim3A_154 : vector<1x512xf32> to vector<16x512xf32>
      %sub3A_156 = arith.subf %get3A_146, %sub3A_155 : vector<16x512xf32>
      %exp3A_157 = math.exp %sub3A_156 : vector<16x512xf32>
      %reduce_sum3A_158 = arith.constant dense<0.000000e+00> : vector<512xf32>
      %reduce_sum3A_159 = vector.multi_reduction <add>, %exp3A_157, %reduce_sum3A_158 [0] : vector<16x512xf32> to vector<512xf32>
      %broadcast_in_dim3A_160 = vector.shape_cast %reduce_sum3A_159 : vector<512xf32> to vector<1x512xf32>
      %log3A_161 = math.log %broadcast_in_dim3A_160 : vector<1x512xf32>
      %add3A_162 = arith.addf %broadcast_in_dim3A_154, %log3A_161 : vector<1x512xf32>
      %eq3A_163 = vector.broadcast %broadcast_in_dim3A_154 : vector<1x512xf32> to vector<16x512xf32>
      %eq3A_164 = arith.cmpf oeq, %get3A_146, %eq3A_163 : vector<16x512xf32>
      %jit3A_165 = arith.constant 16 : i32
      %broadcast_in_dim3A_166 = vector.broadcast %jit3A_165 : i32 to vector<16x512xi32>
      %select_n3A_167 = arith.select %eq3A_164, %iota3A, %broadcast_in_dim3A_166 : vector<16x512xi1>, vector<16x512xi32>
      %reduce_min3A_168 = arith.constant dense<2147483647> : vector<512xi32>
      %reduce_min3A_169 = vector.multi_reduction <minsi>, %select_n3A_167, %reduce_min3A_168 [0] : vector<16x512xi32> to vector<512xi32>
      %broadcast_in_dim3A_170 = vector.shape_cast %reduce_min3A_169 : vector<512xi32> to vector<1x512xi32>
      %eq3A_171 = vector.broadcast %get3A_151 : vector<1x512xi32> to vector<16x512xi32>
      %eq3A_172 = arith.cmpi eq, %iota3A, %eq3A_171 : vector<16x512xi32>
      %convert_element_type3A_173 = arith.extui %eq3A_172 : vector<16x512xi1> to vector<16x512xi32>
      %convert_element_type3A_174 = arith.sitofp %convert_element_type3A_173 : vector<16x512xi32> to vector<16x512xf32>
      %eq3A_175 = vector.broadcast %broadcast_in_dim3A_170 : vector<1x512xi32> to vector<16x512xi32>
      %eq3A_176 = arith.cmpi eq, %iota3A, %eq3A_175 : vector<16x512xi32>
      %convert_element_type3A_177 = arith.extui %eq3A_176 : vector<16x512xi1> to vector<16x512xi32>
      %convert_element_type3A_178 = arith.sitofp %convert_element_type3A_177 : vector<16x512xi32> to vector<16x512xf32>
      %eq3A_179 = arith.cmpi eq, %broadcast_in_dim3A_170, %get3A_151 : vector<1x512xi32>
      %convert_element_type3A_180 = arith.extui %eq3A_179 : vector<1x512xi1> to vector<1x512xi32>
      %convert_element_type3A_181 = arith.sitofp %convert_element_type3A_180 : vector<1x512xi32> to vector<1x512xf32>
      %add3A_182 = arith.addf %add3A_133, %convert_element_type3A_174 : vector<16x512xf32>
      %add3A_183 = arith.addf %add3A_134, %convert_element_type3A_178 : vector<16x512xf32>
      %mul3A_184 = vector.broadcast %convert_element_type3A_181 : vector<1x512xf32> to vector<16x512xf32>
      %mul3A_185 = arith.mulf %convert_element_type3A_178, %mul3A_184 : vector<16x512xf32>
      %add3A_186 = arith.addf %add3A_137, %mul3A_185 : vector<16x512xf32>
      %sub3A_187 = vector.broadcast %add3A_162 : vector<1x512xf32> to vector<16x512xf32>
      %sub3A_188 = arith.subf %get3A_146, %sub3A_187 : vector<16x512xf32>
      %mul3A_189 = arith.mulf %convert_element_type3A_174, %sub3A_188 : vector<16x512xf32>
      %add3A_190 = arith.addf %add3A_141, %mul3A_189 : vector<16x512xf32>
      %get3A_191 = arith.constant 0 : index
      %get3A_192 = arith.constant 0 : index
      %get3A_193 = arith.constant 1024 : index
      %get3A_194 = vector.load %arg3[%get3A_191, %get3A_192, %get3A_193] : memref<2x16x16384xf32, #tpu.memory_space<vmem>>, vector<1x16x512xf32>
      %get3A_195 = vector.shape_cast %get3A_194 : vector<1x16x512xf32> to vector<16x512xf32>
      %get3A_196 = arith.constant 0 : index
      %get3A_197 = arith.constant 2 : index
      %get3A_198 = arith.constant 0 : index
      %get3A_199 = vector.load %arg4[%get3A_196, %get3A_197, %get3A_198] : memref<2x32x512xi32, #tpu.memory_space<vmem>>, vector<1x1x512xi32>
      %get3A_200 = vector.shape_cast %get3A_199 : vector<1x1x512xi32> to vector<1x512xi32>
      %reduce_max3A_201 = arith.constant dense<0xFF800000> : vector<512xf32>
      %reduce_max3A_202 = vector.multi_reduction <maximumf>, %get3A_195, %reduce_max3A_201 [0] : vector<16x512xf32> to vector<512xf32>
      %broadcast_in_dim3A_203 = vector.shape_cast %reduce_max3A_202 : vector<512xf32> to vector<1x512xf32>
      %sub3A_204 = vector.broadcast %broadcast_in_dim3A_203 : vector<1x512xf32> to vector<16x512xf32>
      %sub3A_205 = arith.subf %get3A_195, %sub3A_204 : vector<16x512xf32>
      %exp3A_206 = math.exp %sub3A_205 : vector<16x512xf32>
      %reduce_sum3A_207 = arith.constant dense<0.000000e+00> : vector<512xf32>
      %reduce_sum3A_208 = vector.multi_reduction <add>, %exp3A_206, %reduce_sum3A_207 [0] : vector<16x512xf32> to vector<512xf32>
      %broadcast_in_dim3A_209 = vector.shape_cast %reduce_sum3A_208 : vector<512xf32> to vector<1x512xf32>
      %log3A_210 = math.log %broadcast_in_dim3A_209 : vector<1x512xf32>
      %add3A_211 = arith.addf %broadcast_in_dim3A_203, %log3A_210 : vector<1x512xf32>
      %eq3A_212 = vector.broadcast %broadcast_in_dim3A_203 : vector<1x512xf32> to vector<16x512xf32>
      %eq3A_213 = arith.cmpf oeq, %get3A_195, %eq3A_212 : vector<16x512xf32>
      %jit3A_214 = arith.constant 16 : i32
      %broadcast_in_dim3A_215 = vector.broadcast %jit3A_214 : i32 to vector<16x512xi32>
      %select_n3A_216 = arith.select %eq3A_213, %iota3A, %broadcast_in_dim3A_215 : vector<16x512xi1>, vector<16x512xi32>
      %reduce_min3A_217 = arith.constant dense<2147483647> : vector<512xi32>
      %reduce_min3A_218 = vector.multi_reduction <minsi>, %select_n3A_216, %reduce_min3A_217 [0] : vector<16x512xi32> to vector<512xi32>
      %broadcast_in_dim3A_219 = vector.shape_cast %reduce_min3A_218 : vector<512xi32> to vector<1x512xi32>
      %eq3A_220 = vector.broadcast %get3A_200 : vector<1x512xi32> to vector<16x512xi32>
      %eq3A_221 = arith.cmpi eq, %iota3A, %eq3A_220 : vector<16x512xi32>
      %convert_element_type3A_222 = arith.extui %eq3A_221 : vector<16x512xi1> to vector<16x512xi32>
      %convert_element_type3A_223 = arith.sitofp %convert_element_type3A_222 : vector<16x512xi32> to vector<16x512xf32>
      %eq3A_224 = vector.broadcast %broadcast_in_dim3A_219 : vector<1x512xi32> to vector<16x512xi32>
      %eq3A_225 = arith.cmpi eq, %iota3A, %eq3A_224 : vector<16x512xi32>
      %convert_element_type3A_226 = arith.extui %eq3A_225 : vector<16x512xi1> to vector<16x512xi32>
      %convert_element_type3A_227 = arith.sitofp %convert_element_type3A_226 : vector<16x512xi32> to vector<16x512xf32>
      %eq3A_228 = arith.cmpi eq, %broadcast_in_dim3A_219, %get3A_200 : vector<1x512xi32>
      %convert_element_type3A_229 = arith.extui %eq3A_228 : vector<1x512xi1> to vector<1x512xi32>
      %convert_element_type3A_230 = arith.sitofp %convert_element_type3A_229 : vector<1x512xi32> to vector<1x512xf32>
      %add3A_231 = arith.addf %add3A_182, %convert_element_type3A_223 : vector<16x512xf32>
      %add3A_232 = arith.addf %add3A_183, %convert_element_type3A_227 : vector<16x512xf32>
      %mul3A_233 = vector.broadcast %convert_element_type3A_230 : vector<1x512xf32> to vector<16x512xf32>
      %mul3A_234 = arith.mulf %convert_element_type3A_227, %mul3A_233 : vector<16x512xf32>
      %add3A_235 = arith.addf %add3A_186, %mul3A_234 : vector<16x512xf32>
      %sub3A_236 = vector.broadcast %add3A_211 : vector<1x512xf32> to vector<16x512xf32>
      %sub3A_237 = arith.subf %get3A_195, %sub3A_236 : vector<16x512xf32>
      %mul3A_238 = arith.mulf %convert_element_type3A_223, %sub3A_237 : vector<16x512xf32>
      %add3A_239 = arith.addf %add3A_190, %mul3A_238 : vector<16x512xf32>
      %get3A_240 = arith.constant 0 : index
      %get3A_241 = arith.constant 0 : index
      %get3A_242 = arith.constant 1536 : index
      %get3A_243 = vector.load %arg3[%get3A_240, %get3A_241, %get3A_242] : memref<2x16x16384xf32, #tpu.memory_space<vmem>>, vector<1x16x512xf32>
      %get3A_244 = vector.shape_cast %get3A_243 : vector<1x16x512xf32> to vector<16x512xf32>
      %get3A_245 = arith.constant 0 : index
      %get3A_246 = arith.constant 3 : index
      %get3A_247 = arith.constant 0 : index
      %get3A_248 = vector.load %arg4[%get3A_245, %get3A_246, %get3A_247] : memref<2x32x512xi32, #tpu.memory_space<vmem>>, vector<1x1x512xi32>
      %get3A_249 = vector.shape_cast %get3A_248 : vector<1x1x512xi32> to vector<1x512xi32>
      %reduce_max3A_250 = arith.constant dense<0xFF800000> : vector<512xf32>
      %reduce_max3A_251 = vector.multi_reduction <maximumf>, %get3A_244, %reduce_max3A_250 [0] : vector<16x512xf32> to vector<512xf32>
      %broadcast_in_dim3A_252 = vector.shape_cast %reduce_max3A_251 : vector<512xf32> to vector<1x512xf32>
      %sub3A_253 = vector.broadcast %broadcast_in_dim3A_252 : vector<1x512xf32> to vector<16x512xf32>
      %sub3A_254 = arith.subf %get3A_244, %sub3A_253 : vector<16x512xf32>
      %exp3A_255 = math.exp %sub3A_254 : vector<16x512xf32>
      %reduce_sum3A_256 = arith.constant dense<0.000000e+00> : vector<512xf32>
      %reduce_sum3A_257 = vector.multi_reduction <add>, %exp3A_255, %reduce_sum3A_256 [0] : vector<16x512xf32> to vector<512xf32>
      %broadcast_in_dim3A_258 = vector.shape_cast %reduce_sum3A_257 : vector<512xf32> to vector<1x512xf32>
      %log3A_259 = math.log %broadcast_in_dim3A_258 : vector<1x512xf32>
      %add3A_260 = arith.addf %broadcast_in_dim3A_252, %log3A_259 : vector<1x512xf32>
      %eq3A_261 = vector.broadcast %broadcast_in_dim3A_252 : vector<1x512xf32> to vector<16x512xf32>
      %eq3A_262 = arith.cmpf oeq, %get3A_244, %eq3A_261 : vector<16x512xf32>
      %jit3A_263 = arith.constant 16 : i32
      %broadcast_in_dim3A_264 = vector.broadcast %jit3A_263 : i32 to vector<16x512xi32>
      %select_n3A_265 = arith.select %eq3A_262, %iota3A, %broadcast_in_dim3A_264 : vector<16x512xi1>, vector<16x512xi32>
      %reduce_min3A_266 = arith.constant dense<2147483647> : vector<512xi32>
      %reduce_min3A_267 = vector.multi_reduction <minsi>, %select_n3A_265, %reduce_min3A_266 [0] : vector<16x512xi32> to vector<512xi32>
      %broadcast_in_dim3A_268 = vector.shape_cast %reduce_min3A_267 : vector<512xi32> to vector<1x512xi32>
      %eq3A_269 = vector.broadcast %get3A_249 : vector<1x512xi32> to vector<16x512xi32>
      %eq3A_270 = arith.cmpi eq, %iota3A, %eq3A_269 : vector<16x512xi32>
      %convert_element_type3A_271 = arith.extui %eq3A_270 : vector<16x512xi1> to vector<16x512xi32>
      %convert_element_type3A_272 = arith.sitofp %convert_element_type3A_271 : vector<16x512xi32> to vector<16x512xf32>
      %eq3A_273 = vector.broadcast %broadcast_in_dim3A_268 : vector<1x512xi32> to vector<16x512xi32>
      %eq3A_274 = arith.cmpi eq, %iota3A, %eq3A_273 : vector<16x512xi32>
      %convert_element_type3A_275 = arith.extui %eq3A_274 : vector<16x512xi1> to vector<16x512xi32>
      %convert_element_type3A_276 = arith.sitofp %convert_element_type3A_275 : vector<16x512xi32> to vector<16x512xf32>
      %eq3A_277 = arith.cmpi eq, %broadcast_in_dim3A_268, %get3A_249 : vector<1x512xi32>
      %convert_element_type3A_278 = arith.extui %eq3A_277 : vector<1x512xi1> to vector<1x512xi32>
      %convert_element_type3A_279 = arith.sitofp %convert_element_type3A_278 : vector<1x512xi32> to vector<1x512xf32>
      %add3A_280 = arith.addf %add3A_231, %convert_element_type3A_272 : vector<16x512xf32>
      %add3A_281 = arith.addf %add3A_232, %convert_element_type3A_276 : vector<16x512xf32>
      %mul3A_282 = vector.broadcast %convert_element_type3A_279 : vector<1x512xf32> to vector<16x512xf32>
      %mul3A_283 = arith.mulf %convert_element_type3A_276, %mul3A_282 : vector<16x512xf32>
      %add3A_284 = arith.addf %add3A_235, %mul3A_283 : vector<16x512xf32>
      %sub3A_285 = vector.broadcast %add3A_260 : vector<1x512xf32> to vector<16x512xf32>
      %sub3A_286 = arith.subf %get3A_244, %sub3A_285 : vector<16x512xf32>
      %mul3A_287 = arith.mulf %convert_element_type3A_272, %sub3A_286 : vector<16x512xf32>
      %add3A_288 = arith.addf %add3A_239, %mul3A_287 : vector<16x512xf32>
      %get3A_289 = arith.constant 0 : index
      %get3A_290 = arith.constant 0 : index
      %get3A_291 = arith.constant 2048 : index
      %get3A_292 = vector.load %arg3[%get3A_289, %get3A_290, %get3A_291] : memref<2x16x16384xf32, #tpu.memory_space<vmem>>, vector<1x16x512xf32>
      %get3A_293 = vector.shape_cast %get3A_292 : vector<1x16x512xf32> to vector<16x512xf32>
      %get3A_294 = arith.constant 0 : index
      %get3A_295 = arith.constant 4 : index
      %get3A_296 = arith.constant 0 : index
      %get3A_297 = vector.load %arg4[%get3A_294, %get3A_295, %get3A_296] : memref<2x32x512xi32, #tpu.memory_space<vmem>>, vector<1x1x512xi32>
      %get3A_298 = vector.shape_cast %get3A_297 : vector<1x1x512xi32> to vector<1x512xi32>
      %reduce_max3A_299 = arith.constant dense<0xFF800000> : vector<512xf32>
      %reduce_max3A_300 = vector.multi_reduction <maximumf>, %get3A_293, %reduce_max3A_299 [0] : vector<16x512xf32> to vector<512xf32>
      %broadcast_in_dim3A_301 = vector.shape_cast %reduce_max3A_300 : vector<512xf32> to vector<1x512xf32>
      %sub3A_302 = vector.broadcast %broadcast_in_dim3A_301 : vector<1x512xf32> to vector<16x512xf32>
      %sub3A_303 = arith.subf %get3A_293, %sub3A_302 : vector<16x512xf32>
      %exp3A_304 = math.exp %sub3A_303 : vector<16x512xf32>
      %reduce_sum3A_305 = arith.constant dense<0.000000e+00> : vector<512xf32>
      %reduce_sum3A_306 = vector.multi_reduction <add>, %exp3A_304, %reduce_sum3A_305 [0] : vector<16x512xf32> to vector<512xf32>
      %broadcast_in_dim3A_307 = vector.shape_cast %reduce_sum3A_306 : vector<512xf32> to vector<1x512xf32>
      %log3A_308 = math.log %broadcast_in_dim3A_307 : vector<1x512xf32>
      %add3A_309 = arith.addf %broadcast_in_dim3A_301, %log3A_308 : vector<1x512xf32>
      %eq3A_310 = vector.broadcast %broadcast_in_dim3A_301 : vector<1x512xf32> to vector<16x512xf32>
      %eq3A_311 = arith.cmpf oeq, %get3A_293, %eq3A_310 : vector<16x512xf32>
      %jit3A_312 = arith.constant 16 : i32
      %broadcast_in_dim3A_313 = vector.broadcast %jit3A_312 : i32 to vector<16x512xi32>
      %select_n3A_314 = arith.select %eq3A_311, %iota3A, %broadcast_in_dim3A_313 : vector<16x512xi1>, vector<16x512xi32>
      %reduce_min3A_315 = arith.constant dense<2147483647> : vector<512xi32>
      %reduce_min3A_316 = vector.multi_reduction <minsi>, %select_n3A_314, %reduce_min3A_315 [0] : vector<16x512xi32> to vector<512xi32>
      %broadcast_in_dim3A_317 = vector.shape_cast %reduce_min3A_316 : vector<512xi32> to vector<1x512xi32>
      %eq3A_318 = vector.broadcast %get3A_298 : vector<1x512xi32> to vector<16x512xi32>
      %eq3A_319 = arith.cmpi eq, %iota3A, %eq3A_318 : vector<16x512xi32>
      %convert_element_type3A_320 = arith.extui %eq3A_319 : vector<16x512xi1> to vector<16x512xi32>
      %convert_element_type3A_321 = arith.sitofp %convert_element_type3A_320 : vector<16x512xi32> to vector<16x512xf32>
      %eq3A_322 = vector.broadcast %broadcast_in_dim3A_317 : vector<1x512xi32> to vector<16x512xi32>
      %eq3A_323 = arith.cmpi eq, %iota3A, %eq3A_322 : vector<16x512xi32>
      %convert_element_type3A_324 = arith.extui %eq3A_323 : vector<16x512xi1> to vector<16x512xi32>
      %convert_element_type3A_325 = arith.sitofp %convert_element_type3A_324 : vector<16x512xi32> to vector<16x512xf32>
      %eq3A_326 = arith.cmpi eq, %broadcast_in_dim3A_317, %get3A_298 : vector<1x512xi32>
      %convert_element_type3A_327 = arith.extui %eq3A_326 : vector<1x512xi1> to vector<1x512xi32>
      %convert_element_type3A_328 = arith.sitofp %convert_element_type3A_327 : vector<1x512xi32> to vector<1x512xf32>
      %add3A_329 = arith.addf %add3A_280, %convert_element_type3A_321 : vector<16x512xf32>
      %add3A_330 = arith.addf %add3A_281, %convert_element_type3A_325 : vector<16x512xf32>
      %mul3A_331 = vector.broadcast %convert_element_type3A_328 : vector<1x512xf32> to vector<16x512xf32>
      %mul3A_332 = arith.mulf %convert_element_type3A_325, %mul3A_331 : vector<16x512xf32>
      %add3A_333 = arith.addf %add3A_284, %mul3A_332 : vector<16x512xf32>
      %sub3A_334 = vector.broadcast %add3A_309 : vector<1x512xf32> to vector<16x512xf32>
      %sub3A_335 = arith.subf %get3A_293, %sub3A_334 : vector<16x512xf32>
      %mul3A_336 = arith.mulf %convert_element_type3A_321, %sub3A_335 : vector<16x512xf32>
      %add3A_337 = arith.addf %add3A_288, %mul3A_336 : vector<16x512xf32>
      %get3A_338 = arith.constant 0 : index
      %get3A_339 = arith.constant 0 : index
      %get3A_340 = arith.constant 2560 : index
      %get3A_341 = vector.load %arg3[%get3A_338, %get3A_339, %get3A_340] : memref<2x16x16384xf32, #tpu.memory_space<vmem>>, vector<1x16x512xf32>
      %get3A_342 = vector.shape_cast %get3A_341 : vector<1x16x512xf32> to vector<16x512xf32>
      %get3A_343 = arith.constant 0 : index
      %get3A_344 = arith.constant 5 : index
      %get3A_345 = arith.constant 0 : index
      %get3A_346 = vector.load %arg4[%get3A_343, %get3A_344, %get3A_345] : memref<2x32x512xi32, #tpu.memory_space<vmem>>, vector<1x1x512xi32>
      %get3A_347 = vector.shape_cast %get3A_346 : vector<1x1x512xi32> to vector<1x512xi32>
      %reduce_max3A_348 = arith.constant dense<0xFF800000> : vector<512xf32>
      %reduce_max3A_349 = vector.multi_reduction <maximumf>, %get3A_342, %reduce_max3A_348 [0] : vector<16x512xf32> to vector<512xf32>
      %broadcast_in_dim3A_350 = vector.shape_cast %reduce_max3A_349 : vector<512xf32> to vector<1x512xf32>
      %sub3A_351 = vector.broadcast %broadcast_in_dim3A_350 : vector<1x512xf32> to vector<16x512xf32>
      %sub3A_352 = arith.subf %get3A_342, %sub3A_351 : vector<16x512xf32>
      %exp3A_353 = math.exp %sub3A_352 : vector<16x512xf32>
      %reduce_sum3A_354 = arith.constant dense<0.000000e+00> : vector<512xf32>
      %reduce_sum3A_355 = vector.multi_reduction <add>, %exp3A_353, %reduce_sum3A_354 [0] : vector<16x512xf32> to vector<512xf32>
      %broadcast_in_dim3A_356 = vector.shape_cast %reduce_sum3A_355 : vector<512xf32> to vector<1x512xf32>
      %log3A_357 = math.log %broadcast_in_dim3A_356 : vector<1x512xf32>
      %add3A_358 = arith.addf %broadcast_in_dim3A_350, %log3A_357 : vector<1x512xf32>
      %eq3A_359 = vector.broadcast %broadcast_in_dim3A_350 : vector<1x512xf32> to vector<16x512xf32>
      %eq3A_360 = arith.cmpf oeq, %get3A_342, %eq3A_359 : vector<16x512xf32>
      %jit3A_361 = arith.constant 16 : i32
      %broadcast_in_dim3A_362 = vector.broadcast %jit3A_361 : i32 to vector<16x512xi32>
      %select_n3A_363 = arith.select %eq3A_360, %iota3A, %broadcast_in_dim3A_362 : vector<16x512xi1>, vector<16x512xi32>
      %reduce_min3A_364 = arith.constant dense<2147483647> : vector<512xi32>
      %reduce_min3A_365 = vector.multi_reduction <minsi>, %select_n3A_363, %reduce_min3A_364 [0] : vector<16x512xi32> to vector<512xi32>
      %broadcast_in_dim3A_366 = vector.shape_cast %reduce_min3A_365 : vector<512xi32> to vector<1x512xi32>
      %eq3A_367 = vector.broadcast %get3A_347 : vector<1x512xi32> to vector<16x512xi32>
      %eq3A_368 = arith.cmpi eq, %iota3A, %eq3A_367 : vector<16x512xi32>
      %convert_element_type3A_369 = arith.extui %eq3A_368 : vector<16x512xi1> to vector<16x512xi32>
      %convert_element_type3A_370 = arith.sitofp %convert_element_type3A_369 : vector<16x512xi32> to vector<16x512xf32>
      %eq3A_371 = vector.broadcast %broadcast_in_dim3A_366 : vector<1x512xi32> to vector<16x512xi32>
      %eq3A_372 = arith.cmpi eq, %iota3A, %eq3A_371 : vector<16x512xi32>
      %convert_element_type3A_373 = arith.extui %eq3A_372 : vector<16x512xi1> to vector<16x512xi32>
      %convert_element_type3A_374 = arith.sitofp %convert_element_type3A_373 : vector<16x512xi32> to vector<16x512xf32>
      %eq3A_375 = arith.cmpi eq, %broadcast_in_dim3A_366, %get3A_347 : vector<1x512xi32>
      %convert_element_type3A_376 = arith.extui %eq3A_375 : vector<1x512xi1> to vector<1x512xi32>
      %convert_element_type3A_377 = arith.sitofp %convert_element_type3A_376 : vector<1x512xi32> to vector<1x512xf32>
      %add3A_378 = arith.addf %add3A_329, %convert_element_type3A_370 : vector<16x512xf32>
      %add3A_379 = arith.addf %add3A_330, %convert_element_type3A_374 : vector<16x512xf32>
      %mul3A_380 = vector.broadcast %convert_element_type3A_377 : vector<1x512xf32> to vector<16x512xf32>
      %mul3A_381 = arith.mulf %convert_element_type3A_374, %mul3A_380 : vector<16x512xf32>
      %add3A_382 = arith.addf %add3A_333, %mul3A_381 : vector<16x512xf32>
      %sub3A_383 = vector.broadcast %add3A_358 : vector<1x512xf32> to vector<16x512xf32>
      %sub3A_384 = arith.subf %get3A_342, %sub3A_383 : vector<16x512xf32>
      %mul3A_385 = arith.mulf %convert_element_type3A_370, %sub3A_384 : vector<16x512xf32>
      %add3A_386 = arith.addf %add3A_337, %mul3A_385 : vector<16x512xf32>
      %get3A_387 = arith.constant 0 : index
      %get3A_388 = arith.constant 0 : index
      %get3A_389 = arith.constant 3072 : index
      %get3A_390 = vector.load %arg3[%get3A_387, %get3A_388, %get3A_389] : memref<2x16x16384xf32, #tpu.memory_space<vmem>>, vector<1x16x512xf32>
      %get3A_391 = vector.shape_cast %get3A_390 : vector<1x16x512xf32> to vector<16x512xf32>
      %get3A_392 = arith.constant 0 : index
      %get3A_393 = arith.constant 6 : index
      %get3A_394 = arith.constant 0 : index
      %get3A_395 = vector.load %arg4[%get3A_392, %get3A_393, %get3A_394] : memref<2x32x512xi32, #tpu.memory_space<vmem>>, vector<1x1x512xi32>
      %get3A_396 = vector.shape_cast %get3A_395 : vector<1x1x512xi32> to vector<1x512xi32>
      %reduce_max3A_397 = arith.constant dense<0xFF800000> : vector<512xf32>
      %reduce_max3A_398 = vector.multi_reduction <maximumf>, %get3A_391, %reduce_max3A_397 [0] : vector<16x512xf32> to vector<512xf32>
      %broadcast_in_dim3A_399 = vector.shape_cast %reduce_max3A_398 : vector<512xf32> to vector<1x512xf32>
      %sub3A_400 = vector.broadcast %broadcast_in_dim3A_399 : vector<1x512xf32> to vector<16x512xf32>
      %sub3A_401 = arith.subf %get3A_391, %sub3A_400 : vector<16x512xf32>
      %exp3A_402 = math.exp %sub3A_401 : vector<16x512xf32>
      %reduce_sum3A_403 = arith.constant dense<0.000000e+00> : vector<512xf32>
      %reduce_sum3A_404 = vector.multi_reduction <add>, %exp3A_402, %reduce_sum3A_403 [0] : vector<16x512xf32> to vector<512xf32>
      %broadcast_in_dim3A_405 = vector.shape_cast %reduce_sum3A_404 : vector<512xf32> to vector<1x512xf32>
      %log3A_406 = math.log %broadcast_in_dim3A_405 : vector<1x512xf32>
      %add3A_407 = arith.addf %broadcast_in_dim3A_399, %log3A_406 : vector<1x512xf32>
      %eq3A_408 = vector.broadcast %broadcast_in_dim3A_399 : vector<1x512xf32> to vector<16x512xf32>
      %eq3A_409 = arith.cmpf oeq, %get3A_391, %eq3A_408 : vector<16x512xf32>
      %jit3A_410 = arith.constant 16 : i32
      %broadcast_in_dim3A_411 = vector.broadcast %jit3A_410 : i32 to vector<16x512xi32>
      %select_n3A_412 = arith.select %eq3A_409, %iota3A, %broadcast_in_dim3A_411 : vector<16x512xi1>, vector<16x512xi32>
      %reduce_min3A_413 = arith.constant dense<2147483647> : vector<512xi32>
      %reduce_min3A_414 = vector.multi_reduction <minsi>, %select_n3A_412, %reduce_min3A_413 [0] : vector<16x512xi32> to vector<512xi32>
      %broadcast_in_dim3A_415 = vector.shape_cast %reduce_min3A_414 : vector<512xi32> to vector<1x512xi32>
      %eq3A_416 = vector.broadcast %get3A_396 : vector<1x512xi32> to vector<16x512xi32>
      %eq3A_417 = arith.cmpi eq, %iota3A, %eq3A_416 : vector<16x512xi32>
      %convert_element_type3A_418 = arith.extui %eq3A_417 : vector<16x512xi1> to vector<16x512xi32>
      %convert_element_type3A_419 = arith.sitofp %convert_element_type3A_418 : vector<16x512xi32> to vector<16x512xf32>
      %eq3A_420 = vector.broadcast %broadcast_in_dim3A_415 : vector<1x512xi32> to vector<16x512xi32>
      %eq3A_421 = arith.cmpi eq, %iota3A, %eq3A_420 : vector<16x512xi32>
      %convert_element_type3A_422 = arith.extui %eq3A_421 : vector<16x512xi1> to vector<16x512xi32>
      %convert_element_type3A_423 = arith.sitofp %convert_element_type3A_422 : vector<16x512xi32> to vector<16x512xf32>
      %eq3A_424 = arith.cmpi eq, %broadcast_in_dim3A_415, %get3A_396 : vector<1x512xi32>
      %convert_element_type3A_425 = arith.extui %eq3A_424 : vector<1x512xi1> to vector<1x512xi32>
      %convert_element_type3A_426 = arith.sitofp %convert_element_type3A_425 : vector<1x512xi32> to vector<1x512xf32>
      %add3A_427 = arith.addf %add3A_378, %convert_element_type3A_419 : vector<16x512xf32>
      %add3A_428 = arith.addf %add3A_379, %convert_element_type3A_423 : vector<16x512xf32>
      %mul3A_429 = vector.broadcast %convert_element_type3A_426 : vector<1x512xf32> to vector<16x512xf32>
      %mul3A_430 = arith.mulf %convert_element_type3A_423, %mul3A_429 : vector<16x512xf32>
      %add3A_431 = arith.addf %add3A_382, %mul3A_430 : vector<16x512xf32>
      %sub3A_432 = vector.broadcast %add3A_407 : vector<1x512xf32> to vector<16x512xf32>
      %sub3A_433 = arith.subf %get3A_391, %sub3A_432 : vector<16x512xf32>
      %mul3A_434 = arith.mulf %convert_element_type3A_419, %sub3A_433 : vector<16x512xf32>
      %add3A_435 = arith.addf %add3A_386, %mul3A_434 : vector<16x512xf32>
      %get3A_436 = arith.constant 0 : index
      %get3A_437 = arith.constant 0 : index
      %get3A_438 = arith.constant 3584 : index
      %get3A_439 = vector.load %arg3[%get3A_436, %get3A_437, %get3A_438] : memref<2x16x16384xf32, #tpu.memory_space<vmem>>, vector<1x16x512xf32>
      %get3A_440 = vector.shape_cast %get3A_439 : vector<1x16x512xf32> to vector<16x512xf32>
      %get3A_441 = arith.constant 0 : index
      %get3A_442 = arith.constant 7 : index
      %get3A_443 = arith.constant 0 : index
      %get3A_444 = vector.load %arg4[%get3A_441, %get3A_442, %get3A_443] : memref<2x32x512xi32, #tpu.memory_space<vmem>>, vector<1x1x512xi32>
      %get3A_445 = vector.shape_cast %get3A_444 : vector<1x1x512xi32> to vector<1x512xi32>
      %reduce_max3A_446 = arith.constant dense<0xFF800000> : vector<512xf32>
      %reduce_max3A_447 = vector.multi_reduction <maximumf>, %get3A_440, %reduce_max3A_446 [0] : vector<16x512xf32> to vector<512xf32>
      %broadcast_in_dim3A_448 = vector.shape_cast %reduce_max3A_447 : vector<512xf32> to vector<1x512xf32>
      %sub3A_449 = vector.broadcast %broadcast_in_dim3A_448 : vector<1x512xf32> to vector<16x512xf32>
      %sub3A_450 = arith.subf %get3A_440, %sub3A_449 : vector<16x512xf32>
      %exp3A_451 = math.exp %sub3A_450 : vector<16x512xf32>
      %reduce_sum3A_452 = arith.constant dense<0.000000e+00> : vector<512xf32>
      %reduce_sum3A_453 = vector.multi_reduction <add>, %exp3A_451, %reduce_sum3A_452 [0] : vector<16x512xf32> to vector<512xf32>
      %broadcast_in_dim3A_454 = vector.shape_cast %reduce_sum3A_453 : vector<512xf32> to vector<1x512xf32>
      %log3A_455 = math.log %broadcast_in_dim3A_454 : vector<1x512xf32>
      %add3A_456 = arith.addf %broadcast_in_dim3A_448, %log3A_455 : vector<1x512xf32>
      %eq3A_457 = vector.broadcast %broadcast_in_dim3A_448 : vector<1x512xf32> to vector<16x512xf32>
      %eq3A_458 = arith.cmpf oeq, %get3A_440, %eq3A_457 : vector<16x512xf32>
      %jit3A_459 = arith.constant 16 : i32
      %broadcast_in_dim3A_460 = vector.broadcast %jit3A_459 : i32 to vector<16x512xi32>
      %select_n3A_461 = arith.select %eq3A_458, %iota3A, %broadcast_in_dim3A_460 : vector<16x512xi1>, vector<16x512xi32>
      %reduce_min3A_462 = arith.constant dense<2147483647> : vector<512xi32>
      %reduce_min3A_463 = vector.multi_reduction <minsi>, %select_n3A_461, %reduce_min3A_462 [0] : vector<16x512xi32> to vector<512xi32>
      %broadcast_in_dim3A_464 = vector.shape_cast %reduce_min3A_463 : vector<512xi32> to vector<1x512xi32>
      %eq3A_465 = vector.broadcast %get3A_445 : vector<1x512xi32> to vector<16x512xi32>
      %eq3A_466 = arith.cmpi eq, %iota3A, %eq3A_465 : vector<16x512xi32>
      %convert_element_type3A_467 = arith.extui %eq3A_466 : vector<16x512xi1> to vector<16x512xi32>
      %convert_element_type3A_468 = arith.sitofp %convert_element_type3A_467 : vector<16x512xi32> to vector<16x512xf32>
      %eq3A_469 = vector.broadcast %broadcast_in_dim3A_464 : vector<1x512xi32> to vector<16x512xi32>
      %eq3A_470 = arith.cmpi eq, %iota3A, %eq3A_469 : vector<16x512xi32>
      %convert_element_type3A_471 = arith.extui %eq3A_470 : vector<16x512xi1> to vector<16x512xi32>
      %convert_element_type3A_472 = arith.sitofp %convert_element_type3A_471 : vector<16x512xi32> to vector<16x512xf32>
      %eq3A_473 = arith.cmpi eq, %broadcast_in_dim3A_464, %get3A_445 : vector<1x512xi32>
      %convert_element_type3A_474 = arith.extui %eq3A_473 : vector<1x512xi1> to vector<1x512xi32>
      %convert_element_type3A_475 = arith.sitofp %convert_element_type3A_474 : vector<1x512xi32> to vector<1x512xf32>
      %add3A_476 = arith.addf %add3A_427, %convert_element_type3A_468 : vector<16x512xf32>
      %add3A_477 = arith.addf %add3A_428, %convert_element_type3A_472 : vector<16x512xf32>
      %mul3A_478 = vector.broadcast %convert_element_type3A_475 : vector<1x512xf32> to vector<16x512xf32>
      %mul3A_479 = arith.mulf %convert_element_type3A_472, %mul3A_478 : vector<16x512xf32>
      %add3A_480 = arith.addf %add3A_431, %mul3A_479 : vector<16x512xf32>
      %sub3A_481 = vector.broadcast %add3A_456 : vector<1x512xf32> to vector<16x512xf32>
      %sub3A_482 = arith.subf %get3A_440, %sub3A_481 : vector<16x512xf32>
      %mul3A_483 = arith.mulf %convert_element_type3A_468, %sub3A_482 : vector<16x512xf32>
      %add3A_484 = arith.addf %add3A_435, %mul3A_483 : vector<16x512xf32>
      %get3A_485 = arith.constant 0 : index
      %get3A_486 = arith.constant 0 : index
      %get3A_487 = arith.constant 4096 : index
      %get3A_488 = vector.load %arg3[%get3A_485, %get3A_486, %get3A_487] : memref<2x16x16384xf32, #tpu.memory_space<vmem>>, vector<1x16x512xf32>
      %get3A_489 = vector.shape_cast %get3A_488 : vector<1x16x512xf32> to vector<16x512xf32>
      %get3A_490 = arith.constant 0 : index
      %get3A_491 = arith.constant 8 : index
      %get3A_492 = arith.constant 0 : index
      %get3A_493 = vector.load %arg4[%get3A_490, %get3A_491, %get3A_492] : memref<2x32x512xi32, #tpu.memory_space<vmem>>, vector<1x1x512xi32>
      %get3A_494 = vector.shape_cast %get3A_493 : vector<1x1x512xi32> to vector<1x512xi32>
      %reduce_max3A_495 = arith.constant dense<0xFF800000> : vector<512xf32>
      %reduce_max3A_496 = vector.multi_reduction <maximumf>, %get3A_489, %reduce_max3A_495 [0] : vector<16x512xf32> to vector<512xf32>
      %broadcast_in_dim3A_497 = vector.shape_cast %reduce_max3A_496 : vector<512xf32> to vector<1x512xf32>
      %sub3A_498 = vector.broadcast %broadcast_in_dim3A_497 : vector<1x512xf32> to vector<16x512xf32>
      %sub3A_499 = arith.subf %get3A_489, %sub3A_498 : vector<16x512xf32>
      %exp3A_500 = math.exp %sub3A_499 : vector<16x512xf32>
      %reduce_sum3A_501 = arith.constant dense<0.000000e+00> : vector<512xf32>
      %reduce_sum3A_502 = vector.multi_reduction <add>, %exp3A_500, %reduce_sum3A_501 [0] : vector<16x512xf32> to vector<512xf32>
      %broadcast_in_dim3A_503 = vector.shape_cast %reduce_sum3A_502 : vector<512xf32> to vector<1x512xf32>
      %log3A_504 = math.log %broadcast_in_dim3A_503 : vector<1x512xf32>
      %add3A_505 = arith.addf %broadcast_in_dim3A_497, %log3A_504 : vector<1x512xf32>
      %eq3A_506 = vector.broadcast %broadcast_in_dim3A_497 : vector<1x512xf32> to vector<16x512xf32>
      %eq3A_507 = arith.cmpf oeq, %get3A_489, %eq3A_506 : vector<16x512xf32>
      %jit3A_508 = arith.constant 16 : i32
      %broadcast_in_dim3A_509 = vector.broadcast %jit3A_508 : i32 to vector<16x512xi32>
      %select_n3A_510 = arith.select %eq3A_507, %iota3A, %broadcast_in_dim3A_509 : vector<16x512xi1>, vector<16x512xi32>
      %reduce_min3A_511 = arith.constant dense<2147483647> : vector<512xi32>
      %reduce_min3A_512 = vector.multi_reduction <minsi>, %select_n3A_510, %reduce_min3A_511 [0] : vector<16x512xi32> to vector<512xi32>
      %broadcast_in_dim3A_513 = vector.shape_cast %reduce_min3A_512 : vector<512xi32> to vector<1x512xi32>
      %eq3A_514 = vector.broadcast %get3A_494 : vector<1x512xi32> to vector<16x512xi32>
      %eq3A_515 = arith.cmpi eq, %iota3A, %eq3A_514 : vector<16x512xi32>
      %convert_element_type3A_516 = arith.extui %eq3A_515 : vector<16x512xi1> to vector<16x512xi32>
      %convert_element_type3A_517 = arith.sitofp %convert_element_type3A_516 : vector<16x512xi32> to vector<16x512xf32>
      %eq3A_518 = vector.broadcast %broadcast_in_dim3A_513 : vector<1x512xi32> to vector<16x512xi32>
      %eq3A_519 = arith.cmpi eq, %iota3A, %eq3A_518 : vector<16x512xi32>
      %convert_element_type3A_520 = arith.extui %eq3A_519 : vector<16x512xi1> to vector<16x512xi32>
      %convert_element_type3A_521 = arith.sitofp %convert_element_type3A_520 : vector<16x512xi32> to vector<16x512xf32>
      %eq3A_522 = arith.cmpi eq, %broadcast_in_dim3A_513, %get3A_494 : vector<1x512xi32>
      %convert_element_type3A_523 = arith.extui %eq3A_522 : vector<1x512xi1> to vector<1x512xi32>
      %convert_element_type3A_524 = arith.sitofp %convert_element_type3A_523 : vector<1x512xi32> to vector<1x512xf32>
      %add3A_525 = arith.addf %add3A_476, %convert_element_type3A_517 : vector<16x512xf32>
      %add3A_526 = arith.addf %add3A_477, %convert_element_type3A_521 : vector<16x512xf32>
      %mul3A_527 = vector.broadcast %convert_element_type3A_524 : vector<1x512xf32> to vector<16x512xf32>
      %mul3A_528 = arith.mulf %convert_element_type3A_521, %mul3A_527 : vector<16x512xf32>
      %add3A_529 = arith.addf %add3A_480, %mul3A_528 : vector<16x512xf32>
      %sub3A_530 = vector.broadcast %add3A_505 : vector<1x512xf32> to vector<16x512xf32>
      %sub3A_531 = arith.subf %get3A_489, %sub3A_530 : vector<16x512xf32>
      %mul3A_532 = arith.mulf %convert_element_type3A_517, %sub3A_531 : vector<16x512xf32>
      %add3A_533 = arith.addf %add3A_484, %mul3A_532 : vector<16x512xf32>
      %get3A_534 = arith.constant 0 : index
      %get3A_535 = arith.constant 0 : index
      %get3A_536 = arith.constant 4608 : index
      %get3A_537 = vector.load %arg3[%get3A_534, %get3A_535, %get3A_536] : memref<2x16x16384xf32, #tpu.memory_space<vmem>>, vector<1x16x512xf32>
      %get3A_538 = vector.shape_cast %get3A_537 : vector<1x16x512xf32> to vector<16x512xf32>
      %get3A_539 = arith.constant 0 : index
      %get3A_540 = arith.constant 9 : index
      %get3A_541 = arith.constant 0 : index
      %get3A_542 = vector.load %arg4[%get3A_539, %get3A_540, %get3A_541] : memref<2x32x512xi32, #tpu.memory_space<vmem>>, vector<1x1x512xi32>
      %get3A_543 = vector.shape_cast %get3A_542 : vector<1x1x512xi32> to vector<1x512xi32>
      %reduce_max3A_544 = arith.constant dense<0xFF800000> : vector<512xf32>
      %reduce_max3A_545 = vector.multi_reduction <maximumf>, %get3A_538, %reduce_max3A_544 [0] : vector<16x512xf32> to vector<512xf32>
      %broadcast_in_dim3A_546 = vector.shape_cast %reduce_max3A_545 : vector<512xf32> to vector<1x512xf32>
      %sub3A_547 = vector.broadcast %broadcast_in_dim3A_546 : vector<1x512xf32> to vector<16x512xf32>
      %sub3A_548 = arith.subf %get3A_538, %sub3A_547 : vector<16x512xf32>
      %exp3A_549 = math.exp %sub3A_548 : vector<16x512xf32>
      %reduce_sum3A_550 = arith.constant dense<0.000000e+00> : vector<512xf32>
      %reduce_sum3A_551 = vector.multi_reduction <add>, %exp3A_549, %reduce_sum3A_550 [0] : vector<16x512xf32> to vector<512xf32>
      %broadcast_in_dim3A_552 = vector.shape_cast %reduce_sum3A_551 : vector<512xf32> to vector<1x512xf32>
      %log3A_553 = math.log %broadcast_in_dim3A_552 : vector<1x512xf32>
      %add3A_554 = arith.addf %broadcast_in_dim3A_546, %log3A_553 : vector<1x512xf32>
      %eq3A_555 = vector.broadcast %broadcast_in_dim3A_546 : vector<1x512xf32> to vector<16x512xf32>
      %eq3A_556 = arith.cmpf oeq, %get3A_538, %eq3A_555 : vector<16x512xf32>
      %jit3A_557 = arith.constant 16 : i32
      %broadcast_in_dim3A_558 = vector.broadcast %jit3A_557 : i32 to vector<16x512xi32>
      %select_n3A_559 = arith.select %eq3A_556, %iota3A, %broadcast_in_dim3A_558 : vector<16x512xi1>, vector<16x512xi32>
      %reduce_min3A_560 = arith.constant dense<2147483647> : vector<512xi32>
      %reduce_min3A_561 = vector.multi_reduction <minsi>, %select_n3A_559, %reduce_min3A_560 [0] : vector<16x512xi32> to vector<512xi32>
      %broadcast_in_dim3A_562 = vector.shape_cast %reduce_min3A_561 : vector<512xi32> to vector<1x512xi32>
      %eq3A_563 = vector.broadcast %get3A_543 : vector<1x512xi32> to vector<16x512xi32>
      %eq3A_564 = arith.cmpi eq, %iota3A, %eq3A_563 : vector<16x512xi32>
      %convert_element_type3A_565 = arith.extui %eq3A_564 : vector<16x512xi1> to vector<16x512xi32>
      %convert_element_type3A_566 = arith.sitofp %convert_element_type3A_565 : vector<16x512xi32> to vector<16x512xf32>
      %eq3A_567 = vector.broadcast %broadcast_in_dim3A_562 : vector<1x512xi32> to vector<16x512xi32>
      %eq3A_568 = arith.cmpi eq, %iota3A, %eq3A_567 : vector<16x512xi32>
      %convert_element_type3A_569 = arith.extui %eq3A_568 : vector<16x512xi1> to vector<16x512xi32>
      %convert_element_type3A_570 = arith.sitofp %convert_element_type3A_569 : vector<16x512xi32> to vector<16x512xf32>
      %eq3A_571 = arith.cmpi eq, %broadcast_in_dim3A_562, %get3A_543 : vector<1x512xi32>
      %convert_element_type3A_572 = arith.extui %eq3A_571 : vector<1x512xi1> to vector<1x512xi32>
      %convert_element_type3A_573 = arith.sitofp %convert_element_type3A_572 : vector<1x512xi32> to vector<1x512xf32>
      %add3A_574 = arith.addf %add3A_525, %convert_element_type3A_566 : vector<16x512xf32>
      %add3A_575 = arith.addf %add3A_526, %convert_element_type3A_570 : vector<16x512xf32>
      %mul3A_576 = vector.broadcast %convert_element_type3A_573 : vector<1x512xf32> to vector<16x512xf32>
      %mul3A_577 = arith.mulf %convert_element_type3A_570, %mul3A_576 : vector<16x512xf32>
      %add3A_578 = arith.addf %add3A_529, %mul3A_577 : vector<16x512xf32>
      %sub3A_579 = vector.broadcast %add3A_554 : vector<1x512xf32> to vector<16x512xf32>
      %sub3A_580 = arith.subf %get3A_538, %sub3A_579 : vector<16x512xf32>
      %mul3A_581 = arith.mulf %convert_element_type3A_566, %sub3A_580 : vector<16x512xf32>
      %add3A_582 = arith.addf %add3A_533, %mul3A_581 : vector<16x512xf32>
      %get3A_583 = arith.constant 0 : index
      %get3A_584 = arith.constant 0 : index
      %get3A_585 = arith.constant 5120 : index
      %get3A_586 = vector.load %arg3[%get3A_583, %get3A_584, %get3A_585] : memref<2x16x16384xf32, #tpu.memory_space<vmem>>, vector<1x16x512xf32>
      %get3A_587 = vector.shape_cast %get3A_586 : vector<1x16x512xf32> to vector<16x512xf32>
      %get3A_588 = arith.constant 0 : index
      %get3A_589 = arith.constant 10 : index
      %get3A_590 = arith.constant 0 : index
      %get3A_591 = vector.load %arg4[%get3A_588, %get3A_589, %get3A_590] : memref<2x32x512xi32, #tpu.memory_space<vmem>>, vector<1x1x512xi32>
      %get3A_592 = vector.shape_cast %get3A_591 : vector<1x1x512xi32> to vector<1x512xi32>
      %reduce_max3A_593 = arith.constant dense<0xFF800000> : vector<512xf32>
      %reduce_max3A_594 = vector.multi_reduction <maximumf>, %get3A_587, %reduce_max3A_593 [0] : vector<16x512xf32> to vector<512xf32>
      %broadcast_in_dim3A_595 = vector.shape_cast %reduce_max3A_594 : vector<512xf32> to vector<1x512xf32>
      %sub3A_596 = vector.broadcast %broadcast_in_dim3A_595 : vector<1x512xf32> to vector<16x512xf32>
      %sub3A_597 = arith.subf %get3A_587, %sub3A_596 : vector<16x512xf32>
      %exp3A_598 = math.exp %sub3A_597 : vector<16x512xf32>
      %reduce_sum3A_599 = arith.constant dense<0.000000e+00> : vector<512xf32>
      %reduce_sum3A_600 = vector.multi_reduction <add>, %exp3A_598, %reduce_sum3A_599 [0] : vector<16x512xf32> to vector<512xf32>
      %broadcast_in_dim3A_601 = vector.shape_cast %reduce_sum3A_600 : vector<512xf32> to vector<1x512xf32>
      %log3A_602 = math.log %broadcast_in_dim3A_601 : vector<1x512xf32>
      %add3A_603 = arith.addf %broadcast_in_dim3A_595, %log3A_602 : vector<1x512xf32>
      %eq3A_604 = vector.broadcast %broadcast_in_dim3A_595 : vector<1x512xf32> to vector<16x512xf32>
      %eq3A_605 = arith.cmpf oeq, %get3A_587, %eq3A_604 : vector<16x512xf32>
      %jit3A_606 = arith.constant 16 : i32
      %broadcast_in_dim3A_607 = vector.broadcast %jit3A_606 : i32 to vector<16x512xi32>
      %select_n3A_608 = arith.select %eq3A_605, %iota3A, %broadcast_in_dim3A_607 : vector<16x512xi1>, vector<16x512xi32>
      %reduce_min3A_609 = arith.constant dense<2147483647> : vector<512xi32>
      %reduce_min3A_610 = vector.multi_reduction <minsi>, %select_n3A_608, %reduce_min3A_609 [0] : vector<16x512xi32> to vector<512xi32>
      %broadcast_in_dim3A_611 = vector.shape_cast %reduce_min3A_610 : vector<512xi32> to vector<1x512xi32>
      %eq3A_612 = vector.broadcast %get3A_592 : vector<1x512xi32> to vector<16x512xi32>
      %eq3A_613 = arith.cmpi eq, %iota3A, %eq3A_612 : vector<16x512xi32>
      %convert_element_type3A_614 = arith.extui %eq3A_613 : vector<16x512xi1> to vector<16x512xi32>
      %convert_element_type3A_615 = arith.sitofp %convert_element_type3A_614 : vector<16x512xi32> to vector<16x512xf32>
      %eq3A_616 = vector.broadcast %broadcast_in_dim3A_611 : vector<1x512xi32> to vector<16x512xi32>
      %eq3A_617 = arith.cmpi eq, %iota3A, %eq3A_616 : vector<16x512xi32>
      %convert_element_type3A_618 = arith.extui %eq3A_617 : vector<16x512xi1> to vector<16x512xi32>
      %convert_element_type3A_619 = arith.sitofp %convert_element_type3A_618 : vector<16x512xi32> to vector<16x512xf32>
      %eq3A_620 = arith.cmpi eq, %broadcast_in_dim3A_611, %get3A_592 : vector<1x512xi32>
      %convert_element_type3A_621 = arith.extui %eq3A_620 : vector<1x512xi1> to vector<1x512xi32>
      %convert_element_type3A_622 = arith.sitofp %convert_element_type3A_621 : vector<1x512xi32> to vector<1x512xf32>
      %add3A_623 = arith.addf %add3A_574, %convert_element_type3A_615 : vector<16x512xf32>
      %add3A_624 = arith.addf %add3A_575, %convert_element_type3A_619 : vector<16x512xf32>
      %mul3A_625 = vector.broadcast %convert_element_type3A_622 : vector<1x512xf32> to vector<16x512xf32>
      %mul3A_626 = arith.mulf %convert_element_type3A_619, %mul3A_625 : vector<16x512xf32>
      %add3A_627 = arith.addf %add3A_578, %mul3A_626 : vector<16x512xf32>
      %sub3A_628 = vector.broadcast %add3A_603 : vector<1x512xf32> to vector<16x512xf32>
      %sub3A_629 = arith.subf %get3A_587, %sub3A_628 : vector<16x512xf32>
      %mul3A_630 = arith.mulf %convert_element_type3A_615, %sub3A_629 : vector<16x512xf32>
      %add3A_631 = arith.addf %add3A_582, %mul3A_630 : vector<16x512xf32>
      %get3A_632 = arith.constant 0 : index
      %get3A_633 = arith.constant 0 : index
      %get3A_634 = arith.constant 5632 : index
      %get3A_635 = vector.load %arg3[%get3A_632, %get3A_633, %get3A_634] : memref<2x16x16384xf32, #tpu.memory_space<vmem>>, vector<1x16x512xf32>
      %get3A_636 = vector.shape_cast %get3A_635 : vector<1x16x512xf32> to vector<16x512xf32>
      %get3A_637 = arith.constant 0 : index
      %get3A_638 = arith.constant 11 : index
      %get3A_639 = arith.constant 0 : index
      %get3A_640 = vector.load %arg4[%get3A_637, %get3A_638, %get3A_639] : memref<2x32x512xi32, #tpu.memory_space<vmem>>, vector<1x1x512xi32>
      %get3A_641 = vector.shape_cast %get3A_640 : vector<1x1x512xi32> to vector<1x512xi32>
      %reduce_max3A_642 = arith.constant dense<0xFF800000> : vector<512xf32>
      %reduce_max3A_643 = vector.multi_reduction <maximumf>, %get3A_636, %reduce_max3A_642 [0] : vector<16x512xf32> to vector<512xf32>
      %broadcast_in_dim3A_644 = vector.shape_cast %reduce_max3A_643 : vector<512xf32> to vector<1x512xf32>
      %sub3A_645 = vector.broadcast %broadcast_in_dim3A_644 : vector<1x512xf32> to vector<16x512xf32>
      %sub3A_646 = arith.subf %get3A_636, %sub3A_645 : vector<16x512xf32>
      %exp3A_647 = math.exp %sub3A_646 : vector<16x512xf32>
      %reduce_sum3A_648 = arith.constant dense<0.000000e+00> : vector<512xf32>
      %reduce_sum3A_649 = vector.multi_reduction <add>, %exp3A_647, %reduce_sum3A_648 [0] : vector<16x512xf32> to vector<512xf32>
      %broadcast_in_dim3A_650 = vector.shape_cast %reduce_sum3A_649 : vector<512xf32> to vector<1x512xf32>
      %log3A_651 = math.log %broadcast_in_dim3A_650 : vector<1x512xf32>
      %add3A_652 = arith.addf %broadcast_in_dim3A_644, %log3A_651 : vector<1x512xf32>
      %eq3A_653 = vector.broadcast %broadcast_in_dim3A_644 : vector<1x512xf32> to vector<16x512xf32>
      %eq3A_654 = arith.cmpf oeq, %get3A_636, %eq3A_653 : vector<16x512xf32>
      %jit3A_655 = arith.constant 16 : i32
      %broadcast_in_dim3A_656 = vector.broadcast %jit3A_655 : i32 to vector<16x512xi32>
      %select_n3A_657 = arith.select %eq3A_654, %iota3A, %broadcast_in_dim3A_656 : vector<16x512xi1>, vector<16x512xi32>
      %reduce_min3A_658 = arith.constant dense<2147483647> : vector<512xi32>
      %reduce_min3A_659 = vector.multi_reduction <minsi>, %select_n3A_657, %reduce_min3A_658 [0] : vector<16x512xi32> to vector<512xi32>
      %broadcast_in_dim3A_660 = vector.shape_cast %reduce_min3A_659 : vector<512xi32> to vector<1x512xi32>
      %eq3A_661 = vector.broadcast %get3A_641 : vector<1x512xi32> to vector<16x512xi32>
      %eq3A_662 = arith.cmpi eq, %iota3A, %eq3A_661 : vector<16x512xi32>
      %convert_element_type3A_663 = arith.extui %eq3A_662 : vector<16x512xi1> to vector<16x512xi32>
      %convert_element_type3A_664 = arith.sitofp %convert_element_type3A_663 : vector<16x512xi32> to vector<16x512xf32>
      %eq3A_665 = vector.broadcast %broadcast_in_dim3A_660 : vector<1x512xi32> to vector<16x512xi32>
      %eq3A_666 = arith.cmpi eq, %iota3A, %eq3A_665 : vector<16x512xi32>
      %convert_element_type3A_667 = arith.extui %eq3A_666 : vector<16x512xi1> to vector<16x512xi32>
      %convert_element_type3A_668 = arith.sitofp %convert_element_type3A_667 : vector<16x512xi32> to vector<16x512xf32>
      %eq3A_669 = arith.cmpi eq, %broadcast_in_dim3A_660, %get3A_641 : vector<1x512xi32>
      %convert_element_type3A_670 = arith.extui %eq3A_669 : vector<1x512xi1> to vector<1x512xi32>
      %convert_element_type3A_671 = arith.sitofp %convert_element_type3A_670 : vector<1x512xi32> to vector<1x512xf32>
      %add3A_672 = arith.addf %add3A_623, %convert_element_type3A_664 : vector<16x512xf32>
      %add3A_673 = arith.addf %add3A_624, %convert_element_type3A_668 : vector<16x512xf32>
      %mul3A_674 = vector.broadcast %convert_element_type3A_671 : vector<1x512xf32> to vector<16x512xf32>
      %mul3A_675 = arith.mulf %convert_element_type3A_668, %mul3A_674 : vector<16x512xf32>
      %add3A_676 = arith.addf %add3A_627, %mul3A_675 : vector<16x512xf32>
      %sub3A_677 = vector.broadcast %add3A_652 : vector<1x512xf32> to vector<16x512xf32>
      %sub3A_678 = arith.subf %get3A_636, %sub3A_677 : vector<16x512xf32>
      %mul3A_679 = arith.mulf %convert_element_type3A_664, %sub3A_678 : vector<16x512xf32>
      %add3A_680 = arith.addf %add3A_631, %mul3A_679 : vector<16x512xf32>
      %get3A_681 = arith.constant 0 : index
      %get3A_682 = arith.constant 0 : index
      %get3A_683 = arith.constant 6144 : index
      %get3A_684 = vector.load %arg3[%get3A_681, %get3A_682, %get3A_683] : memref<2x16x16384xf32, #tpu.memory_space<vmem>>, vector<1x16x512xf32>
      %get3A_685 = vector.shape_cast %get3A_684 : vector<1x16x512xf32> to vector<16x512xf32>
      %get3A_686 = arith.constant 0 : index
      %get3A_687 = arith.constant 12 : index
      %get3A_688 = arith.constant 0 : index
      %get3A_689 = vector.load %arg4[%get3A_686, %get3A_687, %get3A_688] : memref<2x32x512xi32, #tpu.memory_space<vmem>>, vector<1x1x512xi32>
      %get3A_690 = vector.shape_cast %get3A_689 : vector<1x1x512xi32> to vector<1x512xi32>
      %reduce_max3A_691 = arith.constant dense<0xFF800000> : vector<512xf32>
      %reduce_max3A_692 = vector.multi_reduction <maximumf>, %get3A_685, %reduce_max3A_691 [0] : vector<16x512xf32> to vector<512xf32>
      %broadcast_in_dim3A_693 = vector.shape_cast %reduce_max3A_692 : vector<512xf32> to vector<1x512xf32>
      %sub3A_694 = vector.broadcast %broadcast_in_dim3A_693 : vector<1x512xf32> to vector<16x512xf32>
      %sub3A_695 = arith.subf %get3A_685, %sub3A_694 : vector<16x512xf32>
      %exp3A_696 = math.exp %sub3A_695 : vector<16x512xf32>
      %reduce_sum3A_697 = arith.constant dense<0.000000e+00> : vector<512xf32>
      %reduce_sum3A_698 = vector.multi_reduction <add>, %exp3A_696, %reduce_sum3A_697 [0] : vector<16x512xf32> to vector<512xf32>
      %broadcast_in_dim3A_699 = vector.shape_cast %reduce_sum3A_698 : vector<512xf32> to vector<1x512xf32>
      %log3A_700 = math.log %broadcast_in_dim3A_699 : vector<1x512xf32>
      %add3A_701 = arith.addf %broadcast_in_dim3A_693, %log3A_700 : vector<1x512xf32>
      %eq3A_702 = vector.broadcast %broadcast_in_dim3A_693 : vector<1x512xf32> to vector<16x512xf32>
      %eq3A_703 = arith.cmpf oeq, %get3A_685, %eq3A_702 : vector<16x512xf32>
      %jit3A_704 = arith.constant 16 : i32
      %broadcast_in_dim3A_705 = vector.broadcast %jit3A_704 : i32 to vector<16x512xi32>
      %select_n3A_706 = arith.select %eq3A_703, %iota3A, %broadcast_in_dim3A_705 : vector<16x512xi1>, vector<16x512xi32>
      %reduce_min3A_707 = arith.constant dense<2147483647> : vector<512xi32>
      %reduce_min3A_708 = vector.multi_reduction <minsi>, %select_n3A_706, %reduce_min3A_707 [0] : vector<16x512xi32> to vector<512xi32>
      %broadcast_in_dim3A_709 = vector.shape_cast %reduce_min3A_708 : vector<512xi32> to vector<1x512xi32>
      %eq3A_710 = vector.broadcast %get3A_690 : vector<1x512xi32> to vector<16x512xi32>
      %eq3A_711 = arith.cmpi eq, %iota3A, %eq3A_710 : vector<16x512xi32>
      %convert_element_type3A_712 = arith.extui %eq3A_711 : vector<16x512xi1> to vector<16x512xi32>
      %convert_element_type3A_713 = arith.sitofp %convert_element_type3A_712 : vector<16x512xi32> to vector<16x512xf32>
      %eq3A_714 = vector.broadcast %broadcast_in_dim3A_709 : vector<1x512xi32> to vector<16x512xi32>
      %eq3A_715 = arith.cmpi eq, %iota3A, %eq3A_714 : vector<16x512xi32>
      %convert_element_type3A_716 = arith.extui %eq3A_715 : vector<16x512xi1> to vector<16x512xi32>
      %convert_element_type3A_717 = arith.sitofp %convert_element_type3A_716 : vector<16x512xi32> to vector<16x512xf32>
      %eq3A_718 = arith.cmpi eq, %broadcast_in_dim3A_709, %get3A_690 : vector<1x512xi32>
      %convert_element_type3A_719 = arith.extui %eq3A_718 : vector<1x512xi1> to vector<1x512xi32>
      %convert_element_type3A_720 = arith.sitofp %convert_element_type3A_719 : vector<1x512xi32> to vector<1x512xf32>
      %add3A_721 = arith.addf %add3A_672, %convert_element_type3A_713 : vector<16x512xf32>
      %add3A_722 = arith.addf %add3A_673, %convert_element_type3A_717 : vector<16x512xf32>
      %mul3A_723 = vector.broadcast %convert_element_type3A_720 : vector<1x512xf32> to vector<16x512xf32>
      %mul3A_724 = arith.mulf %convert_element_type3A_717, %mul3A_723 : vector<16x512xf32>
      %add3A_725 = arith.addf %add3A_676, %mul3A_724 : vector<16x512xf32>
      %sub3A_726 = vector.broadcast %add3A_701 : vector<1x512xf32> to vector<16x512xf32>
      %sub3A_727 = arith.subf %get3A_685, %sub3A_726 : vector<16x512xf32>
      %mul3A_728 = arith.mulf %convert_element_type3A_713, %sub3A_727 : vector<16x512xf32>
      %add3A_729 = arith.addf %add3A_680, %mul3A_728 : vector<16x512xf32>
      %get3A_730 = arith.constant 0 : index
      %get3A_731 = arith.constant 0 : index
      %get3A_732 = arith.constant 6656 : index
      %get3A_733 = vector.load %arg3[%get3A_730, %get3A_731, %get3A_732] : memref<2x16x16384xf32, #tpu.memory_space<vmem>>, vector<1x16x512xf32>
      %get3A_734 = vector.shape_cast %get3A_733 : vector<1x16x512xf32> to vector<16x512xf32>
      %get3A_735 = arith.constant 0 : index
      %get3A_736 = arith.constant 13 : index
      %get3A_737 = arith.constant 0 : index
      %get3A_738 = vector.load %arg4[%get3A_735, %get3A_736, %get3A_737] : memref<2x32x512xi32, #tpu.memory_space<vmem>>, vector<1x1x512xi32>
      %get3A_739 = vector.shape_cast %get3A_738 : vector<1x1x512xi32> to vector<1x512xi32>
      %reduce_max3A_740 = arith.constant dense<0xFF800000> : vector<512xf32>
      %reduce_max3A_741 = vector.multi_reduction <maximumf>, %get3A_734, %reduce_max3A_740 [0] : vector<16x512xf32> to vector<512xf32>
      %broadcast_in_dim3A_742 = vector.shape_cast %reduce_max3A_741 : vector<512xf32> to vector<1x512xf32>
      %sub3A_743 = vector.broadcast %broadcast_in_dim3A_742 : vector<1x512xf32> to vector<16x512xf32>
      %sub3A_744 = arith.subf %get3A_734, %sub3A_743 : vector<16x512xf32>
      %exp3A_745 = math.exp %sub3A_744 : vector<16x512xf32>
      %reduce_sum3A_746 = arith.constant dense<0.000000e+00> : vector<512xf32>
      %reduce_sum3A_747 = vector.multi_reduction <add>, %exp3A_745, %reduce_sum3A_746 [0] : vector<16x512xf32> to vector<512xf32>
      %broadcast_in_dim3A_748 = vector.shape_cast %reduce_sum3A_747 : vector<512xf32> to vector<1x512xf32>
      %log3A_749 = math.log %broadcast_in_dim3A_748 : vector<1x512xf32>
      %add3A_750 = arith.addf %broadcast_in_dim3A_742, %log3A_749 : vector<1x512xf32>
      %eq3A_751 = vector.broadcast %broadcast_in_dim3A_742 : vector<1x512xf32> to vector<16x512xf32>
      %eq3A_752 = arith.cmpf oeq, %get3A_734, %eq3A_751 : vector<16x512xf32>
      %jit3A_753 = arith.constant 16 : i32
      %broadcast_in_dim3A_754 = vector.broadcast %jit3A_753 : i32 to vector<16x512xi32>
      %select_n3A_755 = arith.select %eq3A_752, %iota3A, %broadcast_in_dim3A_754 : vector<16x512xi1>, vector<16x512xi32>
      %reduce_min3A_756 = arith.constant dense<2147483647> : vector<512xi32>
      %reduce_min3A_757 = vector.multi_reduction <minsi>, %select_n3A_755, %reduce_min3A_756 [0] : vector<16x512xi32> to vector<512xi32>
      %broadcast_in_dim3A_758 = vector.shape_cast %reduce_min3A_757 : vector<512xi32> to vector<1x512xi32>
      %eq3A_759 = vector.broadcast %get3A_739 : vector<1x512xi32> to vector<16x512xi32>
      %eq3A_760 = arith.cmpi eq, %iota3A, %eq3A_759 : vector<16x512xi32>
      %convert_element_type3A_761 = arith.extui %eq3A_760 : vector<16x512xi1> to vector<16x512xi32>
      %convert_element_type3A_762 = arith.sitofp %convert_element_type3A_761 : vector<16x512xi32> to vector<16x512xf32>
      %eq3A_763 = vector.broadcast %broadcast_in_dim3A_758 : vector<1x512xi32> to vector<16x512xi32>
      %eq3A_764 = arith.cmpi eq, %iota3A, %eq3A_763 : vector<16x512xi32>
      %convert_element_type3A_765 = arith.extui %eq3A_764 : vector<16x512xi1> to vector<16x512xi32>
      %convert_element_type3A_766 = arith.sitofp %convert_element_type3A_765 : vector<16x512xi32> to vector<16x512xf32>
      %eq3A_767 = arith.cmpi eq, %broadcast_in_dim3A_758, %get3A_739 : vector<1x512xi32>
      %convert_element_type3A_768 = arith.extui %eq3A_767 : vector<1x512xi1> to vector<1x512xi32>
      %convert_element_type3A_769 = arith.sitofp %convert_element_type3A_768 : vector<1x512xi32> to vector<1x512xf32>
      %add3A_770 = arith.addf %add3A_721, %convert_element_type3A_762 : vector<16x512xf32>
      %add3A_771 = arith.addf %add3A_722, %convert_element_type3A_766 : vector<16x512xf32>
      %mul3A_772 = vector.broadcast %convert_element_type3A_769 : vector<1x512xf32> to vector<16x512xf32>
      %mul3A_773 = arith.mulf %convert_element_type3A_766, %mul3A_772 : vector<16x512xf32>
      %add3A_774 = arith.addf %add3A_725, %mul3A_773 : vector<16x512xf32>
      %sub3A_775 = vector.broadcast %add3A_750 : vector<1x512xf32> to vector<16x512xf32>
      %sub3A_776 = arith.subf %get3A_734, %sub3A_775 : vector<16x512xf32>
      %mul3A_777 = arith.mulf %convert_element_type3A_762, %sub3A_776 : vector<16x512xf32>
      %add3A_778 = arith.addf %add3A_729, %mul3A_777 : vector<16x512xf32>
      %get3A_779 = arith.constant 0 : index
      %get3A_780 = arith.constant 0 : index
      %get3A_781 = arith.constant 7168 : index
      %get3A_782 = vector.load %arg3[%get3A_779, %get3A_780, %get3A_781] : memref<2x16x16384xf32, #tpu.memory_space<vmem>>, vector<1x16x512xf32>
      %get3A_783 = vector.shape_cast %get3A_782 : vector<1x16x512xf32> to vector<16x512xf32>
      %get3A_784 = arith.constant 0 : index
      %get3A_785 = arith.constant 14 : index
      %get3A_786 = arith.constant 0 : index
      %get3A_787 = vector.load %arg4[%get3A_784, %get3A_785, %get3A_786] : memref<2x32x512xi32, #tpu.memory_space<vmem>>, vector<1x1x512xi32>
      %get3A_788 = vector.shape_cast %get3A_787 : vector<1x1x512xi32> to vector<1x512xi32>
      %reduce_max3A_789 = arith.constant dense<0xFF800000> : vector<512xf32>
      %reduce_max3A_790 = vector.multi_reduction <maximumf>, %get3A_783, %reduce_max3A_789 [0] : vector<16x512xf32> to vector<512xf32>
      %broadcast_in_dim3A_791 = vector.shape_cast %reduce_max3A_790 : vector<512xf32> to vector<1x512xf32>
      %sub3A_792 = vector.broadcast %broadcast_in_dim3A_791 : vector<1x512xf32> to vector<16x512xf32>
      %sub3A_793 = arith.subf %get3A_783, %sub3A_792 : vector<16x512xf32>
      %exp3A_794 = math.exp %sub3A_793 : vector<16x512xf32>
      %reduce_sum3A_795 = arith.constant dense<0.000000e+00> : vector<512xf32>
      %reduce_sum3A_796 = vector.multi_reduction <add>, %exp3A_794, %reduce_sum3A_795 [0] : vector<16x512xf32> to vector<512xf32>
      %broadcast_in_dim3A_797 = vector.shape_cast %reduce_sum3A_796 : vector<512xf32> to vector<1x512xf32>
      %log3A_798 = math.log %broadcast_in_dim3A_797 : vector<1x512xf32>
      %add3A_799 = arith.addf %broadcast_in_dim3A_791, %log3A_798 : vector<1x512xf32>
      %eq3A_800 = vector.broadcast %broadcast_in_dim3A_791 : vector<1x512xf32> to vector<16x512xf32>
      %eq3A_801 = arith.cmpf oeq, %get3A_783, %eq3A_800 : vector<16x512xf32>
      %jit3A_802 = arith.constant 16 : i32
      %broadcast_in_dim3A_803 = vector.broadcast %jit3A_802 : i32 to vector<16x512xi32>
      %select_n3A_804 = arith.select %eq3A_801, %iota3A, %broadcast_in_dim3A_803 : vector<16x512xi1>, vector<16x512xi32>
      %reduce_min3A_805 = arith.constant dense<2147483647> : vector<512xi32>
      %reduce_min3A_806 = vector.multi_reduction <minsi>, %select_n3A_804, %reduce_min3A_805 [0] : vector<16x512xi32> to vector<512xi32>
      %broadcast_in_dim3A_807 = vector.shape_cast %reduce_min3A_806 : vector<512xi32> to vector<1x512xi32>
      %eq3A_808 = vector.broadcast %get3A_788 : vector<1x512xi32> to vector<16x512xi32>
      %eq3A_809 = arith.cmpi eq, %iota3A, %eq3A_808 : vector<16x512xi32>
      %convert_element_type3A_810 = arith.extui %eq3A_809 : vector<16x512xi1> to vector<16x512xi32>
      %convert_element_type3A_811 = arith.sitofp %convert_element_type3A_810 : vector<16x512xi32> to vector<16x512xf32>
      %eq3A_812 = vector.broadcast %broadcast_in_dim3A_807 : vector<1x512xi32> to vector<16x512xi32>
      %eq3A_813 = arith.cmpi eq, %iota3A, %eq3A_812 : vector<16x512xi32>
      %convert_element_type3A_814 = arith.extui %eq3A_813 : vector<16x512xi1> to vector<16x512xi32>
      %convert_element_type3A_815 = arith.sitofp %convert_element_type3A_814 : vector<16x512xi32> to vector<16x512xf32>
      %eq3A_816 = arith.cmpi eq, %broadcast_in_dim3A_807, %get3A_788 : vector<1x512xi32>
      %convert_element_type3A_817 = arith.extui %eq3A_816 : vector<1x512xi1> to vector<1x512xi32>
      %convert_element_type3A_818 = arith.sitofp %convert_element_type3A_817 : vector<1x512xi32> to vector<1x512xf32>
      %add3A_819 = arith.addf %add3A_770, %convert_element_type3A_811 : vector<16x512xf32>
      %add3A_820 = arith.addf %add3A_771, %convert_element_type3A_815 : vector<16x512xf32>
      %mul3A_821 = vector.broadcast %convert_element_type3A_818 : vector<1x512xf32> to vector<16x512xf32>
      %mul3A_822 = arith.mulf %convert_element_type3A_815, %mul3A_821 : vector<16x512xf32>
      %add3A_823 = arith.addf %add3A_774, %mul3A_822 : vector<16x512xf32>
      %sub3A_824 = vector.broadcast %add3A_799 : vector<1x512xf32> to vector<16x512xf32>
      %sub3A_825 = arith.subf %get3A_783, %sub3A_824 : vector<16x512xf32>
      %mul3A_826 = arith.mulf %convert_element_type3A_811, %sub3A_825 : vector<16x512xf32>
      %add3A_827 = arith.addf %add3A_778, %mul3A_826 : vector<16x512xf32>
      %get3A_828 = arith.constant 0 : index
      %get3A_829 = arith.constant 0 : index
      %get3A_830 = arith.constant 7680 : index
      %get3A_831 = vector.load %arg3[%get3A_828, %get3A_829, %get3A_830] : memref<2x16x16384xf32, #tpu.memory_space<vmem>>, vector<1x16x512xf32>
      %get3A_832 = vector.shape_cast %get3A_831 : vector<1x16x512xf32> to vector<16x512xf32>
      %get3A_833 = arith.constant 0 : index
      %get3A_834 = arith.constant 15 : index
      %get3A_835 = arith.constant 0 : index
      %get3A_836 = vector.load %arg4[%get3A_833, %get3A_834, %get3A_835] : memref<2x32x512xi32, #tpu.memory_space<vmem>>, vector<1x1x512xi32>
      %get3A_837 = vector.shape_cast %get3A_836 : vector<1x1x512xi32> to vector<1x512xi32>
      %reduce_max3A_838 = arith.constant dense<0xFF800000> : vector<512xf32>
      %reduce_max3A_839 = vector.multi_reduction <maximumf>, %get3A_832, %reduce_max3A_838 [0] : vector<16x512xf32> to vector<512xf32>
      %broadcast_in_dim3A_840 = vector.shape_cast %reduce_max3A_839 : vector<512xf32> to vector<1x512xf32>
      %sub3A_841 = vector.broadcast %broadcast_in_dim3A_840 : vector<1x512xf32> to vector<16x512xf32>
      %sub3A_842 = arith.subf %get3A_832, %sub3A_841 : vector<16x512xf32>
      %exp3A_843 = math.exp %sub3A_842 : vector<16x512xf32>
      %reduce_sum3A_844 = arith.constant dense<0.000000e+00> : vector<512xf32>
      %reduce_sum3A_845 = vector.multi_reduction <add>, %exp3A_843, %reduce_sum3A_844 [0] : vector<16x512xf32> to vector<512xf32>
      %broadcast_in_dim3A_846 = vector.shape_cast %reduce_sum3A_845 : vector<512xf32> to vector<1x512xf32>
      %log3A_847 = math.log %broadcast_in_dim3A_846 : vector<1x512xf32>
      %add3A_848 = arith.addf %broadcast_in_dim3A_840, %log3A_847 : vector<1x512xf32>
      %eq3A_849 = vector.broadcast %broadcast_in_dim3A_840 : vector<1x512xf32> to vector<16x512xf32>
      %eq3A_850 = arith.cmpf oeq, %get3A_832, %eq3A_849 : vector<16x512xf32>
      %jit3A_851 = arith.constant 16 : i32
      %broadcast_in_dim3A_852 = vector.broadcast %jit3A_851 : i32 to vector<16x512xi32>
      %select_n3A_853 = arith.select %eq3A_850, %iota3A, %broadcast_in_dim3A_852 : vector<16x512xi1>, vector<16x512xi32>
      %reduce_min3A_854 = arith.constant dense<2147483647> : vector<512xi32>
      %reduce_min3A_855 = vector.multi_reduction <minsi>, %select_n3A_853, %reduce_min3A_854 [0] : vector<16x512xi32> to vector<512xi32>
      %broadcast_in_dim3A_856 = vector.shape_cast %reduce_min3A_855 : vector<512xi32> to vector<1x512xi32>
      %eq3A_857 = vector.broadcast %get3A_837 : vector<1x512xi32> to vector<16x512xi32>
      %eq3A_858 = arith.cmpi eq, %iota3A, %eq3A_857 : vector<16x512xi32>
      %convert_element_type3A_859 = arith.extui %eq3A_858 : vector<16x512xi1> to vector<16x512xi32>
      %convert_element_type3A_860 = arith.sitofp %convert_element_type3A_859 : vector<16x512xi32> to vector<16x512xf32>
      %eq3A_861 = vector.broadcast %broadcast_in_dim3A_856 : vector<1x512xi32> to vector<16x512xi32>
      %eq3A_862 = arith.cmpi eq, %iota3A, %eq3A_861 : vector<16x512xi32>
      %convert_element_type3A_863 = arith.extui %eq3A_862 : vector<16x512xi1> to vector<16x512xi32>
      %convert_element_type3A_864 = arith.sitofp %convert_element_type3A_863 : vector<16x512xi32> to vector<16x512xf32>
      %eq3A_865 = arith.cmpi eq, %broadcast_in_dim3A_856, %get3A_837 : vector<1x512xi32>
      %convert_element_type3A_866 = arith.extui %eq3A_865 : vector<1x512xi1> to vector<1x512xi32>
      %convert_element_type3A_867 = arith.sitofp %convert_element_type3A_866 : vector<1x512xi32> to vector<1x512xf32>
      %add3A_868 = arith.addf %add3A_819, %convert_element_type3A_860 : vector<16x512xf32>
      %add3A_869 = arith.addf %add3A_820, %convert_element_type3A_864 : vector<16x512xf32>
      %mul3A_870 = vector.broadcast %convert_element_type3A_867 : vector<1x512xf32> to vector<16x512xf32>
      %mul3A_871 = arith.mulf %convert_element_type3A_864, %mul3A_870 : vector<16x512xf32>
      %add3A_872 = arith.addf %add3A_823, %mul3A_871 : vector<16x512xf32>
      %sub3A_873 = vector.broadcast %add3A_848 : vector<1x512xf32> to vector<16x512xf32>
      %sub3A_874 = arith.subf %get3A_832, %sub3A_873 : vector<16x512xf32>
      %mul3A_875 = arith.mulf %convert_element_type3A_860, %sub3A_874 : vector<16x512xf32>
      %add3A_876 = arith.addf %add3A_827, %mul3A_875 : vector<16x512xf32>
      %get3A_877 = arith.constant 0 : index
      %get3A_878 = arith.constant 0 : index
      %get3A_879 = arith.constant 8192 : index
      %get3A_880 = vector.load %arg3[%get3A_877, %get3A_878, %get3A_879] : memref<2x16x16384xf32, #tpu.memory_space<vmem>>, vector<1x16x512xf32>
      %get3A_881 = vector.shape_cast %get3A_880 : vector<1x16x512xf32> to vector<16x512xf32>
      %get3A_882 = arith.constant 0 : index
      %get3A_883 = arith.constant 16 : index
      %get3A_884 = arith.constant 0 : index
      %get3A_885 = vector.load %arg4[%get3A_882, %get3A_883, %get3A_884] : memref<2x32x512xi32, #tpu.memory_space<vmem>>, vector<1x1x512xi32>
      %get3A_886 = vector.shape_cast %get3A_885 : vector<1x1x512xi32> to vector<1x512xi32>
      %reduce_max3A_887 = arith.constant dense<0xFF800000> : vector<512xf32>
      %reduce_max3A_888 = vector.multi_reduction <maximumf>, %get3A_881, %reduce_max3A_887 [0] : vector<16x512xf32> to vector<512xf32>
      %broadcast_in_dim3A_889 = vector.shape_cast %reduce_max3A_888 : vector<512xf32> to vector<1x512xf32>
      %sub3A_890 = vector.broadcast %broadcast_in_dim3A_889 : vector<1x512xf32> to vector<16x512xf32>
      %sub3A_891 = arith.subf %get3A_881, %sub3A_890 : vector<16x512xf32>
      %exp3A_892 = math.exp %sub3A_891 : vector<16x512xf32>
      %reduce_sum3A_893 = arith.constant dense<0.000000e+00> : vector<512xf32>
      %reduce_sum3A_894 = vector.multi_reduction <add>, %exp3A_892, %reduce_sum3A_893 [0] : vector<16x512xf32> to vector<512xf32>
      %broadcast_in_dim3A_895 = vector.shape_cast %reduce_sum3A_894 : vector<512xf32> to vector<1x512xf32>
      %log3A_896 = math.log %broadcast_in_dim3A_895 : vector<1x512xf32>
      %add3A_897 = arith.addf %broadcast_in_dim3A_889, %log3A_896 : vector<1x512xf32>
      %eq3A_898 = vector.broadcast %broadcast_in_dim3A_889 : vector<1x512xf32> to vector<16x512xf32>
      %eq3A_899 = arith.cmpf oeq, %get3A_881, %eq3A_898 : vector<16x512xf32>
      %jit3A_900 = arith.constant 16 : i32
      %broadcast_in_dim3A_901 = vector.broadcast %jit3A_900 : i32 to vector<16x512xi32>
      %select_n3A_902 = arith.select %eq3A_899, %iota3A, %broadcast_in_dim3A_901 : vector<16x512xi1>, vector<16x512xi32>
      %reduce_min3A_903 = arith.constant dense<2147483647> : vector<512xi32>
      %reduce_min3A_904 = vector.multi_reduction <minsi>, %select_n3A_902, %reduce_min3A_903 [0] : vector<16x512xi32> to vector<512xi32>
      %broadcast_in_dim3A_905 = vector.shape_cast %reduce_min3A_904 : vector<512xi32> to vector<1x512xi32>
      %eq3A_906 = vector.broadcast %get3A_886 : vector<1x512xi32> to vector<16x512xi32>
      %eq3A_907 = arith.cmpi eq, %iota3A, %eq3A_906 : vector<16x512xi32>
      %convert_element_type3A_908 = arith.extui %eq3A_907 : vector<16x512xi1> to vector<16x512xi32>
      %convert_element_type3A_909 = arith.sitofp %convert_element_type3A_908 : vector<16x512xi32> to vector<16x512xf32>
      %eq3A_910 = vector.broadcast %broadcast_in_dim3A_905 : vector<1x512xi32> to vector<16x512xi32>
      %eq3A_911 = arith.cmpi eq, %iota3A, %eq3A_910 : vector<16x512xi32>
      %convert_element_type3A_912 = arith.extui %eq3A_911 : vector<16x512xi1> to vector<16x512xi32>
      %convert_element_type3A_913 = arith.sitofp %convert_element_type3A_912 : vector<16x512xi32> to vector<16x512xf32>
      %eq3A_914 = arith.cmpi eq, %broadcast_in_dim3A_905, %get3A_886 : vector<1x512xi32>
      %convert_element_type3A_915 = arith.extui %eq3A_914 : vector<1x512xi1> to vector<1x512xi32>
      %convert_element_type3A_916 = arith.sitofp %convert_element_type3A_915 : vector<1x512xi32> to vector<1x512xf32>
      %add3A_917 = arith.addf %add3A_868, %convert_element_type3A_909 : vector<16x512xf32>
      %add3A_918 = arith.addf %add3A_869, %convert_element_type3A_913 : vector<16x512xf32>
      %mul3A_919 = vector.broadcast %convert_element_type3A_916 : vector<1x512xf32> to vector<16x512xf32>
      %mul3A_920 = arith.mulf %convert_element_type3A_913, %mul3A_919 : vector<16x512xf32>
      %add3A_921 = arith.addf %add3A_872, %mul3A_920 : vector<16x512xf32>
      %sub3A_922 = vector.broadcast %add3A_897 : vector<1x512xf32> to vector<16x512xf32>
      %sub3A_923 = arith.subf %get3A_881, %sub3A_922 : vector<16x512xf32>
      %mul3A_924 = arith.mulf %convert_element_type3A_909, %sub3A_923 : vector<16x512xf32>
      %add3A_925 = arith.addf %add3A_876, %mul3A_924 : vector<16x512xf32>
      %get3A_926 = arith.constant 0 : index
      %get3A_927 = arith.constant 0 : index
      %get3A_928 = arith.constant 8704 : index
      %get3A_929 = vector.load %arg3[%get3A_926, %get3A_927, %get3A_928] : memref<2x16x16384xf32, #tpu.memory_space<vmem>>, vector<1x16x512xf32>
      %get3A_930 = vector.shape_cast %get3A_929 : vector<1x16x512xf32> to vector<16x512xf32>
      %get3A_931 = arith.constant 0 : index
      %get3A_932 = arith.constant 17 : index
      %get3A_933 = arith.constant 0 : index
      %get3A_934 = vector.load %arg4[%get3A_931, %get3A_932, %get3A_933] : memref<2x32x512xi32, #tpu.memory_space<vmem>>, vector<1x1x512xi32>
      %get3A_935 = vector.shape_cast %get3A_934 : vector<1x1x512xi32> to vector<1x512xi32>
      %reduce_max3A_936 = arith.constant dense<0xFF800000> : vector<512xf32>
      %reduce_max3A_937 = vector.multi_reduction <maximumf>, %get3A_930, %reduce_max3A_936 [0] : vector<16x512xf32> to vector<512xf32>
      %broadcast_in_dim3A_938 = vector.shape_cast %reduce_max3A_937 : vector<512xf32> to vector<1x512xf32>
      %sub3A_939 = vector.broadcast %broadcast_in_dim3A_938 : vector<1x512xf32> to vector<16x512xf32>
      %sub3A_940 = arith.subf %get3A_930, %sub3A_939 : vector<16x512xf32>
      %exp3A_941 = math.exp %sub3A_940 : vector<16x512xf32>
      %reduce_sum3A_942 = arith.constant dense<0.000000e+00> : vector<512xf32>
      %reduce_sum3A_943 = vector.multi_reduction <add>, %exp3A_941, %reduce_sum3A_942 [0] : vector<16x512xf32> to vector<512xf32>
      %broadcast_in_dim3A_944 = vector.shape_cast %reduce_sum3A_943 : vector<512xf32> to vector<1x512xf32>
      %log3A_945 = math.log %broadcast_in_dim3A_944 : vector<1x512xf32>
      %add3A_946 = arith.addf %broadcast_in_dim3A_938, %log3A_945 : vector<1x512xf32>
      %eq3A_947 = vector.broadcast %broadcast_in_dim3A_938 : vector<1x512xf32> to vector<16x512xf32>
      %eq3A_948 = arith.cmpf oeq, %get3A_930, %eq3A_947 : vector<16x512xf32>
      %jit3A_949 = arith.constant 16 : i32
      %broadcast_in_dim3A_950 = vector.broadcast %jit3A_949 : i32 to vector<16x512xi32>
      %select_n3A_951 = arith.select %eq3A_948, %iota3A, %broadcast_in_dim3A_950 : vector<16x512xi1>, vector<16x512xi32>
      %reduce_min3A_952 = arith.constant dense<2147483647> : vector<512xi32>
      %reduce_min3A_953 = vector.multi_reduction <minsi>, %select_n3A_951, %reduce_min3A_952 [0] : vector<16x512xi32> to vector<512xi32>
      %broadcast_in_dim3A_954 = vector.shape_cast %reduce_min3A_953 : vector<512xi32> to vector<1x512xi32>
      %eq3A_955 = vector.broadcast %get3A_935 : vector<1x512xi32> to vector<16x512xi32>
      %eq3A_956 = arith.cmpi eq, %iota3A, %eq3A_955 : vector<16x512xi32>
      %convert_element_type3A_957 = arith.extui %eq3A_956 : vector<16x512xi1> to vector<16x512xi32>
      %convert_element_type3A_958 = arith.sitofp %convert_element_type3A_957 : vector<16x512xi32> to vector<16x512xf32>
      %eq3A_959 = vector.broadcast %broadcast_in_dim3A_954 : vector<1x512xi32> to vector<16x512xi32>
      %eq3A_960 = arith.cmpi eq, %iota3A, %eq3A_959 : vector<16x512xi32>
      %convert_element_type3A_961 = arith.extui %eq3A_960 : vector<16x512xi1> to vector<16x512xi32>
      %convert_element_type3A_962 = arith.sitofp %convert_element_type3A_961 : vector<16x512xi32> to vector<16x512xf32>
      %eq3A_963 = arith.cmpi eq, %broadcast_in_dim3A_954, %get3A_935 : vector<1x512xi32>
      %convert_element_type3A_964 = arith.extui %eq3A_963 : vector<1x512xi1> to vector<1x512xi32>
      %convert_element_type3A_965 = arith.sitofp %convert_element_type3A_964 : vector<1x512xi32> to vector<1x512xf32>
      %add3A_966 = arith.addf %add3A_917, %convert_element_type3A_958 : vector<16x512xf32>
      %add3A_967 = arith.addf %add3A_918, %convert_element_type3A_962 : vector<16x512xf32>
      %mul3A_968 = vector.broadcast %convert_element_type3A_965 : vector<1x512xf32> to vector<16x512xf32>
      %mul3A_969 = arith.mulf %convert_element_type3A_962, %mul3A_968 : vector<16x512xf32>
      %add3A_970 = arith.addf %add3A_921, %mul3A_969 : vector<16x512xf32>
      %sub3A_971 = vector.broadcast %add3A_946 : vector<1x512xf32> to vector<16x512xf32>
      %sub3A_972 = arith.subf %get3A_930, %sub3A_971 : vector<16x512xf32>
      %mul3A_973 = arith.mulf %convert_element_type3A_958, %sub3A_972 : vector<16x512xf32>
      %add3A_974 = arith.addf %add3A_925, %mul3A_973 : vector<16x512xf32>
      %get3A_975 = arith.constant 0 : index
      %get3A_976 = arith.constant 0 : index
      %get3A_977 = arith.constant 9216 : index
      %get3A_978 = vector.load %arg3[%get3A_975, %get3A_976, %get3A_977] : memref<2x16x16384xf32, #tpu.memory_space<vmem>>, vector<1x16x512xf32>
      %get3A_979 = vector.shape_cast %get3A_978 : vector<1x16x512xf32> to vector<16x512xf32>
      %get3A_980 = arith.constant 0 : index
      %get3A_981 = arith.constant 18 : index
      %get3A_982 = arith.constant 0 : index
      %get3A_983 = vector.load %arg4[%get3A_980, %get3A_981, %get3A_982] : memref<2x32x512xi32, #tpu.memory_space<vmem>>, vector<1x1x512xi32>
      %get3A_984 = vector.shape_cast %get3A_983 : vector<1x1x512xi32> to vector<1x512xi32>
      %reduce_max3A_985 = arith.constant dense<0xFF800000> : vector<512xf32>
      %reduce_max3A_986 = vector.multi_reduction <maximumf>, %get3A_979, %reduce_max3A_985 [0] : vector<16x512xf32> to vector<512xf32>
      %broadcast_in_dim3A_987 = vector.shape_cast %reduce_max3A_986 : vector<512xf32> to vector<1x512xf32>
      %sub3A_988 = vector.broadcast %broadcast_in_dim3A_987 : vector<1x512xf32> to vector<16x512xf32>
      %sub3A_989 = arith.subf %get3A_979, %sub3A_988 : vector<16x512xf32>
      %exp3A_990 = math.exp %sub3A_989 : vector<16x512xf32>
      %reduce_sum3A_991 = arith.constant dense<0.000000e+00> : vector<512xf32>
      %reduce_sum3A_992 = vector.multi_reduction <add>, %exp3A_990, %reduce_sum3A_991 [0] : vector<16x512xf32> to vector<512xf32>
      %broadcast_in_dim3A_993 = vector.shape_cast %reduce_sum3A_992 : vector<512xf32> to vector<1x512xf32>
      %log3A_994 = math.log %broadcast_in_dim3A_993 : vector<1x512xf32>
      %add3A_995 = arith.addf %broadcast_in_dim3A_987, %log3A_994 : vector<1x512xf32>
      %eq3A_996 = vector.broadcast %broadcast_in_dim3A_987 : vector<1x512xf32> to vector<16x512xf32>
      %eq3A_997 = arith.cmpf oeq, %get3A_979, %eq3A_996 : vector<16x512xf32>
      %jit3A_998 = arith.constant 16 : i32
      %broadcast_in_dim3A_999 = vector.broadcast %jit3A_998 : i32 to vector<16x512xi32>
      %select_n3A_1000 = arith.select %eq3A_997, %iota3A, %broadcast_in_dim3A_999 : vector<16x512xi1>, vector<16x512xi32>
      %reduce_min3A_1001 = arith.constant dense<2147483647> : vector<512xi32>
      %reduce_min3A_1002 = vector.multi_reduction <minsi>, %select_n3A_1000, %reduce_min3A_1001 [0] : vector<16x512xi32> to vector<512xi32>
      %broadcast_in_dim3A_1003 = vector.shape_cast %reduce_min3A_1002 : vector<512xi32> to vector<1x512xi32>
      %eq3A_1004 = vector.broadcast %get3A_984 : vector<1x512xi32> to vector<16x512xi32>
      %eq3A_1005 = arith.cmpi eq, %iota3A, %eq3A_1004 : vector<16x512xi32>
      %convert_element_type3A_1006 = arith.extui %eq3A_1005 : vector<16x512xi1> to vector<16x512xi32>
      %convert_element_type3A_1007 = arith.sitofp %convert_element_type3A_1006 : vector<16x512xi32> to vector<16x512xf32>
      %eq3A_1008 = vector.broadcast %broadcast_in_dim3A_1003 : vector<1x512xi32> to vector<16x512xi32>
      %eq3A_1009 = arith.cmpi eq, %iota3A, %eq3A_1008 : vector<16x512xi32>
      %convert_element_type3A_1010 = arith.extui %eq3A_1009 : vector<16x512xi1> to vector<16x512xi32>
      %convert_element_type3A_1011 = arith.sitofp %convert_element_type3A_1010 : vector<16x512xi32> to vector<16x512xf32>
      %eq3A_1012 = arith.cmpi eq, %broadcast_in_dim3A_1003, %get3A_984 : vector<1x512xi32>
      %convert_element_type3A_1013 = arith.extui %eq3A_1012 : vector<1x512xi1> to vector<1x512xi32>
      %convert_element_type3A_1014 = arith.sitofp %convert_element_type3A_1013 : vector<1x512xi32> to vector<1x512xf32>
      %add3A_1015 = arith.addf %add3A_966, %convert_element_type3A_1007 : vector<16x512xf32>
      %add3A_1016 = arith.addf %add3A_967, %convert_element_type3A_1011 : vector<16x512xf32>
      %mul3A_1017 = vector.broadcast %convert_element_type3A_1014 : vector<1x512xf32> to vector<16x512xf32>
      %mul3A_1018 = arith.mulf %convert_element_type3A_1011, %mul3A_1017 : vector<16x512xf32>
      %add3A_1019 = arith.addf %add3A_970, %mul3A_1018 : vector<16x512xf32>
      %sub3A_1020 = vector.broadcast %add3A_995 : vector<1x512xf32> to vector<16x512xf32>
      %sub3A_1021 = arith.subf %get3A_979, %sub3A_1020 : vector<16x512xf32>
      %mul3A_1022 = arith.mulf %convert_element_type3A_1007, %sub3A_1021 : vector<16x512xf32>
      %add3A_1023 = arith.addf %add3A_974, %mul3A_1022 : vector<16x512xf32>
      %get3A_1024 = arith.constant 0 : index
      %get3A_1025 = arith.constant 0 : index
      %get3A_1026 = arith.constant 9728 : index
      %get3A_1027 = vector.load %arg3[%get3A_1024, %get3A_1025, %get3A_1026] : memref<2x16x16384xf32, #tpu.memory_space<vmem>>, vector<1x16x512xf32>
      %get3A_1028 = vector.shape_cast %get3A_1027 : vector<1x16x512xf32> to vector<16x512xf32>
      %get3A_1029 = arith.constant 0 : index
      %get3A_1030 = arith.constant 19 : index
      %get3A_1031 = arith.constant 0 : index
      %get3A_1032 = vector.load %arg4[%get3A_1029, %get3A_1030, %get3A_1031] : memref<2x32x512xi32, #tpu.memory_space<vmem>>, vector<1x1x512xi32>
      %get3A_1033 = vector.shape_cast %get3A_1032 : vector<1x1x512xi32> to vector<1x512xi32>
      %reduce_max3A_1034 = arith.constant dense<0xFF800000> : vector<512xf32>
      %reduce_max3A_1035 = vector.multi_reduction <maximumf>, %get3A_1028, %reduce_max3A_1034 [0] : vector<16x512xf32> to vector<512xf32>
      %broadcast_in_dim3A_1036 = vector.shape_cast %reduce_max3A_1035 : vector<512xf32> to vector<1x512xf32>
      %sub3A_1037 = vector.broadcast %broadcast_in_dim3A_1036 : vector<1x512xf32> to vector<16x512xf32>
      %sub3A_1038 = arith.subf %get3A_1028, %sub3A_1037 : vector<16x512xf32>
      %exp3A_1039 = math.exp %sub3A_1038 : vector<16x512xf32>
      %reduce_sum3A_1040 = arith.constant dense<0.000000e+00> : vector<512xf32>
      %reduce_sum3A_1041 = vector.multi_reduction <add>, %exp3A_1039, %reduce_sum3A_1040 [0] : vector<16x512xf32> to vector<512xf32>
      %broadcast_in_dim3A_1042 = vector.shape_cast %reduce_sum3A_1041 : vector<512xf32> to vector<1x512xf32>
      %log3A_1043 = math.log %broadcast_in_dim3A_1042 : vector<1x512xf32>
      %add3A_1044 = arith.addf %broadcast_in_dim3A_1036, %log3A_1043 : vector<1x512xf32>
      %eq3A_1045 = vector.broadcast %broadcast_in_dim3A_1036 : vector<1x512xf32> to vector<16x512xf32>
      %eq3A_1046 = arith.cmpf oeq, %get3A_1028, %eq3A_1045 : vector<16x512xf32>
      %jit3A_1047 = arith.constant 16 : i32
      %broadcast_in_dim3A_1048 = vector.broadcast %jit3A_1047 : i32 to vector<16x512xi32>
      %select_n3A_1049 = arith.select %eq3A_1046, %iota3A, %broadcast_in_dim3A_1048 : vector<16x512xi1>, vector<16x512xi32>
      %reduce_min3A_1050 = arith.constant dense<2147483647> : vector<512xi32>
      %reduce_min3A_1051 = vector.multi_reduction <minsi>, %select_n3A_1049, %reduce_min3A_1050 [0] : vector<16x512xi32> to vector<512xi32>
      %broadcast_in_dim3A_1052 = vector.shape_cast %reduce_min3A_1051 : vector<512xi32> to vector<1x512xi32>
      %eq3A_1053 = vector.broadcast %get3A_1033 : vector<1x512xi32> to vector<16x512xi32>
      %eq3A_1054 = arith.cmpi eq, %iota3A, %eq3A_1053 : vector<16x512xi32>
      %convert_element_type3A_1055 = arith.extui %eq3A_1054 : vector<16x512xi1> to vector<16x512xi32>
      %convert_element_type3A_1056 = arith.sitofp %convert_element_type3A_1055 : vector<16x512xi32> to vector<16x512xf32>
      %eq3A_1057 = vector.broadcast %broadcast_in_dim3A_1052 : vector<1x512xi32> to vector<16x512xi32>
      %eq3A_1058 = arith.cmpi eq, %iota3A, %eq3A_1057 : vector<16x512xi32>
      %convert_element_type3A_1059 = arith.extui %eq3A_1058 : vector<16x512xi1> to vector<16x512xi32>
      %convert_element_type3A_1060 = arith.sitofp %convert_element_type3A_1059 : vector<16x512xi32> to vector<16x512xf32>
      %eq3A_1061 = arith.cmpi eq, %broadcast_in_dim3A_1052, %get3A_1033 : vector<1x512xi32>
      %convert_element_type3A_1062 = arith.extui %eq3A_1061 : vector<1x512xi1> to vector<1x512xi32>
      %convert_element_type3A_1063 = arith.sitofp %convert_element_type3A_1062 : vector<1x512xi32> to vector<1x512xf32>
      %add3A_1064 = arith.addf %add3A_1015, %convert_element_type3A_1056 : vector<16x512xf32>
      %add3A_1065 = arith.addf %add3A_1016, %convert_element_type3A_1060 : vector<16x512xf32>
      %mul3A_1066 = vector.broadcast %convert_element_type3A_1063 : vector<1x512xf32> to vector<16x512xf32>
      %mul3A_1067 = arith.mulf %convert_element_type3A_1060, %mul3A_1066 : vector<16x512xf32>
      %add3A_1068 = arith.addf %add3A_1019, %mul3A_1067 : vector<16x512xf32>
      %sub3A_1069 = vector.broadcast %add3A_1044 : vector<1x512xf32> to vector<16x512xf32>
      %sub3A_1070 = arith.subf %get3A_1028, %sub3A_1069 : vector<16x512xf32>
      %mul3A_1071 = arith.mulf %convert_element_type3A_1056, %sub3A_1070 : vector<16x512xf32>
      %add3A_1072 = arith.addf %add3A_1023, %mul3A_1071 : vector<16x512xf32>
      %get3A_1073 = arith.constant 0 : index
      %get3A_1074 = arith.constant 0 : index
      %get3A_1075 = arith.constant 10240 : index
      %get3A_1076 = vector.load %arg3[%get3A_1073, %get3A_1074, %get3A_1075] : memref<2x16x16384xf32, #tpu.memory_space<vmem>>, vector<1x16x512xf32>
      %get3A_1077 = vector.shape_cast %get3A_1076 : vector<1x16x512xf32> to vector<16x512xf32>
      %get3A_1078 = arith.constant 0 : index
      %get3A_1079 = arith.constant 20 : index
      %get3A_1080 = arith.constant 0 : index
      %get3A_1081 = vector.load %arg4[%get3A_1078, %get3A_1079, %get3A_1080] : memref<2x32x512xi32, #tpu.memory_space<vmem>>, vector<1x1x512xi32>
      %get3A_1082 = vector.shape_cast %get3A_1081 : vector<1x1x512xi32> to vector<1x512xi32>
      %reduce_max3A_1083 = arith.constant dense<0xFF800000> : vector<512xf32>
      %reduce_max3A_1084 = vector.multi_reduction <maximumf>, %get3A_1077, %reduce_max3A_1083 [0] : vector<16x512xf32> to vector<512xf32>
      %broadcast_in_dim3A_1085 = vector.shape_cast %reduce_max3A_1084 : vector<512xf32> to vector<1x512xf32>
      %sub3A_1086 = vector.broadcast %broadcast_in_dim3A_1085 : vector<1x512xf32> to vector<16x512xf32>
      %sub3A_1087 = arith.subf %get3A_1077, %sub3A_1086 : vector<16x512xf32>
      %exp3A_1088 = math.exp %sub3A_1087 : vector<16x512xf32>
      %reduce_sum3A_1089 = arith.constant dense<0.000000e+00> : vector<512xf32>
      %reduce_sum3A_1090 = vector.multi_reduction <add>, %exp3A_1088, %reduce_sum3A_1089 [0] : vector<16x512xf32> to vector<512xf32>
      %broadcast_in_dim3A_1091 = vector.shape_cast %reduce_sum3A_1090 : vector<512xf32> to vector<1x512xf32>
      %log3A_1092 = math.log %broadcast_in_dim3A_1091 : vector<1x512xf32>
      %add3A_1093 = arith.addf %broadcast_in_dim3A_1085, %log3A_1092 : vector<1x512xf32>
      %eq3A_1094 = vector.broadcast %broadcast_in_dim3A_1085 : vector<1x512xf32> to vector<16x512xf32>
      %eq3A_1095 = arith.cmpf oeq, %get3A_1077, %eq3A_1094 : vector<16x512xf32>
      %jit3A_1096 = arith.constant 16 : i32
      %broadcast_in_dim3A_1097 = vector.broadcast %jit3A_1096 : i32 to vector<16x512xi32>
      %select_n3A_1098 = arith.select %eq3A_1095, %iota3A, %broadcast_in_dim3A_1097 : vector<16x512xi1>, vector<16x512xi32>
      %reduce_min3A_1099 = arith.constant dense<2147483647> : vector<512xi32>
      %reduce_min3A_1100 = vector.multi_reduction <minsi>, %select_n3A_1098, %reduce_min3A_1099 [0] : vector<16x512xi32> to vector<512xi32>
      %broadcast_in_dim3A_1101 = vector.shape_cast %reduce_min3A_1100 : vector<512xi32> to vector<1x512xi32>
      %eq3A_1102 = vector.broadcast %get3A_1082 : vector<1x512xi32> to vector<16x512xi32>
      %eq3A_1103 = arith.cmpi eq, %iota3A, %eq3A_1102 : vector<16x512xi32>
      %convert_element_type3A_1104 = arith.extui %eq3A_1103 : vector<16x512xi1> to vector<16x512xi32>
      %convert_element_type3A_1105 = arith.sitofp %convert_element_type3A_1104 : vector<16x512xi32> to vector<16x512xf32>
      %eq3A_1106 = vector.broadcast %broadcast_in_dim3A_1101 : vector<1x512xi32> to vector<16x512xi32>
      %eq3A_1107 = arith.cmpi eq, %iota3A, %eq3A_1106 : vector<16x512xi32>
      %convert_element_type3A_1108 = arith.extui %eq3A_1107 : vector<16x512xi1> to vector<16x512xi32>
      %convert_element_type3A_1109 = arith.sitofp %convert_element_type3A_1108 : vector<16x512xi32> to vector<16x512xf32>
      %eq3A_1110 = arith.cmpi eq, %broadcast_in_dim3A_1101, %get3A_1082 : vector<1x512xi32>
      %convert_element_type3A_1111 = arith.extui %eq3A_1110 : vector<1x512xi1> to vector<1x512xi32>
      %convert_element_type3A_1112 = arith.sitofp %convert_element_type3A_1111 : vector<1x512xi32> to vector<1x512xf32>
      %add3A_1113 = arith.addf %add3A_1064, %convert_element_type3A_1105 : vector<16x512xf32>
      %add3A_1114 = arith.addf %add3A_1065, %convert_element_type3A_1109 : vector<16x512xf32>
      %mul3A_1115 = vector.broadcast %convert_element_type3A_1112 : vector<1x512xf32> to vector<16x512xf32>
      %mul3A_1116 = arith.mulf %convert_element_type3A_1109, %mul3A_1115 : vector<16x512xf32>
      %add3A_1117 = arith.addf %add3A_1068, %mul3A_1116 : vector<16x512xf32>
      %sub3A_1118 = vector.broadcast %add3A_1093 : vector<1x512xf32> to vector<16x512xf32>
      %sub3A_1119 = arith.subf %get3A_1077, %sub3A_1118 : vector<16x512xf32>
      %mul3A_1120 = arith.mulf %convert_element_type3A_1105, %sub3A_1119 : vector<16x512xf32>
      %add3A_1121 = arith.addf %add3A_1072, %mul3A_1120 : vector<16x512xf32>
      %get3A_1122 = arith.constant 0 : index
      %get3A_1123 = arith.constant 0 : index
      %get3A_1124 = arith.constant 10752 : index
      %get3A_1125 = vector.load %arg3[%get3A_1122, %get3A_1123, %get3A_1124] : memref<2x16x16384xf32, #tpu.memory_space<vmem>>, vector<1x16x512xf32>
      %get3A_1126 = vector.shape_cast %get3A_1125 : vector<1x16x512xf32> to vector<16x512xf32>
      %get3A_1127 = arith.constant 0 : index
      %get3A_1128 = arith.constant 21 : index
      %get3A_1129 = arith.constant 0 : index
      %get3A_1130 = vector.load %arg4[%get3A_1127, %get3A_1128, %get3A_1129] : memref<2x32x512xi32, #tpu.memory_space<vmem>>, vector<1x1x512xi32>
      %get3A_1131 = vector.shape_cast %get3A_1130 : vector<1x1x512xi32> to vector<1x512xi32>
      %reduce_max3A_1132 = arith.constant dense<0xFF800000> : vector<512xf32>
      %reduce_max3A_1133 = vector.multi_reduction <maximumf>, %get3A_1126, %reduce_max3A_1132 [0] : vector<16x512xf32> to vector<512xf32>
      %broadcast_in_dim3A_1134 = vector.shape_cast %reduce_max3A_1133 : vector<512xf32> to vector<1x512xf32>
      %sub3A_1135 = vector.broadcast %broadcast_in_dim3A_1134 : vector<1x512xf32> to vector<16x512xf32>
      %sub3A_1136 = arith.subf %get3A_1126, %sub3A_1135 : vector<16x512xf32>
      %exp3A_1137 = math.exp %sub3A_1136 : vector<16x512xf32>
      %reduce_sum3A_1138 = arith.constant dense<0.000000e+00> : vector<512xf32>
      %reduce_sum3A_1139 = vector.multi_reduction <add>, %exp3A_1137, %reduce_sum3A_1138 [0] : vector<16x512xf32> to vector<512xf32>
      %broadcast_in_dim3A_1140 = vector.shape_cast %reduce_sum3A_1139 : vector<512xf32> to vector<1x512xf32>
      %log3A_1141 = math.log %broadcast_in_dim3A_1140 : vector<1x512xf32>
      %add3A_1142 = arith.addf %broadcast_in_dim3A_1134, %log3A_1141 : vector<1x512xf32>
      %eq3A_1143 = vector.broadcast %broadcast_in_dim3A_1134 : vector<1x512xf32> to vector<16x512xf32>
      %eq3A_1144 = arith.cmpf oeq, %get3A_1126, %eq3A_1143 : vector<16x512xf32>
      %jit3A_1145 = arith.constant 16 : i32
      %broadcast_in_dim3A_1146 = vector.broadcast %jit3A_1145 : i32 to vector<16x512xi32>
      %select_n3A_1147 = arith.select %eq3A_1144, %iota3A, %broadcast_in_dim3A_1146 : vector<16x512xi1>, vector<16x512xi32>
      %reduce_min3A_1148 = arith.constant dense<2147483647> : vector<512xi32>
      %reduce_min3A_1149 = vector.multi_reduction <minsi>, %select_n3A_1147, %reduce_min3A_1148 [0] : vector<16x512xi32> to vector<512xi32>
      %broadcast_in_dim3A_1150 = vector.shape_cast %reduce_min3A_1149 : vector<512xi32> to vector<1x512xi32>
      %eq3A_1151 = vector.broadcast %get3A_1131 : vector<1x512xi32> to vector<16x512xi32>
      %eq3A_1152 = arith.cmpi eq, %iota3A, %eq3A_1151 : vector<16x512xi32>
      %convert_element_type3A_1153 = arith.extui %eq3A_1152 : vector<16x512xi1> to vector<16x512xi32>
      %convert_element_type3A_1154 = arith.sitofp %convert_element_type3A_1153 : vector<16x512xi32> to vector<16x512xf32>
      %eq3A_1155 = vector.broadcast %broadcast_in_dim3A_1150 : vector<1x512xi32> to vector<16x512xi32>
      %eq3A_1156 = arith.cmpi eq, %iota3A, %eq3A_1155 : vector<16x512xi32>
      %convert_element_type3A_1157 = arith.extui %eq3A_1156 : vector<16x512xi1> to vector<16x512xi32>
      %convert_element_type3A_1158 = arith.sitofp %convert_element_type3A_1157 : vector<16x512xi32> to vector<16x512xf32>
      %eq3A_1159 = arith.cmpi eq, %broadcast_in_dim3A_1150, %get3A_1131 : vector<1x512xi32>
      %convert_element_type3A_1160 = arith.extui %eq3A_1159 : vector<1x512xi1> to vector<1x512xi32>
      %convert_element_type3A_1161 = arith.sitofp %convert_element_type3A_1160 : vector<1x512xi32> to vector<1x512xf32>
      %add3A_1162 = arith.addf %add3A_1113, %convert_element_type3A_1154 : vector<16x512xf32>
      %add3A_1163 = arith.addf %add3A_1114, %convert_element_type3A_1158 : vector<16x512xf32>
      %mul3A_1164 = vector.broadcast %convert_element_type3A_1161 : vector<1x512xf32> to vector<16x512xf32>
      %mul3A_1165 = arith.mulf %convert_element_type3A_1158, %mul3A_1164 : vector<16x512xf32>
      %add3A_1166 = arith.addf %add3A_1117, %mul3A_1165 : vector<16x512xf32>
      %sub3A_1167 = vector.broadcast %add3A_1142 : vector<1x512xf32> to vector<16x512xf32>
      %sub3A_1168 = arith.subf %get3A_1126, %sub3A_1167 : vector<16x512xf32>
      %mul3A_1169 = arith.mulf %convert_element_type3A_1154, %sub3A_1168 : vector<16x512xf32>
      %add3A_1170 = arith.addf %add3A_1121, %mul3A_1169 : vector<16x512xf32>
      %get3A_1171 = arith.constant 0 : index
      %get3A_1172 = arith.constant 0 : index
      %get3A_1173 = arith.constant 11264 : index
      %get3A_1174 = vector.load %arg3[%get3A_1171, %get3A_1172, %get3A_1173] : memref<2x16x16384xf32, #tpu.memory_space<vmem>>, vector<1x16x512xf32>
      %get3A_1175 = vector.shape_cast %get3A_1174 : vector<1x16x512xf32> to vector<16x512xf32>
      %get3A_1176 = arith.constant 0 : index
      %get3A_1177 = arith.constant 22 : index
      %get3A_1178 = arith.constant 0 : index
      %get3A_1179 = vector.load %arg4[%get3A_1176, %get3A_1177, %get3A_1178] : memref<2x32x512xi32, #tpu.memory_space<vmem>>, vector<1x1x512xi32>
      %get3A_1180 = vector.shape_cast %get3A_1179 : vector<1x1x512xi32> to vector<1x512xi32>
      %reduce_max3A_1181 = arith.constant dense<0xFF800000> : vector<512xf32>
      %reduce_max3A_1182 = vector.multi_reduction <maximumf>, %get3A_1175, %reduce_max3A_1181 [0] : vector<16x512xf32> to vector<512xf32>
      %broadcast_in_dim3A_1183 = vector.shape_cast %reduce_max3A_1182 : vector<512xf32> to vector<1x512xf32>
      %sub3A_1184 = vector.broadcast %broadcast_in_dim3A_1183 : vector<1x512xf32> to vector<16x512xf32>
      %sub3A_1185 = arith.subf %get3A_1175, %sub3A_1184 : vector<16x512xf32>
      %exp3A_1186 = math.exp %sub3A_1185 : vector<16x512xf32>
      %reduce_sum3A_1187 = arith.constant dense<0.000000e+00> : vector<512xf32>
      %reduce_sum3A_1188 = vector.multi_reduction <add>, %exp3A_1186, %reduce_sum3A_1187 [0] : vector<16x512xf32> to vector<512xf32>
      %broadcast_in_dim3A_1189 = vector.shape_cast %reduce_sum3A_1188 : vector<512xf32> to vector<1x512xf32>
      %log3A_1190 = math.log %broadcast_in_dim3A_1189 : vector<1x512xf32>
      %add3A_1191 = arith.addf %broadcast_in_dim3A_1183, %log3A_1190 : vector<1x512xf32>
      %eq3A_1192 = vector.broadcast %broadcast_in_dim3A_1183 : vector<1x512xf32> to vector<16x512xf32>
      %eq3A_1193 = arith.cmpf oeq, %get3A_1175, %eq3A_1192 : vector<16x512xf32>
      %jit3A_1194 = arith.constant 16 : i32
      %broadcast_in_dim3A_1195 = vector.broadcast %jit3A_1194 : i32 to vector<16x512xi32>
      %select_n3A_1196 = arith.select %eq3A_1193, %iota3A, %broadcast_in_dim3A_1195 : vector<16x512xi1>, vector<16x512xi32>
      %reduce_min3A_1197 = arith.constant dense<2147483647> : vector<512xi32>
      %reduce_min3A_1198 = vector.multi_reduction <minsi>, %select_n3A_1196, %reduce_min3A_1197 [0] : vector<16x512xi32> to vector<512xi32>
      %broadcast_in_dim3A_1199 = vector.shape_cast %reduce_min3A_1198 : vector<512xi32> to vector<1x512xi32>
      %eq3A_1200 = vector.broadcast %get3A_1180 : vector<1x512xi32> to vector<16x512xi32>
      %eq3A_1201 = arith.cmpi eq, %iota3A, %eq3A_1200 : vector<16x512xi32>
      %convert_element_type3A_1202 = arith.extui %eq3A_1201 : vector<16x512xi1> to vector<16x512xi32>
      %convert_element_type3A_1203 = arith.sitofp %convert_element_type3A_1202 : vector<16x512xi32> to vector<16x512xf32>
      %eq3A_1204 = vector.broadcast %broadcast_in_dim3A_1199 : vector<1x512xi32> to vector<16x512xi32>
      %eq3A_1205 = arith.cmpi eq, %iota3A, %eq3A_1204 : vector<16x512xi32>
      %convert_element_type3A_1206 = arith.extui %eq3A_1205 : vector<16x512xi1> to vector<16x512xi32>
      %convert_element_type3A_1207 = arith.sitofp %convert_element_type3A_1206 : vector<16x512xi32> to vector<16x512xf32>
      %eq3A_1208 = arith.cmpi eq, %broadcast_in_dim3A_1199, %get3A_1180 : vector<1x512xi32>
      %convert_element_type3A_1209 = arith.extui %eq3A_1208 : vector<1x512xi1> to vector<1x512xi32>
      %convert_element_type3A_1210 = arith.sitofp %convert_element_type3A_1209 : vector<1x512xi32> to vector<1x512xf32>
      %add3A_1211 = arith.addf %add3A_1162, %convert_element_type3A_1203 : vector<16x512xf32>
      %add3A_1212 = arith.addf %add3A_1163, %convert_element_type3A_1207 : vector<16x512xf32>
      %mul3A_1213 = vector.broadcast %convert_element_type3A_1210 : vector<1x512xf32> to vector<16x512xf32>
      %mul3A_1214 = arith.mulf %convert_element_type3A_1207, %mul3A_1213 : vector<16x512xf32>
      %add3A_1215 = arith.addf %add3A_1166, %mul3A_1214 : vector<16x512xf32>
      %sub3A_1216 = vector.broadcast %add3A_1191 : vector<1x512xf32> to vector<16x512xf32>
      %sub3A_1217 = arith.subf %get3A_1175, %sub3A_1216 : vector<16x512xf32>
      %mul3A_1218 = arith.mulf %convert_element_type3A_1203, %sub3A_1217 : vector<16x512xf32>
      %add3A_1219 = arith.addf %add3A_1170, %mul3A_1218 : vector<16x512xf32>
      %get3A_1220 = arith.constant 0 : index
      %get3A_1221 = arith.constant 0 : index
      %get3A_1222 = arith.constant 11776 : index
      %get3A_1223 = vector.load %arg3[%get3A_1220, %get3A_1221, %get3A_1222] : memref<2x16x16384xf32, #tpu.memory_space<vmem>>, vector<1x16x512xf32>
      %get3A_1224 = vector.shape_cast %get3A_1223 : vector<1x16x512xf32> to vector<16x512xf32>
      %get3A_1225 = arith.constant 0 : index
      %get3A_1226 = arith.constant 23 : index
      %get3A_1227 = arith.constant 0 : index
      %get3A_1228 = vector.load %arg4[%get3A_1225, %get3A_1226, %get3A_1227] : memref<2x32x512xi32, #tpu.memory_space<vmem>>, vector<1x1x512xi32>
      %get3A_1229 = vector.shape_cast %get3A_1228 : vector<1x1x512xi32> to vector<1x512xi32>
      %reduce_max3A_1230 = arith.constant dense<0xFF800000> : vector<512xf32>
      %reduce_max3A_1231 = vector.multi_reduction <maximumf>, %get3A_1224, %reduce_max3A_1230 [0] : vector<16x512xf32> to vector<512xf32>
      %broadcast_in_dim3A_1232 = vector.shape_cast %reduce_max3A_1231 : vector<512xf32> to vector<1x512xf32>
      %sub3A_1233 = vector.broadcast %broadcast_in_dim3A_1232 : vector<1x512xf32> to vector<16x512xf32>
      %sub3A_1234 = arith.subf %get3A_1224, %sub3A_1233 : vector<16x512xf32>
      %exp3A_1235 = math.exp %sub3A_1234 : vector<16x512xf32>
      %reduce_sum3A_1236 = arith.constant dense<0.000000e+00> : vector<512xf32>
      %reduce_sum3A_1237 = vector.multi_reduction <add>, %exp3A_1235, %reduce_sum3A_1236 [0] : vector<16x512xf32> to vector<512xf32>
      %broadcast_in_dim3A_1238 = vector.shape_cast %reduce_sum3A_1237 : vector<512xf32> to vector<1x512xf32>
      %log3A_1239 = math.log %broadcast_in_dim3A_1238 : vector<1x512xf32>
      %add3A_1240 = arith.addf %broadcast_in_dim3A_1232, %log3A_1239 : vector<1x512xf32>
      %eq3A_1241 = vector.broadcast %broadcast_in_dim3A_1232 : vector<1x512xf32> to vector<16x512xf32>
      %eq3A_1242 = arith.cmpf oeq, %get3A_1224, %eq3A_1241 : vector<16x512xf32>
      %jit3A_1243 = arith.constant 16 : i32
      %broadcast_in_dim3A_1244 = vector.broadcast %jit3A_1243 : i32 to vector<16x512xi32>
      %select_n3A_1245 = arith.select %eq3A_1242, %iota3A, %broadcast_in_dim3A_1244 : vector<16x512xi1>, vector<16x512xi32>
      %reduce_min3A_1246 = arith.constant dense<2147483647> : vector<512xi32>
      %reduce_min3A_1247 = vector.multi_reduction <minsi>, %select_n3A_1245, %reduce_min3A_1246 [0] : vector<16x512xi32> to vector<512xi32>
      %broadcast_in_dim3A_1248 = vector.shape_cast %reduce_min3A_1247 : vector<512xi32> to vector<1x512xi32>
      %eq3A_1249 = vector.broadcast %get3A_1229 : vector<1x512xi32> to vector<16x512xi32>
      %eq3A_1250 = arith.cmpi eq, %iota3A, %eq3A_1249 : vector<16x512xi32>
      %convert_element_type3A_1251 = arith.extui %eq3A_1250 : vector<16x512xi1> to vector<16x512xi32>
      %convert_element_type3A_1252 = arith.sitofp %convert_element_type3A_1251 : vector<16x512xi32> to vector<16x512xf32>
      %eq3A_1253 = vector.broadcast %broadcast_in_dim3A_1248 : vector<1x512xi32> to vector<16x512xi32>
      %eq3A_1254 = arith.cmpi eq, %iota3A, %eq3A_1253 : vector<16x512xi32>
      %convert_element_type3A_1255 = arith.extui %eq3A_1254 : vector<16x512xi1> to vector<16x512xi32>
      %convert_element_type3A_1256 = arith.sitofp %convert_element_type3A_1255 : vector<16x512xi32> to vector<16x512xf32>
      %eq3A_1257 = arith.cmpi eq, %broadcast_in_dim3A_1248, %get3A_1229 : vector<1x512xi32>
      %convert_element_type3A_1258 = arith.extui %eq3A_1257 : vector<1x512xi1> to vector<1x512xi32>
      %convert_element_type3A_1259 = arith.sitofp %convert_element_type3A_1258 : vector<1x512xi32> to vector<1x512xf32>
      %add3A_1260 = arith.addf %add3A_1211, %convert_element_type3A_1252 : vector<16x512xf32>
      %add3A_1261 = arith.addf %add3A_1212, %convert_element_type3A_1256 : vector<16x512xf32>
      %mul3A_1262 = vector.broadcast %convert_element_type3A_1259 : vector<1x512xf32> to vector<16x512xf32>
      %mul3A_1263 = arith.mulf %convert_element_type3A_1256, %mul3A_1262 : vector<16x512xf32>
      %add3A_1264 = arith.addf %add3A_1215, %mul3A_1263 : vector<16x512xf32>
      %sub3A_1265 = vector.broadcast %add3A_1240 : vector<1x512xf32> to vector<16x512xf32>
      %sub3A_1266 = arith.subf %get3A_1224, %sub3A_1265 : vector<16x512xf32>
      %mul3A_1267 = arith.mulf %convert_element_type3A_1252, %sub3A_1266 : vector<16x512xf32>
      %add3A_1268 = arith.addf %add3A_1219, %mul3A_1267 : vector<16x512xf32>
      %get3A_1269 = arith.constant 0 : index
      %get3A_1270 = arith.constant 0 : index
      %get3A_1271 = arith.constant 12288 : index
      %get3A_1272 = vector.load %arg3[%get3A_1269, %get3A_1270, %get3A_1271] : memref<2x16x16384xf32, #tpu.memory_space<vmem>>, vector<1x16x512xf32>
      %get3A_1273 = vector.shape_cast %get3A_1272 : vector<1x16x512xf32> to vector<16x512xf32>
      %get3A_1274 = arith.constant 0 : index
      %get3A_1275 = arith.constant 24 : index
      %get3A_1276 = arith.constant 0 : index
      %get3A_1277 = vector.load %arg4[%get3A_1274, %get3A_1275, %get3A_1276] : memref<2x32x512xi32, #tpu.memory_space<vmem>>, vector<1x1x512xi32>
      %get3A_1278 = vector.shape_cast %get3A_1277 : vector<1x1x512xi32> to vector<1x512xi32>
      %reduce_max3A_1279 = arith.constant dense<0xFF800000> : vector<512xf32>
      %reduce_max3A_1280 = vector.multi_reduction <maximumf>, %get3A_1273, %reduce_max3A_1279 [0] : vector<16x512xf32> to vector<512xf32>
      %broadcast_in_dim3A_1281 = vector.shape_cast %reduce_max3A_1280 : vector<512xf32> to vector<1x512xf32>
      %sub3A_1282 = vector.broadcast %broadcast_in_dim3A_1281 : vector<1x512xf32> to vector<16x512xf32>
      %sub3A_1283 = arith.subf %get3A_1273, %sub3A_1282 : vector<16x512xf32>
      %exp3A_1284 = math.exp %sub3A_1283 : vector<16x512xf32>
      %reduce_sum3A_1285 = arith.constant dense<0.000000e+00> : vector<512xf32>
      %reduce_sum3A_1286 = vector.multi_reduction <add>, %exp3A_1284, %reduce_sum3A_1285 [0] : vector<16x512xf32> to vector<512xf32>
      %broadcast_in_dim3A_1287 = vector.shape_cast %reduce_sum3A_1286 : vector<512xf32> to vector<1x512xf32>
      %log3A_1288 = math.log %broadcast_in_dim3A_1287 : vector<1x512xf32>
      %add3A_1289 = arith.addf %broadcast_in_dim3A_1281, %log3A_1288 : vector<1x512xf32>
      %eq3A_1290 = vector.broadcast %broadcast_in_dim3A_1281 : vector<1x512xf32> to vector<16x512xf32>
      %eq3A_1291 = arith.cmpf oeq, %get3A_1273, %eq3A_1290 : vector<16x512xf32>
      %jit3A_1292 = arith.constant 16 : i32
      %broadcast_in_dim3A_1293 = vector.broadcast %jit3A_1292 : i32 to vector<16x512xi32>
      %select_n3A_1294 = arith.select %eq3A_1291, %iota3A, %broadcast_in_dim3A_1293 : vector<16x512xi1>, vector<16x512xi32>
      %reduce_min3A_1295 = arith.constant dense<2147483647> : vector<512xi32>
      %reduce_min3A_1296 = vector.multi_reduction <minsi>, %select_n3A_1294, %reduce_min3A_1295 [0] : vector<16x512xi32> to vector<512xi32>
      %broadcast_in_dim3A_1297 = vector.shape_cast %reduce_min3A_1296 : vector<512xi32> to vector<1x512xi32>
      %eq3A_1298 = vector.broadcast %get3A_1278 : vector<1x512xi32> to vector<16x512xi32>
      %eq3A_1299 = arith.cmpi eq, %iota3A, %eq3A_1298 : vector<16x512xi32>
      %convert_element_type3A_1300 = arith.extui %eq3A_1299 : vector<16x512xi1> to vector<16x512xi32>
      %convert_element_type3A_1301 = arith.sitofp %convert_element_type3A_1300 : vector<16x512xi32> to vector<16x512xf32>
      %eq3A_1302 = vector.broadcast %broadcast_in_dim3A_1297 : vector<1x512xi32> to vector<16x512xi32>
      %eq3A_1303 = arith.cmpi eq, %iota3A, %eq3A_1302 : vector<16x512xi32>
      %convert_element_type3A_1304 = arith.extui %eq3A_1303 : vector<16x512xi1> to vector<16x512xi32>
      %convert_element_type3A_1305 = arith.sitofp %convert_element_type3A_1304 : vector<16x512xi32> to vector<16x512xf32>
      %eq3A_1306 = arith.cmpi eq, %broadcast_in_dim3A_1297, %get3A_1278 : vector<1x512xi32>
      %convert_element_type3A_1307 = arith.extui %eq3A_1306 : vector<1x512xi1> to vector<1x512xi32>
      %convert_element_type3A_1308 = arith.sitofp %convert_element_type3A_1307 : vector<1x512xi32> to vector<1x512xf32>
      %add3A_1309 = arith.addf %add3A_1260, %convert_element_type3A_1301 : vector<16x512xf32>
      %add3A_1310 = arith.addf %add3A_1261, %convert_element_type3A_1305 : vector<16x512xf32>
      %mul3A_1311 = vector.broadcast %convert_element_type3A_1308 : vector<1x512xf32> to vector<16x512xf32>
      %mul3A_1312 = arith.mulf %convert_element_type3A_1305, %mul3A_1311 : vector<16x512xf32>
      %add3A_1313 = arith.addf %add3A_1264, %mul3A_1312 : vector<16x512xf32>
      %sub3A_1314 = vector.broadcast %add3A_1289 : vector<1x512xf32> to vector<16x512xf32>
      %sub3A_1315 = arith.subf %get3A_1273, %sub3A_1314 : vector<16x512xf32>
      %mul3A_1316 = arith.mulf %convert_element_type3A_1301, %sub3A_1315 : vector<16x512xf32>
      %add3A_1317 = arith.addf %add3A_1268, %mul3A_1316 : vector<16x512xf32>
      %get3A_1318 = arith.constant 0 : index
      %get3A_1319 = arith.constant 0 : index
      %get3A_1320 = arith.constant 12800 : index
      %get3A_1321 = vector.load %arg3[%get3A_1318, %get3A_1319, %get3A_1320] : memref<2x16x16384xf32, #tpu.memory_space<vmem>>, vector<1x16x512xf32>
      %get3A_1322 = vector.shape_cast %get3A_1321 : vector<1x16x512xf32> to vector<16x512xf32>
      %get3A_1323 = arith.constant 0 : index
      %get3A_1324 = arith.constant 25 : index
      %get3A_1325 = arith.constant 0 : index
      %get3A_1326 = vector.load %arg4[%get3A_1323, %get3A_1324, %get3A_1325] : memref<2x32x512xi32, #tpu.memory_space<vmem>>, vector<1x1x512xi32>
      %get3A_1327 = vector.shape_cast %get3A_1326 : vector<1x1x512xi32> to vector<1x512xi32>
      %reduce_max3A_1328 = arith.constant dense<0xFF800000> : vector<512xf32>
      %reduce_max3A_1329 = vector.multi_reduction <maximumf>, %get3A_1322, %reduce_max3A_1328 [0] : vector<16x512xf32> to vector<512xf32>
      %broadcast_in_dim3A_1330 = vector.shape_cast %reduce_max3A_1329 : vector<512xf32> to vector<1x512xf32>
      %sub3A_1331 = vector.broadcast %broadcast_in_dim3A_1330 : vector<1x512xf32> to vector<16x512xf32>
      %sub3A_1332 = arith.subf %get3A_1322, %sub3A_1331 : vector<16x512xf32>
      %exp3A_1333 = math.exp %sub3A_1332 : vector<16x512xf32>
      %reduce_sum3A_1334 = arith.constant dense<0.000000e+00> : vector<512xf32>
      %reduce_sum3A_1335 = vector.multi_reduction <add>, %exp3A_1333, %reduce_sum3A_1334 [0] : vector<16x512xf32> to vector<512xf32>
      %broadcast_in_dim3A_1336 = vector.shape_cast %reduce_sum3A_1335 : vector<512xf32> to vector<1x512xf32>
      %log3A_1337 = math.log %broadcast_in_dim3A_1336 : vector<1x512xf32>
      %add3A_1338 = arith.addf %broadcast_in_dim3A_1330, %log3A_1337 : vector<1x512xf32>
      %eq3A_1339 = vector.broadcast %broadcast_in_dim3A_1330 : vector<1x512xf32> to vector<16x512xf32>
      %eq3A_1340 = arith.cmpf oeq, %get3A_1322, %eq3A_1339 : vector<16x512xf32>
      %jit3A_1341 = arith.constant 16 : i32
      %broadcast_in_dim3A_1342 = vector.broadcast %jit3A_1341 : i32 to vector<16x512xi32>
      %select_n3A_1343 = arith.select %eq3A_1340, %iota3A, %broadcast_in_dim3A_1342 : vector<16x512xi1>, vector<16x512xi32>
      %reduce_min3A_1344 = arith.constant dense<2147483647> : vector<512xi32>
      %reduce_min3A_1345 = vector.multi_reduction <minsi>, %select_n3A_1343, %reduce_min3A_1344 [0] : vector<16x512xi32> to vector<512xi32>
      %broadcast_in_dim3A_1346 = vector.shape_cast %reduce_min3A_1345 : vector<512xi32> to vector<1x512xi32>
      %eq3A_1347 = vector.broadcast %get3A_1327 : vector<1x512xi32> to vector<16x512xi32>
      %eq3A_1348 = arith.cmpi eq, %iota3A, %eq3A_1347 : vector<16x512xi32>
      %convert_element_type3A_1349 = arith.extui %eq3A_1348 : vector<16x512xi1> to vector<16x512xi32>
      %convert_element_type3A_1350 = arith.sitofp %convert_element_type3A_1349 : vector<16x512xi32> to vector<16x512xf32>
      %eq3A_1351 = vector.broadcast %broadcast_in_dim3A_1346 : vector<1x512xi32> to vector<16x512xi32>
      %eq3A_1352 = arith.cmpi eq, %iota3A, %eq3A_1351 : vector<16x512xi32>
      %convert_element_type3A_1353 = arith.extui %eq3A_1352 : vector<16x512xi1> to vector<16x512xi32>
      %convert_element_type3A_1354 = arith.sitofp %convert_element_type3A_1353 : vector<16x512xi32> to vector<16x512xf32>
      %eq3A_1355 = arith.cmpi eq, %broadcast_in_dim3A_1346, %get3A_1327 : vector<1x512xi32>
      %convert_element_type3A_1356 = arith.extui %eq3A_1355 : vector<1x512xi1> to vector<1x512xi32>
      %convert_element_type3A_1357 = arith.sitofp %convert_element_type3A_1356 : vector<1x512xi32> to vector<1x512xf32>
      %add3A_1358 = arith.addf %add3A_1309, %convert_element_type3A_1350 : vector<16x512xf32>
      %add3A_1359 = arith.addf %add3A_1310, %convert_element_type3A_1354 : vector<16x512xf32>
      %mul3A_1360 = vector.broadcast %convert_element_type3A_1357 : vector<1x512xf32> to vector<16x512xf32>
      %mul3A_1361 = arith.mulf %convert_element_type3A_1354, %mul3A_1360 : vector<16x512xf32>
      %add3A_1362 = arith.addf %add3A_1313, %mul3A_1361 : vector<16x512xf32>
      %sub3A_1363 = vector.broadcast %add3A_1338 : vector<1x512xf32> to vector<16x512xf32>
      %sub3A_1364 = arith.subf %get3A_1322, %sub3A_1363 : vector<16x512xf32>
      %mul3A_1365 = arith.mulf %convert_element_type3A_1350, %sub3A_1364 : vector<16x512xf32>
      %add3A_1366 = arith.addf %add3A_1317, %mul3A_1365 : vector<16x512xf32>
      %get3A_1367 = arith.constant 0 : index
      %get3A_1368 = arith.constant 0 : index
      %get3A_1369 = arith.constant 13312 : index
      %get3A_1370 = vector.load %arg3[%get3A_1367, %get3A_1368, %get3A_1369] : memref<2x16x16384xf32, #tpu.memory_space<vmem>>, vector<1x16x512xf32>
      %get3A_1371 = vector.shape_cast %get3A_1370 : vector<1x16x512xf32> to vector<16x512xf32>
      %get3A_1372 = arith.constant 0 : index
      %get3A_1373 = arith.constant 26 : index
      %get3A_1374 = arith.constant 0 : index
      %get3A_1375 = vector.load %arg4[%get3A_1372, %get3A_1373, %get3A_1374] : memref<2x32x512xi32, #tpu.memory_space<vmem>>, vector<1x1x512xi32>
      %get3A_1376 = vector.shape_cast %get3A_1375 : vector<1x1x512xi32> to vector<1x512xi32>
      %reduce_max3A_1377 = arith.constant dense<0xFF800000> : vector<512xf32>
      %reduce_max3A_1378 = vector.multi_reduction <maximumf>, %get3A_1371, %reduce_max3A_1377 [0] : vector<16x512xf32> to vector<512xf32>
      %broadcast_in_dim3A_1379 = vector.shape_cast %reduce_max3A_1378 : vector<512xf32> to vector<1x512xf32>
      %sub3A_1380 = vector.broadcast %broadcast_in_dim3A_1379 : vector<1x512xf32> to vector<16x512xf32>
      %sub3A_1381 = arith.subf %get3A_1371, %sub3A_1380 : vector<16x512xf32>
      %exp3A_1382 = math.exp %sub3A_1381 : vector<16x512xf32>
      %reduce_sum3A_1383 = arith.constant dense<0.000000e+00> : vector<512xf32>
      %reduce_sum3A_1384 = vector.multi_reduction <add>, %exp3A_1382, %reduce_sum3A_1383 [0] : vector<16x512xf32> to vector<512xf32>
      %broadcast_in_dim3A_1385 = vector.shape_cast %reduce_sum3A_1384 : vector<512xf32> to vector<1x512xf32>
      %log3A_1386 = math.log %broadcast_in_dim3A_1385 : vector<1x512xf32>
      %add3A_1387 = arith.addf %broadcast_in_dim3A_1379, %log3A_1386 : vector<1x512xf32>
      %eq3A_1388 = vector.broadcast %broadcast_in_dim3A_1379 : vector<1x512xf32> to vector<16x512xf32>
      %eq3A_1389 = arith.cmpf oeq, %get3A_1371, %eq3A_1388 : vector<16x512xf32>
      %jit3A_1390 = arith.constant 16 : i32
      %broadcast_in_dim3A_1391 = vector.broadcast %jit3A_1390 : i32 to vector<16x512xi32>
      %select_n3A_1392 = arith.select %eq3A_1389, %iota3A, %broadcast_in_dim3A_1391 : vector<16x512xi1>, vector<16x512xi32>
      %reduce_min3A_1393 = arith.constant dense<2147483647> : vector<512xi32>
      %reduce_min3A_1394 = vector.multi_reduction <minsi>, %select_n3A_1392, %reduce_min3A_1393 [0] : vector<16x512xi32> to vector<512xi32>
      %broadcast_in_dim3A_1395 = vector.shape_cast %reduce_min3A_1394 : vector<512xi32> to vector<1x512xi32>
      %eq3A_1396 = vector.broadcast %get3A_1376 : vector<1x512xi32> to vector<16x512xi32>
      %eq3A_1397 = arith.cmpi eq, %iota3A, %eq3A_1396 : vector<16x512xi32>
      %convert_element_type3A_1398 = arith.extui %eq3A_1397 : vector<16x512xi1> to vector<16x512xi32>
      %convert_element_type3A_1399 = arith.sitofp %convert_element_type3A_1398 : vector<16x512xi32> to vector<16x512xf32>
      %eq3A_1400 = vector.broadcast %broadcast_in_dim3A_1395 : vector<1x512xi32> to vector<16x512xi32>
      %eq3A_1401 = arith.cmpi eq, %iota3A, %eq3A_1400 : vector<16x512xi32>
      %convert_element_type3A_1402 = arith.extui %eq3A_1401 : vector<16x512xi1> to vector<16x512xi32>
      %convert_element_type3A_1403 = arith.sitofp %convert_element_type3A_1402 : vector<16x512xi32> to vector<16x512xf32>
      %eq3A_1404 = arith.cmpi eq, %broadcast_in_dim3A_1395, %get3A_1376 : vector<1x512xi32>
      %convert_element_type3A_1405 = arith.extui %eq3A_1404 : vector<1x512xi1> to vector<1x512xi32>
      %convert_element_type3A_1406 = arith.sitofp %convert_element_type3A_1405 : vector<1x512xi32> to vector<1x512xf32>
      %add3A_1407 = arith.addf %add3A_1358, %convert_element_type3A_1399 : vector<16x512xf32>
      %add3A_1408 = arith.addf %add3A_1359, %convert_element_type3A_1403 : vector<16x512xf32>
      %mul3A_1409 = vector.broadcast %convert_element_type3A_1406 : vector<1x512xf32> to vector<16x512xf32>
      %mul3A_1410 = arith.mulf %convert_element_type3A_1403, %mul3A_1409 : vector<16x512xf32>
      %add3A_1411 = arith.addf %add3A_1362, %mul3A_1410 : vector<16x512xf32>
      %sub3A_1412 = vector.broadcast %add3A_1387 : vector<1x512xf32> to vector<16x512xf32>
      %sub3A_1413 = arith.subf %get3A_1371, %sub3A_1412 : vector<16x512xf32>
      %mul3A_1414 = arith.mulf %convert_element_type3A_1399, %sub3A_1413 : vector<16x512xf32>
      %add3A_1415 = arith.addf %add3A_1366, %mul3A_1414 : vector<16x512xf32>
      %get3A_1416 = arith.constant 0 : index
      %get3A_1417 = arith.constant 0 : index
      %get3A_1418 = arith.constant 13824 : index
      %get3A_1419 = vector.load %arg3[%get3A_1416, %get3A_1417, %get3A_1418] : memref<2x16x16384xf32, #tpu.memory_space<vmem>>, vector<1x16x512xf32>
      %get3A_1420 = vector.shape_cast %get3A_1419 : vector<1x16x512xf32> to vector<16x512xf32>
      %get3A_1421 = arith.constant 0 : index
      %get3A_1422 = arith.constant 27 : index
      %get3A_1423 = arith.constant 0 : index
      %get3A_1424 = vector.load %arg4[%get3A_1421, %get3A_1422, %get3A_1423] : memref<2x32x512xi32, #tpu.memory_space<vmem>>, vector<1x1x512xi32>
      %get3A_1425 = vector.shape_cast %get3A_1424 : vector<1x1x512xi32> to vector<1x512xi32>
      %reduce_max3A_1426 = arith.constant dense<0xFF800000> : vector<512xf32>
      %reduce_max3A_1427 = vector.multi_reduction <maximumf>, %get3A_1420, %reduce_max3A_1426 [0] : vector<16x512xf32> to vector<512xf32>
      %broadcast_in_dim3A_1428 = vector.shape_cast %reduce_max3A_1427 : vector<512xf32> to vector<1x512xf32>
      %sub3A_1429 = vector.broadcast %broadcast_in_dim3A_1428 : vector<1x512xf32> to vector<16x512xf32>
      %sub3A_1430 = arith.subf %get3A_1420, %sub3A_1429 : vector<16x512xf32>
      %exp3A_1431 = math.exp %sub3A_1430 : vector<16x512xf32>
      %reduce_sum3A_1432 = arith.constant dense<0.000000e+00> : vector<512xf32>
      %reduce_sum3A_1433 = vector.multi_reduction <add>, %exp3A_1431, %reduce_sum3A_1432 [0] : vector<16x512xf32> to vector<512xf32>
      %broadcast_in_dim3A_1434 = vector.shape_cast %reduce_sum3A_1433 : vector<512xf32> to vector<1x512xf32>
      %log3A_1435 = math.log %broadcast_in_dim3A_1434 : vector<1x512xf32>
      %add3A_1436 = arith.addf %broadcast_in_dim3A_1428, %log3A_1435 : vector<1x512xf32>
      %eq3A_1437 = vector.broadcast %broadcast_in_dim3A_1428 : vector<1x512xf32> to vector<16x512xf32>
      %eq3A_1438 = arith.cmpf oeq, %get3A_1420, %eq3A_1437 : vector<16x512xf32>
      %jit3A_1439 = arith.constant 16 : i32
      %broadcast_in_dim3A_1440 = vector.broadcast %jit3A_1439 : i32 to vector<16x512xi32>
      %select_n3A_1441 = arith.select %eq3A_1438, %iota3A, %broadcast_in_dim3A_1440 : vector<16x512xi1>, vector<16x512xi32>
      %reduce_min3A_1442 = arith.constant dense<2147483647> : vector<512xi32>
      %reduce_min3A_1443 = vector.multi_reduction <minsi>, %select_n3A_1441, %reduce_min3A_1442 [0] : vector<16x512xi32> to vector<512xi32>
      %broadcast_in_dim3A_1444 = vector.shape_cast %reduce_min3A_1443 : vector<512xi32> to vector<1x512xi32>
      %eq3A_1445 = vector.broadcast %get3A_1425 : vector<1x512xi32> to vector<16x512xi32>
      %eq3A_1446 = arith.cmpi eq, %iota3A, %eq3A_1445 : vector<16x512xi32>
      %convert_element_type3A_1447 = arith.extui %eq3A_1446 : vector<16x512xi1> to vector<16x512xi32>
      %convert_element_type3A_1448 = arith.sitofp %convert_element_type3A_1447 : vector<16x512xi32> to vector<16x512xf32>
      %eq3A_1449 = vector.broadcast %broadcast_in_dim3A_1444 : vector<1x512xi32> to vector<16x512xi32>
      %eq3A_1450 = arith.cmpi eq, %iota3A, %eq3A_1449 : vector<16x512xi32>
      %convert_element_type3A_1451 = arith.extui %eq3A_1450 : vector<16x512xi1> to vector<16x512xi32>
      %convert_element_type3A_1452 = arith.sitofp %convert_element_type3A_1451 : vector<16x512xi32> to vector<16x512xf32>
      %eq3A_1453 = arith.cmpi eq, %broadcast_in_dim3A_1444, %get3A_1425 : vector<1x512xi32>
      %convert_element_type3A_1454 = arith.extui %eq3A_1453 : vector<1x512xi1> to vector<1x512xi32>
      %convert_element_type3A_1455 = arith.sitofp %convert_element_type3A_1454 : vector<1x512xi32> to vector<1x512xf32>
      %add3A_1456 = arith.addf %add3A_1407, %convert_element_type3A_1448 : vector<16x512xf32>
      %add3A_1457 = arith.addf %add3A_1408, %convert_element_type3A_1452 : vector<16x512xf32>
      %mul3A_1458 = vector.broadcast %convert_element_type3A_1455 : vector<1x512xf32> to vector<16x512xf32>
      %mul3A_1459 = arith.mulf %convert_element_type3A_1452, %mul3A_1458 : vector<16x512xf32>
      %add3A_1460 = arith.addf %add3A_1411, %mul3A_1459 : vector<16x512xf32>
      %sub3A_1461 = vector.broadcast %add3A_1436 : vector<1x512xf32> to vector<16x512xf32>
      %sub3A_1462 = arith.subf %get3A_1420, %sub3A_1461 : vector<16x512xf32>
      %mul3A_1463 = arith.mulf %convert_element_type3A_1448, %sub3A_1462 : vector<16x512xf32>
      %add3A_1464 = arith.addf %add3A_1415, %mul3A_1463 : vector<16x512xf32>
      %get3A_1465 = arith.constant 0 : index
      %get3A_1466 = arith.constant 0 : index
      %get3A_1467 = arith.constant 14336 : index
      %get3A_1468 = vector.load %arg3[%get3A_1465, %get3A_1466, %get3A_1467] : memref<2x16x16384xf32, #tpu.memory_space<vmem>>, vector<1x16x512xf32>
      %get3A_1469 = vector.shape_cast %get3A_1468 : vector<1x16x512xf32> to vector<16x512xf32>
      %get3A_1470 = arith.constant 0 : index
      %get3A_1471 = arith.constant 28 : index
      %get3A_1472 = arith.constant 0 : index
      %get3A_1473 = vector.load %arg4[%get3A_1470, %get3A_1471, %get3A_1472] : memref<2x32x512xi32, #tpu.memory_space<vmem>>, vector<1x1x512xi32>
      %get3A_1474 = vector.shape_cast %get3A_1473 : vector<1x1x512xi32> to vector<1x512xi32>
      %reduce_max3A_1475 = arith.constant dense<0xFF800000> : vector<512xf32>
      %reduce_max3A_1476 = vector.multi_reduction <maximumf>, %get3A_1469, %reduce_max3A_1475 [0] : vector<16x512xf32> to vector<512xf32>
      %broadcast_in_dim3A_1477 = vector.shape_cast %reduce_max3A_1476 : vector<512xf32> to vector<1x512xf32>
      %sub3A_1478 = vector.broadcast %broadcast_in_dim3A_1477 : vector<1x512xf32> to vector<16x512xf32>
      %sub3A_1479 = arith.subf %get3A_1469, %sub3A_1478 : vector<16x512xf32>
      %exp3A_1480 = math.exp %sub3A_1479 : vector<16x512xf32>
      %reduce_sum3A_1481 = arith.constant dense<0.000000e+00> : vector<512xf32>
      %reduce_sum3A_1482 = vector.multi_reduction <add>, %exp3A_1480, %reduce_sum3A_1481 [0] : vector<16x512xf32> to vector<512xf32>
      %broadcast_in_dim3A_1483 = vector.shape_cast %reduce_sum3A_1482 : vector<512xf32> to vector<1x512xf32>
      %log3A_1484 = math.log %broadcast_in_dim3A_1483 : vector<1x512xf32>
      %add3A_1485 = arith.addf %broadcast_in_dim3A_1477, %log3A_1484 : vector<1x512xf32>
      %eq3A_1486 = vector.broadcast %broadcast_in_dim3A_1477 : vector<1x512xf32> to vector<16x512xf32>
      %eq3A_1487 = arith.cmpf oeq, %get3A_1469, %eq3A_1486 : vector<16x512xf32>
      %jit3A_1488 = arith.constant 16 : i32
      %broadcast_in_dim3A_1489 = vector.broadcast %jit3A_1488 : i32 to vector<16x512xi32>
      %select_n3A_1490 = arith.select %eq3A_1487, %iota3A, %broadcast_in_dim3A_1489 : vector<16x512xi1>, vector<16x512xi32>
      %reduce_min3A_1491 = arith.constant dense<2147483647> : vector<512xi32>
      %reduce_min3A_1492 = vector.multi_reduction <minsi>, %select_n3A_1490, %reduce_min3A_1491 [0] : vector<16x512xi32> to vector<512xi32>
      %broadcast_in_dim3A_1493 = vector.shape_cast %reduce_min3A_1492 : vector<512xi32> to vector<1x512xi32>
      %eq3A_1494 = vector.broadcast %get3A_1474 : vector<1x512xi32> to vector<16x512xi32>
      %eq3A_1495 = arith.cmpi eq, %iota3A, %eq3A_1494 : vector<16x512xi32>
      %convert_element_type3A_1496 = arith.extui %eq3A_1495 : vector<16x512xi1> to vector<16x512xi32>
      %convert_element_type3A_1497 = arith.sitofp %convert_element_type3A_1496 : vector<16x512xi32> to vector<16x512xf32>
      %eq3A_1498 = vector.broadcast %broadcast_in_dim3A_1493 : vector<1x512xi32> to vector<16x512xi32>
      %eq3A_1499 = arith.cmpi eq, %iota3A, %eq3A_1498 : vector<16x512xi32>
      %convert_element_type3A_1500 = arith.extui %eq3A_1499 : vector<16x512xi1> to vector<16x512xi32>
      %convert_element_type3A_1501 = arith.sitofp %convert_element_type3A_1500 : vector<16x512xi32> to vector<16x512xf32>
      %eq3A_1502 = arith.cmpi eq, %broadcast_in_dim3A_1493, %get3A_1474 : vector<1x512xi32>
      %convert_element_type3A_1503 = arith.extui %eq3A_1502 : vector<1x512xi1> to vector<1x512xi32>
      %convert_element_type3A_1504 = arith.sitofp %convert_element_type3A_1503 : vector<1x512xi32> to vector<1x512xf32>
      %add3A_1505 = arith.addf %add3A_1456, %convert_element_type3A_1497 : vector<16x512xf32>
      %add3A_1506 = arith.addf %add3A_1457, %convert_element_type3A_1501 : vector<16x512xf32>
      %mul3A_1507 = vector.broadcast %convert_element_type3A_1504 : vector<1x512xf32> to vector<16x512xf32>
      %mul3A_1508 = arith.mulf %convert_element_type3A_1501, %mul3A_1507 : vector<16x512xf32>
      %add3A_1509 = arith.addf %add3A_1460, %mul3A_1508 : vector<16x512xf32>
      %sub3A_1510 = vector.broadcast %add3A_1485 : vector<1x512xf32> to vector<16x512xf32>
      %sub3A_1511 = arith.subf %get3A_1469, %sub3A_1510 : vector<16x512xf32>
      %mul3A_1512 = arith.mulf %convert_element_type3A_1497, %sub3A_1511 : vector<16x512xf32>
      %add3A_1513 = arith.addf %add3A_1464, %mul3A_1512 : vector<16x512xf32>
      %get3A_1514 = arith.constant 0 : index
      %get3A_1515 = arith.constant 0 : index
      %get3A_1516 = arith.constant 14848 : index
      %get3A_1517 = vector.load %arg3[%get3A_1514, %get3A_1515, %get3A_1516] : memref<2x16x16384xf32, #tpu.memory_space<vmem>>, vector<1x16x512xf32>
      %get3A_1518 = vector.shape_cast %get3A_1517 : vector<1x16x512xf32> to vector<16x512xf32>
      %get3A_1519 = arith.constant 0 : index
      %get3A_1520 = arith.constant 29 : index
      %get3A_1521 = arith.constant 0 : index
      %get3A_1522 = vector.load %arg4[%get3A_1519, %get3A_1520, %get3A_1521] : memref<2x32x512xi32, #tpu.memory_space<vmem>>, vector<1x1x512xi32>
      %get3A_1523 = vector.shape_cast %get3A_1522 : vector<1x1x512xi32> to vector<1x512xi32>
      %reduce_max3A_1524 = arith.constant dense<0xFF800000> : vector<512xf32>
      %reduce_max3A_1525 = vector.multi_reduction <maximumf>, %get3A_1518, %reduce_max3A_1524 [0] : vector<16x512xf32> to vector<512xf32>
      %broadcast_in_dim3A_1526 = vector.shape_cast %reduce_max3A_1525 : vector<512xf32> to vector<1x512xf32>
      %sub3A_1527 = vector.broadcast %broadcast_in_dim3A_1526 : vector<1x512xf32> to vector<16x512xf32>
      %sub3A_1528 = arith.subf %get3A_1518, %sub3A_1527 : vector<16x512xf32>
      %exp3A_1529 = math.exp %sub3A_1528 : vector<16x512xf32>
      %reduce_sum3A_1530 = arith.constant dense<0.000000e+00> : vector<512xf32>
      %reduce_sum3A_1531 = vector.multi_reduction <add>, %exp3A_1529, %reduce_sum3A_1530 [0] : vector<16x512xf32> to vector<512xf32>
      %broadcast_in_dim3A_1532 = vector.shape_cast %reduce_sum3A_1531 : vector<512xf32> to vector<1x512xf32>
      %log3A_1533 = math.log %broadcast_in_dim3A_1532 : vector<1x512xf32>
      %add3A_1534 = arith.addf %broadcast_in_dim3A_1526, %log3A_1533 : vector<1x512xf32>
      %eq3A_1535 = vector.broadcast %broadcast_in_dim3A_1526 : vector<1x512xf32> to vector<16x512xf32>
      %eq3A_1536 = arith.cmpf oeq, %get3A_1518, %eq3A_1535 : vector<16x512xf32>
      %jit3A_1537 = arith.constant 16 : i32
      %broadcast_in_dim3A_1538 = vector.broadcast %jit3A_1537 : i32 to vector<16x512xi32>
      %select_n3A_1539 = arith.select %eq3A_1536, %iota3A, %broadcast_in_dim3A_1538 : vector<16x512xi1>, vector<16x512xi32>
      %reduce_min3A_1540 = arith.constant dense<2147483647> : vector<512xi32>
      %reduce_min3A_1541 = vector.multi_reduction <minsi>, %select_n3A_1539, %reduce_min3A_1540 [0] : vector<16x512xi32> to vector<512xi32>
      %broadcast_in_dim3A_1542 = vector.shape_cast %reduce_min3A_1541 : vector<512xi32> to vector<1x512xi32>
      %eq3A_1543 = vector.broadcast %get3A_1523 : vector<1x512xi32> to vector<16x512xi32>
      %eq3A_1544 = arith.cmpi eq, %iota3A, %eq3A_1543 : vector<16x512xi32>
      %convert_element_type3A_1545 = arith.extui %eq3A_1544 : vector<16x512xi1> to vector<16x512xi32>
      %convert_element_type3A_1546 = arith.sitofp %convert_element_type3A_1545 : vector<16x512xi32> to vector<16x512xf32>
      %eq3A_1547 = vector.broadcast %broadcast_in_dim3A_1542 : vector<1x512xi32> to vector<16x512xi32>
      %eq3A_1548 = arith.cmpi eq, %iota3A, %eq3A_1547 : vector<16x512xi32>
      %convert_element_type3A_1549 = arith.extui %eq3A_1548 : vector<16x512xi1> to vector<16x512xi32>
      %convert_element_type3A_1550 = arith.sitofp %convert_element_type3A_1549 : vector<16x512xi32> to vector<16x512xf32>
      %eq3A_1551 = arith.cmpi eq, %broadcast_in_dim3A_1542, %get3A_1523 : vector<1x512xi32>
      %convert_element_type3A_1552 = arith.extui %eq3A_1551 : vector<1x512xi1> to vector<1x512xi32>
      %convert_element_type3A_1553 = arith.sitofp %convert_element_type3A_1552 : vector<1x512xi32> to vector<1x512xf32>
      %add3A_1554 = arith.addf %add3A_1505, %convert_element_type3A_1546 : vector<16x512xf32>
      %add3A_1555 = arith.addf %add3A_1506, %convert_element_type3A_1550 : vector<16x512xf32>
      %mul3A_1556 = vector.broadcast %convert_element_type3A_1553 : vector<1x512xf32> to vector<16x512xf32>
      %mul3A_1557 = arith.mulf %convert_element_type3A_1550, %mul3A_1556 : vector<16x512xf32>
      %add3A_1558 = arith.addf %add3A_1509, %mul3A_1557 : vector<16x512xf32>
      %sub3A_1559 = vector.broadcast %add3A_1534 : vector<1x512xf32> to vector<16x512xf32>
      %sub3A_1560 = arith.subf %get3A_1518, %sub3A_1559 : vector<16x512xf32>
      %mul3A_1561 = arith.mulf %convert_element_type3A_1546, %sub3A_1560 : vector<16x512xf32>
      %add3A_1562 = arith.addf %add3A_1513, %mul3A_1561 : vector<16x512xf32>
      %get3A_1563 = arith.constant 0 : index
      %get3A_1564 = arith.constant 0 : index
      %get3A_1565 = arith.constant 15360 : index
      %get3A_1566 = vector.load %arg3[%get3A_1563, %get3A_1564, %get3A_1565] : memref<2x16x16384xf32, #tpu.memory_space<vmem>>, vector<1x16x512xf32>
      %get3A_1567 = vector.shape_cast %get3A_1566 : vector<1x16x512xf32> to vector<16x512xf32>
      %get3A_1568 = arith.constant 0 : index
      %get3A_1569 = arith.constant 30 : index
      %get3A_1570 = arith.constant 0 : index
      %get3A_1571 = vector.load %arg4[%get3A_1568, %get3A_1569, %get3A_1570] : memref<2x32x512xi32, #tpu.memory_space<vmem>>, vector<1x1x512xi32>
      %get3A_1572 = vector.shape_cast %get3A_1571 : vector<1x1x512xi32> to vector<1x512xi32>
      %reduce_max3A_1573 = arith.constant dense<0xFF800000> : vector<512xf32>
      %reduce_max3A_1574 = vector.multi_reduction <maximumf>, %get3A_1567, %reduce_max3A_1573 [0] : vector<16x512xf32> to vector<512xf32>
      %broadcast_in_dim3A_1575 = vector.shape_cast %reduce_max3A_1574 : vector<512xf32> to vector<1x512xf32>
      %sub3A_1576 = vector.broadcast %broadcast_in_dim3A_1575 : vector<1x512xf32> to vector<16x512xf32>
      %sub3A_1577 = arith.subf %get3A_1567, %sub3A_1576 : vector<16x512xf32>
      %exp3A_1578 = math.exp %sub3A_1577 : vector<16x512xf32>
      %reduce_sum3A_1579 = arith.constant dense<0.000000e+00> : vector<512xf32>
      %reduce_sum3A_1580 = vector.multi_reduction <add>, %exp3A_1578, %reduce_sum3A_1579 [0] : vector<16x512xf32> to vector<512xf32>
      %broadcast_in_dim3A_1581 = vector.shape_cast %reduce_sum3A_1580 : vector<512xf32> to vector<1x512xf32>
      %log3A_1582 = math.log %broadcast_in_dim3A_1581 : vector<1x512xf32>
      %add3A_1583 = arith.addf %broadcast_in_dim3A_1575, %log3A_1582 : vector<1x512xf32>
      %eq3A_1584 = vector.broadcast %broadcast_in_dim3A_1575 : vector<1x512xf32> to vector<16x512xf32>
      %eq3A_1585 = arith.cmpf oeq, %get3A_1567, %eq3A_1584 : vector<16x512xf32>
      %jit3A_1586 = arith.constant 16 : i32
      %broadcast_in_dim3A_1587 = vector.broadcast %jit3A_1586 : i32 to vector<16x512xi32>
      %select_n3A_1588 = arith.select %eq3A_1585, %iota3A, %broadcast_in_dim3A_1587 : vector<16x512xi1>, vector<16x512xi32>
      %reduce_min3A_1589 = arith.constant dense<2147483647> : vector<512xi32>
      %reduce_min3A_1590 = vector.multi_reduction <minsi>, %select_n3A_1588, %reduce_min3A_1589 [0] : vector<16x512xi32> to vector<512xi32>
      %broadcast_in_dim3A_1591 = vector.shape_cast %reduce_min3A_1590 : vector<512xi32> to vector<1x512xi32>
      %eq3A_1592 = vector.broadcast %get3A_1572 : vector<1x512xi32> to vector<16x512xi32>
      %eq3A_1593 = arith.cmpi eq, %iota3A, %eq3A_1592 : vector<16x512xi32>
      %convert_element_type3A_1594 = arith.extui %eq3A_1593 : vector<16x512xi1> to vector<16x512xi32>
      %convert_element_type3A_1595 = arith.sitofp %convert_element_type3A_1594 : vector<16x512xi32> to vector<16x512xf32>
      %eq3A_1596 = vector.broadcast %broadcast_in_dim3A_1591 : vector<1x512xi32> to vector<16x512xi32>
      %eq3A_1597 = arith.cmpi eq, %iota3A, %eq3A_1596 : vector<16x512xi32>
      %convert_element_type3A_1598 = arith.extui %eq3A_1597 : vector<16x512xi1> to vector<16x512xi32>
      %convert_element_type3A_1599 = arith.sitofp %convert_element_type3A_1598 : vector<16x512xi32> to vector<16x512xf32>
      %eq3A_1600 = arith.cmpi eq, %broadcast_in_dim3A_1591, %get3A_1572 : vector<1x512xi32>
      %convert_element_type3A_1601 = arith.extui %eq3A_1600 : vector<1x512xi1> to vector<1x512xi32>
      %convert_element_type3A_1602 = arith.sitofp %convert_element_type3A_1601 : vector<1x512xi32> to vector<1x512xf32>
      %add3A_1603 = arith.addf %add3A_1554, %convert_element_type3A_1595 : vector<16x512xf32>
      %add3A_1604 = arith.addf %add3A_1555, %convert_element_type3A_1599 : vector<16x512xf32>
      %mul3A_1605 = vector.broadcast %convert_element_type3A_1602 : vector<1x512xf32> to vector<16x512xf32>
      %mul3A_1606 = arith.mulf %convert_element_type3A_1599, %mul3A_1605 : vector<16x512xf32>
      %add3A_1607 = arith.addf %add3A_1558, %mul3A_1606 : vector<16x512xf32>
      %sub3A_1608 = vector.broadcast %add3A_1583 : vector<1x512xf32> to vector<16x512xf32>
      %sub3A_1609 = arith.subf %get3A_1567, %sub3A_1608 : vector<16x512xf32>
      %mul3A_1610 = arith.mulf %convert_element_type3A_1595, %sub3A_1609 : vector<16x512xf32>
      %add3A_1611 = arith.addf %add3A_1562, %mul3A_1610 : vector<16x512xf32>
      %get3A_1612 = arith.constant 0 : index
      %get3A_1613 = arith.constant 0 : index
      %get3A_1614 = arith.constant 15872 : index
      %get3A_1615 = vector.load %arg3[%get3A_1612, %get3A_1613, %get3A_1614] : memref<2x16x16384xf32, #tpu.memory_space<vmem>>, vector<1x16x512xf32>
      %get3A_1616 = vector.shape_cast %get3A_1615 : vector<1x16x512xf32> to vector<16x512xf32>
      %get3A_1617 = arith.constant 0 : index
      %get3A_1618 = arith.constant 31 : index
      %get3A_1619 = arith.constant 0 : index
      %get3A_1620 = vector.load %arg4[%get3A_1617, %get3A_1618, %get3A_1619] : memref<2x32x512xi32, #tpu.memory_space<vmem>>, vector<1x1x512xi32>
      %get3A_1621 = vector.shape_cast %get3A_1620 : vector<1x1x512xi32> to vector<1x512xi32>
      %reduce_max3A_1622 = arith.constant dense<0xFF800000> : vector<512xf32>
      %reduce_max3A_1623 = vector.multi_reduction <maximumf>, %get3A_1616, %reduce_max3A_1622 [0] : vector<16x512xf32> to vector<512xf32>
      %broadcast_in_dim3A_1624 = vector.shape_cast %reduce_max3A_1623 : vector<512xf32> to vector<1x512xf32>
      %sub3A_1625 = vector.broadcast %broadcast_in_dim3A_1624 : vector<1x512xf32> to vector<16x512xf32>
      %sub3A_1626 = arith.subf %get3A_1616, %sub3A_1625 : vector<16x512xf32>
      %exp3A_1627 = math.exp %sub3A_1626 : vector<16x512xf32>
      %reduce_sum3A_1628 = arith.constant dense<0.000000e+00> : vector<512xf32>
      %reduce_sum3A_1629 = vector.multi_reduction <add>, %exp3A_1627, %reduce_sum3A_1628 [0] : vector<16x512xf32> to vector<512xf32>
      %broadcast_in_dim3A_1630 = vector.shape_cast %reduce_sum3A_1629 : vector<512xf32> to vector<1x512xf32>
      %log3A_1631 = math.log %broadcast_in_dim3A_1630 : vector<1x512xf32>
      %add3A_1632 = arith.addf %broadcast_in_dim3A_1624, %log3A_1631 : vector<1x512xf32>
      %eq3A_1633 = vector.broadcast %broadcast_in_dim3A_1624 : vector<1x512xf32> to vector<16x512xf32>
      %eq3A_1634 = arith.cmpf oeq, %get3A_1616, %eq3A_1633 : vector<16x512xf32>
      %jit3A_1635 = arith.constant 16 : i32
      %broadcast_in_dim3A_1636 = vector.broadcast %jit3A_1635 : i32 to vector<16x512xi32>
      %select_n3A_1637 = arith.select %eq3A_1634, %iota3A, %broadcast_in_dim3A_1636 : vector<16x512xi1>, vector<16x512xi32>
      %reduce_min3A_1638 = arith.constant dense<2147483647> : vector<512xi32>
      %reduce_min3A_1639 = vector.multi_reduction <minsi>, %select_n3A_1637, %reduce_min3A_1638 [0] : vector<16x512xi32> to vector<512xi32>
      %broadcast_in_dim3A_1640 = vector.shape_cast %reduce_min3A_1639 : vector<512xi32> to vector<1x512xi32>
      %eq3A_1641 = vector.broadcast %get3A_1621 : vector<1x512xi32> to vector<16x512xi32>
      %eq3A_1642 = arith.cmpi eq, %iota3A, %eq3A_1641 : vector<16x512xi32>
      %convert_element_type3A_1643 = arith.extui %eq3A_1642 : vector<16x512xi1> to vector<16x512xi32>
      %convert_element_type3A_1644 = arith.sitofp %convert_element_type3A_1643 : vector<16x512xi32> to vector<16x512xf32>
      %eq3A_1645 = vector.broadcast %broadcast_in_dim3A_1640 : vector<1x512xi32> to vector<16x512xi32>
      %eq3A_1646 = arith.cmpi eq, %iota3A, %eq3A_1645 : vector<16x512xi32>
      %convert_element_type3A_1647 = arith.extui %eq3A_1646 : vector<16x512xi1> to vector<16x512xi32>
      %convert_element_type3A_1648 = arith.sitofp %convert_element_type3A_1647 : vector<16x512xi32> to vector<16x512xf32>
      %eq3A_1649 = arith.cmpi eq, %broadcast_in_dim3A_1640, %get3A_1621 : vector<1x512xi32>
      %convert_element_type3A_1650 = arith.extui %eq3A_1649 : vector<1x512xi1> to vector<1x512xi32>
      %convert_element_type3A_1651 = arith.sitofp %convert_element_type3A_1650 : vector<1x512xi32> to vector<1x512xf32>
      %add3A_1652 = arith.addf %add3A_1603, %convert_element_type3A_1644 : vector<16x512xf32>
      %add3A_1653 = arith.addf %add3A_1604, %convert_element_type3A_1648 : vector<16x512xf32>
      %mul3A_1654 = vector.broadcast %convert_element_type3A_1651 : vector<1x512xf32> to vector<16x512xf32>
      %mul3A_1655 = arith.mulf %convert_element_type3A_1648, %mul3A_1654 : vector<16x512xf32>
      %add3A_1656 = arith.addf %add3A_1607, %mul3A_1655 : vector<16x512xf32>
      %sub3A_1657 = vector.broadcast %add3A_1632 : vector<1x512xf32> to vector<16x512xf32>
      %sub3A_1658 = arith.subf %get3A_1616, %sub3A_1657 : vector<16x512xf32>
      %mul3A_1659 = arith.mulf %convert_element_type3A_1644, %sub3A_1658 : vector<16x512xf32>
      %add3A_1660 = arith.addf %add3A_1611, %mul3A_1659 : vector<16x512xf32>
      %get3A_1661 = arith.constant 0 : index
      %get3A_1662 = arith.constant 0 : index
      %get3A_1663 = vector.load %arg5[%get3A_1661, %get3A_1662] : memref<64x512xf32, #tpu.memory_space<vmem>>, vector<16x512xf32>
      %add3A_1664 = arith.addf %get3A_1663, %add3A_1652 : vector<16x512xf32>
      %swap3A_1665 = arith.constant 0 : index
      %swap3A_1666 = arith.constant 0 : index
      %swap3A_1667 = vector.load %arg5[%swap3A_1665, %swap3A_1666] : memref<64x512xf32, #tpu.memory_space<vmem>>, vector<16x512xf32>
      tpu.vector_store %arg5[%swap3A_1665, %swap3A_1666], %add3A_1664 {strides = array<i32>} : memref<64x512xf32, #tpu.memory_space<vmem>>, vector<16x512xf32>,
      %get3A_1668 = arith.constant 16 : index
      %get3A_1669 = arith.constant 0 : index
      %get3A_1670 = vector.load %arg5[%get3A_1668, %get3A_1669] : memref<64x512xf32, #tpu.memory_space<vmem>>, vector<16x512xf32>
      %add3A_1671 = arith.addf %get3A_1670, %add3A_1653 : vector<16x512xf32>
      %swap3A_1672 = arith.constant 16 : index
      %swap3A_1673 = arith.constant 0 : index
      %swap3A_1674 = vector.load %arg5[%swap3A_1672, %swap3A_1673] : memref<64x512xf32, #tpu.memory_space<vmem>>, vector<16x512xf32>
      tpu.vector_store %arg5[%swap3A_1672, %swap3A_1673], %add3A_1671 {strides = array<i32>} : memref<64x512xf32, #tpu.memory_space<vmem>>, vector<16x512xf32>,
      %get3A_1675 = arith.constant 32 : index
      %get3A_1676 = arith.constant 0 : index
      %get3A_1677 = vector.load %arg5[%get3A_1675, %get3A_1676] : memref<64x512xf32, #tpu.memory_space<vmem>>, vector<16x512xf32>
      %add3A_1678 = arith.addf %get3A_1677, %add3A_1656 : vector<16x512xf32>
      %swap3A_1679 = arith.constant 32 : index
      %swap3A_1680 = arith.constant 0 : index
      %swap3A_1681 = vector.load %arg5[%swap3A_1679, %swap3A_1680] : memref<64x512xf32, #tpu.memory_space<vmem>>, vector<16x512xf32>
      tpu.vector_store %arg5[%swap3A_1679, %swap3A_1680], %add3A_1678 {strides = array<i32>} : memref<64x512xf32, #tpu.memory_space<vmem>>, vector<16x512xf32>,
      %get3A_1682 = arith.constant 48 : index
      %get3A_1683 = arith.constant 0 : index
      %get3A_1684 = vector.load %arg5[%get3A_1682, %get3A_1683] : memref<64x512xf32, #tpu.memory_space<vmem>>, vector<16x512xf32>
      %add3A_1685 = arith.addf %get3A_1684, %add3A_1660 : vector<16x512xf32>
      %swap3A_1686 = arith.constant 48 : index
      %swap3A_1687 = arith.constant 0 : index
      %swap3A_1688 = vector.load %arg5[%swap3A_1686, %swap3A_1687] : memref<64x512xf32, #tpu.memory_space<vmem>>, vector<16x512xf32>
      tpu.vector_store %arg5[%swap3A_1686, %swap3A_1687], %add3A_1685 {strides = array<i32>} : memref<64x512xf32, #tpu.memory_space<vmem>>, vector<16x512xf32>,
      %add3A_1689 = arith.constant 2 : i32
      %add3A_1690 = arith.addi %add3A_78, %add3A_1689 : i32
      %lt3A = arith.constant 40 : i32
      %lt3A_1691 = arith.cmpi slt, %add3A_1690, %lt3A : i32
      %convert_element_type3A_1692 = arith.extui %lt3A_1691 : i1 to i32
      %cond3A = arith.constant 0 : i32
      %cond3A_1693 = arith.cmpi ne, %convert_element_type3A_1692, %cond3A : i32
      scf.if %cond3A_1693 {
        %mul3A_3325 = arith.constant 16384 : i32
        %mul3A_3326 = arith.muli %add3A_1690, %mul3A_3325 : i32
        %add3A_3327 = arith.constant 393216 : i32
        %add3A_3328 = arith.addi %add3A_3327, %mul3A_3326 : i32
        %dma_start3A_3329 = arith.constant 0 : i32
        %dma_start3A_3330 = arith.constant 0 : i32
        %dma_start3A_3331 = arith.constant 0 : i32
        %dma_start3A_3332 = tpu.memref_slice %arg3[%dma_start3A_3329, %dma_start3A_3330, %dma_start3A_3331] : memref<2x16x16384xf32, #tpu.memory_space<vmem>> -> memref<1x16x16384xf32, #tpu.memory_space<vmem>>
        %dma_start3A_3333 = tpu.memref_squeeze %dma_start3A_3332 : memref<1x16x16384xf32, #tpu.memory_space<vmem>> -> memref<16x16384xf32, #tpu.memory_space<vmem>>
        %dma_start3A_3334 = arith.constant 0 : i32
        %dma_start3A_3335 = tpu.memref_slice %arg0[%dma_start3A_3334, %add3A_3328] : memref<16x1048576xf32, #tpu.memory_space<any>> -> memref<16x16384xf32, #tpu.memory_space<any>>
        tpu.enqueue_dma source(%dma_start3A_3335 : memref<16x16384xf32, #tpu.memory_space<any>>) target(%dma_start3A_3333 : memref<16x16384xf32, #tpu.memory_space<vmem>>) target_semaphore(%arg6 : memref<!tpu.dma_semaphore, #tpu.memory_space<semaphore_mem>>)
        %mul3A_3336 = arith.constant 32 : i32
        %mul3A_3337 = arith.muli %add3A_1690, %mul3A_3336 : i32
        %add3A_3338 = arith.constant 768 : i32
        %add3A_3339 = arith.addi %add3A_3338, %mul3A_3337 : i32
        %dma_start3A_3340 = arith.constant 0 : i32
        %dma_start3A_3341 = arith.constant 0 : i32
        %dma_start3A_3342 = arith.constant 0 : i32
        %dma_start3A_3343 = tpu.memref_slice %arg4[%dma_start3A_3340, %dma_start3A_3341, %dma_start3A_3342] : memref<2x32x512xi32, #tpu.memory_space<vmem>> -> memref<1x32x512xi32, #tpu.memory_space<vmem>>
        %dma_start3A_3344 = tpu.memref_squeeze %dma_start3A_3343 : memref<1x32x512xi32, #tpu.memory_space<vmem>> -> memref<32x512xi32, #tpu.memory_space<vmem>>
        %dma_start3A_3345 = arith.constant 0 : i32
        %dma_start3A_3346 = tpu.memref_slice %arg1[%add3A_3339, %dma_start3A_3345] : memref<2048x512xi32, #tpu.memory_space<any>> -> memref<32x512xi32, #tpu.memory_space<any>>
        tpu.enqueue_dma source(%dma_start3A_3346 : memref<32x512xi32, #tpu.memory_space<any>>) target(%dma_start3A_3344 : memref<32x512xi32, #tpu.memory_space<vmem>>) target_semaphore(%arg8 : memref<!tpu.dma_semaphore, #tpu.memory_space<semaphore_mem>>)
      } else {
      }
      %mul3A_1694 = arith.constant 2 : i32
      %mul3A_1695 = arith.muli %scan3A_76, %mul3A_1694 : i32
      %add3A_1696 = arith.constant 1 : i32
      %add3A_1697 = arith.addi %mul3A_1695, %add3A_1696 : i32
      %mul3A_1698 = arith.constant 16384 : i32
      %mul3A_1699 = arith.muli %add3A_1697, %mul3A_1698 : i32
      %add3A_1700 = arith.constant 393216 : i32
      %add3A_1701 = arith.addi %add3A_1700, %mul3A_1699 : i32
      %dma_wait3A_1702 = arith.constant 1 : i32
      %dma_wait3A_1703 = arith.constant 0 : i32
      %dma_wait3A_1704 = arith.constant 0 : i32
      %dma_wait3A_1705 = tpu.memref_slice %arg3[%dma_wait3A_1702, %dma_wait3A_1703, %dma_wait3A_1704] : memref<2x16x16384xf32, #tpu.memory_space<vmem>> -> memref<1x16x16384xf32, #tpu.memory_space<vmem>>
      %dma_wait3A_1706 = tpu.memref_squeeze %dma_wait3A_1705 : memref<1x16x16384xf32, #tpu.memory_space<vmem>> -> memref<16x16384xf32, #tpu.memory_space<vmem>>
      %dma_wait3A_1707 = arith.constant 0 : i32
      %dma_wait3A_1708 = tpu.memref_slice %arg0[%dma_wait3A_1707, %add3A_1701] : memref<16x1048576xf32, #tpu.memory_space<any>> -> memref<16x16384xf32, #tpu.memory_space<any>>
      tpu.wait_dma2 semaphore(%arg7 : memref<!tpu.dma_semaphore, #tpu.memory_space<semaphore_mem>>) src(%dma_wait3A_1708 : memref<16x16384xf32, #tpu.memory_space<any>>) dst(%dma_wait3A_1706 : memref<16x16384xf32, #tpu.memory_space<vmem>>)
      %mul3A_1709 = arith.constant 32 : i32
      %mul3A_1710 = arith.muli %add3A_1697, %mul3A_1709 : i32
      %add3A_1711 = arith.constant 768 : i32
      %add3A_1712 = arith.addi %add3A_1711, %mul3A_1710 : i32
      %dma_wait3A_1713 = arith.constant 1 : i32
      %dma_wait3A_1714 = arith.constant 0 : i32
      %dma_wait3A_1715 = arith.constant 0 : i32
      %dma_wait3A_1716 = tpu.memref_slice %arg4[%dma_wait3A_1713, %dma_wait3A_1714, %dma_wait3A_1715] : memref<2x32x512xi32, #tpu.memory_space<vmem>> -> memref<1x32x512xi32, #tpu.memory_space<vmem>>
      %dma_wait3A_1717 = tpu.memref_squeeze %dma_wait3A_1716 : memref<1x32x512xi32, #tpu.memory_space<vmem>> -> memref<32x512xi32, #tpu.memory_space<vmem>>
      %dma_wait3A_1718 = arith.constant 0 : i32
      %dma_wait3A_1719 = tpu.memref_slice %arg1[%add3A_1712, %dma_wait3A_1718] : memref<2048x512xi32, #tpu.memory_space<any>> -> memref<32x512xi32, #tpu.memory_space<any>>
      tpu.wait_dma2 semaphore(%arg9 : memref<!tpu.dma_semaphore, #tpu.memory_space<semaphore_mem>>) src(%dma_wait3A_1719 : memref<32x512xi32, #tpu.memory_space<any>>) dst(%dma_wait3A_1717 : memref<32x512xi32, #tpu.memory_space<vmem>>)
      %broadcast_in_dim3A_1720 = arith.constant 0.000000e+00 : f32
      %broadcast_in_dim3A_1721 = vector.broadcast %broadcast_in_dim3A_1720 : f32 to vector<16x512xf32>
      %get3A_1722 = arith.constant 1 : index
      %get3A_1723 = arith.constant 0 : index
      %get3A_1724 = arith.constant 0 : index
      %get3A_1725 = vector.load %arg3[%get3A_1722, %get3A_1723, %get3A_1724] : memref<2x16x16384xf32, #tpu.memory_space<vmem>>, vector<1x16x512xf32>
      %get3A_1726 = vector.shape_cast %get3A_1725 : vector<1x16x512xf32> to vector<16x512xf32>
      %get3A_1727 = arith.constant 1 : index
      %get3A_1728 = arith.constant 0 : index
      %get3A_1729 = arith.constant 0 : index
      %get3A_1730 = vector.load %arg4[%get3A_1727, %get3A_1728, %get3A_1729] : memref<2x32x512xi32, #tpu.memory_space<vmem>>, vector<1x1x512xi32>
      %get3A_1731 = vector.shape_cast %get3A_1730 : vector<1x1x512xi32> to vector<1x512xi32>
      %reduce_max3A_1732 = arith.constant dense<0xFF800000> : vector<512xf32>
      %reduce_max3A_1733 = vector.multi_reduction <maximumf>, %get3A_1726, %reduce_max3A_1732 [0] : vector<16x512xf32> to vector<512xf32>
      %broadcast_in_dim3A_1734 = vector.shape_cast %reduce_max3A_1733 : vector<512xf32> to vector<1x512xf32>
      %sub3A_1735 = vector.broadcast %broadcast_in_dim3A_1734 : vector<1x512xf32> to vector<16x512xf32>
      %sub3A_1736 = arith.subf %get3A_1726, %sub3A_1735 : vector<16x512xf32>
      %exp3A_1737 = math.exp %sub3A_1736 : vector<16x512xf32>
      %reduce_sum3A_1738 = arith.constant dense<0.000000e+00> : vector<512xf32>
      %reduce_sum3A_1739 = vector.multi_reduction <add>, %exp3A_1737, %reduce_sum3A_1738 [0] : vector<16x512xf32> to vector<512xf32>
      %broadcast_in_dim3A_1740 = vector.shape_cast %reduce_sum3A_1739 : vector<512xf32> to vector<1x512xf32>
      %log3A_1741 = math.log %broadcast_in_dim3A_1740 : vector<1x512xf32>
      %add3A_1742 = arith.addf %broadcast_in_dim3A_1734, %log3A_1741 : vector<1x512xf32>
      %eq3A_1743 = vector.broadcast %broadcast_in_dim3A_1734 : vector<1x512xf32> to vector<16x512xf32>
      %eq3A_1744 = arith.cmpf oeq, %get3A_1726, %eq3A_1743 : vector<16x512xf32>
      %jit3A_1745 = arith.constant 16 : i32
      %broadcast_in_dim3A_1746 = vector.broadcast %jit3A_1745 : i32 to vector<16x512xi32>
      %select_n3A_1747 = arith.select %eq3A_1744, %iota3A, %broadcast_in_dim3A_1746 : vector<16x512xi1>, vector<16x512xi32>
      %reduce_min3A_1748 = arith.constant dense<2147483647> : vector<512xi32>
      %reduce_min3A_1749 = vector.multi_reduction <minsi>, %select_n3A_1747, %reduce_min3A_1748 [0] : vector<16x512xi32> to vector<512xi32>
      %broadcast_in_dim3A_1750 = vector.shape_cast %reduce_min3A_1749 : vector<512xi32> to vector<1x512xi32>
      %eq3A_1751 = vector.broadcast %get3A_1731 : vector<1x512xi32> to vector<16x512xi32>
      %eq3A_1752 = arith.cmpi eq, %iota3A, %eq3A_1751 : vector<16x512xi32>
      %convert_element_type3A_1753 = arith.extui %eq3A_1752 : vector<16x512xi1> to vector<16x512xi32>
      %convert_element_type3A_1754 = arith.sitofp %convert_element_type3A_1753 : vector<16x512xi32> to vector<16x512xf32>
      %eq3A_1755 = vector.broadcast %broadcast_in_dim3A_1750 : vector<1x512xi32> to vector<16x512xi32>
      %eq3A_1756 = arith.cmpi eq, %iota3A, %eq3A_1755 : vector<16x512xi32>
      %convert_element_type3A_1757 = arith.extui %eq3A_1756 : vector<16x512xi1> to vector<16x512xi32>
      %convert_element_type3A_1758 = arith.sitofp %convert_element_type3A_1757 : vector<16x512xi32> to vector<16x512xf32>
      %eq3A_1759 = arith.cmpi eq, %broadcast_in_dim3A_1750, %get3A_1731 : vector<1x512xi32>
      %convert_element_type3A_1760 = arith.extui %eq3A_1759 : vector<1x512xi1> to vector<1x512xi32>
      %convert_element_type3A_1761 = arith.sitofp %convert_element_type3A_1760 : vector<1x512xi32> to vector<1x512xf32>
      %add3A_1762 = arith.addf %broadcast_in_dim3A_1721, %convert_element_type3A_1754 : vector<16x512xf32>
      %add3A_1763 = arith.addf %broadcast_in_dim3A_1721, %convert_element_type3A_1758 : vector<16x512xf32>
      %mul3A_1764 = vector.broadcast %convert_element_type3A_1761 : vector<1x512xf32> to vector<16x512xf32>
      %mul3A_1765 = arith.mulf %convert_element_type3A_1758, %mul3A_1764 : vector<16x512xf32>
      %add3A_1766 = arith.addf %broadcast_in_dim3A_1721, %mul3A_1765 : vector<16x512xf32>
      %sub3A_1767 = vector.broadcast %add3A_1742 : vector<1x512xf32> to vector<16x512xf32>
      %sub3A_1768 = arith.subf %get3A_1726, %sub3A_1767 : vector<16x512xf32>
      %mul3A_1769 = arith.mulf %convert_element_type3A_1754, %sub3A_1768 : vector<16x512xf32>
      %add3A_1770 = arith.addf %broadcast_in_dim3A_1721, %mul3A_1769 : vector<16x512xf32>
      %get3A_1771 = arith.constant 1 : index
      %get3A_1772 = arith.constant 0 : index
      %get3A_1773 = arith.constant 512 : index
      %get3A_1774 = vector.load %arg3[%get3A_1771, %get3A_1772, %get3A_1773] : memref<2x16x16384xf32, #tpu.memory_space<vmem>>, vector<1x16x512xf32>
      %get3A_1775 = vector.shape_cast %get3A_1774 : vector<1x16x512xf32> to vector<16x512xf32>
      %get3A_1776 = arith.constant 1 : index
      %get3A_1777 = arith.constant 1 : index
      %get3A_1778 = arith.constant 0 : index
      %get3A_1779 = vector.load %arg4[%get3A_1776, %get3A_1777, %get3A_1778] : memref<2x32x512xi32, #tpu.memory_space<vmem>>, vector<1x1x512xi32>
      %get3A_1780 = vector.shape_cast %get3A_1779 : vector<1x1x512xi32> to vector<1x512xi32>
      %reduce_max3A_1781 = arith.constant dense<0xFF800000> : vector<512xf32>
      %reduce_max3A_1782 = vector.multi_reduction <maximumf>, %get3A_1775, %reduce_max3A_1781 [0] : vector<16x512xf32> to vector<512xf32>
      %broadcast_in_dim3A_1783 = vector.shape_cast %reduce_max3A_1782 : vector<512xf32> to vector<1x512xf32>
      %sub3A_1784 = vector.broadcast %broadcast_in_dim3A_1783 : vector<1x512xf32> to vector<16x512xf32>
      %sub3A_1785 = arith.subf %get3A_1775, %sub3A_1784 : vector<16x512xf32>
      %exp3A_1786 = math.exp %sub3A_1785 : vector<16x512xf32>
      %reduce_sum3A_1787 = arith.constant dense<0.000000e+00> : vector<512xf32>
      %reduce_sum3A_1788 = vector.multi_reduction <add>, %exp3A_1786, %reduce_sum3A_1787 [0] : vector<16x512xf32> to vector<512xf32>
      %broadcast_in_dim3A_1789 = vector.shape_cast %reduce_sum3A_1788 : vector<512xf32> to vector<1x512xf32>
      %log3A_1790 = math.log %broadcast_in_dim3A_1789 : vector<1x512xf32>
      %add3A_1791 = arith.addf %broadcast_in_dim3A_1783, %log3A_1790 : vector<1x512xf32>
      %eq3A_1792 = vector.broadcast %broadcast_in_dim3A_1783 : vector<1x512xf32> to vector<16x512xf32>
      %eq3A_1793 = arith.cmpf oeq, %get3A_1775, %eq3A_1792 : vector<16x512xf32>
      %jit3A_1794 = arith.constant 16 : i32
      %broadcast_in_dim3A_1795 = vector.broadcast %jit3A_1794 : i32 to vector<16x512xi32>
      %select_n3A_1796 = arith.select %eq3A_1793, %iota3A, %broadcast_in_dim3A_1795 : vector<16x512xi1>, vector<16x512xi32>
      %reduce_min3A_1797 = arith.constant dense<2147483647> : vector<512xi32>
      %reduce_min3A_1798 = vector.multi_reduction <minsi>, %select_n3A_1796, %reduce_min3A_1797 [0] : vector<16x512xi32> to vector<512xi32>
      %broadcast_in_dim3A_1799 = vector.shape_cast %reduce_min3A_1798 : vector<512xi32> to vector<1x512xi32>
      %eq3A_1800 = vector.broadcast %get3A_1780 : vector<1x512xi32> to vector<16x512xi32>
      %eq3A_1801 = arith.cmpi eq, %iota3A, %eq3A_1800 : vector<16x512xi32>
      %convert_element_type3A_1802 = arith.extui %eq3A_1801 : vector<16x512xi1> to vector<16x512xi32>
      %convert_element_type3A_1803 = arith.sitofp %convert_element_type3A_1802 : vector<16x512xi32> to vector<16x512xf32>
      %eq3A_1804 = vector.broadcast %broadcast_in_dim3A_1799 : vector<1x512xi32> to vector<16x512xi32>
      %eq3A_1805 = arith.cmpi eq, %iota3A, %eq3A_1804 : vector<16x512xi32>
      %convert_element_type3A_1806 = arith.extui %eq3A_1805 : vector<16x512xi1> to vector<16x512xi32>
      %convert_element_type3A_1807 = arith.sitofp %convert_element_type3A_1806 : vector<16x512xi32> to vector<16x512xf32>
      %eq3A_1808 = arith.cmpi eq, %broadcast_in_dim3A_1799, %get3A_1780 : vector<1x512xi32>
      %convert_element_type3A_1809 = arith.extui %eq3A_1808 : vector<1x512xi1> to vector<1x512xi32>
      %convert_element_type3A_1810 = arith.sitofp %convert_element_type3A_1809 : vector<1x512xi32> to vector<1x512xf32>
      %add3A_1811 = arith.addf %add3A_1762, %convert_element_type3A_1803 : vector<16x512xf32>
      %add3A_1812 = arith.addf %add3A_1763, %convert_element_type3A_1807 : vector<16x512xf32>
      %mul3A_1813 = vector.broadcast %convert_element_type3A_1810 : vector<1x512xf32> to vector<16x512xf32>
      %mul3A_1814 = arith.mulf %convert_element_type3A_1807, %mul3A_1813 : vector<16x512xf32>
      %add3A_1815 = arith.addf %add3A_1766, %mul3A_1814 : vector<16x512xf32>
      %sub3A_1816 = vector.broadcast %add3A_1791 : vector<1x512xf32> to vector<16x512xf32>
      %sub3A_1817 = arith.subf %get3A_1775, %sub3A_1816 : vector<16x512xf32>
      %mul3A_1818 = arith.mulf %convert_element_type3A_1803, %sub3A_1817 : vector<16x512xf32>
      %add3A_1819 = arith.addf %add3A_1770, %mul3A_1818 : vector<16x512xf32>
      %get3A_1820 = arith.constant 1 : index
      %get3A_1821 = arith.constant 0 : index
      %get3A_1822 = arith.constant 1024 : index
      %get3A_1823 = vector.load %arg3[%get3A_1820, %get3A_1821, %get3A_1822] : memref<2x16x16384xf32, #tpu.memory_space<vmem>>, vector<1x16x512xf32>
      %get3A_1824 = vector.shape_cast %get3A_1823 : vector<1x16x512xf32> to vector<16x512xf32>
      %get3A_1825 = arith.constant 1 : index
      %get3A_1826 = arith.constant 2 : index
      %get3A_1827 = arith.constant 0 : index
      %get3A_1828 = vector.load %arg4[%get3A_1825, %get3A_1826, %get3A_1827] : memref<2x32x512xi32, #tpu.memory_space<vmem>>, vector<1x1x512xi32>
      %get3A_1829 = vector.shape_cast %get3A_1828 : vector<1x1x512xi32> to vector<1x512xi32>
      %reduce_max3A_1830 = arith.constant dense<0xFF800000> : vector<512xf32>
      %reduce_max3A_1831 = vector.multi_reduction <maximumf>, %get3A_1824, %reduce_max3A_1830 [0] : vector<16x512xf32> to vector<512xf32>
      %broadcast_in_dim3A_1832 = vector.shape_cast %reduce_max3A_1831 : vector<512xf32> to vector<1x512xf32>
      %sub3A_1833 = vector.broadcast %broadcast_in_dim3A_1832 : vector<1x512xf32> to vector<16x512xf32>
      %sub3A_1834 = arith.subf %get3A_1824, %sub3A_1833 : vector<16x512xf32>
      %exp3A_1835 = math.exp %sub3A_1834 : vector<16x512xf32>
      %reduce_sum3A_1836 = arith.constant dense<0.000000e+00> : vector<512xf32>
      %reduce_sum3A_1837 = vector.multi_reduction <add>, %exp3A_1835, %reduce_sum3A_1836 [0] : vector<16x512xf32> to vector<512xf32>
      %broadcast_in_dim3A_1838 = vector.shape_cast %reduce_sum3A_1837 : vector<512xf32> to vector<1x512xf32>
      %log3A_1839 = math.log %broadcast_in_dim3A_1838 : vector<1x512xf32>
      %add3A_1840 = arith.addf %broadcast_in_dim3A_1832, %log3A_1839 : vector<1x512xf32>
      %eq3A_1841 = vector.broadcast %broadcast_in_dim3A_1832 : vector<1x512xf32> to vector<16x512xf32>
      %eq3A_1842 = arith.cmpf oeq, %get3A_1824, %eq3A_1841 : vector<16x512xf32>
      %jit3A_1843 = arith.constant 16 : i32
      %broadcast_in_dim3A_1844 = vector.broadcast %jit3A_1843 : i32 to vector<16x512xi32>
      %select_n3A_1845 = arith.select %eq3A_1842, %iota3A, %broadcast_in_dim3A_1844 : vector<16x512xi1>, vector<16x512xi32>
      %reduce_min3A_1846 = arith.constant dense<2147483647> : vector<512xi32>
      %reduce_min3A_1847 = vector.multi_reduction <minsi>, %select_n3A_1845, %reduce_min3A_1846 [0] : vector<16x512xi32> to vector<512xi32>
      %broadcast_in_dim3A_1848 = vector.shape_cast %reduce_min3A_1847 : vector<512xi32> to vector<1x512xi32>
      %eq3A_1849 = vector.broadcast %get3A_1829 : vector<1x512xi32> to vector<16x512xi32>
      %eq3A_1850 = arith.cmpi eq, %iota3A, %eq3A_1849 : vector<16x512xi32>
      %convert_element_type3A_1851 = arith.extui %eq3A_1850 : vector<16x512xi1> to vector<16x512xi32>
      %convert_element_type3A_1852 = arith.sitofp %convert_element_type3A_1851 : vector<16x512xi32> to vector<16x512xf32>
      %eq3A_1853 = vector.broadcast %broadcast_in_dim3A_1848 : vector<1x512xi32> to vector<16x512xi32>
      %eq3A_1854 = arith.cmpi eq, %iota3A, %eq3A_1853 : vector<16x512xi32>
      %convert_element_type3A_1855 = arith.extui %eq3A_1854 : vector<16x512xi1> to vector<16x512xi32>
      %convert_element_type3A_1856 = arith.sitofp %convert_element_type3A_1855 : vector<16x512xi32> to vector<16x512xf32>
      %eq3A_1857 = arith.cmpi eq, %broadcast_in_dim3A_1848, %get3A_1829 : vector<1x512xi32>
      %convert_element_type3A_1858 = arith.extui %eq3A_1857 : vector<1x512xi1> to vector<1x512xi32>
      %convert_element_type3A_1859 = arith.sitofp %convert_element_type3A_1858 : vector<1x512xi32> to vector<1x512xf32>
      %add3A_1860 = arith.addf %add3A_1811, %convert_element_type3A_1852 : vector<16x512xf32>
      %add3A_1861 = arith.addf %add3A_1812, %convert_element_type3A_1856 : vector<16x512xf32>
      %mul3A_1862 = vector.broadcast %convert_element_type3A_1859 : vector<1x512xf32> to vector<16x512xf32>
      %mul3A_1863 = arith.mulf %convert_element_type3A_1856, %mul3A_1862 : vector<16x512xf32>
      %add3A_1864 = arith.addf %add3A_1815, %mul3A_1863 : vector<16x512xf32>
      %sub3A_1865 = vector.broadcast %add3A_1840 : vector<1x512xf32> to vector<16x512xf32>
      %sub3A_1866 = arith.subf %get3A_1824, %sub3A_1865 : vector<16x512xf32>
      %mul3A_1867 = arith.mulf %convert_element_type3A_1852, %sub3A_1866 : vector<16x512xf32>
      %add3A_1868 = arith.addf %add3A_1819, %mul3A_1867 : vector<16x512xf32>
      %get3A_1869 = arith.constant 1 : index
      %get3A_1870 = arith.constant 0 : index
      %get3A_1871 = arith.constant 1536 : index
      %get3A_1872 = vector.load %arg3[%get3A_1869, %get3A_1870, %get3A_1871] : memref<2x16x16384xf32, #tpu.memory_space<vmem>>, vector<1x16x512xf32>
      %get3A_1873 = vector.shape_cast %get3A_1872 : vector<1x16x512xf32> to vector<16x512xf32>
      %get3A_1874 = arith.constant 1 : index
      %get3A_1875 = arith.constant 3 : index
      %get3A_1876 = arith.constant 0 : index
      %get3A_1877 = vector.load %arg4[%get3A_1874, %get3A_1875, %get3A_1876] : memref<2x32x512xi32, #tpu.memory_space<vmem>>, vector<1x1x512xi32>
      %get3A_1878 = vector.shape_cast %get3A_1877 : vector<1x1x512xi32> to vector<1x512xi32>
      %reduce_max3A_1879 = arith.constant dense<0xFF800000> : vector<512xf32>
      %reduce_max3A_1880 = vector.multi_reduction <maximumf>, %get3A_1873, %reduce_max3A_1879 [0] : vector<16x512xf32> to vector<512xf32>
      %broadcast_in_dim3A_1881 = vector.shape_cast %reduce_max3A_1880 : vector<512xf32> to vector<1x512xf32>
      %sub3A_1882 = vector.broadcast %broadcast_in_dim3A_1881 : vector<1x512xf32> to vector<16x512xf32>
      %sub3A_1883 = arith.subf %get3A_1873, %sub3A_1882 : vector<16x512xf32>
      %exp3A_1884 = math.exp %sub3A_1883 : vector<16x512xf32>
      %reduce_sum3A_1885 = arith.constant dense<0.000000e+00> : vector<512xf32>
      %reduce_sum3A_1886 = vector.multi_reduction <add>, %exp3A_1884, %reduce_sum3A_1885 [0] : vector<16x512xf32> to vector<512xf32>
      %broadcast_in_dim3A_1887 = vector.shape_cast %reduce_sum3A_1886 : vector<512xf32> to vector<1x512xf32>
      %log3A_1888 = math.log %broadcast_in_dim3A_1887 : vector<1x512xf32>
      %add3A_1889 = arith.addf %broadcast_in_dim3A_1881, %log3A_1888 : vector<1x512xf32>
      %eq3A_1890 = vector.broadcast %broadcast_in_dim3A_1881 : vector<1x512xf32> to vector<16x512xf32>
      %eq3A_1891 = arith.cmpf oeq, %get3A_1873, %eq3A_1890 : vector<16x512xf32>
      %jit3A_1892 = arith.constant 16 : i32
      %broadcast_in_dim3A_1893 = vector.broadcast %jit3A_1892 : i32 to vector<16x512xi32>
      %select_n3A_1894 = arith.select %eq3A_1891, %iota3A, %broadcast_in_dim3A_1893 : vector<16x512xi1>, vector<16x512xi32>
      %reduce_min3A_1895 = arith.constant dense<2147483647> : vector<512xi32>
      %reduce_min3A_1896 = vector.multi_reduction <minsi>, %select_n3A_1894, %reduce_min3A_1895 [0] : vector<16x512xi32> to vector<512xi32>
      %broadcast_in_dim3A_1897 = vector.shape_cast %reduce_min3A_1896 : vector<512xi32> to vector<1x512xi32>
      %eq3A_1898 = vector.broadcast %get3A_1878 : vector<1x512xi32> to vector<16x512xi32>
      %eq3A_1899 = arith.cmpi eq, %iota3A, %eq3A_1898 : vector<16x512xi32>
      %convert_element_type3A_1900 = arith.extui %eq3A_1899 : vector<16x512xi1> to vector<16x512xi32>
      %convert_element_type3A_1901 = arith.sitofp %convert_element_type3A_1900 : vector<16x512xi32> to vector<16x512xf32>
      %eq3A_1902 = vector.broadcast %broadcast_in_dim3A_1897 : vector<1x512xi32> to vector<16x512xi32>
      %eq3A_1903 = arith.cmpi eq, %iota3A, %eq3A_1902 : vector<16x512xi32>
      %convert_element_type3A_1904 = arith.extui %eq3A_1903 : vector<16x512xi1> to vector<16x512xi32>
      %convert_element_type3A_1905 = arith.sitofp %convert_element_type3A_1904 : vector<16x512xi32> to vector<16x512xf32>
      %eq3A_1906 = arith.cmpi eq, %broadcast_in_dim3A_1897, %get3A_1878 : vector<1x512xi32>
      %convert_element_type3A_1907 = arith.extui %eq3A_1906 : vector<1x512xi1> to vector<1x512xi32>
      %convert_element_type3A_1908 = arith.sitofp %convert_element_type3A_1907 : vector<1x512xi32> to vector<1x512xf32>
      %add3A_1909 = arith.addf %add3A_1860, %convert_element_type3A_1901 : vector<16x512xf32>
      %add3A_1910 = arith.addf %add3A_1861, %convert_element_type3A_1905 : vector<16x512xf32>
      %mul3A_1911 = vector.broadcast %convert_element_type3A_1908 : vector<1x512xf32> to vector<16x512xf32>
      %mul3A_1912 = arith.mulf %convert_element_type3A_1905, %mul3A_1911 : vector<16x512xf32>
      %add3A_1913 = arith.addf %add3A_1864, %mul3A_1912 : vector<16x512xf32>
      %sub3A_1914 = vector.broadcast %add3A_1889 : vector<1x512xf32> to vector<16x512xf32>
      %sub3A_1915 = arith.subf %get3A_1873, %sub3A_1914 : vector<16x512xf32>
      %mul3A_1916 = arith.mulf %convert_element_type3A_1901, %sub3A_1915 : vector<16x512xf32>
      %add3A_1917 = arith.addf %add3A_1868, %mul3A_1916 : vector<16x512xf32>
      %get3A_1918 = arith.constant 1 : index
      %get3A_1919 = arith.constant 0 : index
      %get3A_1920 = arith.constant 2048 : index
      %get3A_1921 = vector.load %arg3[%get3A_1918, %get3A_1919, %get3A_1920] : memref<2x16x16384xf32, #tpu.memory_space<vmem>>, vector<1x16x512xf32>
      %get3A_1922 = vector.shape_cast %get3A_1921 : vector<1x16x512xf32> to vector<16x512xf32>
      %get3A_1923 = arith.constant 1 : index
      %get3A_1924 = arith.constant 4 : index
      %get3A_1925 = arith.constant 0 : index
      %get3A_1926 = vector.load %arg4[%get3A_1923, %get3A_1924, %get3A_1925] : memref<2x32x512xi32, #tpu.memory_space<vmem>>, vector<1x1x512xi32>
      %get3A_1927 = vector.shape_cast %get3A_1926 : vector<1x1x512xi32> to vector<1x512xi32>
      %reduce_max3A_1928 = arith.constant dense<0xFF800000> : vector<512xf32>
      %reduce_max3A_1929 = vector.multi_reduction <maximumf>, %get3A_1922, %reduce_max3A_1928 [0] : vector<16x512xf32> to vector<512xf32>
      %broadcast_in_dim3A_1930 = vector.shape_cast %reduce_max3A_1929 : vector<512xf32> to vector<1x512xf32>
      %sub3A_1931 = vector.broadcast %broadcast_in_dim3A_1930 : vector<1x512xf32> to vector<16x512xf32>
      %sub3A_1932 = arith.subf %get3A_1922, %sub3A_1931 : vector<16x512xf32>
      %exp3A_1933 = math.exp %sub3A_1932 : vector<16x512xf32>
      %reduce_sum3A_1934 = arith.constant dense<0.000000e+00> : vector<512xf32>
      %reduce_sum3A_1935 = vector.multi_reduction <add>, %exp3A_1933, %reduce_sum3A_1934 [0] : vector<16x512xf32> to vector<512xf32>
      %broadcast_in_dim3A_1936 = vector.shape_cast %reduce_sum3A_1935 : vector<512xf32> to vector<1x512xf32>
      %log3A_1937 = math.log %broadcast_in_dim3A_1936 : vector<1x512xf32>
      %add3A_1938 = arith.addf %broadcast_in_dim3A_1930, %log3A_1937 : vector<1x512xf32>
      %eq3A_1939 = vector.broadcast %broadcast_in_dim3A_1930 : vector<1x512xf32> to vector<16x512xf32>
      %eq3A_1940 = arith.cmpf oeq, %get3A_1922, %eq3A_1939 : vector<16x512xf32>
      %jit3A_1941 = arith.constant 16 : i32
      %broadcast_in_dim3A_1942 = vector.broadcast %jit3A_1941 : i32 to vector<16x512xi32>
      %select_n3A_1943 = arith.select %eq3A_1940, %iota3A, %broadcast_in_dim3A_1942 : vector<16x512xi1>, vector<16x512xi32>
      %reduce_min3A_1944 = arith.constant dense<2147483647> : vector<512xi32>
      %reduce_min3A_1945 = vector.multi_reduction <minsi>, %select_n3A_1943, %reduce_min3A_1944 [0] : vector<16x512xi32> to vector<512xi32>
      %broadcast_in_dim3A_1946 = vector.shape_cast %reduce_min3A_1945 : vector<512xi32> to vector<1x512xi32>
      %eq3A_1947 = vector.broadcast %get3A_1927 : vector<1x512xi32> to vector<16x512xi32>
      %eq3A_1948 = arith.cmpi eq, %iota3A, %eq3A_1947 : vector<16x512xi32>
      %convert_element_type3A_1949 = arith.extui %eq3A_1948 : vector<16x512xi1> to vector<16x512xi32>
      %convert_element_type3A_1950 = arith.sitofp %convert_element_type3A_1949 : vector<16x512xi32> to vector<16x512xf32>
      %eq3A_1951 = vector.broadcast %broadcast_in_dim3A_1946 : vector<1x512xi32> to vector<16x512xi32>
      %eq3A_1952 = arith.cmpi eq, %iota3A, %eq3A_1951 : vector<16x512xi32>
      %convert_element_type3A_1953 = arith.extui %eq3A_1952 : vector<16x512xi1> to vector<16x512xi32>
      %convert_element_type3A_1954 = arith.sitofp %convert_element_type3A_1953 : vector<16x512xi32> to vector<16x512xf32>
      %eq3A_1955 = arith.cmpi eq, %broadcast_in_dim3A_1946, %get3A_1927 : vector<1x512xi32>
      %convert_element_type3A_1956 = arith.extui %eq3A_1955 : vector<1x512xi1> to vector<1x512xi32>
      %convert_element_type3A_1957 = arith.sitofp %convert_element_type3A_1956 : vector<1x512xi32> to vector<1x512xf32>
      %add3A_1958 = arith.addf %add3A_1909, %convert_element_type3A_1950 : vector<16x512xf32>
      %add3A_1959 = arith.addf %add3A_1910, %convert_element_type3A_1954 : vector<16x512xf32>
      %mul3A_1960 = vector.broadcast %convert_element_type3A_1957 : vector<1x512xf32> to vector<16x512xf32>
      %mul3A_1961 = arith.mulf %convert_element_type3A_1954, %mul3A_1960 : vector<16x512xf32>
      %add3A_1962 = arith.addf %add3A_1913, %mul3A_1961 : vector<16x512xf32>
      %sub3A_1963 = vector.broadcast %add3A_1938 : vector<1x512xf32> to vector<16x512xf32>
      %sub3A_1964 = arith.subf %get3A_1922, %sub3A_1963 : vector<16x512xf32>
      %mul3A_1965 = arith.mulf %convert_element_type3A_1950, %sub3A_1964 : vector<16x512xf32>
      %add3A_1966 = arith.addf %add3A_1917, %mul3A_1965 : vector<16x512xf32>
      %get3A_1967 = arith.constant 1 : index
      %get3A_1968 = arith.constant 0 : index
      %get3A_1969 = arith.constant 2560 : index
      %get3A_1970 = vector.load %arg3[%get3A_1967, %get3A_1968, %get3A_1969] : memref<2x16x16384xf32, #tpu.memory_space<vmem>>, vector<1x16x512xf32>
      %get3A_1971 = vector.shape_cast %get3A_1970 : vector<1x16x512xf32> to vector<16x512xf32>
      %get3A_1972 = arith.constant 1 : index
      %get3A_1973 = arith.constant 5 : index
      %get3A_1974 = arith.constant 0 : index
      %get3A_1975 = vector.load %arg4[%get3A_1972, %get3A_1973, %get3A_1974] : memref<2x32x512xi32, #tpu.memory_space<vmem>>, vector<1x1x512xi32>
      %get3A_1976 = vector.shape_cast %get3A_1975 : vector<1x1x512xi32> to vector<1x512xi32>
      %reduce_max3A_1977 = arith.constant dense<0xFF800000> : vector<512xf32>
      %reduce_max3A_1978 = vector.multi_reduction <maximumf>, %get3A_1971, %reduce_max3A_1977 [0] : vector<16x512xf32> to vector<512xf32>
      %broadcast_in_dim3A_1979 = vector.shape_cast %reduce_max3A_1978 : vector<512xf32> to vector<1x512xf32>
      %sub3A_1980 = vector.broadcast %broadcast_in_dim3A_1979 : vector<1x512xf32> to vector<16x512xf32>
      %sub3A_1981 = arith.subf %get3A_1971, %sub3A_1980 : vector<16x512xf32>
      %exp3A_1982 = math.exp %sub3A_1981 : vector<16x512xf32>
      %reduce_sum3A_1983 = arith.constant dense<0.000000e+00> : vector<512xf32>
      %reduce_sum3A_1984 = vector.multi_reduction <add>, %exp3A_1982, %reduce_sum3A_1983 [0] : vector<16x512xf32> to vector<512xf32>
      %broadcast_in_dim3A_1985 = vector.shape_cast %reduce_sum3A_1984 : vector<512xf32> to vector<1x512xf32>
      %log3A_1986 = math.log %broadcast_in_dim3A_1985 : vector<1x512xf32>
      %add3A_1987 = arith.addf %broadcast_in_dim3A_1979, %log3A_1986 : vector<1x512xf32>
      %eq3A_1988 = vector.broadcast %broadcast_in_dim3A_1979 : vector<1x512xf32> to vector<16x512xf32>
      %eq3A_1989 = arith.cmpf oeq, %get3A_1971, %eq3A_1988 : vector<16x512xf32>
      %jit3A_1990 = arith.constant 16 : i32
      %broadcast_in_dim3A_1991 = vector.broadcast %jit3A_1990 : i32 to vector<16x512xi32>
      %select_n3A_1992 = arith.select %eq3A_1989, %iota3A, %broadcast_in_dim3A_1991 : vector<16x512xi1>, vector<16x512xi32>
      %reduce_min3A_1993 = arith.constant dense<2147483647> : vector<512xi32>
      %reduce_min3A_1994 = vector.multi_reduction <minsi>, %select_n3A_1992, %reduce_min3A_1993 [0] : vector<16x512xi32> to vector<512xi32>
      %broadcast_in_dim3A_1995 = vector.shape_cast %reduce_min3A_1994 : vector<512xi32> to vector<1x512xi32>
      %eq3A_1996 = vector.broadcast %get3A_1976 : vector<1x512xi32> to vector<16x512xi32>
      %eq3A_1997 = arith.cmpi eq, %iota3A, %eq3A_1996 : vector<16x512xi32>
      %convert_element_type3A_1998 = arith.extui %eq3A_1997 : vector<16x512xi1> to vector<16x512xi32>
      %convert_element_type3A_1999 = arith.sitofp %convert_element_type3A_1998 : vector<16x512xi32> to vector<16x512xf32>
      %eq3A_2000 = vector.broadcast %broadcast_in_dim3A_1995 : vector<1x512xi32> to vector<16x512xi32>
      %eq3A_2001 = arith.cmpi eq, %iota3A, %eq3A_2000 : vector<16x512xi32>
      %convert_element_type3A_2002 = arith.extui %eq3A_2001 : vector<16x512xi1> to vector<16x512xi32>
      %convert_element_type3A_2003 = arith.sitofp %convert_element_type3A_2002 : vector<16x512xi32> to vector<16x512xf32>
      %eq3A_2004 = arith.cmpi eq, %broadcast_in_dim3A_1995, %get3A_1976 : vector<1x512xi32>
      %convert_element_type3A_2005 = arith.extui %eq3A_2004 : vector<1x512xi1> to vector<1x512xi32>
      %convert_element_type3A_2006 = arith.sitofp %convert_element_type3A_2005 : vector<1x512xi32> to vector<1x512xf32>
      %add3A_2007 = arith.addf %add3A_1958, %convert_element_type3A_1999 : vector<16x512xf32>
      %add3A_2008 = arith.addf %add3A_1959, %convert_element_type3A_2003 : vector<16x512xf32>
      %mul3A_2009 = vector.broadcast %convert_element_type3A_2006 : vector<1x512xf32> to vector<16x512xf32>
      %mul3A_2010 = arith.mulf %convert_element_type3A_2003, %mul3A_2009 : vector<16x512xf32>
      %add3A_2011 = arith.addf %add3A_1962, %mul3A_2010 : vector<16x512xf32>
      %sub3A_2012 = vector.broadcast %add3A_1987 : vector<1x512xf32> to vector<16x512xf32>
      %sub3A_2013 = arith.subf %get3A_1971, %sub3A_2012 : vector<16x512xf32>
      %mul3A_2014 = arith.mulf %convert_element_type3A_1999, %sub3A_2013 : vector<16x512xf32>
      %add3A_2015 = arith.addf %add3A_1966, %mul3A_2014 : vector<16x512xf32>
      %get3A_2016 = arith.constant 1 : index
      %get3A_2017 = arith.constant 0 : index
      %get3A_2018 = arith.constant 3072 : index
      %get3A_2019 = vector.load %arg3[%get3A_2016, %get3A_2017, %get3A_2018] : memref<2x16x16384xf32, #tpu.memory_space<vmem>>, vector<1x16x512xf32>
      %get3A_2020 = vector.shape_cast %get3A_2019 : vector<1x16x512xf32> to vector<16x512xf32>
      %get3A_2021 = arith.constant 1 : index
      %get3A_2022 = arith.constant 6 : index
      %get3A_2023 = arith.constant 0 : index
      %get3A_2024 = vector.load %arg4[%get3A_2021, %get3A_2022, %get3A_2023] : memref<2x32x512xi32, #tpu.memory_space<vmem>>, vector<1x1x512xi32>
      %get3A_2025 = vector.shape_cast %get3A_2024 : vector<1x1x512xi32> to vector<1x512xi32>
      %reduce_max3A_2026 = arith.constant dense<0xFF800000> : vector<512xf32>
      %reduce_max3A_2027 = vector.multi_reduction <maximumf>, %get3A_2020, %reduce_max3A_2026 [0] : vector<16x512xf32> to vector<512xf32>
      %broadcast_in_dim3A_2028 = vector.shape_cast %reduce_max3A_2027 : vector<512xf32> to vector<1x512xf32>
      %sub3A_2029 = vector.broadcast %broadcast_in_dim3A_2028 : vector<1x512xf32> to vector<16x512xf32>
      %sub3A_2030 = arith.subf %get3A_2020, %sub3A_2029 : vector<16x512xf32>
      %exp3A_2031 = math.exp %sub3A_2030 : vector<16x512xf32>
      %reduce_sum3A_2032 = arith.constant dense<0.000000e+00> : vector<512xf32>
      %reduce_sum3A_2033 = vector.multi_reduction <add>, %exp3A_2031, %reduce_sum3A_2032 [0] : vector<16x512xf32> to vector<512xf32>
      %broadcast_in_dim3A_2034 = vector.shape_cast %reduce_sum3A_2033 : vector<512xf32> to vector<1x512xf32>
      %log3A_2035 = math.log %broadcast_in_dim3A_2034 : vector<1x512xf32>
      %add3A_2036 = arith.addf %broadcast_in_dim3A_2028, %log3A_2035 : vector<1x512xf32>
      %eq3A_2037 = vector.broadcast %broadcast_in_dim3A_2028 : vector<1x512xf32> to vector<16x512xf32>
      %eq3A_2038 = arith.cmpf oeq, %get3A_2020, %eq3A_2037 : vector<16x512xf32>
      %jit3A_2039 = arith.constant 16 : i32
      %broadcast_in_dim3A_2040 = vector.broadcast %jit3A_2039 : i32 to vector<16x512xi32>
      %select_n3A_2041 = arith.select %eq3A_2038, %iota3A, %broadcast_in_dim3A_2040 : vector<16x512xi1>, vector<16x512xi32>
      %reduce_min3A_2042 = arith.constant dense<2147483647> : vector<512xi32>
      %reduce_min3A_2043 = vector.multi_reduction <minsi>, %select_n3A_2041, %reduce_min3A_2042 [0] : vector<16x512xi32> to vector<512xi32>
      %broadcast_in_dim3A_2044 = vector.shape_cast %reduce_min3A_2043 : vector<512xi32> to vector<1x512xi32>
      %eq3A_2045 = vector.broadcast %get3A_2025 : vector<1x512xi32> to vector<16x512xi32>
      %eq3A_2046 = arith.cmpi eq, %iota3A, %eq3A_2045 : vector<16x512xi32>
      %convert_element_type3A_2047 = arith.extui %eq3A_2046 : vector<16x512xi1> to vector<16x512xi32>
      %convert_element_type3A_2048 = arith.sitofp %convert_element_type3A_2047 : vector<16x512xi32> to vector<16x512xf32>
      %eq3A_2049 = vector.broadcast %broadcast_in_dim3A_2044 : vector<1x512xi32> to vector<16x512xi32>
      %eq3A_2050 = arith.cmpi eq, %iota3A, %eq3A_2049 : vector<16x512xi32>
      %convert_element_type3A_2051 = arith.extui %eq3A_2050 : vector<16x512xi1> to vector<16x512xi32>
      %convert_element_type3A_2052 = arith.sitofp %convert_element_type3A_2051 : vector<16x512xi32> to vector<16x512xf32>
      %eq3A_2053 = arith.cmpi eq, %broadcast_in_dim3A_2044, %get3A_2025 : vector<1x512xi32>
      %convert_element_type3A_2054 = arith.extui %eq3A_2053 : vector<1x512xi1> to vector<1x512xi32>
      %convert_element_type3A_2055 = arith.sitofp %convert_element_type3A_2054 : vector<1x512xi32> to vector<1x512xf32>
      %add3A_2056 = arith.addf %add3A_2007, %convert_element_type3A_2048 : vector<16x512xf32>
      %add3A_2057 = arith.addf %add3A_2008, %convert_element_type3A_2052 : vector<16x512xf32>
      %mul3A_2058 = vector.broadcast %convert_element_type3A_2055 : vector<1x512xf32> to vector<16x512xf32>
      %mul3A_2059 = arith.mulf %convert_element_type3A_2052, %mul3A_2058 : vector<16x512xf32>
      %add3A_2060 = arith.addf %add3A_2011, %mul3A_2059 : vector<16x512xf32>
      %sub3A_2061 = vector.broadcast %add3A_2036 : vector<1x512xf32> to vector<16x512xf32>
      %sub3A_2062 = arith.subf %get3A_2020, %sub3A_2061 : vector<16x512xf32>
      %mul3A_2063 = arith.mulf %convert_element_type3A_2048, %sub3A_2062 : vector<16x512xf32>
      %add3A_2064 = arith.addf %add3A_2015, %mul3A_2063 : vector<16x512xf32>
      %get3A_2065 = arith.constant 1 : index
      %get3A_2066 = arith.constant 0 : index
      %get3A_2067 = arith.constant 3584 : index
      %get3A_2068 = vector.load %arg3[%get3A_2065, %get3A_2066, %get3A_2067] : memref<2x16x16384xf32, #tpu.memory_space<vmem>>, vector<1x16x512xf32>
      %get3A_2069 = vector.shape_cast %get3A_2068 : vector<1x16x512xf32> to vector<16x512xf32>
      %get3A_2070 = arith.constant 1 : index
      %get3A_2071 = arith.constant 7 : index
      %get3A_2072 = arith.constant 0 : index
      %get3A_2073 = vector.load %arg4[%get3A_2070, %get3A_2071, %get3A_2072] : memref<2x32x512xi32, #tpu.memory_space<vmem>>, vector<1x1x512xi32>
      %get3A_2074 = vector.shape_cast %get3A_2073 : vector<1x1x512xi32> to vector<1x512xi32>
      %reduce_max3A_2075 = arith.constant dense<0xFF800000> : vector<512xf32>
      %reduce_max3A_2076 = vector.multi_reduction <maximumf>, %get3A_2069, %reduce_max3A_2075 [0] : vector<16x512xf32> to vector<512xf32>
      %broadcast_in_dim3A_2077 = vector.shape_cast %reduce_max3A_2076 : vector<512xf32> to vector<1x512xf32>
      %sub3A_2078 = vector.broadcast %broadcast_in_dim3A_2077 : vector<1x512xf32> to vector<16x512xf32>
      %sub3A_2079 = arith.subf %get3A_2069, %sub3A_2078 : vector<16x512xf32>
      %exp3A_2080 = math.exp %sub3A_2079 : vector<16x512xf32>
      %reduce_sum3A_2081 = arith.constant dense<0.000000e+00> : vector<512xf32>
      %reduce_sum3A_2082 = vector.multi_reduction <add>, %exp3A_2080, %reduce_sum3A_2081 [0] : vector<16x512xf32> to vector<512xf32>
      %broadcast_in_dim3A_2083 = vector.shape_cast %reduce_sum3A_2082 : vector<512xf32> to vector<1x512xf32>
      %log3A_2084 = math.log %broadcast_in_dim3A_2083 : vector<1x512xf32>
      %add3A_2085 = arith.addf %broadcast_in_dim3A_2077, %log3A_2084 : vector<1x512xf32>
      %eq3A_2086 = vector.broadcast %broadcast_in_dim3A_2077 : vector<1x512xf32> to vector<16x512xf32>
      %eq3A_2087 = arith.cmpf oeq, %get3A_2069, %eq3A_2086 : vector<16x512xf32>
      %jit3A_2088 = arith.constant 16 : i32
      %broadcast_in_dim3A_2089 = vector.broadcast %jit3A_2088 : i32 to vector<16x512xi32>
      %select_n3A_2090 = arith.select %eq3A_2087, %iota3A, %broadcast_in_dim3A_2089 : vector<16x512xi1>, vector<16x512xi32>
      %reduce_min3A_2091 = arith.constant dense<2147483647> : vector<512xi32>
      %reduce_min3A_2092 = vector.multi_reduction <minsi>, %select_n3A_2090, %reduce_min3A_2091 [0] : vector<16x512xi32> to vector<512xi32>
      %broadcast_in_dim3A_2093 = vector.shape_cast %reduce_min3A_2092 : vector<512xi32> to vector<1x512xi32>
      %eq3A_2094 = vector.broadcast %get3A_2074 : vector<1x512xi32> to vector<16x512xi32>
      %eq3A_2095 = arith.cmpi eq, %iota3A, %eq3A_2094 : vector<16x512xi32>
      %convert_element_type3A_2096 = arith.extui %eq3A_2095 : vector<16x512xi1> to vector<16x512xi32>
      %convert_element_type3A_2097 = arith.sitofp %convert_element_type3A_2096 : vector<16x512xi32> to vector<16x512xf32>
      %eq3A_2098 = vector.broadcast %broadcast_in_dim3A_2093 : vector<1x512xi32> to vector<16x512xi32>
      %eq3A_2099 = arith.cmpi eq, %iota3A, %eq3A_2098 : vector<16x512xi32>
      %convert_element_type3A_2100 = arith.extui %eq3A_2099 : vector<16x512xi1> to vector<16x512xi32>
      %convert_element_type3A_2101 = arith.sitofp %convert_element_type3A_2100 : vector<16x512xi32> to vector<16x512xf32>
      %eq3A_2102 = arith.cmpi eq, %broadcast_in_dim3A_2093, %get3A_2074 : vector<1x512xi32>
      %convert_element_type3A_2103 = arith.extui %eq3A_2102 : vector<1x512xi1> to vector<1x512xi32>
      %convert_element_type3A_2104 = arith.sitofp %convert_element_type3A_2103 : vector<1x512xi32> to vector<1x512xf32>
      %add3A_2105 = arith.addf %add3A_2056, %convert_element_type3A_2097 : vector<16x512xf32>
      %add3A_2106 = arith.addf %add3A_2057, %convert_element_type3A_2101 : vector<16x512xf32>
      %mul3A_2107 = vector.broadcast %convert_element_type3A_2104 : vector<1x512xf32> to vector<16x512xf32>
      %mul3A_2108 = arith.mulf %convert_element_type3A_2101, %mul3A_2107 : vector<16x512xf32>
      %add3A_2109 = arith.addf %add3A_2060, %mul3A_2108 : vector<16x512xf32>
      %sub3A_2110 = vector.broadcast %add3A_2085 : vector<1x512xf32> to vector<16x512xf32>
      %sub3A_2111 = arith.subf %get3A_2069, %sub3A_2110 : vector<16x512xf32>
      %mul3A_2112 = arith.mulf %convert_element_type3A_2097, %sub3A_2111 : vector<16x512xf32>
      %add3A_2113 = arith.addf %add3A_2064, %mul3A_2112 : vector<16x512xf32>
      %get3A_2114 = arith.constant 1 : index
      %get3A_2115 = arith.constant 0 : index
      %get3A_2116 = arith.constant 4096 : index
      %get3A_2117 = vector.load %arg3[%get3A_2114, %get3A_2115, %get3A_2116] : memref<2x16x16384xf32, #tpu.memory_space<vmem>>, vector<1x16x512xf32>
      %get3A_2118 = vector.shape_cast %get3A_2117 : vector<1x16x512xf32> to vector<16x512xf32>
      %get3A_2119 = arith.constant 1 : index
      %get3A_2120 = arith.constant 8 : index
      %get3A_2121 = arith.constant 0 : index
      %get3A_2122 = vector.load %arg4[%get3A_2119, %get3A_2120, %get3A_2121] : memref<2x32x512xi32, #tpu.memory_space<vmem>>, vector<1x1x512xi32>
      %get3A_2123 = vector.shape_cast %get3A_2122 : vector<1x1x512xi32> to vector<1x512xi32>
      %reduce_max3A_2124 = arith.constant dense<0xFF800000> : vector<512xf32>
      %reduce_max3A_2125 = vector.multi_reduction <maximumf>, %get3A_2118, %reduce_max3A_2124 [0] : vector<16x512xf32> to vector<512xf32>
      %broadcast_in_dim3A_2126 = vector.shape_cast %reduce_max3A_2125 : vector<512xf32> to vector<1x512xf32>
      %sub3A_2127 = vector.broadcast %broadcast_in_dim3A_2126 : vector<1x512xf32> to vector<16x512xf32>
      %sub3A_2128 = arith.subf %get3A_2118, %sub3A_2127 : vector<16x512xf32>
      %exp3A_2129 = math.exp %sub3A_2128 : vector<16x512xf32>
      %reduce_sum3A_2130 = arith.constant dense<0.000000e+00> : vector<512xf32>
      %reduce_sum3A_2131 = vector.multi_reduction <add>, %exp3A_2129, %reduce_sum3A_2130 [0] : vector<16x512xf32> to vector<512xf32>
      %broadcast_in_dim3A_2132 = vector.shape_cast %reduce_sum3A_2131 : vector<512xf32> to vector<1x512xf32>
      %log3A_2133 = math.log %broadcast_in_dim3A_2132 : vector<1x512xf32>
      %add3A_2134 = arith.addf %broadcast_in_dim3A_2126, %log3A_2133 : vector<1x512xf32>
      %eq3A_2135 = vector.broadcast %broadcast_in_dim3A_2126 : vector<1x512xf32> to vector<16x512xf32>
      %eq3A_2136 = arith.cmpf oeq, %get3A_2118, %eq3A_2135 : vector<16x512xf32>
      %jit3A_2137 = arith.constant 16 : i32
      %broadcast_in_dim3A_2138 = vector.broadcast %jit3A_2137 : i32 to vector<16x512xi32>
      %select_n3A_2139 = arith.select %eq3A_2136, %iota3A, %broadcast_in_dim3A_2138 : vector<16x512xi1>, vector<16x512xi32>
      %reduce_min3A_2140 = arith.constant dense<2147483647> : vector<512xi32>
      %reduce_min3A_2141 = vector.multi_reduction <minsi>, %select_n3A_2139, %reduce_min3A_2140 [0] : vector<16x512xi32> to vector<512xi32>
      %broadcast_in_dim3A_2142 = vector.shape_cast %reduce_min3A_2141 : vector<512xi32> to vector<1x512xi32>
      %eq3A_2143 = vector.broadcast %get3A_2123 : vector<1x512xi32> to vector<16x512xi32>
      %eq3A_2144 = arith.cmpi eq, %iota3A, %eq3A_2143 : vector<16x512xi32>
      %convert_element_type3A_2145 = arith.extui %eq3A_2144 : vector<16x512xi1> to vector<16x512xi32>
      %convert_element_type3A_2146 = arith.sitofp %convert_element_type3A_2145 : vector<16x512xi32> to vector<16x512xf32>
      %eq3A_2147 = vector.broadcast %broadcast_in_dim3A_2142 : vector<1x512xi32> to vector<16x512xi32>
      %eq3A_2148 = arith.cmpi eq, %iota3A, %eq3A_2147 : vector<16x512xi32>
      %convert_element_type3A_2149 = arith.extui %eq3A_2148 : vector<16x512xi1> to vector<16x512xi32>
      %convert_element_type3A_2150 = arith.sitofp %convert_element_type3A_2149 : vector<16x512xi32> to vector<16x512xf32>
      %eq3A_2151 = arith.cmpi eq, %broadcast_in_dim3A_2142, %get3A_2123 : vector<1x512xi32>
      %convert_element_type3A_2152 = arith.extui %eq3A_2151 : vector<1x512xi1> to vector<1x512xi32>
      %convert_element_type3A_2153 = arith.sitofp %convert_element_type3A_2152 : vector<1x512xi32> to vector<1x512xf32>
      %add3A_2154 = arith.addf %add3A_2105, %convert_element_type3A_2146 : vector<16x512xf32>
      %add3A_2155 = arith.addf %add3A_2106, %convert_element_type3A_2150 : vector<16x512xf32>
      %mul3A_2156 = vector.broadcast %convert_element_type3A_2153 : vector<1x512xf32> to vector<16x512xf32>
      %mul3A_2157 = arith.mulf %convert_element_type3A_2150, %mul3A_2156 : vector<16x512xf32>
      %add3A_2158 = arith.addf %add3A_2109, %mul3A_2157 : vector<16x512xf32>
      %sub3A_2159 = vector.broadcast %add3A_2134 : vector<1x512xf32> to vector<16x512xf32>
      %sub3A_2160 = arith.subf %get3A_2118, %sub3A_2159 : vector<16x512xf32>
      %mul3A_2161 = arith.mulf %convert_element_type3A_2146, %sub3A_2160 : vector<16x512xf32>
      %add3A_2162 = arith.addf %add3A_2113, %mul3A_2161 : vector<16x512xf32>
      %get3A_2163 = arith.constant 1 : index
      %get3A_2164 = arith.constant 0 : index
      %get3A_2165 = arith.constant 4608 : index
      %get3A_2166 = vector.load %arg3[%get3A_2163, %get3A_2164, %get3A_2165] : memref<2x16x16384xf32, #tpu.memory_space<vmem>>, vector<1x16x512xf32>
      %get3A_2167 = vector.shape_cast %get3A_2166 : vector<1x16x512xf32> to vector<16x512xf32>
      %get3A_2168 = arith.constant 1 : index
      %get3A_2169 = arith.constant 9 : index
      %get3A_2170 = arith.constant 0 : index
      %get3A_2171 = vector.load %arg4[%get3A_2168, %get3A_2169, %get3A_2170] : memref<2x32x512xi32, #tpu.memory_space<vmem>>, vector<1x1x512xi32>
      %get3A_2172 = vector.shape_cast %get3A_2171 : vector<1x1x512xi32> to vector<1x512xi32>
      %reduce_max3A_2173 = arith.constant dense<0xFF800000> : vector<512xf32>
      %reduce_max3A_2174 = vector.multi_reduction <maximumf>, %get3A_2167, %reduce_max3A_2173 [0] : vector<16x512xf32> to vector<512xf32>
      %broadcast_in_dim3A_2175 = vector.shape_cast %reduce_max3A_2174 : vector<512xf32> to vector<1x512xf32>
      %sub3A_2176 = vector.broadcast %broadcast_in_dim3A_2175 : vector<1x512xf32> to vector<16x512xf32>
      %sub3A_2177 = arith.subf %get3A_2167, %sub3A_2176 : vector<16x512xf32>
      %exp3A_2178 = math.exp %sub3A_2177 : vector<16x512xf32>
      %reduce_sum3A_2179 = arith.constant dense<0.000000e+00> : vector<512xf32>
      %reduce_sum3A_2180 = vector.multi_reduction <add>, %exp3A_2178, %reduce_sum3A_2179 [0] : vector<16x512xf32> to vector<512xf32>
      %broadcast_in_dim3A_2181 = vector.shape_cast %reduce_sum3A_2180 : vector<512xf32> to vector<1x512xf32>
      %log3A_2182 = math.log %broadcast_in_dim3A_2181 : vector<1x512xf32>
      %add3A_2183 = arith.addf %broadcast_in_dim3A_2175, %log3A_2182 : vector<1x512xf32>
      %eq3A_2184 = vector.broadcast %broadcast_in_dim3A_2175 : vector<1x512xf32> to vector<16x512xf32>
      %eq3A_2185 = arith.cmpf oeq, %get3A_2167, %eq3A_2184 : vector<16x512xf32>
      %jit3A_2186 = arith.constant 16 : i32
      %broadcast_in_dim3A_2187 = vector.broadcast %jit3A_2186 : i32 to vector<16x512xi32>
      %select_n3A_2188 = arith.select %eq3A_2185, %iota3A, %broadcast_in_dim3A_2187 : vector<16x512xi1>, vector<16x512xi32>
      %reduce_min3A_2189 = arith.constant dense<2147483647> : vector<512xi32>
      %reduce_min3A_2190 = vector.multi_reduction <minsi>, %select_n3A_2188, %reduce_min3A_2189 [0] : vector<16x512xi32> to vector<512xi32>
      %broadcast_in_dim3A_2191 = vector.shape_cast %reduce_min3A_2190 : vector<512xi32> to vector<1x512xi32>
      %eq3A_2192 = vector.broadcast %get3A_2172 : vector<1x512xi32> to vector<16x512xi32>
      %eq3A_2193 = arith.cmpi eq, %iota3A, %eq3A_2192 : vector<16x512xi32>
      %convert_element_type3A_2194 = arith.extui %eq3A_2193 : vector<16x512xi1> to vector<16x512xi32>
      %convert_element_type3A_2195 = arith.sitofp %convert_element_type3A_2194 : vector<16x512xi32> to vector<16x512xf32>
      %eq3A_2196 = vector.broadcast %broadcast_in_dim3A_2191 : vector<1x512xi32> to vector<16x512xi32>
      %eq3A_2197 = arith.cmpi eq, %iota3A, %eq3A_2196 : vector<16x512xi32>
      %convert_element_type3A_2198 = arith.extui %eq3A_2197 : vector<16x512xi1> to vector<16x512xi32>
      %convert_element_type3A_2199 = arith.sitofp %convert_element_type3A_2198 : vector<16x512xi32> to vector<16x512xf32>
      %eq3A_2200 = arith.cmpi eq, %broadcast_in_dim3A_2191, %get3A_2172 : vector<1x512xi32>
      %convert_element_type3A_2201 = arith.extui %eq3A_2200 : vector<1x512xi1> to vector<1x512xi32>
      %convert_element_type3A_2202 = arith.sitofp %convert_element_type3A_2201 : vector<1x512xi32> to vector<1x512xf32>
      %add3A_2203 = arith.addf %add3A_2154, %convert_element_type3A_2195 : vector<16x512xf32>
      %add3A_2204 = arith.addf %add3A_2155, %convert_element_type3A_2199 : vector<16x512xf32>
      %mul3A_2205 = vector.broadcast %convert_element_type3A_2202 : vector<1x512xf32> to vector<16x512xf32>
      %mul3A_2206 = arith.mulf %convert_element_type3A_2199, %mul3A_2205 : vector<16x512xf32>
      %add3A_2207 = arith.addf %add3A_2158, %mul3A_2206 : vector<16x512xf32>
      %sub3A_2208 = vector.broadcast %add3A_2183 : vector<1x512xf32> to vector<16x512xf32>
      %sub3A_2209 = arith.subf %get3A_2167, %sub3A_2208 : vector<16x512xf32>
      %mul3A_2210 = arith.mulf %convert_element_type3A_2195, %sub3A_2209 : vector<16x512xf32>
      %add3A_2211 = arith.addf %add3A_2162, %mul3A_2210 : vector<16x512xf32>
      %get3A_2212 = arith.constant 1 : index
      %get3A_2213 = arith.constant 0 : index
      %get3A_2214 = arith.constant 5120 : index
      %get3A_2215 = vector.load %arg3[%get3A_2212, %get3A_2213, %get3A_2214] : memref<2x16x16384xf32, #tpu.memory_space<vmem>>, vector<1x16x512xf32>
      %get3A_2216 = vector.shape_cast %get3A_2215 : vector<1x16x512xf32> to vector<16x512xf32>
      %get3A_2217 = arith.constant 1 : index
      %get3A_2218 = arith.constant 10 : index
      %get3A_2219 = arith.constant 0 : index
      %get3A_2220 = vector.load %arg4[%get3A_2217, %get3A_2218, %get3A_2219] : memref<2x32x512xi32, #tpu.memory_space<vmem>>, vector<1x1x512xi32>
      %get3A_2221 = vector.shape_cast %get3A_2220 : vector<1x1x512xi32> to vector<1x512xi32>
      %reduce_max3A_2222 = arith.constant dense<0xFF800000> : vector<512xf32>
      %reduce_max3A_2223 = vector.multi_reduction <maximumf>, %get3A_2216, %reduce_max3A_2222 [0] : vector<16x512xf32> to vector<512xf32>
      %broadcast_in_dim3A_2224 = vector.shape_cast %reduce_max3A_2223 : vector<512xf32> to vector<1x512xf32>
      %sub3A_2225 = vector.broadcast %broadcast_in_dim3A_2224 : vector<1x512xf32> to vector<16x512xf32>
      %sub3A_2226 = arith.subf %get3A_2216, %sub3A_2225 : vector<16x512xf32>
      %exp3A_2227 = math.exp %sub3A_2226 : vector<16x512xf32>
      %reduce_sum3A_2228 = arith.constant dense<0.000000e+00> : vector<512xf32>
      %reduce_sum3A_2229 = vector.multi_reduction <add>, %exp3A_2227, %reduce_sum3A_2228 [0] : vector<16x512xf32> to vector<512xf32>
      %broadcast_in_dim3A_2230 = vector.shape_cast %reduce_sum3A_2229 : vector<512xf32> to vector<1x512xf32>
      %log3A_2231 = math.log %broadcast_in_dim3A_2230 : vector<1x512xf32>
      %add3A_2232 = arith.addf %broadcast_in_dim3A_2224, %log3A_2231 : vector<1x512xf32>
      %eq3A_2233 = vector.broadcast %broadcast_in_dim3A_2224 : vector<1x512xf32> to vector<16x512xf32>
      %eq3A_2234 = arith.cmpf oeq, %get3A_2216, %eq3A_2233 : vector<16x512xf32>
      %jit3A_2235 = arith.constant 16 : i32
      %broadcast_in_dim3A_2236 = vector.broadcast %jit3A_2235 : i32 to vector<16x512xi32>
      %select_n3A_2237 = arith.select %eq3A_2234, %iota3A, %broadcast_in_dim3A_2236 : vector<16x512xi1>, vector<16x512xi32>
      %reduce_min3A_2238 = arith.constant dense<2147483647> : vector<512xi32>
      %reduce_min3A_2239 = vector.multi_reduction <minsi>, %select_n3A_2237, %reduce_min3A_2238 [0] : vector<16x512xi32> to vector<512xi32>
      %broadcast_in_dim3A_2240 = vector.shape_cast %reduce_min3A_2239 : vector<512xi32> to vector<1x512xi32>
      %eq3A_2241 = vector.broadcast %get3A_2221 : vector<1x512xi32> to vector<16x512xi32>
      %eq3A_2242 = arith.cmpi eq, %iota3A, %eq3A_2241 : vector<16x512xi32>
      %convert_element_type3A_2243 = arith.extui %eq3A_2242 : vector<16x512xi1> to vector<16x512xi32>
      %convert_element_type3A_2244 = arith.sitofp %convert_element_type3A_2243 : vector<16x512xi32> to vector<16x512xf32>
      %eq3A_2245 = vector.broadcast %broadcast_in_dim3A_2240 : vector<1x512xi32> to vector<16x512xi32>
      %eq3A_2246 = arith.cmpi eq, %iota3A, %eq3A_2245 : vector<16x512xi32>
      %convert_element_type3A_2247 = arith.extui %eq3A_2246 : vector<16x512xi1> to vector<16x512xi32>
      %convert_element_type3A_2248 = arith.sitofp %convert_element_type3A_2247 : vector<16x512xi32> to vector<16x512xf32>
      %eq3A_2249 = arith.cmpi eq, %broadcast_in_dim3A_2240, %get3A_2221 : vector<1x512xi32>
      %convert_element_type3A_2250 = arith.extui %eq3A_2249 : vector<1x512xi1> to vector<1x512xi32>
      %convert_element_type3A_2251 = arith.sitofp %convert_element_type3A_2250 : vector<1x512xi32> to vector<1x512xf32>
      %add3A_2252 = arith.addf %add3A_2203, %convert_element_type3A_2244 : vector<16x512xf32>
      %add3A_2253 = arith.addf %add3A_2204, %convert_element_type3A_2248 : vector<16x512xf32>
      %mul3A_2254 = vector.broadcast %convert_element_type3A_2251 : vector<1x512xf32> to vector<16x512xf32>
      %mul3A_2255 = arith.mulf %convert_element_type3A_2248, %mul3A_2254 : vector<16x512xf32>
      %add3A_2256 = arith.addf %add3A_2207, %mul3A_2255 : vector<16x512xf32>
      %sub3A_2257 = vector.broadcast %add3A_2232 : vector<1x512xf32> to vector<16x512xf32>
      %sub3A_2258 = arith.subf %get3A_2216, %sub3A_2257 : vector<16x512xf32>
      %mul3A_2259 = arith.mulf %convert_element_type3A_2244, %sub3A_2258 : vector<16x512xf32>
      %add3A_2260 = arith.addf %add3A_2211, %mul3A_2259 : vector<16x512xf32>
      %get3A_2261 = arith.constant 1 : index
      %get3A_2262 = arith.constant 0 : index
      %get3A_2263 = arith.constant 5632 : index
      %get3A_2264 = vector.load %arg3[%get3A_2261, %get3A_2262, %get3A_2263] : memref<2x16x16384xf32, #tpu.memory_space<vmem>>, vector<1x16x512xf32>
      %get3A_2265 = vector.shape_cast %get3A_2264 : vector<1x16x512xf32> to vector<16x512xf32>
      %get3A_2266 = arith.constant 1 : index
      %get3A_2267 = arith.constant 11 : index
      %get3A_2268 = arith.constant 0 : index
      %get3A_2269 = vector.load %arg4[%get3A_2266, %get3A_2267, %get3A_2268] : memref<2x32x512xi32, #tpu.memory_space<vmem>>, vector<1x1x512xi32>
      %get3A_2270 = vector.shape_cast %get3A_2269 : vector<1x1x512xi32> to vector<1x512xi32>
      %reduce_max3A_2271 = arith.constant dense<0xFF800000> : vector<512xf32>
      %reduce_max3A_2272 = vector.multi_reduction <maximumf>, %get3A_2265, %reduce_max3A_2271 [0] : vector<16x512xf32> to vector<512xf32>
      %broadcast_in_dim3A_2273 = vector.shape_cast %reduce_max3A_2272 : vector<512xf32> to vector<1x512xf32>
      %sub3A_2274 = vector.broadcast %broadcast_in_dim3A_2273 : vector<1x512xf32> to vector<16x512xf32>
      %sub3A_2275 = arith.subf %get3A_2265, %sub3A_2274 : vector<16x512xf32>
      %exp3A_2276 = math.exp %sub3A_2275 : vector<16x512xf32>
      %reduce_sum3A_2277 = arith.constant dense<0.000000e+00> : vector<512xf32>
      %reduce_sum3A_2278 = vector.multi_reduction <add>, %exp3A_2276, %reduce_sum3A_2277 [0] : vector<16x512xf32> to vector<512xf32>
      %broadcast_in_dim3A_2279 = vector.shape_cast %reduce_sum3A_2278 : vector<512xf32> to vector<1x512xf32>
      %log3A_2280 = math.log %broadcast_in_dim3A_2279 : vector<1x512xf32>
      %add3A_2281 = arith.addf %broadcast_in_dim3A_2273, %log3A_2280 : vector<1x512xf32>
      %eq3A_2282 = vector.broadcast %broadcast_in_dim3A_2273 : vector<1x512xf32> to vector<16x512xf32>
      %eq3A_2283 = arith.cmpf oeq, %get3A_2265, %eq3A_2282 : vector<16x512xf32>
      %jit3A_2284 = arith.constant 16 : i32
      %broadcast_in_dim3A_2285 = vector.broadcast %jit3A_2284 : i32 to vector<16x512xi32>
      %select_n3A_2286 = arith.select %eq3A_2283, %iota3A, %broadcast_in_dim3A_2285 : vector<16x512xi1>, vector<16x512xi32>
      %reduce_min3A_2287 = arith.constant dense<2147483647> : vector<512xi32>
      %reduce_min3A_2288 = vector.multi_reduction <minsi>, %select_n3A_2286, %reduce_min3A_2287 [0] : vector<16x512xi32> to vector<512xi32>
      %broadcast_in_dim3A_2289 = vector.shape_cast %reduce_min3A_2288 : vector<512xi32> to vector<1x512xi32>
      %eq3A_2290 = vector.broadcast %get3A_2270 : vector<1x512xi32> to vector<16x512xi32>
      %eq3A_2291 = arith.cmpi eq, %iota3A, %eq3A_2290 : vector<16x512xi32>
      %convert_element_type3A_2292 = arith.extui %eq3A_2291 : vector<16x512xi1> to vector<16x512xi32>
      %convert_element_type3A_2293 = arith.sitofp %convert_element_type3A_2292 : vector<16x512xi32> to vector<16x512xf32>
      %eq3A_2294 = vector.broadcast %broadcast_in_dim3A_2289 : vector<1x512xi32> to vector<16x512xi32>
      %eq3A_2295 = arith.cmpi eq, %iota3A, %eq3A_2294 : vector<16x512xi32>
      %convert_element_type3A_2296 = arith.extui %eq3A_2295 : vector<16x512xi1> to vector<16x512xi32>
      %convert_element_type3A_2297 = arith.sitofp %convert_element_type3A_2296 : vector<16x512xi32> to vector<16x512xf32>
      %eq3A_2298 = arith.cmpi eq, %broadcast_in_dim3A_2289, %get3A_2270 : vector<1x512xi32>
      %convert_element_type3A_2299 = arith.extui %eq3A_2298 : vector<1x512xi1> to vector<1x512xi32>
      %convert_element_type3A_2300 = arith.sitofp %convert_element_type3A_2299 : vector<1x512xi32> to vector<1x512xf32>
      %add3A_2301 = arith.addf %add3A_2252, %convert_element_type3A_2293 : vector<16x512xf32>
      %add3A_2302 = arith.addf %add3A_2253, %convert_element_type3A_2297 : vector<16x512xf32>
      %mul3A_2303 = vector.broadcast %convert_element_type3A_2300 : vector<1x512xf32> to vector<16x512xf32>
      %mul3A_2304 = arith.mulf %convert_element_type3A_2297, %mul3A_2303 : vector<16x512xf32>
      %add3A_2305 = arith.addf %add3A_2256, %mul3A_2304 : vector<16x512xf32>
      %sub3A_2306 = vector.broadcast %add3A_2281 : vector<1x512xf32> to vector<16x512xf32>
      %sub3A_2307 = arith.subf %get3A_2265, %sub3A_2306 : vector<16x512xf32>
      %mul3A_2308 = arith.mulf %convert_element_type3A_2293, %sub3A_2307 : vector<16x512xf32>
      %add3A_2309 = arith.addf %add3A_2260, %mul3A_2308 : vector<16x512xf32>
      %get3A_2310 = arith.constant 1 : index
      %get3A_2311 = arith.constant 0 : index
      %get3A_2312 = arith.constant 6144 : index
      %get3A_2313 = vector.load %arg3[%get3A_2310, %get3A_2311, %get3A_2312] : memref<2x16x16384xf32, #tpu.memory_space<vmem>>, vector<1x16x512xf32>
      %get3A_2314 = vector.shape_cast %get3A_2313 : vector<1x16x512xf32> to vector<16x512xf32>
      %get3A_2315 = arith.constant 1 : index
      %get3A_2316 = arith.constant 12 : index
      %get3A_2317 = arith.constant 0 : index
      %get3A_2318 = vector.load %arg4[%get3A_2315, %get3A_2316, %get3A_2317] : memref<2x32x512xi32, #tpu.memory_space<vmem>>, vector<1x1x512xi32>
      %get3A_2319 = vector.shape_cast %get3A_2318 : vector<1x1x512xi32> to vector<1x512xi32>
      %reduce_max3A_2320 = arith.constant dense<0xFF800000> : vector<512xf32>
      %reduce_max3A_2321 = vector.multi_reduction <maximumf>, %get3A_2314, %reduce_max3A_2320 [0] : vector<16x512xf32> to vector<512xf32>
      %broadcast_in_dim3A_2322 = vector.shape_cast %reduce_max3A_2321 : vector<512xf32> to vector<1x512xf32>
      %sub3A_2323 = vector.broadcast %broadcast_in_dim3A_2322 : vector<1x512xf32> to vector<16x512xf32>
      %sub3A_2324 = arith.subf %get3A_2314, %sub3A_2323 : vector<16x512xf32>
      %exp3A_2325 = math.exp %sub3A_2324 : vector<16x512xf32>
      %reduce_sum3A_2326 = arith.constant dense<0.000000e+00> : vector<512xf32>
      %reduce_sum3A_2327 = vector.multi_reduction <add>, %exp3A_2325, %reduce_sum3A_2326 [0] : vector<16x512xf32> to vector<512xf32>
      %broadcast_in_dim3A_2328 = vector.shape_cast %reduce_sum3A_2327 : vector<512xf32> to vector<1x512xf32>
      %log3A_2329 = math.log %broadcast_in_dim3A_2328 : vector<1x512xf32>
      %add3A_2330 = arith.addf %broadcast_in_dim3A_2322, %log3A_2329 : vector<1x512xf32>
      %eq3A_2331 = vector.broadcast %broadcast_in_dim3A_2322 : vector<1x512xf32> to vector<16x512xf32>
      %eq3A_2332 = arith.cmpf oeq, %get3A_2314, %eq3A_2331 : vector<16x512xf32>
      %jit3A_2333 = arith.constant 16 : i32
      %broadcast_in_dim3A_2334 = vector.broadcast %jit3A_2333 : i32 to vector<16x512xi32>
      %select_n3A_2335 = arith.select %eq3A_2332, %iota3A, %broadcast_in_dim3A_2334 : vector<16x512xi1>, vector<16x512xi32>
      %reduce_min3A_2336 = arith.constant dense<2147483647> : vector<512xi32>
      %reduce_min3A_2337 = vector.multi_reduction <minsi>, %select_n3A_2335, %reduce_min3A_2336 [0] : vector<16x512xi32> to vector<512xi32>
      %broadcast_in_dim3A_2338 = vector.shape_cast %reduce_min3A_2337 : vector<512xi32> to vector<1x512xi32>
      %eq3A_2339 = vector.broadcast %get3A_2319 : vector<1x512xi32> to vector<16x512xi32>
      %eq3A_2340 = arith.cmpi eq, %iota3A, %eq3A_2339 : vector<16x512xi32>
      %convert_element_type3A_2341 = arith.extui %eq3A_2340 : vector<16x512xi1> to vector<16x512xi32>
      %convert_element_type3A_2342 = arith.sitofp %convert_element_type3A_2341 : vector<16x512xi32> to vector<16x512xf32>
      %eq3A_2343 = vector.broadcast %broadcast_in_dim3A_2338 : vector<1x512xi32> to vector<16x512xi32>
      %eq3A_2344 = arith.cmpi eq, %iota3A, %eq3A_2343 : vector<16x512xi32>
      %convert_element_type3A_2345 = arith.extui %eq3A_2344 : vector<16x512xi1> to vector<16x512xi32>
      %convert_element_type3A_2346 = arith.sitofp %convert_element_type3A_2345 : vector<16x512xi32> to vector<16x512xf32>
      %eq3A_2347 = arith.cmpi eq, %broadcast_in_dim3A_2338, %get3A_2319 : vector<1x512xi32>
      %convert_element_type3A_2348 = arith.extui %eq3A_2347 : vector<1x512xi1> to vector<1x512xi32>
      %convert_element_type3A_2349 = arith.sitofp %convert_element_type3A_2348 : vector<1x512xi32> to vector<1x512xf32>
      %add3A_2350 = arith.addf %add3A_2301, %convert_element_type3A_2342 : vector<16x512xf32>
      %add3A_2351 = arith.addf %add3A_2302, %convert_element_type3A_2346 : vector<16x512xf32>
      %mul3A_2352 = vector.broadcast %convert_element_type3A_2349 : vector<1x512xf32> to vector<16x512xf32>
      %mul3A_2353 = arith.mulf %convert_element_type3A_2346, %mul3A_2352 : vector<16x512xf32>
      %add3A_2354 = arith.addf %add3A_2305, %mul3A_2353 : vector<16x512xf32>
      %sub3A_2355 = vector.broadcast %add3A_2330 : vector<1x512xf32> to vector<16x512xf32>
      %sub3A_2356 = arith.subf %get3A_2314, %sub3A_2355 : vector<16x512xf32>
      %mul3A_2357 = arith.mulf %convert_element_type3A_2342, %sub3A_2356 : vector<16x512xf32>
      %add3A_2358 = arith.addf %add3A_2309, %mul3A_2357 : vector<16x512xf32>
      %get3A_2359 = arith.constant 1 : index
      %get3A_2360 = arith.constant 0 : index
      %get3A_2361 = arith.constant 6656 : index
      %get3A_2362 = vector.load %arg3[%get3A_2359, %get3A_2360, %get3A_2361] : memref<2x16x16384xf32, #tpu.memory_space<vmem>>, vector<1x16x512xf32>
      %get3A_2363 = vector.shape_cast %get3A_2362 : vector<1x16x512xf32> to vector<16x512xf32>
      %get3A_2364 = arith.constant 1 : index
      %get3A_2365 = arith.constant 13 : index
      %get3A_2366 = arith.constant 0 : index
      %get3A_2367 = vector.load %arg4[%get3A_2364, %get3A_2365, %get3A_2366] : memref<2x32x512xi32, #tpu.memory_space<vmem>>, vector<1x1x512xi32>
      %get3A_2368 = vector.shape_cast %get3A_2367 : vector<1x1x512xi32> to vector<1x512xi32>
      %reduce_max3A_2369 = arith.constant dense<0xFF800000> : vector<512xf32>
      %reduce_max3A_2370 = vector.multi_reduction <maximumf>, %get3A_2363, %reduce_max3A_2369 [0] : vector<16x512xf32> to vector<512xf32>
      %broadcast_in_dim3A_2371 = vector.shape_cast %reduce_max3A_2370 : vector<512xf32> to vector<1x512xf32>
      %sub3A_2372 = vector.broadcast %broadcast_in_dim3A_2371 : vector<1x512xf32> to vector<16x512xf32>
      %sub3A_2373 = arith.subf %get3A_2363, %sub3A_2372 : vector<16x512xf32>
      %exp3A_2374 = math.exp %sub3A_2373 : vector<16x512xf32>
      %reduce_sum3A_2375 = arith.constant dense<0.000000e+00> : vector<512xf32>
      %reduce_sum3A_2376 = vector.multi_reduction <add>, %exp3A_2374, %reduce_sum3A_2375 [0] : vector<16x512xf32> to vector<512xf32>
      %broadcast_in_dim3A_2377 = vector.shape_cast %reduce_sum3A_2376 : vector<512xf32> to vector<1x512xf32>
      %log3A_2378 = math.log %broadcast_in_dim3A_2377 : vector<1x512xf32>
      %add3A_2379 = arith.addf %broadcast_in_dim3A_2371, %log3A_2378 : vector<1x512xf32>
      %eq3A_2380 = vector.broadcast %broadcast_in_dim3A_2371 : vector<1x512xf32> to vector<16x512xf32>
      %eq3A_2381 = arith.cmpf oeq, %get3A_2363, %eq3A_2380 : vector<16x512xf32>
      %jit3A_2382 = arith.constant 16 : i32
      %broadcast_in_dim3A_2383 = vector.broadcast %jit3A_2382 : i32 to vector<16x512xi32>
      %select_n3A_2384 = arith.select %eq3A_2381, %iota3A, %broadcast_in_dim3A_2383 : vector<16x512xi1>, vector<16x512xi32>
      %reduce_min3A_2385 = arith.constant dense<2147483647> : vector<512xi32>
      %reduce_min3A_2386 = vector.multi_reduction <minsi>, %select_n3A_2384, %reduce_min3A_2385 [0] : vector<16x512xi32> to vector<512xi32>
      %broadcast_in_dim3A_2387 = vector.shape_cast %reduce_min3A_2386 : vector<512xi32> to vector<1x512xi32>
      %eq3A_2388 = vector.broadcast %get3A_2368 : vector<1x512xi32> to vector<16x512xi32>
      %eq3A_2389 = arith.cmpi eq, %iota3A, %eq3A_2388 : vector<16x512xi32>
      %convert_element_type3A_2390 = arith.extui %eq3A_2389 : vector<16x512xi1> to vector<16x512xi32>
      %convert_element_type3A_2391 = arith.sitofp %convert_element_type3A_2390 : vector<16x512xi32> to vector<16x512xf32>
      %eq3A_2392 = vector.broadcast %broadcast_in_dim3A_2387 : vector<1x512xi32> to vector<16x512xi32>
      %eq3A_2393 = arith.cmpi eq, %iota3A, %eq3A_2392 : vector<16x512xi32>
      %convert_element_type3A_2394 = arith.extui %eq3A_2393 : vector<16x512xi1> to vector<16x512xi32>
      %convert_element_type3A_2395 = arith.sitofp %convert_element_type3A_2394 : vector<16x512xi32> to vector<16x512xf32>
      %eq3A_2396 = arith.cmpi eq, %broadcast_in_dim3A_2387, %get3A_2368 : vector<1x512xi32>
      %convert_element_type3A_2397 = arith.extui %eq3A_2396 : vector<1x512xi1> to vector<1x512xi32>
      %convert_element_type3A_2398 = arith.sitofp %convert_element_type3A_2397 : vector<1x512xi32> to vector<1x512xf32>
      %add3A_2399 = arith.addf %add3A_2350, %convert_element_type3A_2391 : vector<16x512xf32>
      %add3A_2400 = arith.addf %add3A_2351, %convert_element_type3A_2395 : vector<16x512xf32>
      %mul3A_2401 = vector.broadcast %convert_element_type3A_2398 : vector<1x512xf32> to vector<16x512xf32>
      %mul3A_2402 = arith.mulf %convert_element_type3A_2395, %mul3A_2401 : vector<16x512xf32>
      %add3A_2403 = arith.addf %add3A_2354, %mul3A_2402 : vector<16x512xf32>
      %sub3A_2404 = vector.broadcast %add3A_2379 : vector<1x512xf32> to vector<16x512xf32>
      %sub3A_2405 = arith.subf %get3A_2363, %sub3A_2404 : vector<16x512xf32>
      %mul3A_2406 = arith.mulf %convert_element_type3A_2391, %sub3A_2405 : vector<16x512xf32>
      %add3A_2407 = arith.addf %add3A_2358, %mul3A_2406 : vector<16x512xf32>
      %get3A_2408 = arith.constant 1 : index
      %get3A_2409 = arith.constant 0 : index
      %get3A_2410 = arith.constant 7168 : index
      %get3A_2411 = vector.load %arg3[%get3A_2408, %get3A_2409, %get3A_2410] : memref<2x16x16384xf32, #tpu.memory_space<vmem>>, vector<1x16x512xf32>
      %get3A_2412 = vector.shape_cast %get3A_2411 : vector<1x16x512xf32> to vector<16x512xf32>
      %get3A_2413 = arith.constant 1 : index
      %get3A_2414 = arith.constant 14 : index
      %get3A_2415 = arith.constant 0 : index
      %get3A_2416 = vector.load %arg4[%get3A_2413, %get3A_2414, %get3A_2415] : memref<2x32x512xi32, #tpu.memory_space<vmem>>, vector<1x1x512xi32>
      %get3A_2417 = vector.shape_cast %get3A_2416 : vector<1x1x512xi32> to vector<1x512xi32>
      %reduce_max3A_2418 = arith.constant dense<0xFF800000> : vector<512xf32>
      %reduce_max3A_2419 = vector.multi_reduction <maximumf>, %get3A_2412, %reduce_max3A_2418 [0] : vector<16x512xf32> to vector<512xf32>
      %broadcast_in_dim3A_2420 = vector.shape_cast %reduce_max3A_2419 : vector<512xf32> to vector<1x512xf32>
      %sub3A_2421 = vector.broadcast %broadcast_in_dim3A_2420 : vector<1x512xf32> to vector<16x512xf32>
      %sub3A_2422 = arith.subf %get3A_2412, %sub3A_2421 : vector<16x512xf32>
      %exp3A_2423 = math.exp %sub3A_2422 : vector<16x512xf32>
      %reduce_sum3A_2424 = arith.constant dense<0.000000e+00> : vector<512xf32>
      %reduce_sum3A_2425 = vector.multi_reduction <add>, %exp3A_2423, %reduce_sum3A_2424 [0] : vector<16x512xf32> to vector<512xf32>
      %broadcast_in_dim3A_2426 = vector.shape_cast %reduce_sum3A_2425 : vector<512xf32> to vector<1x512xf32>
      %log3A_2427 = math.log %broadcast_in_dim3A_2426 : vector<1x512xf32>
      %add3A_2428 = arith.addf %broadcast_in_dim3A_2420, %log3A_2427 : vector<1x512xf32>
      %eq3A_2429 = vector.broadcast %broadcast_in_dim3A_2420 : vector<1x512xf32> to vector<16x512xf32>
      %eq3A_2430 = arith.cmpf oeq, %get3A_2412, %eq3A_2429 : vector<16x512xf32>
      %jit3A_2431 = arith.constant 16 : i32
      %broadcast_in_dim3A_2432 = vector.broadcast %jit3A_2431 : i32 to vector<16x512xi32>
      %select_n3A_2433 = arith.select %eq3A_2430, %iota3A, %broadcast_in_dim3A_2432 : vector<16x512xi1>, vector<16x512xi32>
      %reduce_min3A_2434 = arith.constant dense<2147483647> : vector<512xi32>
      %reduce_min3A_2435 = vector.multi_reduction <minsi>, %select_n3A_2433, %reduce_min3A_2434 [0] : vector<16x512xi32> to vector<512xi32>
      %broadcast_in_dim3A_2436 = vector.shape_cast %reduce_min3A_2435 : vector<512xi32> to vector<1x512xi32>
      %eq3A_2437 = vector.broadcast %get3A_2417 : vector<1x512xi32> to vector<16x512xi32>
      %eq3A_2438 = arith.cmpi eq, %iota3A, %eq3A_2437 : vector<16x512xi32>
      %convert_element_type3A_2439 = arith.extui %eq3A_2438 : vector<16x512xi1> to vector<16x512xi32>
      %convert_element_type3A_2440 = arith.sitofp %convert_element_type3A_2439 : vector<16x512xi32> to vector<16x512xf32>
      %eq3A_2441 = vector.broadcast %broadcast_in_dim3A_2436 : vector<1x512xi32> to vector<16x512xi32>
      %eq3A_2442 = arith.cmpi eq, %iota3A, %eq3A_2441 : vector<16x512xi32>
      %convert_element_type3A_2443 = arith.extui %eq3A_2442 : vector<16x512xi1> to vector<16x512xi32>
      %convert_element_type3A_2444 = arith.sitofp %convert_element_type3A_2443 : vector<16x512xi32> to vector<16x512xf32>
      %eq3A_2445 = arith.cmpi eq, %broadcast_in_dim3A_2436, %get3A_2417 : vector<1x512xi32>
      %convert_element_type3A_2446 = arith.extui %eq3A_2445 : vector<1x512xi1> to vector<1x512xi32>
      %convert_element_type3A_2447 = arith.sitofp %convert_element_type3A_2446 : vector<1x512xi32> to vector<1x512xf32>
      %add3A_2448 = arith.addf %add3A_2399, %convert_element_type3A_2440 : vector<16x512xf32>
      %add3A_2449 = arith.addf %add3A_2400, %convert_element_type3A_2444 : vector<16x512xf32>
      %mul3A_2450 = vector.broadcast %convert_element_type3A_2447 : vector<1x512xf32> to vector<16x512xf32>
      %mul3A_2451 = arith.mulf %convert_element_type3A_2444, %mul3A_2450 : vector<16x512xf32>
      %add3A_2452 = arith.addf %add3A_2403, %mul3A_2451 : vector<16x512xf32>
      %sub3A_2453 = vector.broadcast %add3A_2428 : vector<1x512xf32> to vector<16x512xf32>
      %sub3A_2454 = arith.subf %get3A_2412, %sub3A_2453 : vector<16x512xf32>
      %mul3A_2455 = arith.mulf %convert_element_type3A_2440, %sub3A_2454 : vector<16x512xf32>
      %add3A_2456 = arith.addf %add3A_2407, %mul3A_2455 : vector<16x512xf32>
      %get3A_2457 = arith.constant 1 : index
      %get3A_2458 = arith.constant 0 : index
      %get3A_2459 = arith.constant 7680 : index
      %get3A_2460 = vector.load %arg3[%get3A_2457, %get3A_2458, %get3A_2459] : memref<2x16x16384xf32, #tpu.memory_space<vmem>>, vector<1x16x512xf32>
      %get3A_2461 = vector.shape_cast %get3A_2460 : vector<1x16x512xf32> to vector<16x512xf32>
      %get3A_2462 = arith.constant 1 : index
      %get3A_2463 = arith.constant 15 : index
      %get3A_2464 = arith.constant 0 : index
      %get3A_2465 = vector.load %arg4[%get3A_2462, %get3A_2463, %get3A_2464] : memref<2x32x512xi32, #tpu.memory_space<vmem>>, vector<1x1x512xi32>
      %get3A_2466 = vector.shape_cast %get3A_2465 : vector<1x1x512xi32> to vector<1x512xi32>
      %reduce_max3A_2467 = arith.constant dense<0xFF800000> : vector<512xf32>
      %reduce_max3A_2468 = vector.multi_reduction <maximumf>, %get3A_2461, %reduce_max3A_2467 [0] : vector<16x512xf32> to vector<512xf32>
      %broadcast_in_dim3A_2469 = vector.shape_cast %reduce_max3A_2468 : vector<512xf32> to vector<1x512xf32>
      %sub3A_2470 = vector.broadcast %broadcast_in_dim3A_2469 : vector<1x512xf32> to vector<16x512xf32>
      %sub3A_2471 = arith.subf %get3A_2461, %sub3A_2470 : vector<16x512xf32>
      %exp3A_2472 = math.exp %sub3A_2471 : vector<16x512xf32>
      %reduce_sum3A_2473 = arith.constant dense<0.000000e+00> : vector<512xf32>
      %reduce_sum3A_2474 = vector.multi_reduction <add>, %exp3A_2472, %reduce_sum3A_2473 [0] : vector<16x512xf32> to vector<512xf32>
      %broadcast_in_dim3A_2475 = vector.shape_cast %reduce_sum3A_2474 : vector<512xf32> to vector<1x512xf32>
      %log3A_2476 = math.log %broadcast_in_dim3A_2475 : vector<1x512xf32>
      %add3A_2477 = arith.addf %broadcast_in_dim3A_2469, %log3A_2476 : vector<1x512xf32>
      %eq3A_2478 = vector.broadcast %broadcast_in_dim3A_2469 : vector<1x512xf32> to vector<16x512xf32>
      %eq3A_2479 = arith.cmpf oeq, %get3A_2461, %eq3A_2478 : vector<16x512xf32>
      %jit3A_2480 = arith.constant 16 : i32
      %broadcast_in_dim3A_2481 = vector.broadcast %jit3A_2480 : i32 to vector<16x512xi32>
      %select_n3A_2482 = arith.select %eq3A_2479, %iota3A, %broadcast_in_dim3A_2481 : vector<16x512xi1>, vector<16x512xi32>
      %reduce_min3A_2483 = arith.constant dense<2147483647> : vector<512xi32>
      %reduce_min3A_2484 = vector.multi_reduction <minsi>, %select_n3A_2482, %reduce_min3A_2483 [0] : vector<16x512xi32> to vector<512xi32>
      %broadcast_in_dim3A_2485 = vector.shape_cast %reduce_min3A_2484 : vector<512xi32> to vector<1x512xi32>
      %eq3A_2486 = vector.broadcast %get3A_2466 : vector<1x512xi32> to vector<16x512xi32>
      %eq3A_2487 = arith.cmpi eq, %iota3A, %eq3A_2486 : vector<16x512xi32>
      %convert_element_type3A_2488 = arith.extui %eq3A_2487 : vector<16x512xi1> to vector<16x512xi32>
      %convert_element_type3A_2489 = arith.sitofp %convert_element_type3A_2488 : vector<16x512xi32> to vector<16x512xf32>
      %eq3A_2490 = vector.broadcast %broadcast_in_dim3A_2485 : vector<1x512xi32> to vector<16x512xi32>
      %eq3A_2491 = arith.cmpi eq, %iota3A, %eq3A_2490 : vector<16x512xi32>
      %convert_element_type3A_2492 = arith.extui %eq3A_2491 : vector<16x512xi1> to vector<16x512xi32>
      %convert_element_type3A_2493 = arith.sitofp %convert_element_type3A_2492 : vector<16x512xi32> to vector<16x512xf32>
      %eq3A_2494 = arith.cmpi eq, %broadcast_in_dim3A_2485, %get3A_2466 : vector<1x512xi32>
      %convert_element_type3A_2495 = arith.extui %eq3A_2494 : vector<1x512xi1> to vector<1x512xi32>
      %convert_element_type3A_2496 = arith.sitofp %convert_element_type3A_2495 : vector<1x512xi32> to vector<1x512xf32>
      %add3A_2497 = arith.addf %add3A_2448, %convert_element_type3A_2489 : vector<16x512xf32>
      %add3A_2498 = arith.addf %add3A_2449, %convert_element_type3A_2493 : vector<16x512xf32>
      %mul3A_2499 = vector.broadcast %convert_element_type3A_2496 : vector<1x512xf32> to vector<16x512xf32>
      %mul3A_2500 = arith.mulf %convert_element_type3A_2493, %mul3A_2499 : vector<16x512xf32>
      %add3A_2501 = arith.addf %add3A_2452, %mul3A_2500 : vector<16x512xf32>
      %sub3A_2502 = vector.broadcast %add3A_2477 : vector<1x512xf32> to vector<16x512xf32>
      %sub3A_2503 = arith.subf %get3A_2461, %sub3A_2502 : vector<16x512xf32>
      %mul3A_2504 = arith.mulf %convert_element_type3A_2489, %sub3A_2503 : vector<16x512xf32>
      %add3A_2505 = arith.addf %add3A_2456, %mul3A_2504 : vector<16x512xf32>
      %get3A_2506 = arith.constant 1 : index
      %get3A_2507 = arith.constant 0 : index
      %get3A_2508 = arith.constant 8192 : index
      %get3A_2509 = vector.load %arg3[%get3A_2506, %get3A_2507, %get3A_2508] : memref<2x16x16384xf32, #tpu.memory_space<vmem>>, vector<1x16x512xf32>
      %get3A_2510 = vector.shape_cast %get3A_2509 : vector<1x16x512xf32> to vector<16x512xf32>
      %get3A_2511 = arith.constant 1 : index
      %get3A_2512 = arith.constant 16 : index
      %get3A_2513 = arith.constant 0 : index
      %get3A_2514 = vector.load %arg4[%get3A_2511, %get3A_2512, %get3A_2513] : memref<2x32x512xi32, #tpu.memory_space<vmem>>, vector<1x1x512xi32>
      %get3A_2515 = vector.shape_cast %get3A_2514 : vector<1x1x512xi32> to vector<1x512xi32>
      %reduce_max3A_2516 = arith.constant dense<0xFF800000> : vector<512xf32>
      %reduce_max3A_2517 = vector.multi_reduction <maximumf>, %get3A_2510, %reduce_max3A_2516 [0] : vector<16x512xf32> to vector<512xf32>
      %broadcast_in_dim3A_2518 = vector.shape_cast %reduce_max3A_2517 : vector<512xf32> to vector<1x512xf32>
      %sub3A_2519 = vector.broadcast %broadcast_in_dim3A_2518 : vector<1x512xf32> to vector<16x512xf32>
      %sub3A_2520 = arith.subf %get3A_2510, %sub3A_2519 : vector<16x512xf32>
      %exp3A_2521 = math.exp %sub3A_2520 : vector<16x512xf32>
      %reduce_sum3A_2522 = arith.constant dense<0.000000e+00> : vector<512xf32>
      %reduce_sum3A_2523 = vector.multi_reduction <add>, %exp3A_2521, %reduce_sum3A_2522 [0] : vector<16x512xf32> to vector<512xf32>
      %broadcast_in_dim3A_2524 = vector.shape_cast %reduce_sum3A_2523 : vector<512xf32> to vector<1x512xf32>
      %log3A_2525 = math.log %broadcast_in_dim3A_2524 : vector<1x512xf32>
      %add3A_2526 = arith.addf %broadcast_in_dim3A_2518, %log3A_2525 : vector<1x512xf32>
      %eq3A_2527 = vector.broadcast %broadcast_in_dim3A_2518 : vector<1x512xf32> to vector<16x512xf32>
      %eq3A_2528 = arith.cmpf oeq, %get3A_2510, %eq3A_2527 : vector<16x512xf32>
      %jit3A_2529 = arith.constant 16 : i32
      %broadcast_in_dim3A_2530 = vector.broadcast %jit3A_2529 : i32 to vector<16x512xi32>
      %select_n3A_2531 = arith.select %eq3A_2528, %iota3A, %broadcast_in_dim3A_2530 : vector<16x512xi1>, vector<16x512xi32>
      %reduce_min3A_2532 = arith.constant dense<2147483647> : vector<512xi32>
      %reduce_min3A_2533 = vector.multi_reduction <minsi>, %select_n3A_2531, %reduce_min3A_2532 [0] : vector<16x512xi32> to vector<512xi32>
      %broadcast_in_dim3A_2534 = vector.shape_cast %reduce_min3A_2533 : vector<512xi32> to vector<1x512xi32>
      %eq3A_2535 = vector.broadcast %get3A_2515 : vector<1x512xi32> to vector<16x512xi32>
      %eq3A_2536 = arith.cmpi eq, %iota3A, %eq3A_2535 : vector<16x512xi32>
      %convert_element_type3A_2537 = arith.extui %eq3A_2536 : vector<16x512xi1> to vector<16x512xi32>
      %convert_element_type3A_2538 = arith.sitofp %convert_element_type3A_2537 : vector<16x512xi32> to vector<16x512xf32>
      %eq3A_2539 = vector.broadcast %broadcast_in_dim3A_2534 : vector<1x512xi32> to vector<16x512xi32>
      %eq3A_2540 = arith.cmpi eq, %iota3A, %eq3A_2539 : vector<16x512xi32>
      %convert_element_type3A_2541 = arith.extui %eq3A_2540 : vector<16x512xi1> to vector<16x512xi32>
      %convert_element_type3A_2542 = arith.sitofp %convert_element_type3A_2541 : vector<16x512xi32> to vector<16x512xf32>
      %eq3A_2543 = arith.cmpi eq, %broadcast_in_dim3A_2534, %get3A_2515 : vector<1x512xi32>
      %convert_element_type3A_2544 = arith.extui %eq3A_2543 : vector<1x512xi1> to vector<1x512xi32>
      %convert_element_type3A_2545 = arith.sitofp %convert_element_type3A_2544 : vector<1x512xi32> to vector<1x512xf32>
      %add3A_2546 = arith.addf %add3A_2497, %convert_element_type3A_2538 : vector<16x512xf32>
      %add3A_2547 = arith.addf %add3A_2498, %convert_element_type3A_2542 : vector<16x512xf32>
      %mul3A_2548 = vector.broadcast %convert_element_type3A_2545 : vector<1x512xf32> to vector<16x512xf32>
      %mul3A_2549 = arith.mulf %convert_element_type3A_2542, %mul3A_2548 : vector<16x512xf32>
      %add3A_2550 = arith.addf %add3A_2501, %mul3A_2549 : vector<16x512xf32>
      %sub3A_2551 = vector.broadcast %add3A_2526 : vector<1x512xf32> to vector<16x512xf32>
      %sub3A_2552 = arith.subf %get3A_2510, %sub3A_2551 : vector<16x512xf32>
      %mul3A_2553 = arith.mulf %convert_element_type3A_2538, %sub3A_2552 : vector<16x512xf32>
      %add3A_2554 = arith.addf %add3A_2505, %mul3A_2553 : vector<16x512xf32>
      %get3A_2555 = arith.constant 1 : index
      %get3A_2556 = arith.constant 0 : index
      %get3A_2557 = arith.constant 8704 : index
      %get3A_2558 = vector.load %arg3[%get3A_2555, %get3A_2556, %get3A_2557] : memref<2x16x16384xf32, #tpu.memory_space<vmem>>, vector<1x16x512xf32>
      %get3A_2559 = vector.shape_cast %get3A_2558 : vector<1x16x512xf32> to vector<16x512xf32>
      %get3A_2560 = arith.constant 1 : index
      %get3A_2561 = arith.constant 17 : index
      %get3A_2562 = arith.constant 0 : index
      %get3A_2563 = vector.load %arg4[%get3A_2560, %get3A_2561, %get3A_2562] : memref<2x32x512xi32, #tpu.memory_space<vmem>>, vector<1x1x512xi32>
      %get3A_2564 = vector.shape_cast %get3A_2563 : vector<1x1x512xi32> to vector<1x512xi32>
      %reduce_max3A_2565 = arith.constant dense<0xFF800000> : vector<512xf32>
      %reduce_max3A_2566 = vector.multi_reduction <maximumf>, %get3A_2559, %reduce_max3A_2565 [0] : vector<16x512xf32> to vector<512xf32>
      %broadcast_in_dim3A_2567 = vector.shape_cast %reduce_max3A_2566 : vector<512xf32> to vector<1x512xf32>
      %sub3A_2568 = vector.broadcast %broadcast_in_dim3A_2567 : vector<1x512xf32> to vector<16x512xf32>
      %sub3A_2569 = arith.subf %get3A_2559, %sub3A_2568 : vector<16x512xf32>
      %exp3A_2570 = math.exp %sub3A_2569 : vector<16x512xf32>
      %reduce_sum3A_2571 = arith.constant dense<0.000000e+00> : vector<512xf32>
      %reduce_sum3A_2572 = vector.multi_reduction <add>, %exp3A_2570, %reduce_sum3A_2571 [0] : vector<16x512xf32> to vector<512xf32>
      %broadcast_in_dim3A_2573 = vector.shape_cast %reduce_sum3A_2572 : vector<512xf32> to vector<1x512xf32>
      %log3A_2574 = math.log %broadcast_in_dim3A_2573 : vector<1x512xf32>
      %add3A_2575 = arith.addf %broadcast_in_dim3A_2567, %log3A_2574 : vector<1x512xf32>
      %eq3A_2576 = vector.broadcast %broadcast_in_dim3A_2567 : vector<1x512xf32> to vector<16x512xf32>
      %eq3A_2577 = arith.cmpf oeq, %get3A_2559, %eq3A_2576 : vector<16x512xf32>
      %jit3A_2578 = arith.constant 16 : i32
      %broadcast_in_dim3A_2579 = vector.broadcast %jit3A_2578 : i32 to vector<16x512xi32>
      %select_n3A_2580 = arith.select %eq3A_2577, %iota3A, %broadcast_in_dim3A_2579 : vector<16x512xi1>, vector<16x512xi32>
      %reduce_min3A_2581 = arith.constant dense<2147483647> : vector<512xi32>
      %reduce_min3A_2582 = vector.multi_reduction <minsi>, %select_n3A_2580, %reduce_min3A_2581 [0] : vector<16x512xi32> to vector<512xi32>
      %broadcast_in_dim3A_2583 = vector.shape_cast %reduce_min3A_2582 : vector<512xi32> to vector<1x512xi32>
      %eq3A_2584 = vector.broadcast %get3A_2564 : vector<1x512xi32> to vector<16x512xi32>
      %eq3A_2585 = arith.cmpi eq, %iota3A, %eq3A_2584 : vector<16x512xi32>
      %convert_element_type3A_2586 = arith.extui %eq3A_2585 : vector<16x512xi1> to vector<16x512xi32>
      %convert_element_type3A_2587 = arith.sitofp %convert_element_type3A_2586 : vector<16x512xi32> to vector<16x512xf32>
      %eq3A_2588 = vector.broadcast %broadcast_in_dim3A_2583 : vector<1x512xi32> to vector<16x512xi32>
      %eq3A_2589 = arith.cmpi eq, %iota3A, %eq3A_2588 : vector<16x512xi32>
      %convert_element_type3A_2590 = arith.extui %eq3A_2589 : vector<16x512xi1> to vector<16x512xi32>
      %convert_element_type3A_2591 = arith.sitofp %convert_element_type3A_2590 : vector<16x512xi32> to vector<16x512xf32>
      %eq3A_2592 = arith.cmpi eq, %broadcast_in_dim3A_2583, %get3A_2564 : vector<1x512xi32>
      %convert_element_type3A_2593 = arith.extui %eq3A_2592 : vector<1x512xi1> to vector<1x512xi32>
      %convert_element_type3A_2594 = arith.sitofp %convert_element_type3A_2593 : vector<1x512xi32> to vector<1x512xf32>
      %add3A_2595 = arith.addf %add3A_2546, %convert_element_type3A_2587 : vector<16x512xf32>
      %add3A_2596 = arith.addf %add3A_2547, %convert_element_type3A_2591 : vector<16x512xf32>
      %mul3A_2597 = vector.broadcast %convert_element_type3A_2594 : vector<1x512xf32> to vector<16x512xf32>
      %mul3A_2598 = arith.mulf %convert_element_type3A_2591, %mul3A_2597 : vector<16x512xf32>
      %add3A_2599 = arith.addf %add3A_2550, %mul3A_2598 : vector<16x512xf32>
      %sub3A_2600 = vector.broadcast %add3A_2575 : vector<1x512xf32> to vector<16x512xf32>
      %sub3A_2601 = arith.subf %get3A_2559, %sub3A_2600 : vector<16x512xf32>
      %mul3A_2602 = arith.mulf %convert_element_type3A_2587, %sub3A_2601 : vector<16x512xf32>
      %add3A_2603 = arith.addf %add3A_2554, %mul3A_2602 : vector<16x512xf32>
      %get3A_2604 = arith.constant 1 : index
      %get3A_2605 = arith.constant 0 : index
      %get3A_2606 = arith.constant 9216 : index
      %get3A_2607 = vector.load %arg3[%get3A_2604, %get3A_2605, %get3A_2606] : memref<2x16x16384xf32, #tpu.memory_space<vmem>>, vector<1x16x512xf32>
      %get3A_2608 = vector.shape_cast %get3A_2607 : vector<1x16x512xf32> to vector<16x512xf32>
      %get3A_2609 = arith.constant 1 : index
      %get3A_2610 = arith.constant 18 : index
      %get3A_2611 = arith.constant 0 : index
      %get3A_2612 = vector.load %arg4[%get3A_2609, %get3A_2610, %get3A_2611] : memref<2x32x512xi32, #tpu.memory_space<vmem>>, vector<1x1x512xi32>
      %get3A_2613 = vector.shape_cast %get3A_2612 : vector<1x1x512xi32> to vector<1x512xi32>
      %reduce_max3A_2614 = arith.constant dense<0xFF800000> : vector<512xf32>
      %reduce_max3A_2615 = vector.multi_reduction <maximumf>, %get3A_2608, %reduce_max3A_2614 [0] : vector<16x512xf32> to vector<512xf32>
      %broadcast_in_dim3A_2616 = vector.shape_cast %reduce_max3A_2615 : vector<512xf32> to vector<1x512xf32>
      %sub3A_2617 = vector.broadcast %broadcast_in_dim3A_2616 : vector<1x512xf32> to vector<16x512xf32>
      %sub3A_2618 = arith.subf %get3A_2608, %sub3A_2617 : vector<16x512xf32>
      %exp3A_2619 = math.exp %sub3A_2618 : vector<16x512xf32>
      %reduce_sum3A_2620 = arith.constant dense<0.000000e+00> : vector<512xf32>
      %reduce_sum3A_2621 = vector.multi_reduction <add>, %exp3A_2619, %reduce_sum3A_2620 [0] : vector<16x512xf32> to vector<512xf32>
      %broadcast_in_dim3A_2622 = vector.shape_cast %reduce_sum3A_2621 : vector<512xf32> to vector<1x512xf32>
      %log3A_2623 = math.log %broadcast_in_dim3A_2622 : vector<1x512xf32>
      %add3A_2624 = arith.addf %broadcast_in_dim3A_2616, %log3A_2623 : vector<1x512xf32>
      %eq3A_2625 = vector.broadcast %broadcast_in_dim3A_2616 : vector<1x512xf32> to vector<16x512xf32>
      %eq3A_2626 = arith.cmpf oeq, %get3A_2608, %eq3A_2625 : vector<16x512xf32>
      %jit3A_2627 = arith.constant 16 : i32
      %broadcast_in_dim3A_2628 = vector.broadcast %jit3A_2627 : i32 to vector<16x512xi32>
      %select_n3A_2629 = arith.select %eq3A_2626, %iota3A, %broadcast_in_dim3A_2628 : vector<16x512xi1>, vector<16x512xi32>
      %reduce_min3A_2630 = arith.constant dense<2147483647> : vector<512xi32>
      %reduce_min3A_2631 = vector.multi_reduction <minsi>, %select_n3A_2629, %reduce_min3A_2630 [0] : vector<16x512xi32> to vector<512xi32>
      %broadcast_in_dim3A_2632 = vector.shape_cast %reduce_min3A_2631 : vector<512xi32> to vector<1x512xi32>
      %eq3A_2633 = vector.broadcast %get3A_2613 : vector<1x512xi32> to vector<16x512xi32>
      %eq3A_2634 = arith.cmpi eq, %iota3A, %eq3A_2633 : vector<16x512xi32>
      %convert_element_type3A_2635 = arith.extui %eq3A_2634 : vector<16x512xi1> to vector<16x512xi32>
      %convert_element_type3A_2636 = arith.sitofp %convert_element_type3A_2635 : vector<16x512xi32> to vector<16x512xf32>
      %eq3A_2637 = vector.broadcast %broadcast_in_dim3A_2632 : vector<1x512xi32> to vector<16x512xi32>
      %eq3A_2638 = arith.cmpi eq, %iota3A, %eq3A_2637 : vector<16x512xi32>
      %convert_element_type3A_2639 = arith.extui %eq3A_2638 : vector<16x512xi1> to vector<16x512xi32>
      %convert_element_type3A_2640 = arith.sitofp %convert_element_type3A_2639 : vector<16x512xi32> to vector<16x512xf32>
      %eq3A_2641 = arith.cmpi eq, %broadcast_in_dim3A_2632, %get3A_2613 : vector<1x512xi32>
      %convert_element_type3A_2642 = arith.extui %eq3A_2641 : vector<1x512xi1> to vector<1x512xi32>
      %convert_element_type3A_2643 = arith.sitofp %convert_element_type3A_2642 : vector<1x512xi32> to vector<1x512xf32>
      %add3A_2644 = arith.addf %add3A_2595, %convert_element_type3A_2636 : vector<16x512xf32>
      %add3A_2645 = arith.addf %add3A_2596, %convert_element_type3A_2640 : vector<16x512xf32>
      %mul3A_2646 = vector.broadcast %convert_element_type3A_2643 : vector<1x512xf32> to vector<16x512xf32>
      %mul3A_2647 = arith.mulf %convert_element_type3A_2640, %mul3A_2646 : vector<16x512xf32>
      %add3A_2648 = arith.addf %add3A_2599, %mul3A_2647 : vector<16x512xf32>
      %sub3A_2649 = vector.broadcast %add3A_2624 : vector<1x512xf32> to vector<16x512xf32>
      %sub3A_2650 = arith.subf %get3A_2608, %sub3A_2649 : vector<16x512xf32>
      %mul3A_2651 = arith.mulf %convert_element_type3A_2636, %sub3A_2650 : vector<16x512xf32>
      %add3A_2652 = arith.addf %add3A_2603, %mul3A_2651 : vector<16x512xf32>
      %get3A_2653 = arith.constant 1 : index
      %get3A_2654 = arith.constant 0 : index
      %get3A_2655 = arith.constant 9728 : index
      %get3A_2656 = vector.load %arg3[%get3A_2653, %get3A_2654, %get3A_2655] : memref<2x16x16384xf32, #tpu.memory_space<vmem>>, vector<1x16x512xf32>
      %get3A_2657 = vector.shape_cast %get3A_2656 : vector<1x16x512xf32> to vector<16x512xf32>
      %get3A_2658 = arith.constant 1 : index
      %get3A_2659 = arith.constant 19 : index
      %get3A_2660 = arith.constant 0 : index
      %get3A_2661 = vector.load %arg4[%get3A_2658, %get3A_2659, %get3A_2660] : memref<2x32x512xi32, #tpu.memory_space<vmem>>, vector<1x1x512xi32>
      %get3A_2662 = vector.shape_cast %get3A_2661 : vector<1x1x512xi32> to vector<1x512xi32>
      %reduce_max3A_2663 = arith.constant dense<0xFF800000> : vector<512xf32>
      %reduce_max3A_2664 = vector.multi_reduction <maximumf>, %get3A_2657, %reduce_max3A_2663 [0] : vector<16x512xf32> to vector<512xf32>
      %broadcast_in_dim3A_2665 = vector.shape_cast %reduce_max3A_2664 : vector<512xf32> to vector<1x512xf32>
      %sub3A_2666 = vector.broadcast %broadcast_in_dim3A_2665 : vector<1x512xf32> to vector<16x512xf32>
      %sub3A_2667 = arith.subf %get3A_2657, %sub3A_2666 : vector<16x512xf32>
      %exp3A_2668 = math.exp %sub3A_2667 : vector<16x512xf32>
      %reduce_sum3A_2669 = arith.constant dense<0.000000e+00> : vector<512xf32>
      %reduce_sum3A_2670 = vector.multi_reduction <add>, %exp3A_2668, %reduce_sum3A_2669 [0] : vector<16x512xf32> to vector<512xf32>
      %broadcast_in_dim3A_2671 = vector.shape_cast %reduce_sum3A_2670 : vector<512xf32> to vector<1x512xf32>
      %log3A_2672 = math.log %broadcast_in_dim3A_2671 : vector<1x512xf32>
      %add3A_2673 = arith.addf %broadcast_in_dim3A_2665, %log3A_2672 : vector<1x512xf32>
      %eq3A_2674 = vector.broadcast %broadcast_in_dim3A_2665 : vector<1x512xf32> to vector<16x512xf32>
      %eq3A_2675 = arith.cmpf oeq, %get3A_2657, %eq3A_2674 : vector<16x512xf32>
      %jit3A_2676 = arith.constant 16 : i32
      %broadcast_in_dim3A_2677 = vector.broadcast %jit3A_2676 : i32 to vector<16x512xi32>
      %select_n3A_2678 = arith.select %eq3A_2675, %iota3A, %broadcast_in_dim3A_2677 : vector<16x512xi1>, vector<16x512xi32>
      %reduce_min3A_2679 = arith.constant dense<2147483647> : vector<512xi32>
      %reduce_min3A_2680 = vector.multi_reduction <minsi>, %select_n3A_2678, %reduce_min3A_2679 [0] : vector<16x512xi32> to vector<512xi32>
      %broadcast_in_dim3A_2681 = vector.shape_cast %reduce_min3A_2680 : vector<512xi32> to vector<1x512xi32>
      %eq3A_2682 = vector.broadcast %get3A_2662 : vector<1x512xi32> to vector<16x512xi32>
      %eq3A_2683 = arith.cmpi eq, %iota3A, %eq3A_2682 : vector<16x512xi32>
      %convert_element_type3A_2684 = arith.extui %eq3A_2683 : vector<16x512xi1> to vector<16x512xi32>
      %convert_element_type3A_2685 = arith.sitofp %convert_element_type3A_2684 : vector<16x512xi32> to vector<16x512xf32>
      %eq3A_2686 = vector.broadcast %broadcast_in_dim3A_2681 : vector<1x512xi32> to vector<16x512xi32>
      %eq3A_2687 = arith.cmpi eq, %iota3A, %eq3A_2686 : vector<16x512xi32>
      %convert_element_type3A_2688 = arith.extui %eq3A_2687 : vector<16x512xi1> to vector<16x512xi32>
      %convert_element_type3A_2689 = arith.sitofp %convert_element_type3A_2688 : vector<16x512xi32> to vector<16x512xf32>
      %eq3A_2690 = arith.cmpi eq, %broadcast_in_dim3A_2681, %get3A_2662 : vector<1x512xi32>
      %convert_element_type3A_2691 = arith.extui %eq3A_2690 : vector<1x512xi1> to vector<1x512xi32>
      %convert_element_type3A_2692 = arith.sitofp %convert_element_type3A_2691 : vector<1x512xi32> to vector<1x512xf32>
      %add3A_2693 = arith.addf %add3A_2644, %convert_element_type3A_2685 : vector<16x512xf32>
      %add3A_2694 = arith.addf %add3A_2645, %convert_element_type3A_2689 : vector<16x512xf32>
      %mul3A_2695 = vector.broadcast %convert_element_type3A_2692 : vector<1x512xf32> to vector<16x512xf32>
      %mul3A_2696 = arith.mulf %convert_element_type3A_2689, %mul3A_2695 : vector<16x512xf32>
      %add3A_2697 = arith.addf %add3A_2648, %mul3A_2696 : vector<16x512xf32>
      %sub3A_2698 = vector.broadcast %add3A_2673 : vector<1x512xf32> to vector<16x512xf32>
      %sub3A_2699 = arith.subf %get3A_2657, %sub3A_2698 : vector<16x512xf32>
      %mul3A_2700 = arith.mulf %convert_element_type3A_2685, %sub3A_2699 : vector<16x512xf32>
      %add3A_2701 = arith.addf %add3A_2652, %mul3A_2700 : vector<16x512xf32>
      %get3A_2702 = arith.constant 1 : index
      %get3A_2703 = arith.constant 0 : index
      %get3A_2704 = arith.constant 10240 : index
      %get3A_2705 = vector.load %arg3[%get3A_2702, %get3A_2703, %get3A_2704] : memref<2x16x16384xf32, #tpu.memory_space<vmem>>, vector<1x16x512xf32>
      %get3A_2706 = vector.shape_cast %get3A_2705 : vector<1x16x512xf32> to vector<16x512xf32>
      %get3A_2707 = arith.constant 1 : index
      %get3A_2708 = arith.constant 20 : index
      %get3A_2709 = arith.constant 0 : index
      %get3A_2710 = vector.load %arg4[%get3A_2707, %get3A_2708, %get3A_2709] : memref<2x32x512xi32, #tpu.memory_space<vmem>>, vector<1x1x512xi32>
      %get3A_2711 = vector.shape_cast %get3A_2710 : vector<1x1x512xi32> to vector<1x512xi32>
      %reduce_max3A_2712 = arith.constant dense<0xFF800000> : vector<512xf32>
      %reduce_max3A_2713 = vector.multi_reduction <maximumf>, %get3A_2706, %reduce_max3A_2712 [0] : vector<16x512xf32> to vector<512xf32>
      %broadcast_in_dim3A_2714 = vector.shape_cast %reduce_max3A_2713 : vector<512xf32> to vector<1x512xf32>
      %sub3A_2715 = vector.broadcast %broadcast_in_dim3A_2714 : vector<1x512xf32> to vector<16x512xf32>
      %sub3A_2716 = arith.subf %get3A_2706, %sub3A_2715 : vector<16x512xf32>
      %exp3A_2717 = math.exp %sub3A_2716 : vector<16x512xf32>
      %reduce_sum3A_2718 = arith.constant dense<0.000000e+00> : vector<512xf32>
      %reduce_sum3A_2719 = vector.multi_reduction <add>, %exp3A_2717, %reduce_sum3A_2718 [0] : vector<16x512xf32> to vector<512xf32>
      %broadcast_in_dim3A_2720 = vector.shape_cast %reduce_sum3A_2719 : vector<512xf32> to vector<1x512xf32>
      %log3A_2721 = math.log %broadcast_in_dim3A_2720 : vector<1x512xf32>
      %add3A_2722 = arith.addf %broadcast_in_dim3A_2714, %log3A_2721 : vector<1x512xf32>
      %eq3A_2723 = vector.broadcast %broadcast_in_dim3A_2714 : vector<1x512xf32> to vector<16x512xf32>
      %eq3A_2724 = arith.cmpf oeq, %get3A_2706, %eq3A_2723 : vector<16x512xf32>
      %jit3A_2725 = arith.constant 16 : i32
      %broadcast_in_dim3A_2726 = vector.broadcast %jit3A_2725 : i32 to vector<16x512xi32>
      %select_n3A_2727 = arith.select %eq3A_2724, %iota3A, %broadcast_in_dim3A_2726 : vector<16x512xi1>, vector<16x512xi32>
      %reduce_min3A_2728 = arith.constant dense<2147483647> : vector<512xi32>
      %reduce_min3A_2729 = vector.multi_reduction <minsi>, %select_n3A_2727, %reduce_min3A_2728 [0] : vector<16x512xi32> to vector<512xi32>
      %broadcast_in_dim3A_2730 = vector.shape_cast %reduce_min3A_2729 : vector<512xi32> to vector<1x512xi32>
      %eq3A_2731 = vector.broadcast %get3A_2711 : vector<1x512xi32> to vector<16x512xi32>
      %eq3A_2732 = arith.cmpi eq, %iota3A, %eq3A_2731 : vector<16x512xi32>
      %convert_element_type3A_2733 = arith.extui %eq3A_2732 : vector<16x512xi1> to vector<16x512xi32>
      %convert_element_type3A_2734 = arith.sitofp %convert_element_type3A_2733 : vector<16x512xi32> to vector<16x512xf32>
      %eq3A_2735 = vector.broadcast %broadcast_in_dim3A_2730 : vector<1x512xi32> to vector<16x512xi32>
      %eq3A_2736 = arith.cmpi eq, %iota3A, %eq3A_2735 : vector<16x512xi32>
      %convert_element_type3A_2737 = arith.extui %eq3A_2736 : vector<16x512xi1> to vector<16x512xi32>
      %convert_element_type3A_2738 = arith.sitofp %convert_element_type3A_2737 : vector<16x512xi32> to vector<16x512xf32>
      %eq3A_2739 = arith.cmpi eq, %broadcast_in_dim3A_2730, %get3A_2711 : vector<1x512xi32>
      %convert_element_type3A_2740 = arith.extui %eq3A_2739 : vector<1x512xi1> to vector<1x512xi32>
      %convert_element_type3A_2741 = arith.sitofp %convert_element_type3A_2740 : vector<1x512xi32> to vector<1x512xf32>
      %add3A_2742 = arith.addf %add3A_2693, %convert_element_type3A_2734 : vector<16x512xf32>
      %add3A_2743 = arith.addf %add3A_2694, %convert_element_type3A_2738 : vector<16x512xf32>
      %mul3A_2744 = vector.broadcast %convert_element_type3A_2741 : vector<1x512xf32> to vector<16x512xf32>
      %mul3A_2745 = arith.mulf %convert_element_type3A_2738, %mul3A_2744 : vector<16x512xf32>
      %add3A_2746 = arith.addf %add3A_2697, %mul3A_2745 : vector<16x512xf32>
      %sub3A_2747 = vector.broadcast %add3A_2722 : vector<1x512xf32> to vector<16x512xf32>
      %sub3A_2748 = arith.subf %get3A_2706, %sub3A_2747 : vector<16x512xf32>
      %mul3A_2749 = arith.mulf %convert_element_type3A_2734, %sub3A_2748 : vector<16x512xf32>
      %add3A_2750 = arith.addf %add3A_2701, %mul3A_2749 : vector<16x512xf32>
      %get3A_2751 = arith.constant 1 : index
      %get3A_2752 = arith.constant 0 : index
      %get3A_2753 = arith.constant 10752 : index
      %get3A_2754 = vector.load %arg3[%get3A_2751, %get3A_2752, %get3A_2753] : memref<2x16x16384xf32, #tpu.memory_space<vmem>>, vector<1x16x512xf32>
      %get3A_2755 = vector.shape_cast %get3A_2754 : vector<1x16x512xf32> to vector<16x512xf32>
      %get3A_2756 = arith.constant 1 : index
      %get3A_2757 = arith.constant 21 : index
      %get3A_2758 = arith.constant 0 : index
      %get3A_2759 = vector.load %arg4[%get3A_2756, %get3A_2757, %get3A_2758] : memref<2x32x512xi32, #tpu.memory_space<vmem>>, vector<1x1x512xi32>
      %get3A_2760 = vector.shape_cast %get3A_2759 : vector<1x1x512xi32> to vector<1x512xi32>
      %reduce_max3A_2761 = arith.constant dense<0xFF800000> : vector<512xf32>
      %reduce_max3A_2762 = vector.multi_reduction <maximumf>, %get3A_2755, %reduce_max3A_2761 [0] : vector<16x512xf32> to vector<512xf32>
      %broadcast_in_dim3A_2763 = vector.shape_cast %reduce_max3A_2762 : vector<512xf32> to vector<1x512xf32>
      %sub3A_2764 = vector.broadcast %broadcast_in_dim3A_2763 : vector<1x512xf32> to vector<16x512xf32>
      %sub3A_2765 = arith.subf %get3A_2755, %sub3A_2764 : vector<16x512xf32>
      %exp3A_2766 = math.exp %sub3A_2765 : vector<16x512xf32>
      %reduce_sum3A_2767 = arith.constant dense<0.000000e+00> : vector<512xf32>
      %reduce_sum3A_2768 = vector.multi_reduction <add>, %exp3A_2766, %reduce_sum3A_2767 [0] : vector<16x512xf32> to vector<512xf32>
      %broadcast_in_dim3A_2769 = vector.shape_cast %reduce_sum3A_2768 : vector<512xf32> to vector<1x512xf32>
      %log3A_2770 = math.log %broadcast_in_dim3A_2769 : vector<1x512xf32>
      %add3A_2771 = arith.addf %broadcast_in_dim3A_2763, %log3A_2770 : vector<1x512xf32>
      %eq3A_2772 = vector.broadcast %broadcast_in_dim3A_2763 : vector<1x512xf32> to vector<16x512xf32>
      %eq3A_2773 = arith.cmpf oeq, %get3A_2755, %eq3A_2772 : vector<16x512xf32>
      %jit3A_2774 = arith.constant 16 : i32
      %broadcast_in_dim3A_2775 = vector.broadcast %jit3A_2774 : i32 to vector<16x512xi32>
      %select_n3A_2776 = arith.select %eq3A_2773, %iota3A, %broadcast_in_dim3A_2775 : vector<16x512xi1>, vector<16x512xi32>
      %reduce_min3A_2777 = arith.constant dense<2147483647> : vector<512xi32>
      %reduce_min3A_2778 = vector.multi_reduction <minsi>, %select_n3A_2776, %reduce_min3A_2777 [0] : vector<16x512xi32> to vector<512xi32>
      %broadcast_in_dim3A_2779 = vector.shape_cast %reduce_min3A_2778 : vector<512xi32> to vector<1x512xi32>
      %eq3A_2780 = vector.broadcast %get3A_2760 : vector<1x512xi32> to vector<16x512xi32>
      %eq3A_2781 = arith.cmpi eq, %iota3A, %eq3A_2780 : vector<16x512xi32>
      %convert_element_type3A_2782 = arith.extui %eq3A_2781 : vector<16x512xi1> to vector<16x512xi32>
      %convert_element_type3A_2783 = arith.sitofp %convert_element_type3A_2782 : vector<16x512xi32> to vector<16x512xf32>
      %eq3A_2784 = vector.broadcast %broadcast_in_dim3A_2779 : vector<1x512xi32> to vector<16x512xi32>
      %eq3A_2785 = arith.cmpi eq, %iota3A, %eq3A_2784 : vector<16x512xi32>
      %convert_element_type3A_2786 = arith.extui %eq3A_2785 : vector<16x512xi1> to vector<16x512xi32>
      %convert_element_type3A_2787 = arith.sitofp %convert_element_type3A_2786 : vector<16x512xi32> to vector<16x512xf32>
      %eq3A_2788 = arith.cmpi eq, %broadcast_in_dim3A_2779, %get3A_2760 : vector<1x512xi32>
      %convert_element_type3A_2789 = arith.extui %eq3A_2788 : vector<1x512xi1> to vector<1x512xi32>
      %convert_element_type3A_2790 = arith.sitofp %convert_element_type3A_2789 : vector<1x512xi32> to vector<1x512xf32>
      %add3A_2791 = arith.addf %add3A_2742, %convert_element_type3A_2783 : vector<16x512xf32>
      %add3A_2792 = arith.addf %add3A_2743, %convert_element_type3A_2787 : vector<16x512xf32>
      %mul3A_2793 = vector.broadcast %convert_element_type3A_2790 : vector<1x512xf32> to vector<16x512xf32>
      %mul3A_2794 = arith.mulf %convert_element_type3A_2787, %mul3A_2793 : vector<16x512xf32>
      %add3A_2795 = arith.addf %add3A_2746, %mul3A_2794 : vector<16x512xf32>
      %sub3A_2796 = vector.broadcast %add3A_2771 : vector<1x512xf32> to vector<16x512xf32>
      %sub3A_2797 = arith.subf %get3A_2755, %sub3A_2796 : vector<16x512xf32>
      %mul3A_2798 = arith.mulf %convert_element_type3A_2783, %sub3A_2797 : vector<16x512xf32>
      %add3A_2799 = arith.addf %add3A_2750, %mul3A_2798 : vector<16x512xf32>
      %get3A_2800 = arith.constant 1 : index
      %get3A_2801 = arith.constant 0 : index
      %get3A_2802 = arith.constant 11264 : index
      %get3A_2803 = vector.load %arg3[%get3A_2800, %get3A_2801, %get3A_2802] : memref<2x16x16384xf32, #tpu.memory_space<vmem>>, vector<1x16x512xf32>
      %get3A_2804 = vector.shape_cast %get3A_2803 : vector<1x16x512xf32> to vector<16x512xf32>
      %get3A_2805 = arith.constant 1 : index
      %get3A_2806 = arith.constant 22 : index
      %get3A_2807 = arith.constant 0 : index
      %get3A_2808 = vector.load %arg4[%get3A_2805, %get3A_2806, %get3A_2807] : memref<2x32x512xi32, #tpu.memory_space<vmem>>, vector<1x1x512xi32>
      %get3A_2809 = vector.shape_cast %get3A_2808 : vector<1x1x512xi32> to vector<1x512xi32>
      %reduce_max3A_2810 = arith.constant dense<0xFF800000> : vector<512xf32>
      %reduce_max3A_2811 = vector.multi_reduction <maximumf>, %get3A_2804, %reduce_max3A_2810 [0] : vector<16x512xf32> to vector<512xf32>
      %broadcast_in_dim3A_2812 = vector.shape_cast %reduce_max3A_2811 : vector<512xf32> to vector<1x512xf32>
      %sub3A_2813 = vector.broadcast %broadcast_in_dim3A_2812 : vector<1x512xf32> to vector<16x512xf32>
      %sub3A_2814 = arith.subf %get3A_2804, %sub3A_2813 : vector<16x512xf32>
      %exp3A_2815 = math.exp %sub3A_2814 : vector<16x512xf32>
      %reduce_sum3A_2816 = arith.constant dense<0.000000e+00> : vector<512xf32>
      %reduce_sum3A_2817 = vector.multi_reduction <add>, %exp3A_2815, %reduce_sum3A_2816 [0] : vector<16x512xf32> to vector<512xf32>
      %broadcast_in_dim3A_2818 = vector.shape_cast %reduce_sum3A_2817 : vector<512xf32> to vector<1x512xf32>
      %log3A_2819 = math.log %broadcast_in_dim3A_2818 : vector<1x512xf32>
      %add3A_2820 = arith.addf %broadcast_in_dim3A_2812, %log3A_2819 : vector<1x512xf32>
      %eq3A_2821 = vector.broadcast %broadcast_in_dim3A_2812 : vector<1x512xf32> to vector<16x512xf32>
      %eq3A_2822 = arith.cmpf oeq, %get3A_2804, %eq3A_2821 : vector<16x512xf32>
      %jit3A_2823 = arith.constant 16 : i32
      %broadcast_in_dim3A_2824 = vector.broadcast %jit3A_2823 : i32 to vector<16x512xi32>
      %select_n3A_2825 = arith.select %eq3A_2822, %iota3A, %broadcast_in_dim3A_2824 : vector<16x512xi1>, vector<16x512xi32>
      %reduce_min3A_2826 = arith.constant dense<2147483647> : vector<512xi32>
      %reduce_min3A_2827 = vector.multi_reduction <minsi>, %select_n3A_2825, %reduce_min3A_2826 [0] : vector<16x512xi32> to vector<512xi32>
      %broadcast_in_dim3A_2828 = vector.shape_cast %reduce_min3A_2827 : vector<512xi32> to vector<1x512xi32>
      %eq3A_2829 = vector.broadcast %get3A_2809 : vector<1x512xi32> to vector<16x512xi32>
      %eq3A_2830 = arith.cmpi eq, %iota3A, %eq3A_2829 : vector<16x512xi32>
      %convert_element_type3A_2831 = arith.extui %eq3A_2830 : vector<16x512xi1> to vector<16x512xi32>
      %convert_element_type3A_2832 = arith.sitofp %convert_element_type3A_2831 : vector<16x512xi32> to vector<16x512xf32>
      %eq3A_2833 = vector.broadcast %broadcast_in_dim3A_2828 : vector<1x512xi32> to vector<16x512xi32>
      %eq3A_2834 = arith.cmpi eq, %iota3A, %eq3A_2833 : vector<16x512xi32>
      %convert_element_type3A_2835 = arith.extui %eq3A_2834 : vector<16x512xi1> to vector<16x512xi32>
      %convert_element_type3A_2836 = arith.sitofp %convert_element_type3A_2835 : vector<16x512xi32> to vector<16x512xf32>
      %eq3A_2837 = arith.cmpi eq, %broadcast_in_dim3A_2828, %get3A_2809 : vector<1x512xi32>
      %convert_element_type3A_2838 = arith.extui %eq3A_2837 : vector<1x512xi1> to vector<1x512xi32>
      %convert_element_type3A_2839 = arith.sitofp %convert_element_type3A_2838 : vector<1x512xi32> to vector<1x512xf32>
      %add3A_2840 = arith.addf %add3A_2791, %convert_element_type3A_2832 : vector<16x512xf32>
      %add3A_2841 = arith.addf %add3A_2792, %convert_element_type3A_2836 : vector<16x512xf32>
      %mul3A_2842 = vector.broadcast %convert_element_type3A_2839 : vector<1x512xf32> to vector<16x512xf32>
      %mul3A_2843 = arith.mulf %convert_element_type3A_2836, %mul3A_2842 : vector<16x512xf32>
      %add3A_2844 = arith.addf %add3A_2795, %mul3A_2843 : vector<16x512xf32>
      %sub3A_2845 = vector.broadcast %add3A_2820 : vector<1x512xf32> to vector<16x512xf32>
      %sub3A_2846 = arith.subf %get3A_2804, %sub3A_2845 : vector<16x512xf32>
      %mul3A_2847 = arith.mulf %convert_element_type3A_2832, %sub3A_2846 : vector<16x512xf32>
      %add3A_2848 = arith.addf %add3A_2799, %mul3A_2847 : vector<16x512xf32>
      %get3A_2849 = arith.constant 1 : index
      %get3A_2850 = arith.constant 0 : index
      %get3A_2851 = arith.constant 11776 : index
      %get3A_2852 = vector.load %arg3[%get3A_2849, %get3A_2850, %get3A_2851] : memref<2x16x16384xf32, #tpu.memory_space<vmem>>, vector<1x16x512xf32>
      %get3A_2853 = vector.shape_cast %get3A_2852 : vector<1x16x512xf32> to vector<16x512xf32>
      %get3A_2854 = arith.constant 1 : index
      %get3A_2855 = arith.constant 23 : index
      %get3A_2856 = arith.constant 0 : index
      %get3A_2857 = vector.load %arg4[%get3A_2854, %get3A_2855, %get3A_2856] : memref<2x32x512xi32, #tpu.memory_space<vmem>>, vector<1x1x512xi32>
      %get3A_2858 = vector.shape_cast %get3A_2857 : vector<1x1x512xi32> to vector<1x512xi32>
      %reduce_max3A_2859 = arith.constant dense<0xFF800000> : vector<512xf32>
      %reduce_max3A_2860 = vector.multi_reduction <maximumf>, %get3A_2853, %reduce_max3A_2859 [0] : vector<16x512xf32> to vector<512xf32>
      %broadcast_in_dim3A_2861 = vector.shape_cast %reduce_max3A_2860 : vector<512xf32> to vector<1x512xf32>
      %sub3A_2862 = vector.broadcast %broadcast_in_dim3A_2861 : vector<1x512xf32> to vector<16x512xf32>
      %sub3A_2863 = arith.subf %get3A_2853, %sub3A_2862 : vector<16x512xf32>
      %exp3A_2864 = math.exp %sub3A_2863 : vector<16x512xf32>
      %reduce_sum3A_2865 = arith.constant dense<0.000000e+00> : vector<512xf32>
      %reduce_sum3A_2866 = vector.multi_reduction <add>, %exp3A_2864, %reduce_sum3A_2865 [0] : vector<16x512xf32> to vector<512xf32>
      %broadcast_in_dim3A_2867 = vector.shape_cast %reduce_sum3A_2866 : vector<512xf32> to vector<1x512xf32>
      %log3A_2868 = math.log %broadcast_in_dim3A_2867 : vector<1x512xf32>
      %add3A_2869 = arith.addf %broadcast_in_dim3A_2861, %log3A_2868 : vector<1x512xf32>
      %eq3A_2870 = vector.broadcast %broadcast_in_dim3A_2861 : vector<1x512xf32> to vector<16x512xf32>
      %eq3A_2871 = arith.cmpf oeq, %get3A_2853, %eq3A_2870 : vector<16x512xf32>
      %jit3A_2872 = arith.constant 16 : i32
      %broadcast_in_dim3A_2873 = vector.broadcast %jit3A_2872 : i32 to vector<16x512xi32>
      %select_n3A_2874 = arith.select %eq3A_2871, %iota3A, %broadcast_in_dim3A_2873 : vector<16x512xi1>, vector<16x512xi32>
      %reduce_min3A_2875 = arith.constant dense<2147483647> : vector<512xi32>
      %reduce_min3A_2876 = vector.multi_reduction <minsi>, %select_n3A_2874, %reduce_min3A_2875 [0] : vector<16x512xi32> to vector<512xi32>
      %broadcast_in_dim3A_2877 = vector.shape_cast %reduce_min3A_2876 : vector<512xi32> to vector<1x512xi32>
      %eq3A_2878 = vector.broadcast %get3A_2858 : vector<1x512xi32> to vector<16x512xi32>
      %eq3A_2879 = arith.cmpi eq, %iota3A, %eq3A_2878 : vector<16x512xi32>
      %convert_element_type3A_2880 = arith.extui %eq3A_2879 : vector<16x512xi1> to vector<16x512xi32>
      %convert_element_type3A_2881 = arith.sitofp %convert_element_type3A_2880 : vector<16x512xi32> to vector<16x512xf32>
      %eq3A_2882 = vector.broadcast %broadcast_in_dim3A_2877 : vector<1x512xi32> to vector<16x512xi32>
      %eq3A_2883 = arith.cmpi eq, %iota3A, %eq3A_2882 : vector<16x512xi32>
      %convert_element_type3A_2884 = arith.extui %eq3A_2883 : vector<16x512xi1> to vector<16x512xi32>
      %convert_element_type3A_2885 = arith.sitofp %convert_element_type3A_2884 : vector<16x512xi32> to vector<16x512xf32>
      %eq3A_2886 = arith.cmpi eq, %broadcast_in_dim3A_2877, %get3A_2858 : vector<1x512xi32>
      %convert_element_type3A_2887 = arith.extui %eq3A_2886 : vector<1x512xi1> to vector<1x512xi32>
      %convert_element_type3A_2888 = arith.sitofp %convert_element_type3A_2887 : vector<1x512xi32> to vector<1x512xf32>
      %add3A_2889 = arith.addf %add3A_2840, %convert_element_type3A_2881 : vector<16x512xf32>
      %add3A_2890 = arith.addf %add3A_2841, %convert_element_type3A_2885 : vector<16x512xf32>
      %mul3A_2891 = vector.broadcast %convert_element_type3A_2888 : vector<1x512xf32> to vector<16x512xf32>
      %mul3A_2892 = arith.mulf %convert_element_type3A_2885, %mul3A_2891 : vector<16x512xf32>
      %add3A_2893 = arith.addf %add3A_2844, %mul3A_2892 : vector<16x512xf32>
      %sub3A_2894 = vector.broadcast %add3A_2869 : vector<1x512xf32> to vector<16x512xf32>
      %sub3A_2895 = arith.subf %get3A_2853, %sub3A_2894 : vector<16x512xf32>
      %mul3A_2896 = arith.mulf %convert_element_type3A_2881, %sub3A_2895 : vector<16x512xf32>
      %add3A_2897 = arith.addf %add3A_2848, %mul3A_2896 : vector<16x512xf32>
      %get3A_2898 = arith.constant 1 : index
      %get3A_2899 = arith.constant 0 : index
      %get3A_2900 = arith.constant 12288 : index
      %get3A_2901 = vector.load %arg3[%get3A_2898, %get3A_2899, %get3A_2900] : memref<2x16x16384xf32, #tpu.memory_space<vmem>>, vector<1x16x512xf32>
      %get3A_2902 = vector.shape_cast %get3A_2901 : vector<1x16x512xf32> to vector<16x512xf32>
      %get3A_2903 = arith.constant 1 : index
      %get3A_2904 = arith.constant 24 : index
      %get3A_2905 = arith.constant 0 : index
      %get3A_2906 = vector.load %arg4[%get3A_2903, %get3A_2904, %get3A_2905] : memref<2x32x512xi32, #tpu.memory_space<vmem>>, vector<1x1x512xi32>
      %get3A_2907 = vector.shape_cast %get3A_2906 : vector<1x1x512xi32> to vector<1x512xi32>
      %reduce_max3A_2908 = arith.constant dense<0xFF800000> : vector<512xf32>
      %reduce_max3A_2909 = vector.multi_reduction <maximumf>, %get3A_2902, %reduce_max3A_2908 [0] : vector<16x512xf32> to vector<512xf32>
      %broadcast_in_dim3A_2910 = vector.shape_cast %reduce_max3A_2909 : vector<512xf32> to vector<1x512xf32>
      %sub3A_2911 = vector.broadcast %broadcast_in_dim3A_2910 : vector<1x512xf32> to vector<16x512xf32>
      %sub3A_2912 = arith.subf %get3A_2902, %sub3A_2911 : vector<16x512xf32>
      %exp3A_2913 = math.exp %sub3A_2912 : vector<16x512xf32>
      %reduce_sum3A_2914 = arith.constant dense<0.000000e+00> : vector<512xf32>
      %reduce_sum3A_2915 = vector.multi_reduction <add>, %exp3A_2913, %reduce_sum3A_2914 [0] : vector<16x512xf32> to vector<512xf32>
      %broadcast_in_dim3A_2916 = vector.shape_cast %reduce_sum3A_2915 : vector<512xf32> to vector<1x512xf32>
      %log3A_2917 = math.log %broadcast_in_dim3A_2916 : vector<1x512xf32>
      %add3A_2918 = arith.addf %broadcast_in_dim3A_2910, %log3A_2917 : vector<1x512xf32>
      %eq3A_2919 = vector.broadcast %broadcast_in_dim3A_2910 : vector<1x512xf32> to vector<16x512xf32>
      %eq3A_2920 = arith.cmpf oeq, %get3A_2902, %eq3A_2919 : vector<16x512xf32>
      %jit3A_2921 = arith.constant 16 : i32
      %broadcast_in_dim3A_2922 = vector.broadcast %jit3A_2921 : i32 to vector<16x512xi32>
      %select_n3A_2923 = arith.select %eq3A_2920, %iota3A, %broadcast_in_dim3A_2922 : vector<16x512xi1>, vector<16x512xi32>
      %reduce_min3A_2924 = arith.constant dense<2147483647> : vector<512xi32>
      %reduce_min3A_2925 = vector.multi_reduction <minsi>, %select_n3A_2923, %reduce_min3A_2924 [0] : vector<16x512xi32> to vector<512xi32>
      %broadcast_in_dim3A_2926 = vector.shape_cast %reduce_min3A_2925 : vector<512xi32> to vector<1x512xi32>
      %eq3A_2927 = vector.broadcast %get3A_2907 : vector<1x512xi32> to vector<16x512xi32>
      %eq3A_2928 = arith.cmpi eq, %iota3A, %eq3A_2927 : vector<16x512xi32>
      %convert_element_type3A_2929 = arith.extui %eq3A_2928 : vector<16x512xi1> to vector<16x512xi32>
      %convert_element_type3A_2930 = arith.sitofp %convert_element_type3A_2929 : vector<16x512xi32> to vector<16x512xf32>
      %eq3A_2931 = vector.broadcast %broadcast_in_dim3A_2926 : vector<1x512xi32> to vector<16x512xi32>
      %eq3A_2932 = arith.cmpi eq, %iota3A, %eq3A_2931 : vector<16x512xi32>
      %convert_element_type3A_2933 = arith.extui %eq3A_2932 : vector<16x512xi1> to vector<16x512xi32>
      %convert_element_type3A_2934 = arith.sitofp %convert_element_type3A_2933 : vector<16x512xi32> to vector<16x512xf32>
      %eq3A_2935 = arith.cmpi eq, %broadcast_in_dim3A_2926, %get3A_2907 : vector<1x512xi32>
      %convert_element_type3A_2936 = arith.extui %eq3A_2935 : vector<1x512xi1> to vector<1x512xi32>
      %convert_element_type3A_2937 = arith.sitofp %convert_element_type3A_2936 : vector<1x512xi32> to vector<1x512xf32>
      %add3A_2938 = arith.addf %add3A_2889, %convert_element_type3A_2930 : vector<16x512xf32>
      %add3A_2939 = arith.addf %add3A_2890, %convert_element_type3A_2934 : vector<16x512xf32>
      %mul3A_2940 = vector.broadcast %convert_element_type3A_2937 : vector<1x512xf32> to vector<16x512xf32>
      %mul3A_2941 = arith.mulf %convert_element_type3A_2934, %mul3A_2940 : vector<16x512xf32>
      %add3A_2942 = arith.addf %add3A_2893, %mul3A_2941 : vector<16x512xf32>
      %sub3A_2943 = vector.broadcast %add3A_2918 : vector<1x512xf32> to vector<16x512xf32>
      %sub3A_2944 = arith.subf %get3A_2902, %sub3A_2943 : vector<16x512xf32>
      %mul3A_2945 = arith.mulf %convert_element_type3A_2930, %sub3A_2944 : vector<16x512xf32>
      %add3A_2946 = arith.addf %add3A_2897, %mul3A_2945 : vector<16x512xf32>
      %get3A_2947 = arith.constant 1 : index
      %get3A_2948 = arith.constant 0 : index
      %get3A_2949 = arith.constant 12800 : index
      %get3A_2950 = vector.load %arg3[%get3A_2947, %get3A_2948, %get3A_2949] : memref<2x16x16384xf32, #tpu.memory_space<vmem>>, vector<1x16x512xf32>
      %get3A_2951 = vector.shape_cast %get3A_2950 : vector<1x16x512xf32> to vector<16x512xf32>
      %get3A_2952 = arith.constant 1 : index
      %get3A_2953 = arith.constant 25 : index
      %get3A_2954 = arith.constant 0 : index
      %get3A_2955 = vector.load %arg4[%get3A_2952, %get3A_2953, %get3A_2954] : memref<2x32x512xi32, #tpu.memory_space<vmem>>, vector<1x1x512xi32>
      %get3A_2956 = vector.shape_cast %get3A_2955 : vector<1x1x512xi32> to vector<1x512xi32>
      %reduce_max3A_2957 = arith.constant dense<0xFF800000> : vector<512xf32>
      %reduce_max3A_2958 = vector.multi_reduction <maximumf>, %get3A_2951, %reduce_max3A_2957 [0] : vector<16x512xf32> to vector<512xf32>
      %broadcast_in_dim3A_2959 = vector.shape_cast %reduce_max3A_2958 : vector<512xf32> to vector<1x512xf32>
      %sub3A_2960 = vector.broadcast %broadcast_in_dim3A_2959 : vector<1x512xf32> to vector<16x512xf32>
      %sub3A_2961 = arith.subf %get3A_2951, %sub3A_2960 : vector<16x512xf32>
      %exp3A_2962 = math.exp %sub3A_2961 : vector<16x512xf32>
      %reduce_sum3A_2963 = arith.constant dense<0.000000e+00> : vector<512xf32>
      %reduce_sum3A_2964 = vector.multi_reduction <add>, %exp3A_2962, %reduce_sum3A_2963 [0] : vector<16x512xf32> to vector<512xf32>
      %broadcast_in_dim3A_2965 = vector.shape_cast %reduce_sum3A_2964 : vector<512xf32> to vector<1x512xf32>
      %log3A_2966 = math.log %broadcast_in_dim3A_2965 : vector<1x512xf32>
      %add3A_2967 = arith.addf %broadcast_in_dim3A_2959, %log3A_2966 : vector<1x512xf32>
      %eq3A_2968 = vector.broadcast %broadcast_in_dim3A_2959 : vector<1x512xf32> to vector<16x512xf32>
      %eq3A_2969 = arith.cmpf oeq, %get3A_2951, %eq3A_2968 : vector<16x512xf32>
      %jit3A_2970 = arith.constant 16 : i32
      %broadcast_in_dim3A_2971 = vector.broadcast %jit3A_2970 : i32 to vector<16x512xi32>
      %select_n3A_2972 = arith.select %eq3A_2969, %iota3A, %broadcast_in_dim3A_2971 : vector<16x512xi1>, vector<16x512xi32>
      %reduce_min3A_2973 = arith.constant dense<2147483647> : vector<512xi32>
      %reduce_min3A_2974 = vector.multi_reduction <minsi>, %select_n3A_2972, %reduce_min3A_2973 [0] : vector<16x512xi32> to vector<512xi32>
      %broadcast_in_dim3A_2975 = vector.shape_cast %reduce_min3A_2974 : vector<512xi32> to vector<1x512xi32>
      %eq3A_2976 = vector.broadcast %get3A_2956 : vector<1x512xi32> to vector<16x512xi32>
      %eq3A_2977 = arith.cmpi eq, %iota3A, %eq3A_2976 : vector<16x512xi32>
      %convert_element_type3A_2978 = arith.extui %eq3A_2977 : vector<16x512xi1> to vector<16x512xi32>
      %convert_element_type3A_2979 = arith.sitofp %convert_element_type3A_2978 : vector<16x512xi32> to vector<16x512xf32>
      %eq3A_2980 = vector.broadcast %broadcast_in_dim3A_2975 : vector<1x512xi32> to vector<16x512xi32>
      %eq3A_2981 = arith.cmpi eq, %iota3A, %eq3A_2980 : vector<16x512xi32>
      %convert_element_type3A_2982 = arith.extui %eq3A_2981 : vector<16x512xi1> to vector<16x512xi32>
      %convert_element_type3A_2983 = arith.sitofp %convert_element_type3A_2982 : vector<16x512xi32> to vector<16x512xf32>
      %eq3A_2984 = arith.cmpi eq, %broadcast_in_dim3A_2975, %get3A_2956 : vector<1x512xi32>
      %convert_element_type3A_2985 = arith.extui %eq3A_2984 : vector<1x512xi1> to vector<1x512xi32>
      %convert_element_type3A_2986 = arith.sitofp %convert_element_type3A_2985 : vector<1x512xi32> to vector<1x512xf32>
      %add3A_2987 = arith.addf %add3A_2938, %convert_element_type3A_2979 : vector<16x512xf32>
      %add3A_2988 = arith.addf %add3A_2939, %convert_element_type3A_2983 : vector<16x512xf32>
      %mul3A_2989 = vector.broadcast %convert_element_type3A_2986 : vector<1x512xf32> to vector<16x512xf32>
      %mul3A_2990 = arith.mulf %convert_element_type3A_2983, %mul3A_2989 : vector<16x512xf32>
      %add3A_2991 = arith.addf %add3A_2942, %mul3A_2990 : vector<16x512xf32>
      %sub3A_2992 = vector.broadcast %add3A_2967 : vector<1x512xf32> to vector<16x512xf32>
      %sub3A_2993 = arith.subf %get3A_2951, %sub3A_2992 : vector<16x512xf32>
      %mul3A_2994 = arith.mulf %convert_element_type3A_2979, %sub3A_2993 : vector<16x512xf32>
      %add3A_2995 = arith.addf %add3A_2946, %mul3A_2994 : vector<16x512xf32>
      %get3A_2996 = arith.constant 1 : index
      %get3A_2997 = arith.constant 0 : index
      %get3A_2998 = arith.constant 13312 : index
      %get3A_2999 = vector.load %arg3[%get3A_2996, %get3A_2997, %get3A_2998] : memref<2x16x16384xf32, #tpu.memory_space<vmem>>, vector<1x16x512xf32>
      %get3A_3000 = vector.shape_cast %get3A_2999 : vector<1x16x512xf32> to vector<16x512xf32>
      %get3A_3001 = arith.constant 1 : index
      %get3A_3002 = arith.constant 26 : index
      %get3A_3003 = arith.constant 0 : index
      %get3A_3004 = vector.load %arg4[%get3A_3001, %get3A_3002, %get3A_3003] : memref<2x32x512xi32, #tpu.memory_space<vmem>>, vector<1x1x512xi32>
      %get3A_3005 = vector.shape_cast %get3A_3004 : vector<1x1x512xi32> to vector<1x512xi32>
      %reduce_max3A_3006 = arith.constant dense<0xFF800000> : vector<512xf32>
      %reduce_max3A_3007 = vector.multi_reduction <maximumf>, %get3A_3000, %reduce_max3A_3006 [0] : vector<16x512xf32> to vector<512xf32>
      %broadcast_in_dim3A_3008 = vector.shape_cast %reduce_max3A_3007 : vector<512xf32> to vector<1x512xf32>
      %sub3A_3009 = vector.broadcast %broadcast_in_dim3A_3008 : vector<1x512xf32> to vector<16x512xf32>
      %sub3A_3010 = arith.subf %get3A_3000, %sub3A_3009 : vector<16x512xf32>
      %exp3A_3011 = math.exp %sub3A_3010 : vector<16x512xf32>
      %reduce_sum3A_3012 = arith.constant dense<0.000000e+00> : vector<512xf32>
      %reduce_sum3A_3013 = vector.multi_reduction <add>, %exp3A_3011, %reduce_sum3A_3012 [0] : vector<16x512xf32> to vector<512xf32>
      %broadcast_in_dim3A_3014 = vector.shape_cast %reduce_sum3A_3013 : vector<512xf32> to vector<1x512xf32>
      %log3A_3015 = math.log %broadcast_in_dim3A_3014 : vector<1x512xf32>
      %add3A_3016 = arith.addf %broadcast_in_dim3A_3008, %log3A_3015 : vector<1x512xf32>
      %eq3A_3017 = vector.broadcast %broadcast_in_dim3A_3008 : vector<1x512xf32> to vector<16x512xf32>
      %eq3A_3018 = arith.cmpf oeq, %get3A_3000, %eq3A_3017 : vector<16x512xf32>
      %jit3A_3019 = arith.constant 16 : i32
      %broadcast_in_dim3A_3020 = vector.broadcast %jit3A_3019 : i32 to vector<16x512xi32>
      %select_n3A_3021 = arith.select %eq3A_3018, %iota3A, %broadcast_in_dim3A_3020 : vector<16x512xi1>, vector<16x512xi32>
      %reduce_min3A_3022 = arith.constant dense<2147483647> : vector<512xi32>
      %reduce_min3A_3023 = vector.multi_reduction <minsi>, %select_n3A_3021, %reduce_min3A_3022 [0] : vector<16x512xi32> to vector<512xi32>
      %broadcast_in_dim3A_3024 = vector.shape_cast %reduce_min3A_3023 : vector<512xi32> to vector<1x512xi32>
      %eq3A_3025 = vector.broadcast %get3A_3005 : vector<1x512xi32> to vector<16x512xi32>
      %eq3A_3026 = arith.cmpi eq, %iota3A, %eq3A_3025 : vector<16x512xi32>
      %convert_element_type3A_3027 = arith.extui %eq3A_3026 : vector<16x512xi1> to vector<16x512xi32>
      %convert_element_type3A_3028 = arith.sitofp %convert_element_type3A_3027 : vector<16x512xi32> to vector<16x512xf32>
      %eq3A_3029 = vector.broadcast %broadcast_in_dim3A_3024 : vector<1x512xi32> to vector<16x512xi32>
      %eq3A_3030 = arith.cmpi eq, %iota3A, %eq3A_3029 : vector<16x512xi32>
      %convert_element_type3A_3031 = arith.extui %eq3A_3030 : vector<16x512xi1> to vector<16x512xi32>
      %convert_element_type3A_3032 = arith.sitofp %convert_element_type3A_3031 : vector<16x512xi32> to vector<16x512xf32>
      %eq3A_3033 = arith.cmpi eq, %broadcast_in_dim3A_3024, %get3A_3005 : vector<1x512xi32>
      %convert_element_type3A_3034 = arith.extui %eq3A_3033 : vector<1x512xi1> to vector<1x512xi32>
      %convert_element_type3A_3035 = arith.sitofp %convert_element_type3A_3034 : vector<1x512xi32> to vector<1x512xf32>
      %add3A_3036 = arith.addf %add3A_2987, %convert_element_type3A_3028 : vector<16x512xf32>
      %add3A_3037 = arith.addf %add3A_2988, %convert_element_type3A_3032 : vector<16x512xf32>
      %mul3A_3038 = vector.broadcast %convert_element_type3A_3035 : vector<1x512xf32> to vector<16x512xf32>
      %mul3A_3039 = arith.mulf %convert_element_type3A_3032, %mul3A_3038 : vector<16x512xf32>
      %add3A_3040 = arith.addf %add3A_2991, %mul3A_3039 : vector<16x512xf32>
      %sub3A_3041 = vector.broadcast %add3A_3016 : vector<1x512xf32> to vector<16x512xf32>
      %sub3A_3042 = arith.subf %get3A_3000, %sub3A_3041 : vector<16x512xf32>
      %mul3A_3043 = arith.mulf %convert_element_type3A_3028, %sub3A_3042 : vector<16x512xf32>
      %add3A_3044 = arith.addf %add3A_2995, %mul3A_3043 : vector<16x512xf32>
      %get3A_3045 = arith.constant 1 : index
      %get3A_3046 = arith.constant 0 : index
      %get3A_3047 = arith.constant 13824 : index
      %get3A_3048 = vector.load %arg3[%get3A_3045, %get3A_3046, %get3A_3047] : memref<2x16x16384xf32, #tpu.memory_space<vmem>>, vector<1x16x512xf32>
      %get3A_3049 = vector.shape_cast %get3A_3048 : vector<1x16x512xf32> to vector<16x512xf32>
      %get3A_3050 = arith.constant 1 : index
      %get3A_3051 = arith.constant 27 : index
      %get3A_3052 = arith.constant 0 : index
      %get3A_3053 = vector.load %arg4[%get3A_3050, %get3A_3051, %get3A_3052] : memref<2x32x512xi32, #tpu.memory_space<vmem>>, vector<1x1x512xi32>
      %get3A_3054 = vector.shape_cast %get3A_3053 : vector<1x1x512xi32> to vector<1x512xi32>
      %reduce_max3A_3055 = arith.constant dense<0xFF800000> : vector<512xf32>
      %reduce_max3A_3056 = vector.multi_reduction <maximumf>, %get3A_3049, %reduce_max3A_3055 [0] : vector<16x512xf32> to vector<512xf32>
      %broadcast_in_dim3A_3057 = vector.shape_cast %reduce_max3A_3056 : vector<512xf32> to vector<1x512xf32>
      %sub3A_3058 = vector.broadcast %broadcast_in_dim3A_3057 : vector<1x512xf32> to vector<16x512xf32>
      %sub3A_3059 = arith.subf %get3A_3049, %sub3A_3058 : vector<16x512xf32>
      %exp3A_3060 = math.exp %sub3A_3059 : vector<16x512xf32>
      %reduce_sum3A_3061 = arith.constant dense<0.000000e+00> : vector<512xf32>
      %reduce_sum3A_3062 = vector.multi_reduction <add>, %exp3A_3060, %reduce_sum3A_3061 [0] : vector<16x512xf32> to vector<512xf32>
      %broadcast_in_dim3A_3063 = vector.shape_cast %reduce_sum3A_3062 : vector<512xf32> to vector<1x512xf32>
      %log3A_3064 = math.log %broadcast_in_dim3A_3063 : vector<1x512xf32>
      %add3A_3065 = arith.addf %broadcast_in_dim3A_3057, %log3A_3064 : vector<1x512xf32>
      %eq3A_3066 = vector.broadcast %broadcast_in_dim3A_3057 : vector<1x512xf32> to vector<16x512xf32>
      %eq3A_3067 = arith.cmpf oeq, %get3A_3049, %eq3A_3066 : vector<16x512xf32>
      %jit3A_3068 = arith.constant 16 : i32
      %broadcast_in_dim3A_3069 = vector.broadcast %jit3A_3068 : i32 to vector<16x512xi32>
      %select_n3A_3070 = arith.select %eq3A_3067, %iota3A, %broadcast_in_dim3A_3069 : vector<16x512xi1>, vector<16x512xi32>
      %reduce_min3A_3071 = arith.constant dense<2147483647> : vector<512xi32>
      %reduce_min3A_3072 = vector.multi_reduction <minsi>, %select_n3A_3070, %reduce_min3A_3071 [0] : vector<16x512xi32> to vector<512xi32>
      %broadcast_in_dim3A_3073 = vector.shape_cast %reduce_min3A_3072 : vector<512xi32> to vector<1x512xi32>
      %eq3A_3074 = vector.broadcast %get3A_3054 : vector<1x512xi32> to vector<16x512xi32>
      %eq3A_3075 = arith.cmpi eq, %iota3A, %eq3A_3074 : vector<16x512xi32>
      %convert_element_type3A_3076 = arith.extui %eq3A_3075 : vector<16x512xi1> to vector<16x512xi32>
      %convert_element_type3A_3077 = arith.sitofp %convert_element_type3A_3076 : vector<16x512xi32> to vector<16x512xf32>
      %eq3A_3078 = vector.broadcast %broadcast_in_dim3A_3073 : vector<1x512xi32> to vector<16x512xi32>
      %eq3A_3079 = arith.cmpi eq, %iota3A, %eq3A_3078 : vector<16x512xi32>
      %convert_element_type3A_3080 = arith.extui %eq3A_3079 : vector<16x512xi1> to vector<16x512xi32>
      %convert_element_type3A_3081 = arith.sitofp %convert_element_type3A_3080 : vector<16x512xi32> to vector<16x512xf32>
      %eq3A_3082 = arith.cmpi eq, %broadcast_in_dim3A_3073, %get3A_3054 : vector<1x512xi32>
      %convert_element_type3A_3083 = arith.extui %eq3A_3082 : vector<1x512xi1> to vector<1x512xi32>
      %convert_element_type3A_3084 = arith.sitofp %convert_element_type3A_3083 : vector<1x512xi32> to vector<1x512xf32>
      %add3A_3085 = arith.addf %add3A_3036, %convert_element_type3A_3077 : vector<16x512xf32>
      %add3A_3086 = arith.addf %add3A_3037, %convert_element_type3A_3081 : vector<16x512xf32>
      %mul3A_3087 = vector.broadcast %convert_element_type3A_3084 : vector<1x512xf32> to vector<16x512xf32>
      %mul3A_3088 = arith.mulf %convert_element_type3A_3081, %mul3A_3087 : vector<16x512xf32>
      %add3A_3089 = arith.addf %add3A_3040, %mul3A_3088 : vector<16x512xf32>
      %sub3A_3090 = vector.broadcast %add3A_3065 : vector<1x512xf32> to vector<16x512xf32>
      %sub3A_3091 = arith.subf %get3A_3049, %sub3A_3090 : vector<16x512xf32>
      %mul3A_3092 = arith.mulf %convert_element_type3A_3077, %sub3A_3091 : vector<16x512xf32>
      %add3A_3093 = arith.addf %add3A_3044, %mul3A_3092 : vector<16x512xf32>
      %get3A_3094 = arith.constant 1 : index
      %get3A_3095 = arith.constant 0 : index
      %get3A_3096 = arith.constant 14336 : index
      %get3A_3097 = vector.load %arg3[%get3A_3094, %get3A_3095, %get3A_3096] : memref<2x16x16384xf32, #tpu.memory_space<vmem>>, vector<1x16x512xf32>
      %get3A_3098 = vector.shape_cast %get3A_3097 : vector<1x16x512xf32> to vector<16x512xf32>
      %get3A_3099 = arith.constant 1 : index
      %get3A_3100 = arith.constant 28 : index
      %get3A_3101 = arith.constant 0 : index
      %get3A_3102 = vector.load %arg4[%get3A_3099, %get3A_3100, %get3A_3101] : memref<2x32x512xi32, #tpu.memory_space<vmem>>, vector<1x1x512xi32>
      %get3A_3103 = vector.shape_cast %get3A_3102 : vector<1x1x512xi32> to vector<1x512xi32>
      %reduce_max3A_3104 = arith.constant dense<0xFF800000> : vector<512xf32>
      %reduce_max3A_3105 = vector.multi_reduction <maximumf>, %get3A_3098, %reduce_max3A_3104 [0] : vector<16x512xf32> to vector<512xf32>
      %broadcast_in_dim3A_3106 = vector.shape_cast %reduce_max3A_3105 : vector<512xf32> to vector<1x512xf32>
      %sub3A_3107 = vector.broadcast %broadcast_in_dim3A_3106 : vector<1x512xf32> to vector<16x512xf32>
      %sub3A_3108 = arith.subf %get3A_3098, %sub3A_3107 : vector<16x512xf32>
      %exp3A_3109 = math.exp %sub3A_3108 : vector<16x512xf32>
      %reduce_sum3A_3110 = arith.constant dense<0.000000e+00> : vector<512xf32>
      %reduce_sum3A_3111 = vector.multi_reduction <add>, %exp3A_3109, %reduce_sum3A_3110 [0] : vector<16x512xf32> to vector<512xf32>
      %broadcast_in_dim3A_3112 = vector.shape_cast %reduce_sum3A_3111 : vector<512xf32> to vector<1x512xf32>
      %log3A_3113 = math.log %broadcast_in_dim3A_3112 : vector<1x512xf32>
      %add3A_3114 = arith.addf %broadcast_in_dim3A_3106, %log3A_3113 : vector<1x512xf32>
      %eq3A_3115 = vector.broadcast %broadcast_in_dim3A_3106 : vector<1x512xf32> to vector<16x512xf32>
      %eq3A_3116 = arith.cmpf oeq, %get3A_3098, %eq3A_3115 : vector<16x512xf32>
      %jit3A_3117 = arith.constant 16 : i32
      %broadcast_in_dim3A_3118 = vector.broadcast %jit3A_3117 : i32 to vector<16x512xi32>
      %select_n3A_3119 = arith.select %eq3A_3116, %iota3A, %broadcast_in_dim3A_3118 : vector<16x512xi1>, vector<16x512xi32>
      %reduce_min3A_3120 = arith.constant dense<2147483647> : vector<512xi32>
      %reduce_min3A_3121 = vector.multi_reduction <minsi>, %select_n3A_3119, %reduce_min3A_3120 [0] : vector<16x512xi32> to vector<512xi32>
      %broadcast_in_dim3A_3122 = vector.shape_cast %reduce_min3A_3121 : vector<512xi32> to vector<1x512xi32>
      %eq3A_3123 = vector.broadcast %get3A_3103 : vector<1x512xi32> to vector<16x512xi32>
      %eq3A_3124 = arith.cmpi eq, %iota3A, %eq3A_3123 : vector<16x512xi32>
      %convert_element_type3A_3125 = arith.extui %eq3A_3124 : vector<16x512xi1> to vector<16x512xi32>
      %convert_element_type3A_3126 = arith.sitofp %convert_element_type3A_3125 : vector<16x512xi32> to vector<16x512xf32>
      %eq3A_3127 = vector.broadcast %broadcast_in_dim3A_3122 : vector<1x512xi32> to vector<16x512xi32>
      %eq3A_3128 = arith.cmpi eq, %iota3A, %eq3A_3127 : vector<16x512xi32>
      %convert_element_type3A_3129 = arith.extui %eq3A_3128 : vector<16x512xi1> to vector<16x512xi32>
      %convert_element_type3A_3130 = arith.sitofp %convert_element_type3A_3129 : vector<16x512xi32> to vector<16x512xf32>
      %eq3A_3131 = arith.cmpi eq, %broadcast_in_dim3A_3122, %get3A_3103 : vector<1x512xi32>
      %convert_element_type3A_3132 = arith.extui %eq3A_3131 : vector<1x512xi1> to vector<1x512xi32>
      %convert_element_type3A_3133 = arith.sitofp %convert_element_type3A_3132 : vector<1x512xi32> to vector<1x512xf32>
      %add3A_3134 = arith.addf %add3A_3085, %convert_element_type3A_3126 : vector<16x512xf32>
      %add3A_3135 = arith.addf %add3A_3086, %convert_element_type3A_3130 : vector<16x512xf32>
      %mul3A_3136 = vector.broadcast %convert_element_type3A_3133 : vector<1x512xf32> to vector<16x512xf32>
      %mul3A_3137 = arith.mulf %convert_element_type3A_3130, %mul3A_3136 : vector<16x512xf32>
      %add3A_3138 = arith.addf %add3A_3089, %mul3A_3137 : vector<16x512xf32>
      %sub3A_3139 = vector.broadcast %add3A_3114 : vector<1x512xf32> to vector<16x512xf32>
      %sub3A_3140 = arith.subf %get3A_3098, %sub3A_3139 : vector<16x512xf32>
      %mul3A_3141 = arith.mulf %convert_element_type3A_3126, %sub3A_3140 : vector<16x512xf32>
      %add3A_3142 = arith.addf %add3A_3093, %mul3A_3141 : vector<16x512xf32>
      %get3A_3143 = arith.constant 1 : index
      %get3A_3144 = arith.constant 0 : index
      %get3A_3145 = arith.constant 14848 : index
      %get3A_3146 = vector.load %arg3[%get3A_3143, %get3A_3144, %get3A_3145] : memref<2x16x16384xf32, #tpu.memory_space<vmem>>, vector<1x16x512xf32>
      %get3A_3147 = vector.shape_cast %get3A_3146 : vector<1x16x512xf32> to vector<16x512xf32>
      %get3A_3148 = arith.constant 1 : index
      %get3A_3149 = arith.constant 29 : index
      %get3A_3150 = arith.constant 0 : index
      %get3A_3151 = vector.load %arg4[%get3A_3148, %get3A_3149, %get3A_3150] : memref<2x32x512xi32, #tpu.memory_space<vmem>>, vector<1x1x512xi32>
      %get3A_3152 = vector.shape_cast %get3A_3151 : vector<1x1x512xi32> to vector<1x512xi32>
      %reduce_max3A_3153 = arith.constant dense<0xFF800000> : vector<512xf32>
      %reduce_max3A_3154 = vector.multi_reduction <maximumf>, %get3A_3147, %reduce_max3A_3153 [0] : vector<16x512xf32> to vector<512xf32>
      %broadcast_in_dim3A_3155 = vector.shape_cast %reduce_max3A_3154 : vector<512xf32> to vector<1x512xf32>
      %sub3A_3156 = vector.broadcast %broadcast_in_dim3A_3155 : vector<1x512xf32> to vector<16x512xf32>
      %sub3A_3157 = arith.subf %get3A_3147, %sub3A_3156 : vector<16x512xf32>
      %exp3A_3158 = math.exp %sub3A_3157 : vector<16x512xf32>
      %reduce_sum3A_3159 = arith.constant dense<0.000000e+00> : vector<512xf32>
      %reduce_sum3A_3160 = vector.multi_reduction <add>, %exp3A_3158, %reduce_sum3A_3159 [0] : vector<16x512xf32> to vector<512xf32>
      %broadcast_in_dim3A_3161 = vector.shape_cast %reduce_sum3A_3160 : vector<512xf32> to vector<1x512xf32>
      %log3A_3162 = math.log %broadcast_in_dim3A_3161 : vector<1x512xf32>
      %add3A_3163 = arith.addf %broadcast_in_dim3A_3155, %log3A_3162 : vector<1x512xf32>
      %eq3A_3164 = vector.broadcast %broadcast_in_dim3A_3155 : vector<1x512xf32> to vector<16x512xf32>
      %eq3A_3165 = arith.cmpf oeq, %get3A_3147, %eq3A_3164 : vector<16x512xf32>
      %jit3A_3166 = arith.constant 16 : i32
      %broadcast_in_dim3A_3167 = vector.broadcast %jit3A_3166 : i32 to vector<16x512xi32>
      %select_n3A_3168 = arith.select %eq3A_3165, %iota3A, %broadcast_in_dim3A_3167 : vector<16x512xi1>, vector<16x512xi32>
      %reduce_min3A_3169 = arith.constant dense<2147483647> : vector<512xi32>
      %reduce_min3A_3170 = vector.multi_reduction <minsi>, %select_n3A_3168, %reduce_min3A_3169 [0] : vector<16x512xi32> to vector<512xi32>
      %broadcast_in_dim3A_3171 = vector.shape_cast %reduce_min3A_3170 : vector<512xi32> to vector<1x512xi32>
      %eq3A_3172 = vector.broadcast %get3A_3152 : vector<1x512xi32> to vector<16x512xi32>
      %eq3A_3173 = arith.cmpi eq, %iota3A, %eq3A_3172 : vector<16x512xi32>
      %convert_element_type3A_3174 = arith.extui %eq3A_3173 : vector<16x512xi1> to vector<16x512xi32>
      %convert_element_type3A_3175 = arith.sitofp %convert_element_type3A_3174 : vector<16x512xi32> to vector<16x512xf32>
      %eq3A_3176 = vector.broadcast %broadcast_in_dim3A_3171 : vector<1x512xi32> to vector<16x512xi32>
      %eq3A_3177 = arith.cmpi eq, %iota3A, %eq3A_3176 : vector<16x512xi32>
      %convert_element_type3A_3178 = arith.extui %eq3A_3177 : vector<16x512xi1> to vector<16x512xi32>
      %convert_element_type3A_3179 = arith.sitofp %convert_element_type3A_3178 : vector<16x512xi32> to vector<16x512xf32>
      %eq3A_3180 = arith.cmpi eq, %broadcast_in_dim3A_3171, %get3A_3152 : vector<1x512xi32>
      %convert_element_type3A_3181 = arith.extui %eq3A_3180 : vector<1x512xi1> to vector<1x512xi32>
      %convert_element_type3A_3182 = arith.sitofp %convert_element_type3A_3181 : vector<1x512xi32> to vector<1x512xf32>
      %add3A_3183 = arith.addf %add3A_3134, %convert_element_type3A_3175 : vector<16x512xf32>
      %add3A_3184 = arith.addf %add3A_3135, %convert_element_type3A_3179 : vector<16x512xf32>
      %mul3A_3185 = vector.broadcast %convert_element_type3A_3182 : vector<1x512xf32> to vector<16x512xf32>
      %mul3A_3186 = arith.mulf %convert_element_type3A_3179, %mul3A_3185 : vector<16x512xf32>
      %add3A_3187 = arith.addf %add3A_3138, %mul3A_3186 : vector<16x512xf32>
      %sub3A_3188 = vector.broadcast %add3A_3163 : vector<1x512xf32> to vector<16x512xf32>
      %sub3A_3189 = arith.subf %get3A_3147, %sub3A_3188 : vector<16x512xf32>
      %mul3A_3190 = arith.mulf %convert_element_type3A_3175, %sub3A_3189 : vector<16x512xf32>
      %add3A_3191 = arith.addf %add3A_3142, %mul3A_3190 : vector<16x512xf32>
      %get3A_3192 = arith.constant 1 : index
      %get3A_3193 = arith.constant 0 : index
      %get3A_3194 = arith.constant 15360 : index
      %get3A_3195 = vector.load %arg3[%get3A_3192, %get3A_3193, %get3A_3194] : memref<2x16x16384xf32, #tpu.memory_space<vmem>>, vector<1x16x512xf32>
      %get3A_3196 = vector.shape_cast %get3A_3195 : vector<1x16x512xf32> to vector<16x512xf32>
      %get3A_3197 = arith.constant 1 : index
      %get3A_3198 = arith.constant 30 : index
      %get3A_3199 = arith.constant 0 : index
      %get3A_3200 = vector.load %arg4[%get3A_3197, %get3A_3198, %get3A_3199] : memref<2x32x512xi32, #tpu.memory_space<vmem>>, vector<1x1x512xi32>
      %get3A_3201 = vector.shape_cast %get3A_3200 : vector<1x1x512xi32> to vector<1x512xi32>
      %reduce_max3A_3202 = arith.constant dense<0xFF800000> : vector<512xf32>
      %reduce_max3A_3203 = vector.multi_reduction <maximumf>, %get3A_3196, %reduce_max3A_3202 [0] : vector<16x512xf32> to vector<512xf32>
      %broadcast_in_dim3A_3204 = vector.shape_cast %reduce_max3A_3203 : vector<512xf32> to vector<1x512xf32>
      %sub3A_3205 = vector.broadcast %broadcast_in_dim3A_3204 : vector<1x512xf32> to vector<16x512xf32>
      %sub3A_3206 = arith.subf %get3A_3196, %sub3A_3205 : vector<16x512xf32>
      %exp3A_3207 = math.exp %sub3A_3206 : vector<16x512xf32>
      %reduce_sum3A_3208 = arith.constant dense<0.000000e+00> : vector<512xf32>
      %reduce_sum3A_3209 = vector.multi_reduction <add>, %exp3A_3207, %reduce_sum3A_3208 [0] : vector<16x512xf32> to vector<512xf32>
      %broadcast_in_dim3A_3210 = vector.shape_cast %reduce_sum3A_3209 : vector<512xf32> to vector<1x512xf32>
      %log3A_3211 = math.log %broadcast_in_dim3A_3210 : vector<1x512xf32>
      %add3A_3212 = arith.addf %broadcast_in_dim3A_3204, %log3A_3211 : vector<1x512xf32>
      %eq3A_3213 = vector.broadcast %broadcast_in_dim3A_3204 : vector<1x512xf32> to vector<16x512xf32>
      %eq3A_3214 = arith.cmpf oeq, %get3A_3196, %eq3A_3213 : vector<16x512xf32>
      %jit3A_3215 = arith.constant 16 : i32
      %broadcast_in_dim3A_3216 = vector.broadcast %jit3A_3215 : i32 to vector<16x512xi32>
      %select_n3A_3217 = arith.select %eq3A_3214, %iota3A, %broadcast_in_dim3A_3216 : vector<16x512xi1>, vector<16x512xi32>
      %reduce_min3A_3218 = arith.constant dense<2147483647> : vector<512xi32>
      %reduce_min3A_3219 = vector.multi_reduction <minsi>, %select_n3A_3217, %reduce_min3A_3218 [0] : vector<16x512xi32> to vector<512xi32>
      %broadcast_in_dim3A_3220 = vector.shape_cast %reduce_min3A_3219 : vector<512xi32> to vector<1x512xi32>
      %eq3A_3221 = vector.broadcast %get3A_3201 : vector<1x512xi32> to vector<16x512xi32>
      %eq3A_3222 = arith.cmpi eq, %iota3A, %eq3A_3221 : vector<16x512xi32>
      %convert_element_type3A_3223 = arith.extui %eq3A_3222 : vector<16x512xi1> to vector<16x512xi32>
      %convert_element_type3A_3224 = arith.sitofp %convert_element_type3A_3223 : vector<16x512xi32> to vector<16x512xf32>
      %eq3A_3225 = vector.broadcast %broadcast_in_dim3A_3220 : vector<1x512xi32> to vector<16x512xi32>
      %eq3A_3226 = arith.cmpi eq, %iota3A, %eq3A_3225 : vector<16x512xi32>
      %convert_element_type3A_3227 = arith.extui %eq3A_3226 : vector<16x512xi1> to vector<16x512xi32>
      %convert_element_type3A_3228 = arith.sitofp %convert_element_type3A_3227 : vector<16x512xi32> to vector<16x512xf32>
      %eq3A_3229 = arith.cmpi eq, %broadcast_in_dim3A_3220, %get3A_3201 : vector<1x512xi32>
      %convert_element_type3A_3230 = arith.extui %eq3A_3229 : vector<1x512xi1> to vector<1x512xi32>
      %convert_element_type3A_3231 = arith.sitofp %convert_element_type3A_3230 : vector<1x512xi32> to vector<1x512xf32>
      %add3A_3232 = arith.addf %add3A_3183, %convert_element_type3A_3224 : vector<16x512xf32>
      %add3A_3233 = arith.addf %add3A_3184, %convert_element_type3A_3228 : vector<16x512xf32>
      %mul3A_3234 = vector.broadcast %convert_element_type3A_3231 : vector<1x512xf32> to vector<16x512xf32>
      %mul3A_3235 = arith.mulf %convert_element_type3A_3228, %mul3A_3234 : vector<16x512xf32>
      %add3A_3236 = arith.addf %add3A_3187, %mul3A_3235 : vector<16x512xf32>
      %sub3A_3237 = vector.broadcast %add3A_3212 : vector<1x512xf32> to vector<16x512xf32>
      %sub3A_3238 = arith.subf %get3A_3196, %sub3A_3237 : vector<16x512xf32>
      %mul3A_3239 = arith.mulf %convert_element_type3A_3224, %sub3A_3238 : vector<16x512xf32>
      %add3A_3240 = arith.addf %add3A_3191, %mul3A_3239 : vector<16x512xf32>
      %get3A_3241 = arith.constant 1 : index
      %get3A_3242 = arith.constant 0 : index
      %get3A_3243 = arith.constant 15872 : index
      %get3A_3244 = vector.load %arg3[%get3A_3241, %get3A_3242, %get3A_3243] : memref<2x16x16384xf32, #tpu.memory_space<vmem>>, vector<1x16x512xf32>
      %get3A_3245 = vector.shape_cast %get3A_3244 : vector<1x16x512xf32> to vector<16x512xf32>
      %get3A_3246 = arith.constant 1 : index
      %get3A_3247 = arith.constant 31 : index
      %get3A_3248 = arith.constant 0 : index
      %get3A_3249 = vector.load %arg4[%get3A_3246, %get3A_3247, %get3A_3248] : memref<2x32x512xi32, #tpu.memory_space<vmem>>, vector<1x1x512xi32>
      %get3A_3250 = vector.shape_cast %get3A_3249 : vector<1x1x512xi32> to vector<1x512xi32>
      %reduce_max3A_3251 = arith.constant dense<0xFF800000> : vector<512xf32>
      %reduce_max3A_3252 = vector.multi_reduction <maximumf>, %get3A_3245, %reduce_max3A_3251 [0] : vector<16x512xf32> to vector<512xf32>
      %broadcast_in_dim3A_3253 = vector.shape_cast %reduce_max3A_3252 : vector<512xf32> to vector<1x512xf32>
      %sub3A_3254 = vector.broadcast %broadcast_in_dim3A_3253 : vector<1x512xf32> to vector<16x512xf32>
      %sub3A_3255 = arith.subf %get3A_3245, %sub3A_3254 : vector<16x512xf32>
      %exp3A_3256 = math.exp %sub3A_3255 : vector<16x512xf32>
      %reduce_sum3A_3257 = arith.constant dense<0.000000e+00> : vector<512xf32>
      %reduce_sum3A_3258 = vector.multi_reduction <add>, %exp3A_3256, %reduce_sum3A_3257 [0] : vector<16x512xf32> to vector<512xf32>
      %broadcast_in_dim3A_3259 = vector.shape_cast %reduce_sum3A_3258 : vector<512xf32> to vector<1x512xf32>
      %log3A_3260 = math.log %broadcast_in_dim3A_3259 : vector<1x512xf32>
      %add3A_3261 = arith.addf %broadcast_in_dim3A_3253, %log3A_3260 : vector<1x512xf32>
      %eq3A_3262 = vector.broadcast %broadcast_in_dim3A_3253 : vector<1x512xf32> to vector<16x512xf32>
      %eq3A_3263 = arith.cmpf oeq, %get3A_3245, %eq3A_3262 : vector<16x512xf32>
      %jit3A_3264 = arith.constant 16 : i32
      %broadcast_in_dim3A_3265 = vector.broadcast %jit3A_3264 : i32 to vector<16x512xi32>
      %select_n3A_3266 = arith.select %eq3A_3263, %iota3A, %broadcast_in_dim3A_3265 : vector<16x512xi1>, vector<16x512xi32>
      %reduce_min3A_3267 = arith.constant dense<2147483647> : vector<512xi32>
      %reduce_min3A_3268 = vector.multi_reduction <minsi>, %select_n3A_3266, %reduce_min3A_3267 [0] : vector<16x512xi32> to vector<512xi32>
      %broadcast_in_dim3A_3269 = vector.shape_cast %reduce_min3A_3268 : vector<512xi32> to vector<1x512xi32>
      %eq3A_3270 = vector.broadcast %get3A_3250 : vector<1x512xi32> to vector<16x512xi32>
      %eq3A_3271 = arith.cmpi eq, %iota3A, %eq3A_3270 : vector<16x512xi32>
      %convert_element_type3A_3272 = arith.extui %eq3A_3271 : vector<16x512xi1> to vector<16x512xi32>
      %convert_element_type3A_3273 = arith.sitofp %convert_element_type3A_3272 : vector<16x512xi32> to vector<16x512xf32>
      %eq3A_3274 = vector.broadcast %broadcast_in_dim3A_3269 : vector<1x512xi32> to vector<16x512xi32>
      %eq3A_3275 = arith.cmpi eq, %iota3A, %eq3A_3274 : vector<16x512xi32>
      %convert_element_type3A_3276 = arith.extui %eq3A_3275 : vector<16x512xi1> to vector<16x512xi32>
      %convert_element_type3A_3277 = arith.sitofp %convert_element_type3A_3276 : vector<16x512xi32> to vector<16x512xf32>
      %eq3A_3278 = arith.cmpi eq, %broadcast_in_dim3A_3269, %get3A_3250 : vector<1x512xi32>
      %convert_element_type3A_3279 = arith.extui %eq3A_3278 : vector<1x512xi1> to vector<1x512xi32>
      %convert_element_type3A_3280 = arith.sitofp %convert_element_type3A_3279 : vector<1x512xi32> to vector<1x512xf32>
      %add3A_3281 = arith.addf %add3A_3232, %convert_element_type3A_3273 : vector<16x512xf32>
      %add3A_3282 = arith.addf %add3A_3233, %convert_element_type3A_3277 : vector<16x512xf32>
      %mul3A_3283 = vector.broadcast %convert_element_type3A_3280 : vector<1x512xf32> to vector<16x512xf32>
      %mul3A_3284 = arith.mulf %convert_element_type3A_3277, %mul3A_3283 : vector<16x512xf32>
      %add3A_3285 = arith.addf %add3A_3236, %mul3A_3284 : vector<16x512xf32>
      %sub3A_3286 = vector.broadcast %add3A_3261 : vector<1x512xf32> to vector<16x512xf32>
      %sub3A_3287 = arith.subf %get3A_3245, %sub3A_3286 : vector<16x512xf32>
      %mul3A_3288 = arith.mulf %convert_element_type3A_3273, %sub3A_3287 : vector<16x512xf32>
      %add3A_3289 = arith.addf %add3A_3240, %mul3A_3288 : vector<16x512xf32>
      %get3A_3290 = arith.constant 0 : index
      %get3A_3291 = arith.constant 0 : index
      %get3A_3292 = vector.load %arg5[%get3A_3290, %get3A_3291] : memref<64x512xf32, #tpu.memory_space<vmem>>, vector<16x512xf32>
      %add3A_3293 = arith.addf %get3A_3292, %add3A_3281 : vector<16x512xf32>
      %swap3A_3294 = arith.constant 0 : index
      %swap3A_3295 = arith.constant 0 : index
      %swap3A_3296 = vector.load %arg5[%swap3A_3294, %swap3A_3295] : memref<64x512xf32, #tpu.memory_space<vmem>>, vector<16x512xf32>
      tpu.vector_store %arg5[%swap3A_3294, %swap3A_3295], %add3A_3293 {strides = array<i32>} : memref<64x512xf32, #tpu.memory_space<vmem>>, vector<16x512xf32>,
      %get3A_3297 = arith.constant 16 : index
      %get3A_3298 = arith.constant 0 : index
      %get3A_3299 = vector.load %arg5[%get3A_3297, %get3A_3298] : memref<64x512xf32, #tpu.memory_space<vmem>>, vector<16x512xf32>
      %add3A_3300 = arith.addf %get3A_3299, %add3A_3282 : vector<16x512xf32>
      %swap3A_3301 = arith.constant 16 : index
      %swap3A_3302 = arith.constant 0 : index
      %swap3A_3303 = vector.load %arg5[%swap3A_3301, %swap3A_3302] : memref<64x512xf32, #tpu.memory_space<vmem>>, vector<16x512xf32>
      tpu.vector_store %arg5[%swap3A_3301, %swap3A_3302], %add3A_3300 {strides = array<i32>} : memref<64x512xf32, #tpu.memory_space<vmem>>, vector<16x512xf32>,
      %get3A_3304 = arith.constant 32 : index
      %get3A_3305 = arith.constant 0 : index
      %get3A_3306 = vector.load %arg5[%get3A_3304, %get3A_3305] : memref<64x512xf32, #tpu.memory_space<vmem>>, vector<16x512xf32>
      %add3A_3307 = arith.addf %get3A_3306, %add3A_3285 : vector<16x512xf32>
      %swap3A_3308 = arith.constant 32 : index
      %swap3A_3309 = arith.constant 0 : index
      %swap3A_3310 = vector.load %arg5[%swap3A_3308, %swap3A_3309] : memref<64x512xf32, #tpu.memory_space<vmem>>, vector<16x512xf32>
      tpu.vector_store %arg5[%swap3A_3308, %swap3A_3309], %add3A_3307 {strides = array<i32>} : memref<64x512xf32, #tpu.memory_space<vmem>>, vector<16x512xf32>,
      %get3A_3311 = arith.constant 48 : index
      %get3A_3312 = arith.constant 0 : index
      %get3A_3313 = vector.load %arg5[%get3A_3311, %get3A_3312] : memref<64x512xf32, #tpu.memory_space<vmem>>, vector<16x512xf32>
      %add3A_3314 = arith.addf %get3A_3313, %add3A_3289 : vector<16x512xf32>
      %swap3A_3315 = arith.constant 48 : index
      %swap3A_3316 = arith.constant 0 : index
      %swap3A_3317 = vector.load %arg5[%swap3A_3315, %swap3A_3316] : memref<64x512xf32, #tpu.memory_space<vmem>>, vector<16x512xf32>
      tpu.vector_store %arg5[%swap3A_3315, %swap3A_3316], %add3A_3314 {strides = array<i32>} : memref<64x512xf32, #tpu.memory_space<vmem>>, vector<16x512xf32>,
      %add3A_3318 = arith.constant 2 : i32
      %add3A_3319 = arith.addi %add3A_1697, %add3A_3318 : i32
      %lt3A_3320 = arith.constant 40 : i32
      %lt3A_3321 = arith.cmpi slt, %add3A_3319, %lt3A_3320 : i32
      %convert_element_type3A_3322 = arith.extui %lt3A_3321 : i1 to i32
      %cond3A_3323 = arith.constant 0 : i32
      %cond3A_3324 = arith.cmpi ne, %convert_element_type3A_3322, %cond3A_3323 : i32
      scf.if %cond3A_3324 {
        %mul3A_3325 = arith.constant 16384 : i32
        %mul3A_3326 = arith.muli %add3A_3319, %mul3A_3325 : i32
        %add3A_3327 = arith.constant 393216 : i32
        %add3A_3328 = arith.addi %add3A_3327, %mul3A_3326 : i32
        %dma_start3A_3329 = arith.constant 1 : i32
        %dma_start3A_3330 = arith.constant 0 : i32
        %dma_start3A_3331 = arith.constant 0 : i32
        %dma_start3A_3332 = tpu.memref_slice %arg3[%dma_start3A_3329, %dma_start3A_3330, %dma_start3A_3331] : memref<2x16x16384xf32, #tpu.memory_space<vmem>> -> memref<1x16x16384xf32, #tpu.memory_space<vmem>>
        %dma_start3A_3333 = tpu.memref_squeeze %dma_start3A_3332 : memref<1x16x16384xf32, #tpu.memory_space<vmem>> -> memref<16x16384xf32, #tpu.memory_space<vmem>>
        %dma_start3A_3334 = arith.constant 0 : i32
        %dma_start3A_3335 = tpu.memref_slice %arg0[%dma_start3A_3334, %add3A_3328] : memref<16x1048576xf32, #tpu.memory_space<any>> -> memref<16x16384xf32, #tpu.memory_space<any>>
        tpu.enqueue_dma source(%dma_start3A_3335 : memref<16x16384xf32, #tpu.memory_space<any>>) target(%dma_start3A_3333 : memref<16x16384xf32, #tpu.memory_space<vmem>>) target_semaphore(%arg7 : memref<!tpu.dma_semaphore, #tpu.memory_space<semaphore_mem>>)
        %mul3A_3336 = arith.constant 32 : i32
        %mul3A_3337 = arith.muli %add3A_3319, %mul3A_3336 : i32
        %add3A_3338 = arith.constant 768 : i32
        %add3A_3339 = arith.addi %add3A_3338, %mul3A_3337 : i32
        %dma_start3A_3340 = arith.constant 1 : i32
        %dma_start3A_3341 = arith.constant 0 : i32
        %dma_start3A_3342 = arith.constant 0 : i32
        %dma_start3A_3343 = tpu.memref_slice %arg4[%dma_start3A_3340, %dma_start3A_3341, %dma_start3A_3342] : memref<2x32x512xi32, #tpu.memory_space<vmem>> -> memref<1x32x512xi32, #tpu.memory_space<vmem>>
        %dma_start3A_3344 = tpu.memref_squeeze %dma_start3A_3343 : memref<1x32x512xi32, #tpu.memory_space<vmem>> -> memref<32x512xi32, #tpu.memory_space<vmem>>
        %dma_start3A_3345 = arith.constant 0 : i32
        %dma_start3A_3346 = tpu.memref_slice %arg1[%add3A_3339, %dma_start3A_3345] : memref<2048x512xi32, #tpu.memory_space<any>> -> memref<32x512xi32, #tpu.memory_space<any>>
        tpu.enqueue_dma source(%dma_start3A_3346 : memref<32x512xi32, #tpu.memory_space<any>>) target(%dma_start3A_3344 : memref<32x512xi32, #tpu.memory_space<vmem>>) target_semaphore(%arg9 : memref<!tpu.dma_semaphore, #tpu.memory_space<semaphore_mem>>)
      } else {
      }
    }
    %scan3A_37 = arith.constant 20 : i32
    %get3A = arith.constant 0 : index
    %get3A_38 = arith.constant 0 : index
    %get3A_39 = vector.load %arg5[%get3A, %get3A_38] : memref<64x512xf32, #tpu.memory_space<vmem>>, vector<16x512xf32>
    %reduce_sum3A = arith.constant dense<0.000000e+00> : vector<16xf32>
    %reduce_sum3A_40 = vector.multi_reduction <add>, %get3A_39, %reduce_sum3A [1] : vector<16x512xf32> to vector<16xf32>
    %swap3A_41 = arith.constant 0 : index
    %swap3A_42 = arith.constant 0 : index
    %swap3A_43 = vector.load %arg2[%swap3A_41, %swap3A_42] : memref<1x64xf32, #tpu.memory_space<vmem>>, vector<1x16xf32>
    %swap3A_44 = vector.shape_cast %swap3A_43 : vector<1x16xf32> to vector<16xf32>
    %swap3A_45 = vector.shape_cast %reduce_sum3A_40 : vector<16xf32> to vector<1x16xf32>
    tpu.vector_store %arg2[%swap3A_41, %swap3A_42], %swap3A_45 {strides = array<i32>} : memref<1x64xf32, #tpu.memory_space<vmem>>, vector<1x16xf32>,
    %get3A_46 = arith.constant 16 : index
    %get3A_47 = arith.constant 0 : index
    %get3A_48 = vector.load %arg5[%get3A_46, %get3A_47] : memref<64x512xf32, #tpu.memory_space<vmem>>, vector<16x512xf32>
    %reduce_sum3A_49 = arith.constant dense<0.000000e+00> : vector<16xf32>
    %reduce_sum3A_50 = vector.multi_reduction <add>, %get3A_48, %reduce_sum3A_49 [1] : vector<16x512xf32> to vector<16xf32>
    %swap3A_51 = arith.constant 0 : index
    %swap3A_52 = arith.constant 16 : index
    %swap3A_53 = vector.load %arg2[%swap3A_51, %swap3A_52] : memref<1x64xf32, #tpu.memory_space<vmem>>, vector<1x16xf32>
    %swap3A_54 = vector.shape_cast %swap3A_53 : vector<1x16xf32> to vector<16xf32>
    %swap3A_55 = vector.shape_cast %reduce_sum3A_50 : vector<16xf32> to vector<1x16xf32>
    tpu.vector_store %arg2[%swap3A_51, %swap3A_52], %swap3A_55 {strides = array<i32>} : memref<1x64xf32, #tpu.memory_space<vmem>>, vector<1x16xf32>,
    %get3A_56 = arith.constant 32 : index
    %get3A_57 = arith.constant 0 : index
    %get3A_58 = vector.load %arg5[%get3A_56, %get3A_57] : memref<64x512xf32, #tpu.memory_space<vmem>>, vector<16x512xf32>
    %reduce_sum3A_59 = arith.constant dense<0.000000e+00> : vector<16xf32>
    %reduce_sum3A_60 = vector.multi_reduction <add>, %get3A_58, %reduce_sum3A_59 [1] : vector<16x512xf32> to vector<16xf32>
    %swap3A_61 = arith.constant 0 : index
    %swap3A_62 = arith.constant 32 : index
    %swap3A_63 = vector.load %arg2[%swap3A_61, %swap3A_62] : memref<1x64xf32, #tpu.memory_space<vmem>>, vector<1x16xf32>
    %swap3A_64 = vector.shape_cast %swap3A_63 : vector<1x16xf32> to vector<16xf32>
    %swap3A_65 = vector.shape_cast %reduce_sum3A_60 : vector<16xf32> to vector<1x16xf32>
    tpu.vector_store %arg2[%swap3A_61, %swap3A_62], %swap3A_65 {strides = array<i32>} : memref<1x64xf32, #tpu.memory_space<vmem>>, vector<1x16xf32>,
    %get3A_66 = arith.constant 48 : index
    %get3A_67 = arith.constant 0 : index
    %get3A_68 = vector.load %arg5[%get3A_66, %get3A_67] : memref<64x512xf32, #tpu.memory_space<vmem>>, vector<16x512xf32>
    %reduce_sum3A_69 = arith.constant dense<0.000000e+00> : vector<16xf32>
    %reduce_sum3A_70 = vector.multi_reduction <add>, %get3A_68, %reduce_sum3A_69 [1] : vector<16x512xf32> to vector<16xf32>
    %swap3A_71 = arith.constant 0 : index
    %swap3A_72 = arith.constant 48 : index
    %swap3A_73 = vector.load %arg2[%swap3A_71, %swap3A_72] : memref<1x64xf32, #tpu.memory_space<vmem>>, vector<1x16xf32>
    %swap3A_74 = vector.shape_cast %swap3A_73 : vector<1x16xf32> to vector<16xf32>
    %swap3A_75 = vector.shape_cast %reduce_sum3A_70 : vector<16xf32> to vector<1x16xf32>
    tpu.vector_store %arg2[%swap3A_71, %swap3A_72], %swap3A_75 {strides = array<i32>} : memref<1x64xf32, #tpu.memory_space<vmem>>, vector<1x16xf32>,
    return
  }
}

</mosaic_0001>

<sc_bundles>
// kernel: kernel.5.cloned.1.call-start
scs
__scs_entry_jumppad:
0x0: {  	(pc) =	sbr.rel $0x88, $3  }
0x1: {  	(tag) =	ssettag $0x0;
	lr =	simm.s32 $0x1  }
0x2: {  	[smem:$0x3F9F] =	sst lr;
	_ =	strace $0xD0000000  }
0x3: {  	_ = 	snop  }
0x4: {  	_ = 	snop  }
0x5: {  	_ = 	snop  }
0x6: {  	_ = 	snop  }
0x7: {  	_ = 	snop  }
__scs_overlays_trampoline_lowered:
0x8: {  	[smem:$0x3FAE] =	sst s0  }
0x9: {  	[smem:$0x3FAF] =	sst s1  }
0xa: {  	[smem:$0x3FB0] =	sst s2  }
0xb: {  	[smem:$0x3FB1] =	sst s3  }
0xc: {  	[smem:$0x3FB2] =	sst s4  }
0xd: {  	[smem:$0x3FB3] =	sst s5  }
0xe: {  	[smem:$0x3FB4] =	sst s6  }
0xf: {  	[smem:$0x3FB5] =	sst s7  }
0x10: {  	[smem:$0x3FB6] =	sst s8  }
0x11: {  	[smem:$0x3FB7] =	sst s9;
	s0 =	simm.s32 @!p0 $0x0  }
0x12: {  	s1 =	sld [smem:$0x3F9D];
	s0 =	simm.s32 @p0 $0x1  }
0x13: {  	[smem:$0x3FB8] =	sst s0;
	s0 =	simm.s32 @!p1 $0x0  }
0x14: {  	s2 =	sld [smem:$0x3F9C];
	s0 =	simm.s32 @p1 $0x1  }
0x15: {  	[smem:$0x3FB9] =	sst s0;
	s0 =	simm.s32 @!p2 $0x0  }
0x16: {  	s3 =	sld [smem:$0x3FDB];
	s0 =	simm.s32 @p2 $0x1  }
0x17: {  	s4 =	simm.s32 $0x1BF5;
	[smem:$0x3FBB] =	sst s0  }
0x18: {  	s0 =	sld [smem:$0x3F9E];
	_ =	swait.ge [sflag:s4], $0x0  }
0x19: {  	s7 =	sld [smem:$0x3F9F]  }
0x1a: {  	s8 =	sadd.s32 $0xFFFFE003, lr  }
0x1b: {  	s9 =	sadd.s32 $0xFFFFFEF7, lr;
	s5 =	simm.s32 $0xFFFFFFFF;
	p2 =	slt.u32 s8, $0xFFFFF086  }
0x1c: {  	p1 =	slt.u32 s9, $0xF7A;
	s5 =	simm.s32 @!p2 $0x0  }
0x1d: {  	s5 =	simm.s32 @p1 $0x1;
	p0 =	seq.s32 s7, s2  }
0x1e: {  	s7 =	smul.u32 @!p0 $0xF7A, s2;
	p2 =	seq.s32 @!p0 s5, $0x0  }
0x1f: {  	s9 =	smul.u32 $0xF7A, s1;
	s8 =	simm.s32 @!p0 $0x1BF5;
	p2 =	por !p2, p0  }
0x20: {  	[sflag:s8] =	ssyncset.s32 @!p0 $0xFFFFF086;
	s6 =	sadd.s32 @!p0 s3, s7;
	s7 =	simm.s32 @!p0 $0x108  }
0x21: {  	s3 =	sadd.s32 s3, s9;
	s6 =	sadd.s32 @!p0 $0x88, s6;
	s7 =	simm.s32 @p2 $0x1082  }
0x22: {  	[simem:s7], [sflag:s8] =	dma.local @!p0 [hbm:s6], $0xF7A  }
0x23: {  	s9 =	sor.u32 $0xD0000000, s2;
	s6 =	simm.s32 $0x108;
	_ =	swait.ge @!p0 [sflag:s8], $0x0  }
0x24: {  	s3 =	sadd.s32 $0x88, s3;
	s6 =	simm.s32 @!p1 $0x1082;
	[sflag:s4] =	ssyncset.s32 $0xFFFFF086  }
0x25: {  	[simem:s6], [sflag:s4] =	dma.local [hbm:s3], $0xF7A  }
0x26: {  	[smem:$0x3F9F] =	sst s1;
	(tag) =	ssettag s2;
	_ =	strace s9  }
0x27: {  	s1 =	sld [smem:$0x3FAF]  }
0x28: {  	s2 =	sld [smem:$0x3FB0]  }
0x29: {  	s4 =	sld [smem:$0x3FB2]  }
0x2a: {  	p0 =	seq.s32 s5, $0x0;
	s5 =	sld [smem:$0x3FB3]  }
0x2b: {  	s6 =	sld [smem:$0x3FB4]  }
0x2c: {  	s7 =	sld [smem:$0x3FB5]  }
0x2d: {  	s3 =	simm.s32 $0x108;
	s8 =	sld [smem:$0x3FB6]  }
0x2e: {  	s3 =	simm.s32 @!p0 $0x1082;
	s9 =	sld [smem:$0x3FB7]  }
0x2f: {  	lr =	sadd.s32 s0, s3;
	s0 =	sld [smem:$0x3FAE]  }
0x30: {  	s3 =	sld [smem:$0x3FB1]  }
0x31: {  	[smem:$0x3FBA] =	sst s10  }
0x32: {  	s10 =	sld [smem:$0x3FB8];
	_ =	sdelay $0x3  }
0x33: {  	p0 =	seq.s32 s10, $0x1;
	s10 =	sld [smem:$0x3FBA];
	_ =	sdelay $0x3  }
0x34: {  	[smem:$0x3FBA] =	sst s10  }
0x35: {  	s10 =	sld [smem:$0x3FB9];
	_ =	sdelay $0x3  }
0x36: {  	p1 =	seq.s32 s10, $0x1;
	s10 =	sld [smem:$0x3FBA];
	_ =	sdelay $0x3  }
0x37: {  	[smem:$0x3FBA] =	sst s10  }
0x38: {  	s10 =	sld [smem:$0x3FBB]  }
0x39: {  	_ = 	snop;
	(pc) =	sbr.ind lr, $3  }
0x3a: {  	_ = 	snop  }
0x3b: {  	_ = 	snop  }
0x3c: {  	p2 =	seq.s32 s10, $0x1;
	s10 =	sld [smem:$0x3FBA]  }
0x3d: {  	_ =	shalt  }
0x3e: {  	_ =	shalt  }
0x3f: {  	_ =	shalt  }
0x40: {  	_ =	shalt  }
0x41: {  	_ =	shalt  }
0x42: {  	_ =	shalt  }
0x43: {  	_ =	shalt  }
0x44: {  	_ =	shalt  }
0x45: {  	_ =	shalt  }
0x46: {  	_ =	shalt  }
0x47: {  	_ =	shalt  }
0x48: {  	_ =	shalt  }
0x49: {  	_ =	shalt  }
0x4a: {  	_ =	shalt  }
0x4b: {  	_ =	shalt  }
0x4c: {  	_ =	shalt  }
0x4d: {  	_ =	shalt  }
0x4e: {  	_ =	shalt  }
0x4f: {  	_ =	shalt  }
0x50: {  	_ =	shalt  }
0x51: {  	_ =	shalt  }
0x52: {  	_ =	shalt  }
0x53: {  	_ =	shalt  }
0x54: {  	_ =	shalt  }
0x55: {  	_ =	shalt  }
0x56: {  	_ =	shalt  }
0x57: {  	_ =	shalt  }
0x58: {  	_ =	shalt  }
0x59: {  	_ =	shalt  }
0x5a: {  	_ =	shalt  }
0x5b: {  	_ =	shalt  }
0x5c: {  	_ =	shalt  }
0x5d: {  	_ =	shalt  }
0x5e: {  	_ =	shalt  }
0x5f: {  	_ =	shalt  }
0x60: {  	_ =	shalt  }
0x61: {  	_ =	shalt  }
0x62: {  	_ =	shalt  }
0x63: {  	_ =	shalt  }
0x64: {  	_ =	shalt  }
0x65: {  	_ =	shalt  }
0x66: {  	_ =	shalt  }
0x67: {  	_ =	shalt  }
0x68: {  	_ =	shalt  }
0x69: {  	_ =	shalt  }
0x6a: {  	_ =	shalt  }
0x6b: {  	_ =	shalt  }
0x6c: {  	_ =	shalt  }
0x6d: {  	_ =	shalt  }
0x6e: {  	_ =	shalt  }
0x6f: {  	_ =	shalt  }
0x70: {  	_ =	shalt  }
0x71: {  	_ =	shalt  }
0x72: {  	_ =	shalt  }
0x73: {  	_ =	shalt  }
0x74: {  	_ =	shalt  }
0x75: {  	_ =	shalt  }
0x76: {  	_ =	shalt  }
0x77: {  	_ =	shalt  }
0x78: {  	_ =	shalt  }
0x79: {  	_ =	shalt  }
0x7a: {  	_ =	shalt  }
0x7b: {  	_ =	shalt  }
0x7c: {  	_ =	shalt  }
0x7d: {  	_ =	shalt  }
0x7e: {  	_ =	shalt  }
0x7f: {  	_ =	shalt  }
0x80: {  	_ =	shalt  }
0x81: {  	_ =	shalt  }
0x82: {  	_ =	shalt  }
0x83: {  	_ =	shalt  }
0x84: {  	_ =	shalt  }
0x85: {  	_ =	shalt  }
0x86: {  	_ =	shalt  }
0x87: {  	_ =	shalt  }
.Lfunc_end0:
.L_simem_size_0:
called_computation_lowered:
.L_overlay_start_0:
0x88: {  	s2 =	sld [smem:$0x3FD9]  }
0x89: {  	s3 =	sld [smem:$0x3FFE];
	_ =	sdelay $0x1  }
0x8a: {  	s1 =	srdreg.scid  }
0x8b: {  	s0 =	sand.u32 $0x1, s1  }
0x8c: {  	s17 =	sshll.u32 s0, $0xA;
	s2 =	sadd.s32 s3, s2  }
0x8d: {  	s2 =	sadd.s32 s2, s17  }
0x8e: {  	[smem:$0x3FC6] =	sst s2  }
0x8f: {  	_ = 	snop  }
0x90: {  	s2 =	sld [smem:$0x3FC9]  }
0x91: {  	s18 =	sld [smem:$0x3FC8];
	(tm) =	ssettm $0x1  }
0x92: {  	s4 =	sld [smem:$0x3FFB];
	_ =	sdelay $0x3  }
0x93: {  	_ =	strace s4  }
0x94: {  	s4 =	sld [smem:$0x3FFC];
	_ =	sdelay $0x3  }
0x95: {  	_ =	strace s4  }
0x96: {  	s4 =	sld [smem:$0x3FFD];
	_ =	sdelay $0x3  }
0x97: {  	_ =	strace s4  }
0x98: {  	_ =	strace $0x8FFFFFFF  }
0x99: {  	s19 =	sld [smem:$0x3FDB];
	_ =	sdelay $0x1  }
0x9a: {  	s5 =	simm.s32 $_scs_section_size  }
0x9b: {  	s6 =	simm.s32 $_size__tile_overlayer_lowered;
	s7 =	simm.s32 $_tile_overlayer_lowered  }
0x9c: {  	s22 =	simm.s32 $0x1BFF;
	s21 =	sshll.u32 s7, $0x1;
	s4 =	sadd.s32 s5, s19  }
0x9d: {  	s8 =	simm.s32 $0x0;
	s20 =	sshll.u32 s6, $0x1;
	s6 =	sadd.s32 s21, s4  }
0x9e: {  	[timem:s8], [sflag:s22] =	dma.local [hbm:s6], s20  }
0x9f: {  	_ =	swait.ge [sflag:s22], s20  }
0xa0: {  	s5 =	ssub.s32 $0x0, s20;
	[sflag:s22] =	ssyncset.done $0x0  }
0xa1: {  	[sflag:s22] =	ssyncadd.s32 s5;
	_ =	sdelay $0x1  }
0xa2: {  	s23 =	simm.s32 $0x1B8B  }
0xa3: {  	_ =	swait.ge [sflag:s23], $0x1  }
0xa4: {  	[sflag:s23] =	ssyncset.done $0x0  }
0xa5: {  	s25 =	simm.s32 $0x1B8E;
	s24 =	sld [smem:$0x3FFE];
	[sflag:s23] =	ssyncadd.s32 $0xFFFFFFFF  }
0xa6: {  	s26 =	simm.s32 $execute0_lowered;
	[smem:$0x3FD2] =	sst s25  }
0xa7: {  	s6 =	sshll.u32 s26, $0x1;
	_ =	strace $0x80000046;
	[dreg:$0x1] =	wrdreg $0xFFFFFFFF  }
0xa8: {  	s28 =	simm.s32 $_size_execute0_lowered;
	s4 =	sadd.s32 s4, s6;
	[dreg:$0x0] =	wrdreg $0x0  }
0xa9: {  	s6 =	sshll.u32 s28, $0x1;
	[dreg:$0x2] =	wrdreg s4  }
0xaa: {  	[dreg:$0x3] =	wrdreg s6  }
0xab: {  	[dreg:$0x4] =	wrdreg $0xC0  }
0xac: {  	_ =	task [dreg:s8], $0x5FFFF  }
0xad: {  	[dreg:$0x1] =	wrdreg $0xFFFFFFFF  }
0xae: {  	[dreg:$0x0] =	wrdreg $0x60  }
0xaf: {  	[dreg:$0x2] =	wrdreg s2  }
0xb0: {  	[dreg:$0x3] =	wrdreg s18  }
0xb1: {  	[dreg:$0x4] =	wrdreg s24  }
0xb2: {  	[dreg:$0x5] =	wrdreg $0x9  }
0xb3: {  	_ =	task.clear_ibuf [dreg:s8], $0x6FFFF;
	_ =	strace $0x90000046  }
0xb4: {  	s29 =	simm.s32 $0x9;
	_ =	strace $0x80000048  }
0xb5: {  	_ =	swait.ge [sflag:s29], $0x1  }
0xb6: {  	[sflag:s29] =	ssyncadd.s32 $0xFFFFFFFF  }
0xb7: {  	_ =	strace $0x90000048  }
0xb8: {  	_ =	sfence  }
0xb9: {  	s30 =	sld [smem:$0x0];
	_ =	sdelay $0x2  }
0xba: {  	s31 =	sshll.u32 s1, $0xD;
	s1 =	sshrl.u32 s1, $0x2  }
0xbb: {  	s3 =	sand.u32 $0x4000, s31;
	s1 =	sadd.s32 s1, s30  }
0xbc: {  	s0 =	sor.u32 s3, s0;
	s1 =	sshll.u32 s1, $0x11  }
0xbd: {  	s0 =	sor.u32 s1, s0  }
0xbe: {  	s0 =	sadd.s32 $0x8F2B, s0  }
0xbf: {  	[sflag:s0] =	ssyncadd.remote.s32 $0x1  }
0xc0: {  	_ =	sfence.sel $0xFFFF  }
0xc1: {  	[dreg:$0x0] =	wrdreg $0xFFFFFFFF;
	(pc) =	sbr.abs _section_cstart, $3  }
0xc2: {  	[dreg:$0x1] =	wrdreg $0xFFFFFFFF  }
0xc3: {  	_ =	task.clear_ibuf [dreg:s8], $0x2FFFF;
	_ =	strace $0x9FFFFFFF  }
0xc4: {  	(tm) =	ssettm $0x7FFFFFFF  }
0xc5: {  	_ =	shalt  }
tec
execute0_lowered:
.L_overlay_start_1:
0x0: {  	(tag) =	ssettag $0x1  }
0x1: {  	s7 =	rddreg [dreg:$0x0]  }
0x2: {  	s8 =	rddreg [dreg:$0x1]  }
0x3: {  	s1 =	srdreg.scid;
	s2 =	stileid.u32  }
0x4: {  	s0 =	rddreg [dreg:$0x2];
	s1 =	sand.u32 $0x1, s1;
	s2 =	sshll.u32 s2, $0x1  }
0x5: {  	s4 =	simm.s32 $0x0;
	s16 =	simm.s32 $0x8000;
	s2 =	sor.u32 s1, s2  }
0x6: {  	s18 =	simm.s32 $0x1;
	s19 =	simm.s32 $0x3;
	s3 =	smul.u32 $0x60, s2  }
0x7: {  	s20 =	simm.s32 $0x11000;
	[smem:$0x7FF] =	sst s4;
	s6 =	smul.u32 $0x3000, s2  }
0x8: {  	s1 =	ssub.s32 $0x2, s1;
	s5 =	sshll.u32 s2, $0x3;
	s2 =	smul.u32 $0x600, s2  }
0x9: {  	_ =	strace $0x80000047;
	s23 =	sshrl.u32 s1, $0x1;
	s24 =	sadd.s32 s7, s6  }
0xa: {  	s0 =	sadd.s32 s5, s0;
	s2 =	sadd.s32 s8, s2;
	[dreg:$0x4] =	wrdreg s24  }
0xb: {  	s1 =	ssub.s32 s1, s23;
	s29 =	sadd.s32 $0x20, s3;
	[dreg:$0x5] =	wrdreg s2  }
0xc: {  	s25 =	sor.u32 $0x10, s3;
	s30 =	sadd.s32 $0x30, s3;
	[dreg:$0x8] =	wrdreg s29  }
.Ltmp0:
0xd: {  	s0 =	sadd.s32 $0x600, s0;
	[dreg:$0x9] =	wrdreg s30;
	(pc) =	sbr.rel .LBB2_1-.Ltmp0, $4  }
0xe: {  	s31 =	smax.u32 s1, $0x1;
	s26 =	sshll.u32 s25, $0x7;
	[dreg:$0xa] =	wrdreg s0  }
0xf: {  	s5 =	sshll.u32 s25, $0x4;
	[dreg:$0xb] =	wrdreg s31;
	s2 =	sadd.s32 s7, s26  }
0x10: {  	v0 =	vimm.f32 $0.0e+00;
	s21 =	simm.s32 $0x2;
	s28 =	sadd.s32 s8, s5;
	[dreg:$0x6] =	wrdreg s2  }
0x11: {  	v1 =	vimm.s32 $0x10;
	v2 =	vlaneseq.u32;
	v3 =	vimm.f32 $1.000000000e+00;
	s22 =	simm.s32 $0x4;
	[dreg:$0x7] =	wrdreg s28;
	s2 =	simm.s32 $0x0  }
.LBB2_8:
0x12: {  	s0 =	rddreg [dreg:$0xa];
	s1 =	simm.s32 $0x5  }
0x13: {  	[hbm4b:s0+s4] =	stream.linear.scatter [tilespmem:s20], [sflag:$0x5], $0x40, $0x38;
	[tilespmem:$0x11080] =	vst v63  }
0x14: {  	_ =	swait.ge [sflag:s1], $0x40  }
0x15: {  	s2 =	rddreg [dreg:$0xc]  }
0x16: {  	s31 =	rddreg [dreg:$0xb];
	s2 =	sadd.s32 $0x1, s2  }
0x17: {  	p0 =	sne.s32 s2, s31  }
.Ltmp1:
0x18: {  	_ = 	snop;
	(pc) =	sbr.rel @!p0 .LBB2_9-.Ltmp1, $3  }
0x19: {  	_ =	sdelay $0x1  }
0x1a: {  	[sflag:s1] =	ssyncset.done $0x0  }
0x1b: {  	[sflag:s1] =	ssyncadd.s32 $0xFFFFFFC0  }
.LBB2_1:
0x1c: {  	[tilespmem:$0x11000] =	vst v0  }
0x1d: {  	[tilespmem:$0x11010] =	vst v0  }
0x1e: {  	[tilespmem:$0x11020] =	vst v0  }
0x1f: {  	[tilespmem:$0x11030] =	vst v0  }
0x20: {  	[tilespmem:$0x11040] =	vst v0  }
0x21: {  	[tilespmem:$0x11050] =	vst v0  }
0x22: {  	[dreg:$0xc] =	wrdreg s2;
	[tilespmem:$0x11060] =	vst v0  }
0x23: {  	[tilespmem:$0x11070] =	vst v0;
	s0 =	rddreg [dreg:$0x4];
	s1 =	simm.s32 $0x4000;
	s26 =	simm.s32 $0x800000  }
0x24: {  	[tilespmem:s4], [sflag:$0x1] =	stream.strided.gather [hbm4b:s0+s1], $0x8000, s26, s1, $0x38;
	[tilespmem:$0x11080] =	vst v63  }
0x25: {  	s28 =	rddreg [dreg:$0x5];
	s3 =	simm.s32 $0x10000  }
0x26: {  	[tilespmem:s3], [sflag:$0x3] =	stream.linear.gather [hbm4b:s28+s4], $0x800, $0x38;
	[tilespmem:$0x11080] =	vst v63  }
0x27: {  	s29 =	rddreg [dreg:$0x6]  }
0x28: {  	[tilespmem:s16], [sflag:$0x2] =	stream.strided.gather [hbm4b:s29+s1], $0x8000, s26, s1, $0x38;
	[tilespmem:$0x11080] =	vst v63  }
0x29: {  	s30 =	rddreg [dreg:$0x7];
	s31 =	simm.s32 $0x10800;
	s25 =	simm.s32 $0x0  }
0x2a: {  	[tilespmem:s31], [sflag:$0x4] =	stream.linear.gather [hbm4b:s30+s4], $0x800, $0x38;
	[tilespmem:$0x11080] =	vst v63  }
.LBB2_2:
0x2b: {  	_ =	swait.ge [sflag:s18], $0x8000  }
0x2c: {  	[sflag:s18] =	ssyncset.done $0x0  }
0x2d: {  	[sflag:s18] =	ssyncadd.s32 $0xFFFF8000  }
0x2e: {  	_ =	swait.ge [sflag:s19], $0x800  }
0x2f: {  	s26 =	simm.s32 $0xFFFFFFFE;
	[sflag:s19] =	ssyncset.done $0x0  }
0x30: {  	s28 =	simm.s32 $0x10010;
	s29 =	simm.s32 $0x10;
	[sflag:s19] =	ssyncadd.s32 $0xFFFFF800  }
.LBB2_3:
0x31: {  	s26 =	sadd.s32 $0x2, s26  }
0x32: {  	s0 =	sadd.s32 $0xFFFFFFF0, s29;
	s10 =	sshll.u32 s26, $0x7  }
0x33: {  	s12 =	sand.u32 $0x60, s0;
	s0 =	sand.u32 $0x3FFFFC00, s10  }
0x34: {  	s1 =	sor.u32 s12, s0  }
0x35: {  	v4 =	vld [tilespmem:s1+$0x0]  }
0x36: {  	v5 =	vld [tilespmem:s1+$0x80]  }
0x37: {  	v6 =	vld [tilespmem:s1+$0x100]  }
0x38: {  	v7 =	vld [tilespmem:s1+$0x180]  }
0x39: {  	v15 =	vld [tilespmem:s1+$0x200]  }
0x3a: {  	v8 =	vld [tilespmem:s1+$0x280]  }
0x3b: {  	s2 =	sadd.s32 $0x4000, s0;
	v13 =	vld [tilespmem:s1+$0x300]  }
0x3c: {  	s5 =	sadd.s32 $0x4100, s0;
	v11 =	vld [tilespmem:s1+$0x380];
	s3 =	sor.u32 s12, s2  }
0x3d: {  	s6 =	sadd.s32 $0x4180, s0;
	s15 =	sor.u32 s12, s5;
	v10 =	vld [tilespmem:s3+$0x0]  }
0x3e: {  	s7 =	sadd.s32 $0x4200, s0;
	s17 =	sor.u32 s12, s6;
	v14 =	vld [tilespmem:s15+$0x0]  }
0x3f: {  	s23 =	sadd.s32 $0x4280, s0;
	s8 =	sor.u32 s12, s7;
	v16 =	vld [tilespmem:s17+$0x0]  }
0x40: {  	s24 =	sadd.s32 $0x4300, s0;
	s11 =	sor.u32 s12, s23;
	v17 =	vld [tilespmem:s8+$0x0]  }
0x41: {  	s30 =	sadd.s32 $0x4380, s0;
	s13 =	sor.u32 s12, s24;
	v18 =	vld [tilespmem:s11+$0x0]  }
0x42: {  	s1 =	sadd.s32 $0x4080, s0;
	s9 =	sor.u32 s12, s30;
	v19 =	vld [tilespmem:s13+$0x0]  }
0x43: {  	s14 =	sor.u32 s12, s1;
	v20 =	vld [tilespmem:s9+$0x0]  }
0x44: {  	v12 =	vld [tilespmem:s14+$0x0];
	_ =	sdelay $0x2  }
0x45: {  	v9 =	vmax.f32 v4, v5;
	v21 =	vmax.f32 v6, v7;
	v22 =	vmax.f32 v15, v8  }
0x46: {  	v23 =	vmax.f32 v13, v11;
	v25 =	vmax.f32 v14, v16;
	v26 =	vmax.f32 v17, v18  }
0x47: {  	v27 =	vmax.f32 v19, v20;
	v9 =	vmax.f32 v9, v21;
	v24 =	vmax.f32 v10, v12  }
0x48: {  	v49 =	vmax.f32 v22, v23;
	v51 =	vmax.f32 v26, v27;
	v50 =	vmax.f32 v24, v25  }
0x49: {  	v9 =	vmax.f32 v9, v49;
	v52 =	vmax.f32 v50, v51  }
0x4a: {  	v9 =	vmax.f32 v9, v52  }
0x4b: {  	v21 =	vsub.f32 v4, v9  }
0x4c: {  	v53 =	vsub.f32 v5, v9  }
0x4d: {  	v54 =	vsub.f32 v6, v9;
	v21 =	vmul.f32 $1.442695020e+00, v21  }
0x4e: {  	v55 =	vsub.f32 v7, v9;
	v22 =	vmul.f32 $1.442695020e+00, v53  }
0x4f: {  	v57 =	vsub.f32 v15, v9;
	v56 =	vmul.f32 $1.442695020e+00, v54;
	(erf) = vpow2.f32 v21  }
0x50: {  	v59 =	vsub.f32 v8, v9;
	v58 =	vmul.f32 $1.442695020e+00, v55;
	(erf) = vpow2.f32 v22  }
0x51: {  	v61 =	vsub.f32 v13, v9;
	v60 =	vmul.f32 $1.442695020e+00, v57;
	(erf) = vpow2.f32 v56  }
0x52: {  	v63 =	vsub.f32 v11, v9;
	v62 =	vmul.f32 $1.442695020e+00, v59;
	(erf) = vpow2.f32 v58  }
0x53: {  	v29 =	vsub.f32 v10, v9;
	v28 =	vmul.f32 $1.442695020e+00, v61;
	(erf) = vpow2.f32 v60  }
0x54: {  	v31 =	vsub.f32 v12, v9;
	v30 =	vmul.f32 $1.442695020e+00, v63;
	(erf) = vpow2.f32 v62  }
0x55: {  	v33 =	vsub.f32 v14, v9;
	v32 =	vmul.f32 $1.442695020e+00, v29;
	(erf) = vpow2.f32 v28  }
0x56: {  	v35 =	vsub.f32 v16, v9;
	v34 =	vmul.f32 $1.442695020e+00, v31;
	(erf) = vpow2.f32 v30  }
0x57: {  	v37 =	vsub.f32 v17, v9;
	v36 =	vmul.f32 $1.442695020e+00, v33;
	(erf) = vpow2.f32 v32  }
0x58: {  	v40 =	vsub.f32 v18, v9;
	v39 =	vmul.f32 $1.442695020e+00, v35;
	v38 =	vpop (erf);
	(erf) = vpow2.f32 v34  }
0x59: {  	v43 =	vsub.f32 v19, v9;
	v42 =	vmul.f32 $1.442695020e+00, v37;
	v41 =	vpop (erf);
	(erf) = vpow2.f32 v36  }
0x5a: {  	v46 =	vsub.f32 v20, v9;
	v45 =	vmul.f32 $1.442695020e+00, v40;
	v44 =	vpop (erf);
	(erf) = vpow2.f32 v39  }
0x5b: {  	v47 =	vmul.f32 $1.442695020e+00, v43;
	v28 =	vpop (erf);
	(erf) = vpow2.f32 v42  }
0x5c: {  	v49 =	vmul.f32 $1.442695020e+00, v46;
	v48 =	vpop (erf);
	(erf) = vpow2.f32 v45  }
0x5d: {  	v50 =	vpop (erf);
	(erf) = vpow2.f32 v47  }
0x5e: {  	v51 =	vpop (erf);
	(erf) = vpow2.f32 v49  }
0x5f: {  	v52 =	vpop (erf)  }
0x60: {  	v29 =	vpop (erf)  }
0x61: {  	v30 =	vpop (erf)  }
0x62: {  	v31 =	vpop (erf)  }
0x63: {  	v32 =	vpop (erf)  }
0x64: {  	v33 =	vpop (erf)  }
0x65: {  	v25 =	vadd.f32 v41, v38;
	v53 =	vadd.f32 v28, v44;
	v34 =	vpop (erf)  }
0x66: {  	v23 =	vadd.f32 v50, v48;
	v21 =	vadd.f32 v52, v51;
	v54 =	vpop (erf)  }
0x67: {  	v56 =	vadd.f32 v30, v29;
	v57 =	vadd.f32 v32, v31;
	v55 =	vpop (erf)  }
0x68: {  	v58 =	vadd.f32 v34, v33;
	v22 =	vadd.f32 v55, v54  }
0x69: {  	v25 =	vadd.f32 v53, v25;
	v21 =	vadd.f32 v21, v23  }
0x6a: {  	v59 =	vadd.f32 v57, v56;
	v22 =	vadd.f32 v22, v58;
	_ =	sdelay $0x1  }
0x6b: {  	v21 =	vadd.f32 v21, v25;
	v22 =	vadd.f32 v22, v59;
	_ =	sdelay $0x1  }
0x6c: {  	v21 =	vadd.f32 v22, v21;
	_ =	sdelay $0x1  }
0x6d: {  	v22 =	vand.u32 $0x7FFFFF, v21  }
0x6e: {  	v22 =	vor.u32 $0x3F800000, v22  }
0x6f: {  	v60 =	vadd.f32 $1.000000000e+00, v22;
	_ =	sdelay $0x1  }
0x70: {  	(erf) = vrcp.f32 v60;
	_ =	sdelay $0x6  }
0x71: {  	vm1 =	veq.f32 v20, v9;
	vm0 =	veq.f32 v15, v9;
	vm2 =	veq.f32 v19, v9  }
0x72: {  	vm8 =	veq.f32 v18, v9;
	v61 =	vsel vm1, $0xF, v1;
	v62 =	vld [tilespmem:s28+$0xFFFFFFF0];
	v63 =	vadd.f32 $-1.000000000e+00, v22  }
0x73: {  	vm9 =	veq.f32 v13, v9;
	vm3 =	veq.f32 v17, v9;
	v15 =	vsel vm2, $0xE, v61;
	v23 =	vpop (erf)  }
0x74: {  	vm10 =	veq.f32 v16, v9;
	v22 =	vsel vm8, $0xD, v15;
	v15 =	vmul.f32 v23, v63  }
0x75: {  	vm11 =	veq.f32 v11, v9;
	vm4 =	veq.f32 v14, v9;
	v13 =	vsel vm3, $0xC, v22  }
0x76: {  	vm12 =	veq.f32 v12, v9;
	v24 =	vsel vm10, $0xB, v13;
	v25 =	vmul.f32 v15, v15  }
0x77: {  	v27 =	vshll.u32 v62, $0x7;
	v28 =	vshll.u32 v62, $0xB;
	v11 =	vsel vm4, $0xA, v24  }
0x78: {  	v26 =	vsel vm12, $0x9, v11;
	v11 =	vand.u32 $0x380, v27;
	v29 =	vmul.f32 $1.428571490e-01, v25  }
0x79: {  	vm13 =	veq.f32 v10, v9;
	v13 =	vand.u32 $0xFFFFC000, v28;
	v11 =	vor.u32 s12, v11  }
0x7a: {  	s10 =	sand.u32 $0xFFFFFC00, s10;
	v10 =	vsel vm13, $0x8, v26;
	v11 =	vor.u32 v13, v11;
	v30 =	vadd.f32 $2.000000030e-01, v29  }
0x7b: {  	vm14 =	veq.f32 v8, v9;
	v10 =	vsel vm11, $0x7, v10;
	v32 =	vor.u32 s10, v11  }
0x7c: {  	v31 =	vsel vm9, $0x6, v10;
	v10 =	vor.u32 v2, v32;
	v33 =	vmul.f32 v30, v25  }
0x7d: {  	vm15 =	veq.f32 v7, v9;
	vm5 =	veq.f32 v4, v9;
	v8 =	vsel vm14, $0x5, v31  }
0x7e: {  	vm6 =	veq.f32 v5, v9;
	v34 =	vsel vm0, $0x4, v8;
	v36 =	vadd.f32 $3.333333430e-01, v33  }
0x7f: {  	v5 =	vshrl.u32 v21, $0x17;
	vm4 =	veq.f32 v6, v9;
	v35 =	vsel vm15, $0x3, v34  }
0x80: {  	v5 =	vadd.s32 $0xFFFFFF81, v5;
	v4 =	vsel vm4, $0x2, v35;
	v37 =	vmul.f32 v36, v25  }
0x81: {  	v5 =	vcvt.s32.f32 v5;
	v4 =	vsel vm6, $0x1, v4;
	v38 =	vld.idx.msk [tilespmem:v10+s4+$0x0], $0xffff  }
0x82: {  	v4 =	vsel vm5, $0x0, v4;
	v39 =	vadd.f32 v15, v15;
	v6 =	vadd.f32 $1.000000000e+00, v37  }
0x83: {  	v40 =	vadd.s32 $0x10, v4;
	vm7 =	veq.s32 v4, v62  }
0x84: {  	v5 =	vmul.f32 $6.931471820e-01, v5;
	v4 =	vadd.s32 $0x20, v4;
	v6 =	vmul.f32 v6, v39  }
0x85: {  	v41 =	vadd.s32 $0x30, v62  }
0x86: {  	v7 =	vsub.f32 v38, v9;
	v5 =	vadd.f32 v6, v5  }
0x87: {  	[tilespmem:v62+s20+$0x0] =	vst.idx.add.f32.msk $0xffff, v3  }
0x88: {  	[tilespmem:v40+s20+$0x0] =	vst.idx.add.f32.msk $0xffff, v3;
	v5 =	vsub.f32 v7, v5  }
0x89: {  	s31 =	sand.u32 $0x70, s29;
	[tilespmem:v4+s20+$0x0] =	vst.idx.add.f32.msk vm7, v3  }
0x8a: {  	s0 =	sor.u32 s31, s0;
	[tilespmem:v41+s20+$0x0] =	vst.idx.add.f32.msk $0xffff, v5  }
0x8b: {  	v4 =	vld [tilespmem:s0+$0x0]  }
0x8c: {  	v5 =	vld [tilespmem:s0+$0x80]  }
0x8d: {  	v6 =	vld [tilespmem:s0+$0x100]  }
0x8e: {  	v7 =	vld [tilespmem:s0+$0x180]  }
0x8f: {  	v13 =	vld [tilespmem:s0+$0x200]  }
0x90: {  	v8 =	vld [tilespmem:s0+$0x280]  }
0x91: {  	v12 =	vld [tilespmem:s0+$0x300]  }
0x92: {  	s9 =	sor.u32 s31, s2;
	v10 =	vld [tilespmem:s0+$0x380]  }
0x93: {  	s13 =	sor.u32 s31, s1;
	v11 =	vld [tilespmem:s9+$0x0]  }
0x94: {  	s14 =	sor.u32 s31, s5;
	v14 =	vld [tilespmem:s13+$0x0]  }
0x95: {  	s15 =	sor.u32 s31, s6;
	v15 =	vld [tilespmem:s14+$0x0]  }
0x96: {  	s17 =	sor.u32 s31, s7;
	v16 =	vld [tilespmem:s15+$0x0]  }
0x97: {  	s23 =	sor.u32 s31, s23;
	v17 =	vld [tilespmem:s17+$0x0]  }
0x98: {  	s24 =	sor.u32 s31, s24;
	v18 =	vld [tilespmem:s23+$0x0]  }
0x99: {  	s30 =	sor.u32 s31, s30;
	v19 =	vld [tilespmem:s24+$0x0]  }
0x9a: {  	v20 =	vld [tilespmem:s30+$0x0];
	_ =	sdelay $0x2  }
0x9b: {  	v42 =	vmax.f32 v4, v5;
	v43 =	vmax.f32 v6, v7;
	v44 =	vmax.f32 v13, v8  }
0x9c: {  	v45 =	vmax.f32 v12, v10;
	v46 =	vmax.f32 v11, v14;
	v47 =	vmax.f32 v15, v16  }
0x9d: {  	v48 =	vmax.f32 v17, v18;
	v49 =	vmax.f32 v19, v20;
	v9 =	vmax.f32 v42, v43  }
0x9e: {  	v50 =	vmax.f32 v44, v45;
	v51 =	vmax.f32 v46, v47;
	v52 =	vmax.f32 v48, v49  }
0x9f: {  	v9 =	vmax.f32 v9, v50;
	v53 =	vmax.f32 v51, v52  }
0xa0: {  	v9 =	vmax.f32 v9, v53  }
0xa1: {  	v21 =	vsub.f32 v4, v9  }
0xa2: {  	v54 =	vsub.f32 v5, v9  }
0xa3: {  	v55 =	vsub.f32 v6, v9;
	v21 =	vmul.f32 $1.442695020e+00, v21  }
0xa4: {  	v56 =	vsub.f32 v7, v9;
	v22 =	vmul.f32 $1.442695020e+00, v54  }
0xa5: {  	v58 =	vsub.f32 v13, v9;
	v57 =	vmul.f32 $1.442695020e+00, v55;
	(erf) = vpow2.f32 v21  }
0xa6: {  	v60 =	vsub.f32 v8, v9;
	v59 =	vmul.f32 $1.442695020e+00, v56;
	(erf) = vpow2.f32 v22  }
0xa7: {  	v62 =	vsub.f32 v12, v9;
	v61 =	vmul.f32 $1.442695020e+00, v58;
	(erf) = vpow2.f32 v57  }
0xa8: {  	v28 =	vsub.f32 v10, v9;
	v63 =	vmul.f32 $1.442695020e+00, v60;
	(erf) = vpow2.f32 v59  }
0xa9: {  	v30 =	vsub.f32 v11, v9;
	v29 =	vmul.f32 $1.442695020e+00, v62;
	(erf) = vpow2.f32 v61  }
0xaa: {  	v32 =	vsub.f32 v14, v9;
	v31 =	vmul.f32 $1.442695020e+00, v28;
	(erf) = vpow2.f32 v63  }
0xab: {  	v34 =	vsub.f32 v15, v9;
	v33 =	vmul.f32 $1.442695020e+00, v30;
	(erf) = vpow2.f32 v29  }
0xac: {  	v36 =	vsub.f32 v16, v9;
	v35 =	vmul.f32 $1.442695020e+00, v32;
	(erf) = vpow2.f32 v31  }
0xad: {  	v38 =	vsub.f32 v17, v9;
	v37 =	vmul.f32 $1.442695020e+00, v34;
	(erf) = vpow2.f32 v33  }
0xae: {  	v41 =	vsub.f32 v18, v9;
	v40 =	vmul.f32 $1.442695020e+00, v36;
	v39 =	vpop (erf);
	(erf) = vpow2.f32 v35  }
0xaf: {  	v44 =	vsub.f32 v19, v9;
	v43 =	vmul.f32 $1.442695020e+00, v38;
	v42 =	vpop (erf);
	(erf) = vpow2.f32 v37  }
0xb0: {  	v47 =	vsub.f32 v20, v9;
	v46 =	vmul.f32 $1.442695020e+00, v41;
	v45 =	vpop (erf);
	(erf) = vpow2.f32 v40  }
0xb1: {  	v49 =	vmul.f32 $1.442695020e+00, v44;
	v48 =	vpop (erf);
	(erf) = vpow2.f32 v43  }
0xb2: {  	v51 =	vmul.f32 $1.442695020e+00, v47;
	v50 =	vpop (erf);
	(erf) = vpow2.f32 v46  }
0xb3: {  	v52 =	vpop (erf);
	(erf) = vpow2.f32 v49  }
0xb4: {  	v53 =	vpop (erf);
	(erf) = vpow2.f32 v51  }
0xb5: {  	v54 =	vpop (erf)  }
0xb6: {  	v55 =	vpop (erf)  }
0xb7: {  	v56 =	vpop (erf)  }
0xb8: {  	v57 =	vpop (erf)  }
0xb9: {  	v58 =	vpop (erf)  }
0xba: {  	v59 =	vpop (erf)  }
0xbb: {  	v25 =	vadd.f32 v42, v39;
	v61 =	vadd.f32 v48, v45;
	v60 =	vpop (erf)  }
0xbc: {  	v23 =	vadd.f32 v52, v50;
	v21 =	vadd.f32 v54, v53;
	v62 =	vpop (erf)  }
0xbd: {  	v63 =	vadd.f32 v56, v55;
	v35 =	vadd.f32 v58, v57;
	v36 =	vpop (erf)  }
0xbe: {  	v37 =	vadd.f32 v60, v59;
	v27 =	vadd.f32 v36, v62  }
0xbf: {  	v25 =	vadd.f32 v61, v25;
	v21 =	vadd.f32 v21, v23  }
0xc0: {  	v22 =	vadd.f32 v35, v63;
	v38 =	vadd.f32 v27, v37;
	_ =	sdelay $0x1  }
0xc1: {  	v21 =	vadd.f32 v21, v25;
	v22 =	vadd.f32 v38, v22;
	_ =	sdelay $0x1  }
0xc2: {  	v21 =	vadd.f32 v22, v21;
	_ =	sdelay $0x1  }
0xc3: {  	v22 =	vand.u32 $0x7FFFFF, v21  }
0xc4: {  	v22 =	vor.u32 $0x3F800000, v22  }
0xc5: {  	v39 =	vadd.f32 $1.000000000e+00, v22;
	_ =	sdelay $0x1  }
0xc6: {  	(erf) = vrcp.f32 v39;
	_ =	sdelay $0x5  }
0xc7: {  	vm8 =	veq.f32 v20, v9  }
0xc8: {  	vm9 =	veq.f32 v19, v9;
	v40 =	vsel vm8, $0xF, v1  }
0xc9: {  	vm10 =	veq.f32 v18, v9;
	v41 =	vsel vm9, $0xE, v40;
	v42 =	vadd.f32 $-1.000000000e+00, v22  }
0xca: {  	vm0 =	veq.f32 v13, v9;
	vm11 =	veq.f32 v17, v9;
	v43 =	vld [tilespmem:s28+$0x0];
	v44 =	vsel vm10, $0xD, v41;
	v45 =	vpop (erf)  }
0xcb: {  	vm12 =	veq.f32 v16, v9;
	v13 =	vsel vm11, $0xC, v44;
	v46 =	vmul.f32 v45, v42  }
0xcc: {  	vm13 =	veq.f32 v12, v9;
	vm14 =	veq.f32 v15, v9;
	v47 =	vsel vm12, $0xB, v13  }
0xcd: {  	vm15 =	veq.f32 v14, v9;
	v12 =	vsel vm14, $0xA, v47;
	v48 =	vmul.f32 v46, v46  }
0xce: {  	vm8 =	veq.f32 v10, v9;
	vm9 =	veq.f32 v11, v9;
	v49 =	vsel vm15, $0x9, v12  }
0xcf: {  	v50 =	vshll.u32 v43, $0x7;
	v52 =	vshll.u32 v43, $0xB;
	v51 =	vmul.f32 $1.428571490e-01, v48  }
0xd0: {  	s31 =	sor.u32 s10, s31;
	v10 =	vsel vm9, $0x8, v49;
	v11 =	vand.u32 $0x380, v50;
	v14 =	vand.u32 $0xFFFFC000, v52  }
0xd1: {  	v10 =	vsel vm8, $0x7, v10;
	v11 =	vor.u32 s31, v11;
	v12 =	vadd.f32 $2.000000030e-01, v51  }
0xd2: {  	vm10 =	veq.f32 v8, v9;
	v53 =	vsel vm13, $0x6, v10;
	v54 =	vor.u32 v14, v11  }
0xd3: {  	v8 =	vsel vm10, $0x5, v53;
	v10 =	vor.u32 v2, v54;
	v55 =	vmul.f32 v12, v48  }
0xd4: {  	vm11 =	veq.f32 v7, v9;
	v56 =	vsel vm0, $0x4, v8  }
0xd5: {  	vm12 =	veq.f32 v6, v9;
	v57 =	vsel vm11, $0x3, v56;
	v58 =	vadd.f32 $3.333333430e-01, v55  }
0xd6: {  	vm14 =	veq.f32 v5, v9;
	vm13 =	veq.f32 v4, v9;
	v4 =	vsel vm12, $0x2, v57  }
0xd7: {  	v4 =	vsel vm14, $0x1, v4;
	v5 =	vshrl.u32 v21, $0x17;
	v59 =	vmul.f32 v58, v48  }
0xd8: {  	v4 =	vsel vm13, $0x0, v4;
	v60 =	vld.idx.msk [tilespmem:v10+s4+$0x0], $0xffff;
	v5 =	vadd.s32 $0xFFFFFF81, v5  }
0xd9: {  	v5 =	vcvt.s32.f32 v5;
	v61 =	vadd.f32 v46, v46;
	v6 =	vadd.f32 $1.000000000e+00, v59  }
0xda: {  	v62 =	vadd.s32 $0x10, v4;
	vm15 =	veq.s32 v4, v43  }
0xdb: {  	v4 =	vadd.s32 $0x20, v4;
	v5 =	vmul.f32 $6.931471820e-01, v5;
	v6 =	vmul.f32 v6, v61  }
0xdc: {  	p0 =	slt.u32 s26, $0x7E;
	v63 =	vadd.s32 $0x30, v43  }
.Ltmp2:
0xdd: {  	v7 =	vsub.f32 v60, v9;
	v5 =	vadd.f32 v6, v5;
	(pc) =	sbr.rel @p0 .LBB2_3-.Ltmp2, $4  }
0xde: {  	[tilespmem:v43+s20+$0x0] =	vst.idx.add.f32.msk $0xffff, v3  }
0xdf: {  	[tilespmem:v62+s20+$0x0] =	vst.idx.add.f32.msk $0xffff, v3;
	v5 =	vsub.f32 v7, v5  }
0xe0: {  	[tilespmem:v4+s20+$0x0] =	vst.idx.add.f32.msk vm15, v3  }
0xe1: {  	s29 =	sadd.s32 $0x20, s29;
	s28 =	sadd.s32 $0x20, s28;
	[tilespmem:v63+s20+$0x0] =	vst.idx.add.f32.msk $0xffff, v5  }
0xe2: {  	s26 =	sshll.u32 s25, $0x5;
	p0 =	seq.s32 s25, $0x2;
	s0 =	rddreg [dreg:$0x8]  }
0xe3: {  	s0 =	sadd.s32 @!p0 s26, s0  }
0xe4: {  	s2 =	rddreg [dreg:$0x0];
	s1 =	sshll.u32 @!p0 s0, $0x7  }
0xe5: {  	s3 =	simm.s32 @!p0 $0x800000;
	s5 =	simm.s32 @!p0 $0x0;
	s1 =	sand.u32 @!p0 $0x1FFFF000, s1  }
0xe6: {  	s0 =	sshll.u32 @!p0 s0, $0x4;
	s1 =	sadd.s32 @!p0 s2, s1;
	s2 =	simm.s32 @!p0 $0x4000  }
0xe7: {  	[tilespmem:s5], [sflag:$0x1] =	stream.strided.gather @!p0 [hbm4b:s1+s2], $0x8000, s3, s2, $0x38;
	[tilespmem:$0x11080] =	vst v63  }
0xe8: {  	s0 =	sand.u32 @!p0 $0x1FFFFE00, s0;
	s1 =	rddreg [dreg:$0x1]  }
0xe9: {  	s0 =	sadd.s32 @!p0 s1, s0;
	s1 =	simm.s32 @!p0 $0x10000  }
0xea: {  	[tilespmem:s1], [sflag:$0x3] =	stream.linear.gather @!p0 [hbm4b:s0+s5], $0x800, $0x38;
	[tilespmem:$0x11080] =	vst v63  }
0xeb: {  	_ =	swait.ge [sflag:s21], $0x8000  }
0xec: {  	[sflag:s21] =	ssyncset.done $0x0  }
0xed: {  	[sflag:s21] =	ssyncadd.s32 $0xFFFF8000  }
0xee: {  	_ =	swait.ge [sflag:s22], $0x800  }
0xef: {  	s28 =	simm.s32 $0xFFFFFFFE;
	[sflag:s22] =	ssyncset.done $0x0  }
0xf0: {  	s29 =	simm.s32 $0x10810;
	s30 =	simm.s32 $0x10;
	[sflag:s22] =	ssyncadd.s32 $0xFFFFF800  }
.LBB2_5:
0xf1: {  	s28 =	sadd.s32 $0x2, s28  }
0xf2: {  	s3 =	sshll.u32 s28, $0x7  }
0xf3: {  	s0 =	sadd.s32 $0xFFFFFFF0, s30;
	s1 =	sand.u32 $0x3FFFFC00, s3  }
0xf4: {  	s10 =	sand.u32 $0x60, s0;
	s31 =	sadd.s32 $0x8000, s1  }
0xf5: {  	s0 =	sadd.s32 $0x8080, s1;
	s2 =	sor.u32 s10, s31  }
0xf6: {  	s15 =	sadd.s32 $0x8180, s1;
	s5 =	sor.u32 s10, s0;
	v4 =	vld [tilespmem:s2+$0x0]  }
0xf7: {  	s6 =	sor.u32 s10, s15;
	s2 =	sadd.s32 $0x8100, s1;
	v5 =	vld [tilespmem:s5+$0x0]  }
0xf8: {  	s5 =	sadd.s32 $0x8200, s1;
	v7 =	vld [tilespmem:s6+$0x0];
	s23 =	sor.u32 s10, s2  }
0xf9: {  	s6 =	sadd.s32 $0x8280, s1;
	s7 =	sor.u32 s10, s5;
	v6 =	vld [tilespmem:s23+$0x0]  }
0xfa: {  	s8 =	sor.u32 s10, s6;
	v14 =	vld [tilespmem:s7+$0x0];
	s7 =	sadd.s32 $0x8300, s1  }
0xfb: {  	v8 =	vld [tilespmem:s8+$0x0];
	s8 =	sadd.s32 $0x8380, s1;
	s11 =	sor.u32 s10, s7  }
0xfc: {  	s23 =	sadd.s32 $0xC100, s1;
	s12 =	sor.u32 s10, s8;
	v13 =	vld [tilespmem:s11+$0x0]  }
0xfd: {  	s9 =	sor.u32 s10, s23;
	v11 =	vld [tilespmem:s12+$0x0];
	s12 =	sadd.s32 $0xC080, s1  }
0xfe: {  	s11 =	sadd.s32 $0xC000, s1;
	v15 =	vld [tilespmem:s9+$0x0];
	s24 =	sor.u32 s10, s12  }
0xff: {  	s13 =	sor.u32 s10, s11;
	v12 =	vld [tilespmem:s24+$0x0];
	s24 =	sadd.s32 $0xC180, s1  }
0x100: {  	s17 =	sadd.s32 $0xC200, s1;
	v10 =	vld [tilespmem:s13+$0x0];
	s14 =	sor.u32 s10, s24  }
0x101: {  	s13 =	sadd.s32 $0xC280, s1;
	v16 =	vld [tilespmem:s14+$0x0];
	s14 =	sor.u32 s10, s17  }
0x102: {  	s9 =	sor.u32 s10, s13;
	v17 =	vld [tilespmem:s14+$0x0];
	s14 =	sadd.s32 $0xC300, s1  }
0x103: {  	v18 =	vld [tilespmem:s9+$0x0];
	s1 =	sadd.s32 $0xC380, s1;
	s9 =	sor.u32 s10, s14  }
0x104: {  	v19 =	vld [tilespmem:s9+$0x0];
	s9 =	sor.u32 s10, s1  }
0x105: {  	v20 =	vld [tilespmem:s9+$0x0];
	_ =	sdelay $0x2  }
0x106: {  	v9 =	vmax.f32 v4, v5;
	v21 =	vmax.f32 v6, v7;
	v22 =	vmax.f32 v14, v8  }
0x107: {  	v9 =	vmax.f32 v9, v21;
	v23 =	vmax.f32 v13, v11;
	v24 =	vmax.f32 v10, v12  }
0x108: {  	v25 =	vmax.f32 v15, v16;
	v26 =	vmax.f32 v17, v18;
	v27 =	vmax.f32 v19, v20  }
0x109: {  	v49 =	vmax.f32 v22, v23;
	v50 =	vmax.f32 v24, v25;
	v51 =	vmax.f32 v26, v27  }
0x10a: {  	v9 =	vmax.f32 v9, v49;
	v52 =	vmax.f32 v50, v51  }
0x10b: {  	v9 =	vmax.f32 v9, v52  }
0x10c: {  	v21 =	vsub.f32 v4, v9  }
0x10d: {  	v53 =	vsub.f32 v5, v9  }
0x10e: {  	v54 =	vsub.f32 v6, v9;
	v21 =	vmul.f32 $1.442695020e+00, v21  }
0x10f: {  	v55 =	vsub.f32 v7, v9;
	v22 =	vmul.f32 $1.442695020e+00, v53  }
0x110: {  	v57 =	vsub.f32 v14, v9;
	v56 =	vmul.f32 $1.442695020e+00, v54;
	(erf) = vpow2.f32 v21  }
0x111: {  	v59 =	vsub.f32 v8, v9;
	v58 =	vmul.f32 $1.442695020e+00, v55;
	(erf) = vpow2.f32 v22  }
0x112: {  	v61 =	vsub.f32 v13, v9;
	v60 =	vmul.f32 $1.442695020e+00, v57;
	(erf) = vpow2.f32 v56  }
0x113: {  	v63 =	vsub.f32 v11, v9;
	v62 =	vmul.f32 $1.442695020e+00, v59;
	(erf) = vpow2.f32 v58  }
0x114: {  	v29 =	vsub.f32 v10, v9;
	v28 =	vmul.f32 $1.442695020e+00, v61;
	(erf) = vpow2.f32 v60  }
0x115: {  	v31 =	vsub.f32 v12, v9;
	v30 =	vmul.f32 $1.442695020e+00, v63;
	(erf) = vpow2.f32 v62  }
0x116: {  	v33 =	vsub.f32 v15, v9;
	v32 =	vmul.f32 $1.442695020e+00, v29;
	(erf) = vpow2.f32 v28  }
0x117: {  	v35 =	vsub.f32 v16, v9;
	v34 =	vmul.f32 $1.442695020e+00, v31;
	(erf) = vpow2.f32 v30  }
0x118: {  	v37 =	vsub.f32 v17, v9;
	v36 =	vmul.f32 $1.442695020e+00, v33;
	(erf) = vpow2.f32 v32  }
0x119: {  	v40 =	vsub.f32 v18, v9;
	v39 =	vmul.f32 $1.442695020e+00, v35;
	v38 =	vpop (erf);
	(erf) = vpow2.f32 v34  }
0x11a: {  	v43 =	vsub.f32 v19, v9;
	v42 =	vmul.f32 $1.442695020e+00, v37;
	v41 =	vpop (erf);
	(erf) = vpow2.f32 v36  }
0x11b: {  	v46 =	vsub.f32 v20, v9;
	v45 =	vmul.f32 $1.442695020e+00, v40;
	v44 =	vpop (erf);
	(erf) = vpow2.f32 v39  }
0x11c: {  	v47 =	vmul.f32 $1.442695020e+00, v43;
	v28 =	vpop (erf);
	(erf) = vpow2.f32 v42  }
0x11d: {  	v49 =	vmul.f32 $1.442695020e+00, v46;
	v48 =	vpop (erf);
	(erf) = vpow2.f32 v45  }
0x11e: {  	v50 =	vpop (erf);
	(erf) = vpow2.f32 v47  }
0x11f: {  	v51 =	vpop (erf);
	(erf) = vpow2.f32 v49  }
0x120: {  	v52 =	vpop (erf)  }
0x121: {  	v29 =	vpop (erf)  }
0x122: {  	v30 =	vpop (erf)  }
0x123: {  	v31 =	vpop (erf)  }
0x124: {  	v32 =	vpop (erf)  }
0x125: {  	v33 =	vpop (erf)  }
0x126: {  	v25 =	vadd.f32 v41, v38;
	v53 =	vadd.f32 v28, v44;
	v34 =	vpop (erf)  }
0x127: {  	v23 =	vadd.f32 v50, v48;
	v21 =	vadd.f32 v52, v51;
	v54 =	vpop (erf)  }
0x128: {  	v56 =	vadd.f32 v30, v29;
	v57 =	vadd.f32 v32, v31;
	v55 =	vpop (erf)  }
0x129: {  	v58 =	vadd.f32 v34, v33;
	v22 =	vadd.f32 v55, v54  }
0x12a: {  	v25 =	vadd.f32 v53, v25;
	v21 =	vadd.f32 v21, v23  }
0x12b: {  	v59 =	vadd.f32 v57, v56;
	v22 =	vadd.f32 v22, v58;
	_ =	sdelay $0x1  }
0x12c: {  	v21 =	vadd.f32 v21, v25;
	v22 =	vadd.f32 v22, v59;
	_ =	sdelay $0x1  }
0x12d: {  	v21 =	vadd.f32 v22, v21;
	_ =	sdelay $0x1  }
0x12e: {  	v22 =	vand.u32 $0x7FFFFF, v21  }
0x12f: {  	v22 =	vor.u32 $0x3F800000, v22  }
0x130: {  	v60 =	vadd.f32 $1.000000000e+00, v22;
	_ =	sdelay $0x1  }
0x131: {  	(erf) = vrcp.f32 v60;
	_ =	sdelay $0x6  }
0x132: {  	vm1 =	veq.f32 v20, v9;
	vm0 =	veq.f32 v14, v9;
	vm2 =	veq.f32 v19, v9  }
0x133: {  	vm8 =	veq.f32 v18, v9;
	v61 =	vsel vm1, $0xF, v1;
	v62 =	vld [tilespmem:s29+$0xFFFFFFF0];
	v63 =	vadd.f32 $-1.000000000e+00, v22  }
0x134: {  	vm9 =	veq.f32 v13, v9;
	vm3 =	veq.f32 v17, v9;
	v14 =	vsel vm2, $0xE, v61;
	v23 =	vpop (erf)  }
0x135: {  	vm10 =	veq.f32 v16, v9;
	v22 =	vsel vm8, $0xD, v14;
	v14 =	vmul.f32 v23, v63  }
0x136: {  	vm11 =	veq.f32 v11, v9;
	vm4 =	veq.f32 v15, v9;
	v13 =	vsel vm3, $0xC, v22  }
0x137: {  	vm12 =	veq.f32 v12, v9;
	v24 =	vsel vm10, $0xB, v13;
	v25 =	vmul.f32 v14, v14  }
0x138: {  	v27 =	vshll.u32 v62, $0x7;
	v28 =	vshll.u32 v62, $0xB;
	v11 =	vsel vm4, $0xA, v24  }
0x139: {  	v26 =	vsel vm12, $0x9, v11;
	v11 =	vand.u32 $0x380, v27;
	v29 =	vmul.f32 $1.428571490e-01, v25  }
0x13a: {  	vm13 =	veq.f32 v10, v9;
	v13 =	vand.u32 $0xFFFFC000, v28;
	v11 =	vor.u32 s10, v11  }
0x13b: {  	s3 =	sand.u32 $0xFFFFFC00, s3;
	v10 =	vsel vm13, $0x8, v26;
	v11 =	vor.u32 v13, v11;
	v30 =	vadd.f32 $2.000000030e-01, v29  }
0x13c: {  	vm14 =	veq.f32 v8, v9;
	v10 =	vsel vm11, $0x7, v10;
	v32 =	vor.u32 s3, v11  }
0x13d: {  	v31 =	vsel vm9, $0x6, v10;
	v10 =	vor.u32 v2, v32;
	v33 =	vmul.f32 v30, v25  }
0x13e: {  	vm15 =	veq.f32 v7, v9;
	vm5 =	veq.f32 v4, v9;
	v8 =	vsel vm14, $0x5, v31  }
0x13f: {  	vm6 =	veq.f32 v5, v9;
	v34 =	vsel vm0, $0x4, v8;
	v36 =	vadd.f32 $3.333333430e-01, v33  }
0x140: {  	v5 =	vshrl.u32 v21, $0x17;
	vm4 =	veq.f32 v6, v9;
	v35 =	vsel vm15, $0x3, v34  }
0x141: {  	v5 =	vadd.s32 $0xFFFFFF81, v5;
	v4 =	vsel vm4, $0x2, v35;
	v37 =	vmul.f32 v36, v25  }
0x142: {  	v5 =	vcvt.s32.f32 v5;
	v4 =	vsel vm6, $0x1, v4;
	v38 =	vld.idx.msk [tilespmem:v10+s16+$0x0], $0xffff  }
0x143: {  	v4 =	vsel vm5, $0x0, v4;
	v39 =	vadd.f32 v14, v14;
	v6 =	vadd.f32 $1.000000000e+00, v37  }
0x144: {  	v40 =	vadd.s32 $0x10, v4;
	vm7 =	veq.s32 v4, v62  }
0x145: {  	v5 =	vmul.f32 $6.931471820e-01, v5;
	v4 =	vadd.s32 $0x20, v4;
	v6 =	vmul.f32 v6, v39  }
0x146: {  	v41 =	vadd.s32 $0x30, v62  }
0x147: {  	v7 =	vsub.f32 v38, v9;
	v5 =	vadd.f32 v6, v5  }
0x148: {  	[tilespmem:v62+s20+$0x0] =	vst.idx.add.f32.msk $0xffff, v3  }
0x149: {  	[tilespmem:v40+s20+$0x0] =	vst.idx.add.f32.msk $0xffff, v3;
	v5 =	vsub.f32 v7, v5  }
0x14a: {  	s10 =	sand.u32 $0x70, s30;
	[tilespmem:v4+s20+$0x0] =	vst.idx.add.f32.msk vm7, v3  }
0x14b: {  	s31 =	sor.u32 s10, s31;
	[tilespmem:v41+s20+$0x0] =	vst.idx.add.f32.msk $0xffff, v5  }
0x14c: {  	s0 =	sor.u32 s10, s0;
	v4 =	vld [tilespmem:s31+$0x0]  }
0x14d: {  	s9 =	sor.u32 s10, s2;
	v5 =	vld [tilespmem:s0+$0x0]  }
0x14e: {  	s2 =	sor.u32 s10, s5;
	v6 =	vld [tilespmem:s9+$0x0]  }
0x14f: {  	s5 =	sor.u32 s10, s6;
	v13 =	vld [tilespmem:s2+$0x0]  }
0x150: {  	s6 =	sor.u32 s10, s7;
	v8 =	vld [tilespmem:s5+$0x0]  }
0x151: {  	s7 =	sor.u32 s10, s8;
	v12 =	vld [tilespmem:s6+$0x0]  }
0x152: {  	s8 =	sor.u32 s10, s11;
	v10 =	vld [tilespmem:s7+$0x0]  }
0x153: {  	s11 =	sor.u32 s10, s23;
	v11 =	vld [tilespmem:s8+$0x0]  }
0x154: {  	s23 =	sor.u32 s10, s14;
	v15 =	vld [tilespmem:s11+$0x0]  }
0x155: {  	s31 =	sor.u32 s10, s15;
	v19 =	vld [tilespmem:s23+$0x0]  }
0x156: {  	s9 =	sor.u32 s10, s12;
	v7 =	vld [tilespmem:s31+$0x0]  }
0x157: {  	s12 =	sor.u32 s10, s24;
	v14 =	vld [tilespmem:s9+$0x0]  }
0x158: {  	s15 =	sor.u32 s10, s17;
	v16 =	vld [tilespmem:s12+$0x0]  }
0x159: {  	s17 =	sor.u32 s10, s13;
	v17 =	vld [tilespmem:s15+$0x0]  }
0x15a: {  	s24 =	sor.u32 s10, s1;
	v18 =	vld [tilespmem:s17+$0x0]  }
0x15b: {  	v20 =	vld [tilespmem:s24+$0x0];
	_ =	sdelay $0x2  }
0x15c: {  	v42 =	vmax.f32 v4, v5;
	v44 =	vmax.f32 v13, v8;
	v45 =	vmax.f32 v12, v10  }
0x15d: {  	v43 =	vmax.f32 v6, v7;
	v46 =	vmax.f32 v11, v14;
	v47 =	vmax.f32 v15, v16  }
0x15e: {  	v48 =	vmax.f32 v17, v18;
	v49 =	vmax.f32 v19, v20;
	v50 =	vmax.f32 v44, v45  }
0x15f: {  	v9 =	vmax.f32 v42, v43;
	v51 =	vmax.f32 v46, v47;
	v52 =	vmax.f32 v48, v49  }
0x160: {  	v9 =	vmax.f32 v9, v50;
	v53 =	vmax.f32 v51, v52  }
0x161: {  	v9 =	vmax.f32 v9, v53  }
0x162: {  	v21 =	vsub.f32 v4, v9  }
0x163: {  	v54 =	vsub.f32 v5, v9  }
0x164: {  	v55 =	vsub.f32 v6, v9;
	v21 =	vmul.f32 $1.442695020e+00, v21  }
0x165: {  	v56 =	vsub.f32 v7, v9;
	v22 =	vmul.f32 $1.442695020e+00, v54  }
0x166: {  	v58 =	vsub.f32 v13, v9;
	v57 =	vmul.f32 $1.442695020e+00, v55;
	(erf) = vpow2.f32 v21  }
0x167: {  	v60 =	vsub.f32 v8, v9;
	v59 =	vmul.f32 $1.442695020e+00, v56;
	(erf) = vpow2.f32 v22  }
0x168: {  	v62 =	vsub.f32 v12, v9;
	v61 =	vmul.f32 $1.442695020e+00, v58;
	(erf) = vpow2.f32 v57  }
0x169: {  	v28 =	vsub.f32 v10, v9;
	v63 =	vmul.f32 $1.442695020e+00, v60;
	(erf) = vpow2.f32 v59  }
0x16a: {  	v30 =	vsub.f32 v11, v9;
	v29 =	vmul.f32 $1.442695020e+00, v62;
	(erf) = vpow2.f32 v61  }
0x16b: {  	v32 =	vsub.f32 v14, v9;
	v31 =	vmul.f32 $1.442695020e+00, v28;
	(erf) = vpow2.f32 v63  }
0x16c: {  	v34 =	vsub.f32 v15, v9;
	v33 =	vmul.f32 $1.442695020e+00, v30;
	(erf) = vpow2.f32 v29  }
0x16d: {  	v36 =	vsub.f32 v16, v9;
	v35 =	vmul.f32 $1.442695020e+00, v32;
	(erf) = vpow2.f32 v31  }
0x16e: {  	v38 =	vsub.f32 v17, v9;
	v37 =	vmul.f32 $1.442695020e+00, v34;
	(erf) = vpow2.f32 v33  }
0x16f: {  	v41 =	vsub.f32 v18, v9;
	v40 =	vmul.f32 $1.442695020e+00, v36;
	v39 =	vpop (erf);
	(erf) = vpow2.f32 v35  }
0x170: {  	v44 =	vsub.f32 v19, v9;
	v43 =	vmul.f32 $1.442695020e+00, v38;
	v42 =	vpop (erf);
	(erf) = vpow2.f32 v37  }
0x171: {  	v47 =	vsub.f32 v20, v9;
	v46 =	vmul.f32 $1.442695020e+00, v41;
	v45 =	vpop (erf);
	(erf) = vpow2.f32 v40  }
0x172: {  	v49 =	vmul.f32 $1.442695020e+00, v44;
	v48 =	vpop (erf);
	(erf) = vpow2.f32 v43  }
0x173: {  	v51 =	vmul.f32 $1.442695020e+00, v47;
	v50 =	vpop (erf);
	(erf) = vpow2.f32 v46  }
0x174: {  	v52 =	vpop (erf);
	(erf) = vpow2.f32 v49  }
0x175: {  	v53 =	vpop (erf);
	(erf) = vpow2.f32 v51  }
0x176: {  	v54 =	vpop (erf)  }
0x177: {  	v55 =	vpop (erf)  }
0x178: {  	v56 =	vpop (erf)  }
0x179: {  	v57 =	vpop (erf)  }
0x17a: {  	v58 =	vpop (erf)  }
0x17b: {  	v59 =	vpop (erf)  }
0x17c: {  	v25 =	vadd.f32 v42, v39;
	v61 =	vadd.f32 v48, v45;
	v60 =	vpop (erf)  }
0x17d: {  	v23 =	vadd.f32 v52, v50;
	v21 =	vadd.f32 v54, v53;
	v62 =	vpop (erf)  }
0x17e: {  	v63 =	vadd.f32 v56, v55;
	v35 =	vadd.f32 v58, v57;
	v36 =	vpop (erf)  }
0x17f: {  	v37 =	vadd.f32 v60, v59;
	v27 =	vadd.f32 v36, v62  }
0x180: {  	v25 =	vadd.f32 v61, v25;
	v21 =	vadd.f32 v21, v23  }
0x181: {  	v22 =	vadd.f32 v35, v63;
	v38 =	vadd.f32 v27, v37;
	_ =	sdelay $0x1  }
0x182: {  	v21 =	vadd.f32 v21, v25;
	v22 =	vadd.f32 v38, v22;
	_ =	sdelay $0x1  }
0x183: {  	v21 =	vadd.f32 v22, v21;
	_ =	sdelay $0x1  }
0x184: {  	v22 =	vand.u32 $0x7FFFFF, v21  }
0x185: {  	v22 =	vor.u32 $0x3F800000, v22  }
0x186: {  	v39 =	vadd.f32 $1.000000000e+00, v22;
	_ =	sdelay $0x1  }
0x187: {  	(erf) = vrcp.f32 v39;
	_ =	sdelay $0x5  }
0x188: {  	vm8 =	veq.f32 v20, v9  }
0x189: {  	vm9 =	veq.f32 v19, v9;
	v40 =	vsel vm8, $0xF, v1  }
0x18a: {  	vm10 =	veq.f32 v18, v9;
	v41 =	vsel vm9, $0xE, v40;
	v42 =	vadd.f32 $-1.000000000e+00, v22  }
0x18b: {  	vm0 =	veq.f32 v13, v9;
	vm11 =	veq.f32 v17, v9;
	v43 =	vld [tilespmem:s29+$0x0];
	v44 =	vsel vm10, $0xD, v41;
	v45 =	vpop (erf)  }
0x18c: {  	vm12 =	veq.f32 v16, v9;
	v13 =	vsel vm11, $0xC, v44;
	v46 =	vmul.f32 v45, v42  }
0x18d: {  	vm13 =	veq.f32 v12, v9;
	vm14 =	veq.f32 v15, v9;
	v47 =	vsel vm12, $0xB, v13  }
0x18e: {  	vm15 =	veq.f32 v14, v9;
	v12 =	vsel vm14, $0xA, v47;
	v48 =	vmul.f32 v46, v46  }
0x18f: {  	vm8 =	veq.f32 v10, v9;
	vm9 =	veq.f32 v11, v9;
	v49 =	vsel vm15, $0x9, v12  }
0x190: {  	v50 =	vshll.u32 v43, $0x7;
	v52 =	vshll.u32 v43, $0xB;
	v51 =	vmul.f32 $1.428571490e-01, v48  }
0x191: {  	s31 =	sor.u32 s3, s10;
	v10 =	vsel vm9, $0x8, v49;
	v11 =	vand.u32 $0x380, v50;
	v14 =	vand.u32 $0xFFFFC000, v52  }
0x192: {  	v10 =	vsel vm8, $0x7, v10;
	v11 =	vor.u32 s31, v11;
	v12 =	vadd.f32 $2.000000030e-01, v51  }
0x193: {  	vm10 =	veq.f32 v8, v9;
	v53 =	vsel vm13, $0x6, v10;
	v54 =	vor.u32 v14, v11  }
0x194: {  	v8 =	vsel vm10, $0x5, v53;
	v10 =	vor.u32 v2, v54;
	v55 =	vmul.f32 v12, v48  }
0x195: {  	vm11 =	veq.f32 v7, v9;
	v56 =	vsel vm0, $0x4, v8  }
0x196: {  	vm12 =	veq.f32 v6, v9;
	v57 =	vsel vm11, $0x3, v56;
	v58 =	vadd.f32 $3.333333430e-01, v55  }
0x197: {  	vm14 =	veq.f32 v5, v9;
	vm13 =	veq.f32 v4, v9;
	v4 =	vsel vm12, $0x2, v57  }
0x198: {  	v4 =	vsel vm14, $0x1, v4;
	v5 =	vshrl.u32 v21, $0x17;
	v59 =	vmul.f32 v58, v48  }
0x199: {  	v4 =	vsel vm13, $0x0, v4;
	v60 =	vld.idx.msk [tilespmem:v10+s16+$0x0], $0xffff;
	v5 =	vadd.s32 $0xFFFFFF81, v5  }
0x19a: {  	v5 =	vcvt.s32.f32 v5;
	v61 =	vadd.f32 v46, v46;
	v6 =	vadd.f32 $1.000000000e+00, v59  }
0x19b: {  	v62 =	vadd.s32 $0x10, v4;
	vm15 =	veq.s32 v4, v43  }
0x19c: {  	v4 =	vadd.s32 $0x20, v4;
	v5 =	vmul.f32 $6.931471820e-01, v5;
	v6 =	vmul.f32 v6, v61  }
0x19d: {  	p1 =	slt.u32 s28, $0x7E;
	v63 =	vadd.s32 $0x30, v43  }
.Ltmp3:
0x19e: {  	v7 =	vsub.f32 v60, v9;
	v5 =	vadd.f32 v6, v5;
	(pc) =	sbr.rel @p1 .LBB2_5-.Ltmp3, $4  }
0x19f: {  	[tilespmem:v43+s20+$0x0] =	vst.idx.add.f32.msk $0xffff, v3  }
0x1a0: {  	[tilespmem:v62+s20+$0x0] =	vst.idx.add.f32.msk $0xffff, v3;
	v5 =	vsub.f32 v7, v5  }
0x1a1: {  	[tilespmem:v4+s20+$0x0] =	vst.idx.add.f32.msk vm15, v3  }
0x1a2: {  	s30 =	sadd.s32 $0x20, s30;
	s29 =	sadd.s32 $0x20, s29;
	[tilespmem:v63+s20+$0x0] =	vst.idx.add.f32.msk $0xffff, v5  }
.Ltmp4:
0x1a3: {  	(pc) =	sbr.rel @p0 .LBB2_8-.Ltmp4, $1  }
0x1a4: {  	_ =	sdelay $0x3  }
0x1a5: {  	s0 =	rddreg [dreg:$0x9]  }
0x1a6: {  	s2 =	rddreg [dreg:$0x0];
	s0 =	sadd.s32 s26, s0  }
0x1a7: {  	s29 =	simm.s32 $0x4000;
	s3 =	simm.s32 $0x800000;
	s1 =	sshll.u32 s0, $0x7  }
.Ltmp5:
0x1a8: {  	s0 =	sshll.u32 s0, $0x4;
	s1 =	sand.u32 $0x1FFFF800, s1;
	(pc) =	sbr.rel .LBB2_2-.Ltmp5, $4  }
0x1a9: {  	s30 =	rddreg [dreg:$0x1];
	s0 =	sand.u32 $0x1FFFFF00, s0;
	s1 =	sadd.s32 s2, s1  }
0x1aa: {  	[tilespmem:s16], [sflag:$0x2] =	stream.strided.gather [hbm4b:s1+s29], $0x8000, s3, s29, $0x38;
	[tilespmem:$0x11080] =	vst v63  }
0x1ab: {  	s31 =	simm.s32 $0x10800;
	s25 =	sadd.s32 $0x1, s25;
	s0 =	sadd.s32 s30, s0  }
0x1ac: {  	[tilespmem:s31], [sflag:$0x4] =	stream.linear.gather [hbm4b:s0+s4], $0x800, $0x38;
	[tilespmem:$0x11080] =	vst v63  }
.LBB2_9:
0x1ad: {  	_ =	sfence.sel $0x180000  }
0x1ae: {  	[bflag:$0x0] =	sbarrier.arrive $0xFFFF  }
0x1af: {  	_ =	strace $0x90000047  }
0x1b0: {  	s0 =	stileid.u32;
	[bflag:$0x2] =	sbarrier.arrive $0xFFFF  }
0x1b1: {  	p0 =	sne.s32 s0, $0x0;
	s0 =	rddreg [dreg:$0x3]  }
0x1b2: {  	s0 =	sadd.s32 @!p0 $0x100000, s0  }
0x1b3: {  	[sflag:s0] =	ssyncadd.tile.s32 @!p0 $0x1;
	_ =	shalt  }
.Lfunc_end2:
_tile_overlayer_lowered:
.L_overlay_start_2:
0x1b4: {  	(tag) =	ssettag $0x2  }
0x1b5: {  	s0 =	rddreg [dreg:$0x0];
	s2 =	stileid.u32  }
0x1b6: {  	s1 =	rddreg [dreg:$0x1];
	p0 =	sne.s32 s2, $0x0  }
0x1b7: {  	s3 =	rddreg [dreg:$0x2];
	[bflag:$0x3] =	sbarrier.arrive $0xFFFF;
	s2 =	simm.s32 @!p0 $0x1C05  }
0x1b8: {  	[timem:s3], [sflag:s2] =	dma.local @!p0 [hbm:s0], s1  }
0x1b9: {  	s0 =	simm.s32 @!p0 $0x5  }
0x1ba: {  	_ =	swait.ge @!p0 [sflag:s0], s1  }
0x1bb: {  	s1 =	ssub.s32 @!p0 $0x0, s1;
	[sflag:s0] =	ssyncset.done @!p0 $0x0  }
0x1bc: {  	[sflag:s0] =	ssyncadd.s32 @!p0 s1  }
0x1bd: {  	[bflag:$0x3] =	sbarrier.arrive $0xFFFF  }
0x1be: {  	_ =	shalt  }

</sc_bundles>
